<compile_context>
chip_gen: v7x
topology: tpu7x:2x2x1
jax: 0.10.2.dev20260603
libtpu: 0.0.44.dev20260713+nightly
codegen_flags: <defaults>
</compile_context>

<pallas_src>
import functools

import jax
import jax.numpy as jnp
from jax import lax
from jax.experimental import pallas as pl
from jax.experimental.pallas import tpu as pltpu
from jax.experimental.pallas import tpu_sc as plsc

NC, NS = 2, 16
NW = NC * NS
BB = 125
SB = 50
CW = 128

_MESH = plsc.VectorSubcoreMesh(
    core_axis_name="c", subcore_axis_name="s", num_cores=NC, num_subcores=NS
)


def _deg_kernel(n_nodes, n_batches):
    rows_per_tile = n_nodes // NS

    @functools.partial(
        pl.kernel,
        out_type=jax.ShapeDtypeStruct((NC, NS, rows_per_tile, CW), jnp.float32),
        mesh=_MESH,
        scratch_types=[
            pltpu.VMEM((n_batches, BB), jnp.int32),
            pltpu.VMEM((BB, CW), jnp.float32),
            pltpu.VMEM((BB, CW), jnp.float32),
            pltpu.VMEM_SHARED((n_nodes, CW), jnp.float32),
        ],
    )
    def deg(dst_hbm, ones_hbm, zeros_hbm, out_hbm, dst_v, ones_v, zeros_v, acc):
        c = lax.axis_index("c")
        s = lax.axis_index("s")
        wid = c * NS + s
        pltpu.sync_copy(dst_hbm.at[wid], dst_v)
        pltpu.sync_copy(ones_hbm, ones_v)
        pltpu.sync_copy(zeros_hbm, zeros_v)
        row0 = s * rows_per_tile
        for k in range(rows_per_tile // BB):
            pltpu.sync_copy(zeros_v, acc.at[pl.ds(row0 + k * BB, BB)])
        plsc.subcore_barrier()

        def body(j, carry):
            pltpu.sync_copy(ones_v, acc.at[dst_v.at[j]], add=True)
            return carry

        lax.fori_loop(0, n_batches, body, 0)
        plsc.subcore_barrier()
        pltpu.sync_copy(acc.at[pl.ds(row0, rows_per_tile)], out_hbm.at[c, s])

    return deg


def _seg_kernel(n_nodes, n_batches, n_chunks):
    rows_per_tile = n_nodes // NS
    nbuf = 3
    nb3 = n_batches // nbuf
    tail = n_batches - nb3 * nbuf

    @functools.partial(
        pl.kernel,
        out_type=jax.ShapeDtypeStruct(
            (NC, NS, rows_per_tile, n_chunks * CW), jnp.float32
        ),
        mesh=_MESH,
        scratch_types=[
            pltpu.VMEM((n_batches, SB), jnp.int32),
            pltpu.VMEM((n_batches, SB), jnp.int32),
            pltpu.VMEM((SB, CW), jnp.float32),
            pltpu.VMEM((SB, CW), jnp.float32),
            pltpu.VMEM((SB, CW), jnp.float32),
            pltpu.SemaphoreType.DMA,
            pltpu.SemaphoreType.DMA,
            pltpu.SemaphoreType.DMA,
            pltpu.VMEM_SHARED((n_nodes, CW), jnp.float32),
        ],
    )
    def seg(src_hbm, dst_hbm, zeros_hbm, *rest):
        ys = rest[:n_chunks]
        out_hbm = rest[n_chunks]
        src_v, dst_v, b0, b1, b2, s0, s1, s2, acc = rest[n_chunks + 1:]
        bufs = (b0, b1, b2)
        sems = (s0, s1, s2)
        c = lax.axis_index("c")
        s = lax.axis_index("s")
        wid = c * NS + s
        pltpu.sync_copy(src_hbm.at[wid], src_v)
        pltpu.sync_copy(dst_hbm.at[wid], dst_v)
        row0 = s * rows_per_tile

        def zero_slice():
            n_full = rows_per_tile // SB
            for k in range(n_full):
                pltpu.sync_copy(b2, acc.at[pl.ds(row0 + k * SB, SB)])
            rem = rows_per_tile - n_full * SB
            if rem:
                pltpu.sync_copy(
                    b2.at[pl.ds(0, rem)],
                    acc.at[pl.ds(row0 + n_full * SB, rem)],
                )

        pltpu.async_copy(ys[0].at[src_v.at[0]], b0, s0)
        pltpu.async_copy(ys[0].at[src_v.at[1]], b1, s1)
        pltpu.sync_copy(zeros_hbm, b2)
        for ci in range(n_chunks):
            y = ys[ci]
            zero_slice()
            plsc.subcore_barrier()
            pltpu.async_copy(y.at[src_v.at[2]], b2, s2)

            def body(r, carry):
                for k in range(nbuf):
                    j = r * nbuf + k
                    buf, sem = bufs[k], sems[k]
                    pltpu.make_async_copy(y.at[src_v.at[j]], buf, sem).wait()
                    pltpu.sync_copy(buf, acc.at[dst_v.at[j]], add=True)

                    @pl.when(j + nbuf < n_batches)
                    def _():
                        pltpu.async_copy(y.at[src_v.at[j + nbuf]], buf, sem)

                return carry

            lax.fori_loop(0, nb3, body, 0)
            for t in range(tail):
                j = nb3 * nbuf + t
                buf, sem = bufs[j % nbuf], sems[j % nbuf]
                pltpu.make_async_copy(y.at[src_v.at[j]], buf, sem).wait()
                pltpu.sync_copy(buf, acc.at[dst_v.at[j]], add=True)
            plsc.subcore_barrier()
            if ci + 1 < n_chunks:
                y_next = ys[ci + 1]
                pltpu.async_copy(y_next.at[src_v.at[0]], b0, s0)
                pltpu.async_copy(y_next.at[src_v.at[1]], b1, s1)
            pltpu.sync_copy(
                acc.at[pl.ds(row0, rows_per_tile)],
                out_hbm.at[c, s, :, pl.ds(ci * CW, CW)],
            )
            if ci + 1 < n_chunks:
                pltpu.sync_copy(zeros_hbm, b2)

    return seg


def _dinv_block(deg_ref):
    deg = deg_ref[...][0, :, 0] + deg_ref[...][1, :, 0] + 1.0
    return lax.rsqrt(deg)[:, None]


def _layer1_mm(x, w1, degp, tm):
    n, in_ch = x.shape
    hid = w1.shape[1]
    n_chunks = hid // CW

    def body(x_ref, w_ref, deg_ref, *outs):
        dinv = _dinv_block(deg_ref)
        y = jnp.dot(x_ref[...], w_ref[...], preferred_element_type=jnp.float32)
        y = y * dinv
        for ci, o in enumerate(outs):
            o[...] = y[:, ci * CW:(ci + 1) * CW]

    return pl.pallas_call(
        body,
        grid=(n // tm,),
        in_specs=[
            pl.BlockSpec((tm, in_ch), lambda i: (i, 0)),
            pl.BlockSpec((in_ch, hid), lambda i: (0, 0)),
            pl.BlockSpec((NC, tm, 8), lambda i: (0, i, 0)),
        ],
        out_specs=[pl.BlockSpec((tm, CW), lambda i: (i, 0))] * n_chunks,
        out_shape=[jax.ShapeDtypeStruct((n, CW), jnp.float32)] * n_chunks,
    )(x, w1, degp)


def _layer2_mm(degp, acc1, y1c, b1, w2, tm):
    n = acc1.shape[1]
    hid = acc1.shape[2]
    out_ch = w2.shape[1]
    n_in = len(y1c)
    n_out = out_ch // CW

    def body(deg_ref, acc_ref, *refs):
        y1_refs = refs[:n_in]
        b_ref, w_ref = refs[n_in:n_in + 2]
        outs = refs[n_in + 2:]
        dinv = _dinv_block(deg_ref)
        y1 = jnp.concatenate([r[...] for r in y1_refs], axis=1)
        a = acc_ref[...]
        h = dinv * (a[0] + a[1] + y1) + b_ref[...]
        h = jnp.maximum(h, 0.0)
        y2 = jnp.dot(h, w_ref[...], preferred_element_type=jnp.float32)
        y2 = y2 * dinv
        for ci, o in enumerate(outs):
            o[...] = y2[:, ci * CW:(ci + 1) * CW]

    return pl.pallas_call(
        body,
        grid=(n // tm,),
        in_specs=[
            pl.BlockSpec((NC, tm, 8), lambda i: (0, i, 0)),
            pl.BlockSpec((NC, tm, hid), lambda i: (0, i, 0)),
        ]
        + [pl.BlockSpec((tm, CW), lambda i: (i, 0))] * n_in
        + [
            pl.BlockSpec((1, hid), lambda i: (0, 0)),
            pl.BlockSpec((hid, out_ch), lambda i: (0, 0)),
        ],
        out_specs=[pl.BlockSpec((tm, CW), lambda i: (i, 0))] * n_out,
        out_shape=[jax.ShapeDtypeStruct((n, CW), jnp.float32)] * n_out,
    )(degp, acc1, *y1c, b1.reshape(1, hid), w2)


def _final(degp, acc2, y2c, b2, tm):
    n = acc2.shape[1]
    out_ch = acc2.shape[2]
    n_in = len(y2c)

    def body(deg_ref, acc_ref, *refs):
        y2_refs = refs[:n_in]
        b_ref = refs[n_in]
        o = refs[n_in + 1]
        dinv = _dinv_block(deg_ref)
        y2 = jnp.concatenate([r[...] for r in y2_refs], axis=1)
        a = acc_ref[...]
        o[...] = dinv * (a[0] + a[1] + y2) + b_ref[...]

    return pl.pallas_call(
        body,
        grid=(n // tm,),
        in_specs=[
            pl.BlockSpec((NC, tm, 8), lambda i: (0, i, 0)),
            pl.BlockSpec((NC, tm, out_ch), lambda i: (0, i, 0)),
        ]
        + [pl.BlockSpec((tm, CW), lambda i: (i, 0))] * n_in
        + [pl.BlockSpec((1, out_ch), lambda i: (0, 0))],
        out_specs=pl.BlockSpec((tm, out_ch), lambda i: (i, 0)),
        out_shape=jax.ShapeDtypeStruct((n, out_ch), jnp.float32),
    )(degp, acc2, *y2c, b2.reshape(1, out_ch))


def kernel(x, edge_index, W1, b1, W2, b2):
    n, in_ch = x.shape
    hid = W1.shape[1]
    out_ch = W2.shape[1]
    n_edges = edge_index.shape[1]
    assert n % (NS * BB) == 0 and n_edges % (NW * BB) == 0
    assert n_edges % (NW * SB) == 0
    nb_deg = n_edges // (NW * BB)
    nb_seg = n_edges // (NW * SB)
    tm = 2000
    assert n % tm == 0

    src_s = edge_index[0].reshape(NW, nb_seg, SB)
    dst_s = edge_index[1].reshape(NW, nb_seg, SB)
    dst_d = edge_index[1].reshape(NW, nb_deg, BB)
    onesc = jnp.ones((BB, CW), jnp.float32)
    zerosc = jnp.zeros((BB, CW), jnp.float32)
    zeros_s = jnp.zeros((SB, CW), jnp.float32)

    degp = _deg_kernel(n, nb_deg)(dst_d, onesc, zerosc).reshape(NC, n, CW)
    degp = degp[:, :, :8]
    y1c = _layer1_mm(x, W1, degp, tm)
    acc1 = _seg_kernel(n, nb_seg, hid // CW)(src_s, dst_s, zeros_s, *y1c)
    acc1 = acc1.reshape(NC, n, hid)
    y2c = _layer2_mm(degp, acc1, y1c, b1, W2, tm)
    acc2 = _seg_kernel(n, nb_seg, out_ch // CW)(src_s, dst_s, zeros_s, *y2c)
    acc2 = acc2.reshape(NC, n, out_ch)
    return _final(degp, acc2, y2c, b2, tm)

# --- scband reference (transcript-rebuilt; emitter-appended) ---
"""Pipeline reference for scband-gcnencoder-11836929868098 (READ-ONLY COPY).

The authoritative reference and input builder live on the scoring server;
editing this copy changes nothing except your own understanding.
"""

import jax, jax.numpy as jnp
import numpy as np

N = 10000
E = 160000
IN_CH, HID_CH, OUT_CH = 256, 512, 256


def gcn_layer(x, edge_index, W, b):
    n = x.shape[0]
    loop = jnp.arange(n, dtype=edge_index.dtype)
    src = jnp.concatenate([edge_index[0], loop])
    dst = jnp.concatenate([edge_index[1], loop])
    deg = jnp.zeros((n,), x.dtype).at[dst].add(1.0)
    deg_inv_sqrt = jnp.where(deg > 0, 1.0 / jnp.sqrt(deg), 0.0)
    norm = deg_inv_sqrt[src] * deg_inv_sqrt[dst]
    xw = x @ W
    msgs = xw[src] * norm[:, None]
    out = jnp.zeros((n, W.shape[1]), x.dtype).at[dst].add(msgs)
    return out + b


def setup_inputs(seed: int = 0) -> dict:
    key = jax.random.key(seed)
    ks = jax.random.split(key, 6)
    x = jax.random.normal(ks[0], (N, IN_CH), dtype=jnp.float32)
    edge_index = jax.random.randint(ks[1], (2, E), 0, N, dtype=jnp.int32)
    W1 = jax.random.normal(ks[2], (IN_CH, HID_CH), dtype=jnp.float32) * (1.0 / np.sqrt(IN_CH))
    b1 = jnp.zeros((HID_CH,), dtype=jnp.float32)
    W2 = jax.random.normal(ks[3], (HID_CH, OUT_CH), dtype=jnp.float32) * (1.0 / np.sqrt(HID_CH))
    b2 = jnp.zeros((OUT_CH,), dtype=jnp.float32)
    return {"x": x, "edge_index": edge_index, "W1": W1, "b1": b1, "W2": W2, "b2": b2}


def reference(x, edge_index, W1, b1, W2, b2):
    h = jax.nn.relu(gcn_layer(x, edge_index, W1, b1))
    out = gcn_layer(h, edge_index, W2, b2)
    return out

if __name__ == "__main__":
    import jax
    _d = setup_inputs()
    print(jax.jit(kernel)(*tuple(_d.values())))

</pallas_src>

<mosaic_0001>
#map = affine_map<(d0, d1) -> (0, 0, 0)>
#map1 = affine_map<(d0, d1) -> (0, 0)>
#map2 = affine_map<(d0, d1) -> (0, 0, 0, 0)>
module attributes {stable_mosaic.version = 14 : i64} {
  func.func @deg(%arg0: i32, %arg1: i32, %arg2: memref<32x40x125xi32, #tpu.memory_space<hbm>>, %arg3: memref<125x128xf32, #tpu.memory_space<hbm>>, %arg4: memref<125x128xf32, #tpu.memory_space<hbm>>, %arg5: memref<2x16x625x128xf32, #tpu.memory_space<hbm>>, %arg6: memref<40x125xi32, #tpu.memory_space<vmem>>, %arg7: memref<125x128xf32, #tpu.memory_space<vmem>>, %arg8: memref<125x128xf32, #tpu.memory_space<vmem>>, %arg9: memref<10000x128xf32, #tpu.memory_space<vmem_shared>>) attributes {dimension_semantics = [#tpu.dimension_semantics<core_parallel>, #tpu.dimension_semantics<subcore_parallel>], iteration_bounds = array<i64: 2, 16>, scalar_prefetch = 0 : i64, scratch_operands = 4 : i64, tpu.core_type = #tpu.core_type<sc_vector_subcore>, window_params = [{transform_indices = #map}, {transform_indices = #map1}, {transform_indices = #map1}, {transform_indices = #map2}]} {
    %mul3A = arith.constant 16 : i32
    %mul3A_0 = arith.muli %arg0, %mul3A : i32
    %add3A = arith.addi %mul3A_0, %arg1 : i32
    "tpu.region"() ({
      %run_scoped3A = tpu.sem_alloc : memref<!tpu.dma_semaphore, #tpu.memory_space<semaphore_mem>>
      %dma_start3A = arith.constant 0 : i32
      %dma_start3A_19 = arith.constant 0 : i32
      %dma_start3A_20 = tpu.memref_slice %arg2[%add3A, %dma_start3A, %dma_start3A_19] : memref<32x40x125xi32, #tpu.memory_space<hbm>> -> memref<1x40x125xi32, #tpu.memory_space<hbm>>
      %dma_start3A_21 = tpu.memref_squeeze %dma_start3A_20 : memref<1x40x125xi32, #tpu.memory_space<hbm>> -> memref<40x125xi32, #tpu.memory_space<hbm>>
      %dma_start3A_22 = arith.constant 0 : i32
      %dma_start3A_23 = arith.constant 0 : i32
      %dma_start3A_24 = tpu.memref_slice %arg2[%add3A, %dma_start3A_22, %dma_start3A_23] : memref<32x40x125xi32, #tpu.memory_space<hbm>> -> memref<1x40x125xi32, #tpu.memory_space<hbm>>
      %dma_start3A_25 = tpu.memref_squeeze %dma_start3A_24 : memref<1x40x125xi32, #tpu.memory_space<hbm>> -> memref<40x125xi32, #tpu.memory_space<hbm>>
      tpu.enqueue_dma source(%dma_start3A_25 : memref<40x125xi32, #tpu.memory_space<hbm>>) target(%arg6 : memref<40x125xi32, #tpu.memory_space<vmem>>) target_semaphore(%run_scoped3A : memref<!tpu.dma_semaphore, #tpu.memory_space<semaphore_mem>>)
      %dma_wait3A = arith.constant 0 : i32
      %dma_wait3A_26 = arith.constant 0 : i32
      %dma_wait3A_27 = tpu.memref_slice %arg2[%add3A, %dma_wait3A, %dma_wait3A_26] : memref<32x40x125xi32, #tpu.memory_space<hbm>> -> memref<1x40x125xi32, #tpu.memory_space<hbm>>
      %dma_wait3A_28 = tpu.memref_squeeze %dma_wait3A_27 : memref<1x40x125xi32, #tpu.memory_space<hbm>> -> memref<40x125xi32, #tpu.memory_space<hbm>>
      %dma_wait3A_29 = arith.constant 0 : i32
      %dma_wait3A_30 = arith.constant 0 : i32
      %dma_wait3A_31 = tpu.memref_slice %arg2[%add3A, %dma_wait3A_29, %dma_wait3A_30] : memref<32x40x125xi32, #tpu.memory_space<hbm>> -> memref<1x40x125xi32, #tpu.memory_space<hbm>>
      %dma_wait3A_32 = tpu.memref_squeeze %dma_wait3A_31 : memref<1x40x125xi32, #tpu.memory_space<hbm>> -> memref<40x125xi32, #tpu.memory_space<hbm>>
      tpu.wait_dma2 semaphore(%run_scoped3A : memref<!tpu.dma_semaphore, #tpu.memory_space<semaphore_mem>>) src(%dma_wait3A_32 : memref<40x125xi32, #tpu.memory_space<hbm>>) dst(%arg6 : memref<40x125xi32, #tpu.memory_space<vmem>>)
      tpu.yield
    }) : () -> ()
    "tpu.region"() ({
      %run_scoped3A = tpu.sem_alloc : memref<!tpu.dma_semaphore, #tpu.memory_space<semaphore_mem>>
      tpu.enqueue_dma source(%arg3 : memref<125x128xf32, #tpu.memory_space<hbm>>) target(%arg7 : memref<125x128xf32, #tpu.memory_space<vmem>>) target_semaphore(%run_scoped3A : memref<!tpu.dma_semaphore, #tpu.memory_space<semaphore_mem>>)
      tpu.wait_dma2 semaphore(%run_scoped3A : memref<!tpu.dma_semaphore, #tpu.memory_space<semaphore_mem>>) src(%arg3 : memref<125x128xf32, #tpu.memory_space<hbm>>) dst(%arg7 : memref<125x128xf32, #tpu.memory_space<vmem>>)
      tpu.yield
    }) : () -> ()
    "tpu.region"() ({
      %run_scoped3A = tpu.sem_alloc : memref<!tpu.dma_semaphore, #tpu.memory_space<semaphore_mem>>
      tpu.enqueue_dma source(%arg4 : memref<125x128xf32, #tpu.memory_space<hbm>>) target(%arg8 : memref<125x128xf32, #tpu.memory_space<vmem>>) target_semaphore(%run_scoped3A : memref<!tpu.dma_semaphore, #tpu.memory_space<semaphore_mem>>)
      tpu.wait_dma2 semaphore(%run_scoped3A : memref<!tpu.dma_semaphore, #tpu.memory_space<semaphore_mem>>) src(%arg4 : memref<125x128xf32, #tpu.memory_space<hbm>>) dst(%arg8 : memref<125x128xf32, #tpu.memory_space<vmem>>)
      tpu.yield
    }) : () -> ()
    %mul3A_1 = arith.constant 625 : i32
    %mul3A_2 = arith.muli %arg1, %mul3A_1 : i32
    %add3A_3 = arith.constant 0 : i32
    %add3A_4 = arith.addi %mul3A_2, %add3A_3 : i32
    "tpu.region"() ({
      %run_scoped3A = tpu.sem_alloc : memref<!tpu.dma_semaphore, #tpu.memory_space<semaphore_mem>>
      %dma_start3A = arith.constant 0 : i32
      %dma_start3A_19 = tpu.memref_slice %arg9[%add3A_4, %dma_start3A] : memref<10000x128xf32, #tpu.memory_space<vmem_shared>> -> memref<125x128xf32, #tpu.memory_space<vmem_shared>>
      %dma_start3A_20 = arith.constant 0 : i32
      %dma_start3A_21 = tpu.memref_slice %arg9[%add3A_4, %dma_start3A_20] : memref<10000x128xf32, #tpu.memory_space<vmem_shared>> -> memref<125x128xf32, #tpu.memory_space<vmem_shared>>
      tpu.enqueue_dma source(%arg8 : memref<125x128xf32, #tpu.memory_space<vmem>>) target(%dma_start3A_21 : memref<125x128xf32, #tpu.memory_space<vmem_shared>>) target_semaphore(%run_scoped3A : memref<!tpu.dma_semaphore, #tpu.memory_space<semaphore_mem>>)
      %dma_wait3A = arith.constant 0 : i32
      %dma_wait3A_22 = tpu.memref_slice %arg9[%add3A_4, %dma_wait3A] : memref<10000x128xf32, #tpu.memory_space<vmem_shared>> -> memref<125x128xf32, #tpu.memory_space<vmem_shared>>
      %dma_wait3A_23 = arith.constant 0 : i32
      %dma_wait3A_24 = tpu.memref_slice %arg9[%add3A_4, %dma_wait3A_23] : memref<10000x128xf32, #tpu.memory_space<vmem_shared>> -> memref<125x128xf32, #tpu.memory_space<vmem_shared>>
      tpu.wait_dma2 semaphore(%run_scoped3A : memref<!tpu.dma_semaphore, #tpu.memory_space<semaphore_mem>>) src(%arg8 : memref<125x128xf32, #tpu.memory_space<vmem>>) dst(%dma_wait3A_24 : memref<125x128xf32, #tpu.memory_space<vmem_shared>>)
      tpu.yield
    }) : () -> ()
    %add3A_5 = arith.constant 125 : i32
    %add3A_6 = arith.addi %mul3A_2, %add3A_5 : i32
    "tpu.region"() ({
      %run_scoped3A = tpu.sem_alloc : memref<!tpu.dma_semaphore, #tpu.memory_space<semaphore_mem>>
      %dma_start3A = arith.constant 0 : i32
      %dma_start3A_19 = tpu.memref_slice %arg9[%add3A_6, %dma_start3A] : memref<10000x128xf32, #tpu.memory_space<vmem_shared>> -> memref<125x128xf32, #tpu.memory_space<vmem_shared>>
      %dma_start3A_20 = arith.constant 0 : i32
      %dma_start3A_21 = tpu.memref_slice %arg9[%add3A_6, %dma_start3A_20] : memref<10000x128xf32, #tpu.memory_space<vmem_shared>> -> memref<125x128xf32, #tpu.memory_space<vmem_shared>>
      tpu.enqueue_dma source(%arg8 : memref<125x128xf32, #tpu.memory_space<vmem>>) target(%dma_start3A_21 : memref<125x128xf32, #tpu.memory_space<vmem_shared>>) target_semaphore(%run_scoped3A : memref<!tpu.dma_semaphore, #tpu.memory_space<semaphore_mem>>)
      %dma_wait3A = arith.constant 0 : i32
      %dma_wait3A_22 = tpu.memref_slice %arg9[%add3A_6, %dma_wait3A] : memref<10000x128xf32, #tpu.memory_space<vmem_shared>> -> memref<125x128xf32, #tpu.memory_space<vmem_shared>>
      %dma_wait3A_23 = arith.constant 0 : i32
      %dma_wait3A_24 = tpu.memref_slice %arg9[%add3A_6, %dma_wait3A_23] : memref<10000x128xf32, #tpu.memory_space<vmem_shared>> -> memref<125x128xf32, #tpu.memory_space<vmem_shared>>
      tpu.wait_dma2 semaphore(%run_scoped3A : memref<!tpu.dma_semaphore, #tpu.memory_space<semaphore_mem>>) src(%arg8 : memref<125x128xf32, #tpu.memory_space<vmem>>) dst(%dma_wait3A_24 : memref<125x128xf32, #tpu.memory_space<vmem_shared>>)
      tpu.yield
    }) : () -> ()
    %add3A_7 = arith.constant 250 : i32
    %add3A_8 = arith.addi %mul3A_2, %add3A_7 : i32
    "tpu.region"() ({
      %run_scoped3A = tpu.sem_alloc : memref<!tpu.dma_semaphore, #tpu.memory_space<semaphore_mem>>
      %dma_start3A = arith.constant 0 : i32
      %dma_start3A_19 = tpu.memref_slice %arg9[%add3A_8, %dma_start3A] : memref<10000x128xf32, #tpu.memory_space<vmem_shared>> -> memref<125x128xf32, #tpu.memory_space<vmem_shared>>
      %dma_start3A_20 = arith.constant 0 : i32
      %dma_start3A_21 = tpu.memref_slice %arg9[%add3A_8, %dma_start3A_20] : memref<10000x128xf32, #tpu.memory_space<vmem_shared>> -> memref<125x128xf32, #tpu.memory_space<vmem_shared>>
      tpu.enqueue_dma source(%arg8 : memref<125x128xf32, #tpu.memory_space<vmem>>) target(%dma_start3A_21 : memref<125x128xf32, #tpu.memory_space<vmem_shared>>) target_semaphore(%run_scoped3A : memref<!tpu.dma_semaphore, #tpu.memory_space<semaphore_mem>>)
      %dma_wait3A = arith.constant 0 : i32
      %dma_wait3A_22 = tpu.memref_slice %arg9[%add3A_8, %dma_wait3A] : memref<10000x128xf32, #tpu.memory_space<vmem_shared>> -> memref<125x128xf32, #tpu.memory_space<vmem_shared>>
      %dma_wait3A_23 = arith.constant 0 : i32
      %dma_wait3A_24 = tpu.memref_slice %arg9[%add3A_8, %dma_wait3A_23] : memref<10000x128xf32, #tpu.memory_space<vmem_shared>> -> memref<125x128xf32, #tpu.memory_space<vmem_shared>>
      tpu.wait_dma2 semaphore(%run_scoped3A : memref<!tpu.dma_semaphore, #tpu.memory_space<semaphore_mem>>) src(%arg8 : memref<125x128xf32, #tpu.memory_space<vmem>>) dst(%dma_wait3A_24 : memref<125x128xf32, #tpu.memory_space<vmem_shared>>)
      tpu.yield
    }) : () -> ()
    %add3A_9 = arith.constant 375 : i32
    %add3A_10 = arith.addi %mul3A_2, %add3A_9 : i32
    "tpu.region"() ({
      %run_scoped3A = tpu.sem_alloc : memref<!tpu.dma_semaphore, #tpu.memory_space<semaphore_mem>>
      %dma_start3A = arith.constant 0 : i32
      %dma_start3A_19 = tpu.memref_slice %arg9[%add3A_10, %dma_start3A] : memref<10000x128xf32, #tpu.memory_space<vmem_shared>> -> memref<125x128xf32, #tpu.memory_space<vmem_shared>>
      %dma_start3A_20 = arith.constant 0 : i32
      %dma_start3A_21 = tpu.memref_slice %arg9[%add3A_10, %dma_start3A_20] : memref<10000x128xf32, #tpu.memory_space<vmem_shared>> -> memref<125x128xf32, #tpu.memory_space<vmem_shared>>
      tpu.enqueue_dma source(%arg8 : memref<125x128xf32, #tpu.memory_space<vmem>>) target(%dma_start3A_21 : memref<125x128xf32, #tpu.memory_space<vmem_shared>>) target_semaphore(%run_scoped3A : memref<!tpu.dma_semaphore, #tpu.memory_space<semaphore_mem>>)
      %dma_wait3A = arith.constant 0 : i32
      %dma_wait3A_22 = tpu.memref_slice %arg9[%add3A_10, %dma_wait3A] : memref<10000x128xf32, #tpu.memory_space<vmem_shared>> -> memref<125x128xf32, #tpu.memory_space<vmem_shared>>
      %dma_wait3A_23 = arith.constant 0 : i32
      %dma_wait3A_24 = tpu.memref_slice %arg9[%add3A_10, %dma_wait3A_23] : memref<10000x128xf32, #tpu.memory_space<vmem_shared>> -> memref<125x128xf32, #tpu.memory_space<vmem_shared>>
      tpu.wait_dma2 semaphore(%run_scoped3A : memref<!tpu.dma_semaphore, #tpu.memory_space<semaphore_mem>>) src(%arg8 : memref<125x128xf32, #tpu.memory_space<vmem>>) dst(%dma_wait3A_24 : memref<125x128xf32, #tpu.memory_space<vmem_shared>>)
      tpu.yield
    }) : () -> ()
    %add3A_11 = arith.constant 500 : i32
    %add3A_12 = arith.addi %mul3A_2, %add3A_11 : i32
    "tpu.region"() ({
      %run_scoped3A = tpu.sem_alloc : memref<!tpu.dma_semaphore, #tpu.memory_space<semaphore_mem>>
      %dma_start3A = arith.constant 0 : i32
      %dma_start3A_19 = tpu.memref_slice %arg9[%add3A_12, %dma_start3A] : memref<10000x128xf32, #tpu.memory_space<vmem_shared>> -> memref<125x128xf32, #tpu.memory_space<vmem_shared>>
      %dma_start3A_20 = arith.constant 0 : i32
      %dma_start3A_21 = tpu.memref_slice %arg9[%add3A_12, %dma_start3A_20] : memref<10000x128xf32, #tpu.memory_space<vmem_shared>> -> memref<125x128xf32, #tpu.memory_space<vmem_shared>>
      tpu.enqueue_dma source(%arg8 : memref<125x128xf32, #tpu.memory_space<vmem>>) target(%dma_start3A_21 : memref<125x128xf32, #tpu.memory_space<vmem_shared>>) target_semaphore(%run_scoped3A : memref<!tpu.dma_semaphore, #tpu.memory_space<semaphore_mem>>)
      %dma_wait3A = arith.constant 0 : i32
      %dma_wait3A_22 = tpu.memref_slice %arg9[%add3A_12, %dma_wait3A] : memref<10000x128xf32, #tpu.memory_space<vmem_shared>> -> memref<125x128xf32, #tpu.memory_space<vmem_shared>>
      %dma_wait3A_23 = arith.constant 0 : i32
      %dma_wait3A_24 = tpu.memref_slice %arg9[%add3A_12, %dma_wait3A_23] : memref<10000x128xf32, #tpu.memory_space<vmem_shared>> -> memref<125x128xf32, #tpu.memory_space<vmem_shared>>
      tpu.wait_dma2 semaphore(%run_scoped3A : memref<!tpu.dma_semaphore, #tpu.memory_space<semaphore_mem>>) src(%arg8 : memref<125x128xf32, #tpu.memory_space<vmem>>) dst(%dma_wait3A_24 : memref<125x128xf32, #tpu.memory_space<vmem_shared>>)
      tpu.yield
    }) : () -> ()
    %barrier3A = arith.constant 0 : index
    tpu.barrier barrier_id(%barrier3A)
    %scan3A = arith.constant 0 : i32
    %scan3A_13 = arith.constant 0 : i32
    %scan3A_14 = arith.constant 40 : i32
    %scan3A_15 = arith.addi %scan3A_13, %scan3A_14 : i32
    %scan3A_16 = arith.constant 1 : i32
    scf.for %scan3A_19 = %scan3A_13 to %scan3A_15 step %scan3A_16  : i32 {
      "tpu.region"() ({
        %run_scoped3A = tpu.sem_alloc : memref<!tpu.dma_semaphore, #tpu.memory_space<semaphore_mem>>
        %dma_start3A = arith.constant 0 : i32
        %dma_start3A_20 = tpu.memref_slice %arg6[%scan3A_19, %dma_start3A] : memref<40x125xi32, #tpu.memory_space<vmem>> -> memref<1x125xi32, #tpu.memory_space<vmem>>
        %dma_start3A_21 = tpu.memref_squeeze %dma_start3A_20 : memref<1x125xi32, #tpu.memory_space<vmem>> -> memref<125xi32, #tpu.memory_space<vmem>>
        %dma_start3A_22 = arith.constant 0 : i32
        %dma_start3A_23 = arith.constant 0 : i32
        %dma_start3A_24 = tpu.memref_slice %arg9[%dma_start3A_22, %dma_start3A_23] : memref<10000x128xf32, #tpu.memory_space<vmem_shared>> -> memref<10000x128xf32, #tpu.memory_space<vmem_shared>>
        tpu.enqueue_indirect_dma source(%arg7 : memref<125x128xf32, #tpu.memory_space<vmem>>) target(%dma_start3A_24 : memref<10000x128xf32, #tpu.memory_space<vmem_shared>>) offsets(%dma_start3A_21 : memref<125xi32, #tpu.memory_space<vmem>>) semaphore(%run_scoped3A : memref<!tpu.dma_semaphore, #tpu.memory_space<semaphore_mem>>) {add = true}
        %dma_wait3A = arith.constant 0 : i32
        %dma_wait3A_25 = tpu.memref_slice %arg6[%scan3A_19, %dma_wait3A] : memref<40x125xi32, #tpu.memory_space<vmem>> -> memref<1x125xi32, #tpu.memory_space<vmem>>
        %dma_wait3A_26 = tpu.memref_squeeze %dma_wait3A_25 : memref<1x125xi32, #tpu.memory_space<vmem>> -> memref<125xi32, #tpu.memory_space<vmem>>
        %dma_wait3A_27 = arith.constant 0 : i32
        %dma_wait3A_28 = arith.constant 0 : i32
        %dma_wait3A_29 = tpu.memref_slice %arg9[%dma_wait3A_27, %dma_wait3A_28] : memref<10000x128xf32, #tpu.memory_space<vmem_shared>> -> memref<10000x128xf32, #tpu.memory_space<vmem_shared>>
        tpu.wait_indirect_dma semaphore(%run_scoped3A : memref<!tpu.dma_semaphore, #tpu.memory_space<semaphore_mem>>) src(%arg7 : memref<125x128xf32, #tpu.memory_space<vmem>>) dst(%dma_wait3A_29 : memref<10000x128xf32, #tpu.memory_space<vmem_shared>>)
        tpu.yield
      }) : () -> ()
    }
    %scan3A_17 = arith.constant 40 : i32
    %barrier3A_18 = arith.constant 0 : index
    tpu.barrier barrier_id(%barrier3A_18)
    "tpu.region"() ({
      %run_scoped3A = tpu.sem_alloc : memref<!tpu.dma_semaphore, #tpu.memory_space<semaphore_mem>>
      %dma_start3A = arith.constant 0 : i32
      %dma_start3A_19 = arith.constant 0 : i32
      %dma_start3A_20 = tpu.memref_slice %arg5[%arg0, %arg1, %dma_start3A, %dma_start3A_19] : memref<2x16x625x128xf32, #tpu.memory_space<hbm>> -> memref<1x1x625x128xf32, #tpu.memory_space<hbm>>
      %dma_start3A_21 = tpu.memref_squeeze %dma_start3A_20 : memref<1x1x625x128xf32, #tpu.memory_space<hbm>> -> memref<625x128xf32, #tpu.memory_space<hbm>>
      %dma_start3A_22 = arith.constant 0 : i32
      %dma_start3A_23 = tpu.memref_slice %arg9[%mul3A_2, %dma_start3A_22] : memref<10000x128xf32, #tpu.memory_space<vmem_shared>> -> memref<625x128xf32, #tpu.memory_space<vmem_shared>>
      tpu.enqueue_dma source(%dma_start3A_23 : memref<625x128xf32, #tpu.memory_space<vmem_shared>>) target(%dma_start3A_21 : memref<625x128xf32, #tpu.memory_space<hbm>>) target_semaphore(%run_scoped3A : memref<!tpu.dma_semaphore, #tpu.memory_space<semaphore_mem>>)
      %dma_wait3A = arith.constant 0 : i32
      %dma_wait3A_24 = arith.constant 0 : i32
      %dma_wait3A_25 = tpu.memref_slice %arg5[%arg0, %arg1, %dma_wait3A, %dma_wait3A_24] : memref<2x16x625x128xf32, #tpu.memory_space<hbm>> -> memref<1x1x625x128xf32, #tpu.memory_space<hbm>>
      %dma_wait3A_26 = tpu.memref_squeeze %dma_wait3A_25 : memref<1x1x625x128xf32, #tpu.memory_space<hbm>> -> memref<625x128xf32, #tpu.memory_space<hbm>>
      %dma_wait3A_27 = arith.constant 0 : i32
      %dma_wait3A_28 = tpu.memref_slice %arg9[%mul3A_2, %dma_wait3A_27] : memref<10000x128xf32, #tpu.memory_space<vmem_shared>> -> memref<625x128xf32, #tpu.memory_space<vmem_shared>>
      tpu.wait_dma2 semaphore(%run_scoped3A : memref<!tpu.dma_semaphore, #tpu.memory_space<semaphore_mem>>) src(%dma_wait3A_28 : memref<625x128xf32, #tpu.memory_space<vmem_shared>>) dst(%dma_wait3A_26 : memref<625x128xf32, #tpu.memory_space<hbm>>)
      tpu.yield
    }) : () -> ()
    return
  }
}

#map = affine_map<(d0, d1) -> (0, 0, 0)>
#map1 = affine_map<(d0, d1) -> (0, 0)>
#map2 = affine_map<(d0, d1) -> (0, 0, 0, 0)>
module attributes {stable_mosaic.version = 14 : i64} {
  func.func @seg(%arg0: i32, %arg1: i32, %arg2: memref<32x100x50xi32, #tpu.memory_space<hbm>>, %arg3: memref<32x100x50xi32, #tpu.memory_space<hbm>>, %arg4: memref<50x128xf32, #tpu.memory_space<hbm>>, %arg5: memref<10000x128xf32, #tpu.memory_space<hbm>>, %arg6: memref<10000x128xf32, #tpu.memory_space<hbm>>, %arg7: memref<10000x128xf32, #tpu.memory_space<hbm>>, %arg8: memref<10000x128xf32, #tpu.memory_space<hbm>>, %arg9: memref<2x16x625x512xf32, #tpu.memory_space<hbm>>, %arg10: memref<100x50xi32, #tpu.memory_space<vmem>>, %arg11: memref<100x50xi32, #tpu.memory_space<vmem>>, %arg12: memref<50x128xf32, #tpu.memory_space<vmem>>, %arg13: memref<50x128xf32, #tpu.memory_space<vmem>>, %arg14: memref<50x128xf32, #tpu.memory_space<vmem>>, %arg15: memref<!tpu.dma_semaphore, #tpu.memory_space<semaphore_mem>>, %arg16: memref<!tpu.dma_semaphore, #tpu.memory_space<semaphore_mem>>, %arg17: memref<!tpu.dma_semaphore, #tpu.memory_space<semaphore_mem>>, %arg18: memref<10000x128xf32, #tpu.memory_space<vmem_shared>>) attributes {dimension_semantics = [#tpu.dimension_semantics<core_parallel>, #tpu.dimension_semantics<subcore_parallel>], iteration_bounds = array<i64: 2, 16>, scalar_prefetch = 0 : i64, scratch_operands = 9 : i64, tpu.core_type = #tpu.core_type<sc_vector_subcore>, window_params = [{transform_indices = #map}, {transform_indices = #map}, {transform_indices = #map1}, {transform_indices = #map1}, {transform_indices = #map1}, {transform_indices = #map1}, {transform_indices = #map1}, {transform_indices = #map2}]} {
    %mul3A = arith.constant 16 : i32
    %mul3A_0 = arith.muli %arg0, %mul3A : i32
    %add3A = arith.addi %mul3A_0, %arg1 : i32
    "tpu.region"() ({
      %run_scoped3A_250 = tpu.sem_alloc : memref<!tpu.dma_semaphore, #tpu.memory_space<semaphore_mem>>
      %dma_start3A_251 = arith.constant 0 : i32
      %dma_start3A_252 = arith.constant 0 : i32
      %dma_start3A_253 = tpu.memref_slice %arg2[%add3A, %dma_start3A_251, %dma_start3A_252] : memref<32x100x50xi32, #tpu.memory_space<hbm>> -> memref<1x100x50xi32, #tpu.memory_space<hbm>>
      %dma_start3A_254 = tpu.memref_squeeze %dma_start3A_253 : memref<1x100x50xi32, #tpu.memory_space<hbm>> -> memref<100x50xi32, #tpu.memory_space<hbm>>
      %dma_start3A_255 = arith.constant 0 : i32
      %dma_start3A_256 = arith.constant 0 : i32
      %dma_start3A_257 = tpu.memref_slice %arg2[%add3A, %dma_start3A_255, %dma_start3A_256] : memref<32x100x50xi32, #tpu.memory_space<hbm>> -> memref<1x100x50xi32, #tpu.memory_space<hbm>>
      %dma_start3A_258 = tpu.memref_squeeze %dma_start3A_257 : memref<1x100x50xi32, #tpu.memory_space<hbm>> -> memref<100x50xi32, #tpu.memory_space<hbm>>
      tpu.enqueue_dma source(%dma_start3A_258 : memref<100x50xi32, #tpu.memory_space<hbm>>) target(%arg10 : memref<100x50xi32, #tpu.memory_space<vmem>>) target_semaphore(%run_scoped3A_250 : memref<!tpu.dma_semaphore, #tpu.memory_space<semaphore_mem>>)
      %dma_wait3A_259 = arith.constant 0 : i32
      %dma_wait3A_260 = arith.constant 0 : i32
      %dma_wait3A_261 = tpu.memref_slice %arg2[%add3A, %dma_wait3A_259, %dma_wait3A_260] : memref<32x100x50xi32, #tpu.memory_space<hbm>> -> memref<1x100x50xi32, #tpu.memory_space<hbm>>
      %dma_wait3A_262 = tpu.memref_squeeze %dma_wait3A_261 : memref<1x100x50xi32, #tpu.memory_space<hbm>> -> memref<100x50xi32, #tpu.memory_space<hbm>>
      %dma_wait3A_263 = arith.constant 0 : i32
      %dma_wait3A_264 = arith.constant 0 : i32
      %dma_wait3A_265 = tpu.memref_slice %arg2[%add3A, %dma_wait3A_263, %dma_wait3A_264] : memref<32x100x50xi32, #tpu.memory_space<hbm>> -> memref<1x100x50xi32, #tpu.memory_space<hbm>>
      %dma_wait3A_266 = tpu.memref_squeeze %dma_wait3A_265 : memref<1x100x50xi32, #tpu.memory_space<hbm>> -> memref<100x50xi32, #tpu.memory_space<hbm>>
      tpu.wait_dma2 semaphore(%run_scoped3A_250 : memref<!tpu.dma_semaphore, #tpu.memory_space<semaphore_mem>>) src(%dma_wait3A_266 : memref<100x50xi32, #tpu.memory_space<hbm>>) dst(%arg10 : memref<100x50xi32, #tpu.memory_space<vmem>>)
      tpu.yield
    }) : () -> ()
    "tpu.region"() ({
      %run_scoped3A_250 = tpu.sem_alloc : memref<!tpu.dma_semaphore, #tpu.memory_space<semaphore_mem>>
      %dma_start3A_251 = arith.constant 0 : i32
      %dma_start3A_252 = arith.constant 0 : i32
      %dma_start3A_253 = tpu.memref_slice %arg3[%add3A, %dma_start3A_251, %dma_start3A_252] : memref<32x100x50xi32, #tpu.memory_space<hbm>> -> memref<1x100x50xi32, #tpu.memory_space<hbm>>
      %dma_start3A_254 = tpu.memref_squeeze %dma_start3A_253 : memref<1x100x50xi32, #tpu.memory_space<hbm>> -> memref<100x50xi32, #tpu.memory_space<hbm>>
      %dma_start3A_255 = arith.constant 0 : i32
      %dma_start3A_256 = arith.constant 0 : i32
      %dma_start3A_257 = tpu.memref_slice %arg3[%add3A, %dma_start3A_255, %dma_start3A_256] : memref<32x100x50xi32, #tpu.memory_space<hbm>> -> memref<1x100x50xi32, #tpu.memory_space<hbm>>
      %dma_start3A_258 = tpu.memref_squeeze %dma_start3A_257 : memref<1x100x50xi32, #tpu.memory_space<hbm>> -> memref<100x50xi32, #tpu.memory_space<hbm>>
      tpu.enqueue_dma source(%dma_start3A_258 : memref<100x50xi32, #tpu.memory_space<hbm>>) target(%arg11 : memref<100x50xi32, #tpu.memory_space<vmem>>) target_semaphore(%run_scoped3A_250 : memref<!tpu.dma_semaphore, #tpu.memory_space<semaphore_mem>>)
      %dma_wait3A_259 = arith.constant 0 : i32
      %dma_wait3A_260 = arith.constant 0 : i32
      %dma_wait3A_261 = tpu.memref_slice %arg3[%add3A, %dma_wait3A_259, %dma_wait3A_260] : memref<32x100x50xi32, #tpu.memory_space<hbm>> -> memref<1x100x50xi32, #tpu.memory_space<hbm>>
      %dma_wait3A_262 = tpu.memref_squeeze %dma_wait3A_261 : memref<1x100x50xi32, #tpu.memory_space<hbm>> -> memref<100x50xi32, #tpu.memory_space<hbm>>
      %dma_wait3A_263 = arith.constant 0 : i32
      %dma_wait3A_264 = arith.constant 0 : i32
      %dma_wait3A_265 = tpu.memref_slice %arg3[%add3A, %dma_wait3A_263, %dma_wait3A_264] : memref<32x100x50xi32, #tpu.memory_space<hbm>> -> memref<1x100x50xi32, #tpu.memory_space<hbm>>
      %dma_wait3A_266 = tpu.memref_squeeze %dma_wait3A_265 : memref<1x100x50xi32, #tpu.memory_space<hbm>> -> memref<100x50xi32, #tpu.memory_space<hbm>>
      tpu.wait_dma2 semaphore(%run_scoped3A_250 : memref<!tpu.dma_semaphore, #tpu.memory_space<semaphore_mem>>) src(%dma_wait3A_266 : memref<100x50xi32, #tpu.memory_space<hbm>>) dst(%arg11 : memref<100x50xi32, #tpu.memory_space<vmem>>)
      tpu.yield
    }) : () -> ()
    %mul3A_1 = arith.constant 625 : i32
    %mul3A_2 = arith.muli %arg1, %mul3A_1 : i32
    %dma_start3A = arith.constant 0 : i32
    %dma_start3A_3 = arith.constant 0 : i32
    %dma_start3A_4 = tpu.memref_slice %arg10[%dma_start3A, %dma_start3A_3] : memref<100x50xi32, #tpu.memory_space<vmem>> -> memref<1x50xi32, #tpu.memory_space<vmem>>
    %dma_start3A_5 = tpu.memref_squeeze %dma_start3A_4 : memref<1x50xi32, #tpu.memory_space<vmem>> -> memref<50xi32, #tpu.memory_space<vmem>>
    %dma_start3A_6 = arith.constant 0 : i32
    %dma_start3A_7 = arith.constant 0 : i32
    %dma_start3A_8 = tpu.memref_slice %arg5[%dma_start3A_6, %dma_start3A_7] : memref<10000x128xf32, #tpu.memory_space<hbm>> -> memref<10000x128xf32, #tpu.memory_space<hbm>>
    tpu.enqueue_indirect_dma source(%dma_start3A_8 : memref<10000x128xf32, #tpu.memory_space<hbm>>) target(%arg12 : memref<50x128xf32, #tpu.memory_space<vmem>>) offsets(%dma_start3A_5 : memref<50xi32, #tpu.memory_space<vmem>>) semaphore(%arg15 : memref<!tpu.dma_semaphore, #tpu.memory_space<semaphore_mem>>)
    %dma_start3A_9 = arith.constant 1 : i32
    %dma_start3A_10 = arith.constant 0 : i32
    %dma_start3A_11 = tpu.memref_slice %arg10[%dma_start3A_9, %dma_start3A_10] : memref<100x50xi32, #tpu.memory_space<vmem>> -> memref<1x50xi32, #tpu.memory_space<vmem>>
    %dma_start3A_12 = tpu.memref_squeeze %dma_start3A_11 : memref<1x50xi32, #tpu.memory_space<vmem>> -> memref<50xi32, #tpu.memory_space<vmem>>
    %dma_start3A_13 = arith.constant 0 : i32
    %dma_start3A_14 = arith.constant 0 : i32
    %dma_start3A_15 = tpu.memref_slice %arg5[%dma_start3A_13, %dma_start3A_14] : memref<10000x128xf32, #tpu.memory_space<hbm>> -> memref<10000x128xf32, #tpu.memory_space<hbm>>
    tpu.enqueue_indirect_dma source(%dma_start3A_15 : memref<10000x128xf32, #tpu.memory_space<hbm>>) target(%arg13 : memref<50x128xf32, #tpu.memory_space<vmem>>) offsets(%dma_start3A_12 : memref<50xi32, #tpu.memory_space<vmem>>) semaphore(%arg16 : memref<!tpu.dma_semaphore, #tpu.memory_space<semaphore_mem>>)
    "tpu.region"() ({
      %run_scoped3A_250 = tpu.sem_alloc : memref<!tpu.dma_semaphore, #tpu.memory_space<semaphore_mem>>
      tpu.enqueue_dma source(%arg4 : memref<50x128xf32, #tpu.memory_space<hbm>>) target(%arg14 : memref<50x128xf32, #tpu.memory_space<vmem>>) target_semaphore(%run_scoped3A_250 : memref<!tpu.dma_semaphore, #tpu.memory_space<semaphore_mem>>)
      tpu.wait_dma2 semaphore(%run_scoped3A_250 : memref<!tpu.dma_semaphore, #tpu.memory_space<semaphore_mem>>) src(%arg4 : memref<50x128xf32, #tpu.memory_space<hbm>>) dst(%arg14 : memref<50x128xf32, #tpu.memory_space<vmem>>)
      tpu.yield
    }) : () -> ()
    %add3A_16 = arith.constant 0 : i32
    %add3A_17 = arith.addi %mul3A_2, %add3A_16 : i32
    "tpu.region"() ({
      %run_scoped3A_250 = tpu.sem_alloc : memref<!tpu.dma_semaphore, #tpu.memory_space<semaphore_mem>>
      %dma_start3A_251 = arith.constant 0 : i32
      %dma_start3A_252 = tpu.memref_slice %arg18[%add3A_17, %dma_start3A_251] : memref<10000x128xf32, #tpu.memory_space<vmem_shared>> -> memref<50x128xf32, #tpu.memory_space<vmem_shared>>
      %dma_start3A_253 = arith.constant 0 : i32
      %dma_start3A_254 = tpu.memref_slice %arg18[%add3A_17, %dma_start3A_253] : memref<10000x128xf32, #tpu.memory_space<vmem_shared>> -> memref<50x128xf32, #tpu.memory_space<vmem_shared>>
      tpu.enqueue_dma source(%arg14 : memref<50x128xf32, #tpu.memory_space<vmem>>) target(%dma_start3A_254 : memref<50x128xf32, #tpu.memory_space<vmem_shared>>) target_semaphore(%run_scoped3A_250 : memref<!tpu.dma_semaphore, #tpu.memory_space<semaphore_mem>>)
      %dma_wait3A_255 = arith.constant 0 : i32
      %dma_wait3A_256 = tpu.memref_slice %arg18[%add3A_17, %dma_wait3A_255] : memref<10000x128xf32, #tpu.memory_space<vmem_shared>> -> memref<50x128xf32, #tpu.memory_space<vmem_shared>>
      %dma_wait3A_257 = arith.constant 0 : i32
      %dma_wait3A_258 = tpu.memref_slice %arg18[%add3A_17, %dma_wait3A_257] : memref<10000x128xf32, #tpu.memory_space<vmem_shared>> -> memref<50x128xf32, #tpu.memory_space<vmem_shared>>
      tpu.wait_dma2 semaphore(%run_scoped3A_250 : memref<!tpu.dma_semaphore, #tpu.memory_space<semaphore_mem>>) src(%arg14 : memref<50x128xf32, #tpu.memory_space<vmem>>) dst(%dma_wait3A_258 : memref<50x128xf32, #tpu.memory_space<vmem_shared>>)
      tpu.yield
    }) : () -> ()
    %add3A_18 = arith.constant 50 : i32
    %add3A_19 = arith.addi %mul3A_2, %add3A_18 : i32
    "tpu.region"() ({
      %run_scoped3A_250 = tpu.sem_alloc : memref<!tpu.dma_semaphore, #tpu.memory_space<semaphore_mem>>
      %dma_start3A_251 = arith.constant 0 : i32
      %dma_start3A_252 = tpu.memref_slice %arg18[%add3A_19, %dma_start3A_251] : memref<10000x128xf32, #tpu.memory_space<vmem_shared>> -> memref<50x128xf32, #tpu.memory_space<vmem_shared>>
      %dma_start3A_253 = arith.constant 0 : i32
      %dma_start3A_254 = tpu.memref_slice %arg18[%add3A_19, %dma_start3A_253] : memref<10000x128xf32, #tpu.memory_space<vmem_shared>> -> memref<50x128xf32, #tpu.memory_space<vmem_shared>>
      tpu.enqueue_dma source(%arg14 : memref<50x128xf32, #tpu.memory_space<vmem>>) target(%dma_start3A_254 : memref<50x128xf32, #tpu.memory_space<vmem_shared>>) target_semaphore(%run_scoped3A_250 : memref<!tpu.dma_semaphore, #tpu.memory_space<semaphore_mem>>)
      %dma_wait3A_255 = arith.constant 0 : i32
      %dma_wait3A_256 = tpu.memref_slice %arg18[%add3A_19, %dma_wait3A_255] : memref<10000x128xf32, #tpu.memory_space<vmem_shared>> -> memref<50x128xf32, #tpu.memory_space<vmem_shared>>
      %dma_wait3A_257 = arith.constant 0 : i32
      %dma_wait3A_258 = tpu.memref_slice %arg18[%add3A_19, %dma_wait3A_257] : memref<10000x128xf32, #tpu.memory_space<vmem_shared>> -> memref<50x128xf32, #tpu.memory_space<vmem_shared>>
      tpu.wait_dma2 semaphore(%run_scoped3A_250 : memref<!tpu.dma_semaphore, #tpu.memory_space<semaphore_mem>>) src(%arg14 : memref<50x128xf32, #tpu.memory_space<vmem>>) dst(%dma_wait3A_258 : memref<50x128xf32, #tpu.memory_space<vmem_shared>>)
      tpu.yield
    }) : () -> ()
    %add3A_20 = arith.constant 100 : i32
    %add3A_21 = arith.addi %mul3A_2, %add3A_20 : i32
    "tpu.region"() ({
      %run_scoped3A_250 = tpu.sem_alloc : memref<!tpu.dma_semaphore, #tpu.memory_space<semaphore_mem>>
      %dma_start3A_251 = arith.constant 0 : i32
      %dma_start3A_252 = tpu.memref_slice %arg18[%add3A_21, %dma_start3A_251] : memref<10000x128xf32, #tpu.memory_space<vmem_shared>> -> memref<50x128xf32, #tpu.memory_space<vmem_shared>>
      %dma_start3A_253 = arith.constant 0 : i32
      %dma_start3A_254 = tpu.memref_slice %arg18[%add3A_21, %dma_start3A_253] : memref<10000x128xf32, #tpu.memory_space<vmem_shared>> -> memref<50x128xf32, #tpu.memory_space<vmem_shared>>
      tpu.enqueue_dma source(%arg14 : memref<50x128xf32, #tpu.memory_space<vmem>>) target(%dma_start3A_254 : memref<50x128xf32, #tpu.memory_space<vmem_shared>>) target_semaphore(%run_scoped3A_250 : memref<!tpu.dma_semaphore, #tpu.memory_space<semaphore_mem>>)
      %dma_wait3A_255 = arith.constant 0 : i32
      %dma_wait3A_256 = tpu.memref_slice %arg18[%add3A_21, %dma_wait3A_255] : memref<10000x128xf32, #tpu.memory_space<vmem_shared>> -> memref<50x128xf32, #tpu.memory_space<vmem_shared>>
      %dma_wait3A_257 = arith.constant 0 : i32
      %dma_wait3A_258 = tpu.memref_slice %arg18[%add3A_21, %dma_wait3A_257] : memref<10000x128xf32, #tpu.memory_space<vmem_shared>> -> memref<50x128xf32, #tpu.memory_space<vmem_shared>>
      tpu.wait_dma2 semaphore(%run_scoped3A_250 : memref<!tpu.dma_semaphore, #tpu.memory_space<semaphore_mem>>) src(%arg14 : memref<50x128xf32, #tpu.memory_space<vmem>>) dst(%dma_wait3A_258 : memref<50x128xf32, #tpu.memory_space<vmem_shared>>)
      tpu.yield
    }) : () -> ()
    %add3A_22 = arith.constant 150 : i32
    %add3A_23 = arith.addi %mul3A_2, %add3A_22 : i32
    "tpu.region"() ({
      %run_scoped3A_250 = tpu.sem_alloc : memref<!tpu.dma_semaphore, #tpu.memory_space<semaphore_mem>>
      %dma_start3A_251 = arith.constant 0 : i32
      %dma_start3A_252 = tpu.memref_slice %arg18[%add3A_23, %dma_start3A_251] : memref<10000x128xf32, #tpu.memory_space<vmem_shared>> -> memref<50x128xf32, #tpu.memory_space<vmem_shared>>
      %dma_start3A_253 = arith.constant 0 : i32
      %dma_start3A_254 = tpu.memref_slice %arg18[%add3A_23, %dma_start3A_253] : memref<10000x128xf32, #tpu.memory_space<vmem_shared>> -> memref<50x128xf32, #tpu.memory_space<vmem_shared>>
      tpu.enqueue_dma source(%arg14 : memref<50x128xf32, #tpu.memory_space<vmem>>) target(%dma_start3A_254 : memref<50x128xf32, #tpu.memory_space<vmem_shared>>) target_semaphore(%run_scoped3A_250 : memref<!tpu.dma_semaphore, #tpu.memory_space<semaphore_mem>>)
      %dma_wait3A_255 = arith.constant 0 : i32
      %dma_wait3A_256 = tpu.memref_slice %arg18[%add3A_23, %dma_wait3A_255] : memref<10000x128xf32, #tpu.memory_space<vmem_shared>> -> memref<50x128xf32, #tpu.memory_space<vmem_shared>>
      %dma_wait3A_257 = arith.constant 0 : i32
      %dma_wait3A_258 = tpu.memref_slice %arg18[%add3A_23, %dma_wait3A_257] : memref<10000x128xf32, #tpu.memory_space<vmem_shared>> -> memref<50x128xf32, #tpu.memory_space<vmem_shared>>
      tpu.wait_dma2 semaphore(%run_scoped3A_250 : memref<!tpu.dma_semaphore, #tpu.memory_space<semaphore_mem>>) src(%arg14 : memref<50x128xf32, #tpu.memory_space<vmem>>) dst(%dma_wait3A_258 : memref<50x128xf32, #tpu.memory_space<vmem_shared>>)
      tpu.yield
    }) : () -> ()
    %add3A_24 = arith.constant 200 : i32
    %add3A_25 = arith.addi %mul3A_2, %add3A_24 : i32
    "tpu.region"() ({
      %run_scoped3A_250 = tpu.sem_alloc : memref<!tpu.dma_semaphore, #tpu.memory_space<semaphore_mem>>
      %dma_start3A_251 = arith.constant 0 : i32
      %dma_start3A_252 = tpu.memref_slice %arg18[%add3A_25, %dma_start3A_251] : memref<10000x128xf32, #tpu.memory_space<vmem_shared>> -> memref<50x128xf32, #tpu.memory_space<vmem_shared>>
      %dma_start3A_253 = arith.constant 0 : i32
      %dma_start3A_254 = tpu.memref_slice %arg18[%add3A_25, %dma_start3A_253] : memref<10000x128xf32, #tpu.memory_space<vmem_shared>> -> memref<50x128xf32, #tpu.memory_space<vmem_shared>>
      tpu.enqueue_dma source(%arg14 : memref<50x128xf32, #tpu.memory_space<vmem>>) target(%dma_start3A_254 : memref<50x128xf32, #tpu.memory_space<vmem_shared>>) target_semaphore(%run_scoped3A_250 : memref<!tpu.dma_semaphore, #tpu.memory_space<semaphore_mem>>)
      %dma_wait3A_255 = arith.constant 0 : i32
      %dma_wait3A_256 = tpu.memref_slice %arg18[%add3A_25, %dma_wait3A_255] : memref<10000x128xf32, #tpu.memory_space<vmem_shared>> -> memref<50x128xf32, #tpu.memory_space<vmem_shared>>
      %dma_wait3A_257 = arith.constant 0 : i32
      %dma_wait3A_258 = tpu.memref_slice %arg18[%add3A_25, %dma_wait3A_257] : memref<10000x128xf32, #tpu.memory_space<vmem_shared>> -> memref<50x128xf32, #tpu.memory_space<vmem_shared>>
      tpu.wait_dma2 semaphore(%run_scoped3A_250 : memref<!tpu.dma_semaphore, #tpu.memory_space<semaphore_mem>>) src(%arg14 : memref<50x128xf32, #tpu.memory_space<vmem>>) dst(%dma_wait3A_258 : memref<50x128xf32, #tpu.memory_space<vmem_shared>>)
      tpu.yield
    }) : () -> ()
    %add3A_26 = arith.constant 250 : i32
    %add3A_27 = arith.addi %mul3A_2, %add3A_26 : i32
    "tpu.region"() ({
      %run_scoped3A_250 = tpu.sem_alloc : memref<!tpu.dma_semaphore, #tpu.memory_space<semaphore_mem>>
      %dma_start3A_251 = arith.constant 0 : i32
      %dma_start3A_252 = tpu.memref_slice %arg18[%add3A_27, %dma_start3A_251] : memref<10000x128xf32, #tpu.memory_space<vmem_shared>> -> memref<50x128xf32, #tpu.memory_space<vmem_shared>>
      %dma_start3A_253 = arith.constant 0 : i32
      %dma_start3A_254 = tpu.memref_slice %arg18[%add3A_27, %dma_start3A_253] : memref<10000x128xf32, #tpu.memory_space<vmem_shared>> -> memref<50x128xf32, #tpu.memory_space<vmem_shared>>
      tpu.enqueue_dma source(%arg14 : memref<50x128xf32, #tpu.memory_space<vmem>>) target(%dma_start3A_254 : memref<50x128xf32, #tpu.memory_space<vmem_shared>>) target_semaphore(%run_scoped3A_250 : memref<!tpu.dma_semaphore, #tpu.memory_space<semaphore_mem>>)
      %dma_wait3A_255 = arith.constant 0 : i32
      %dma_wait3A_256 = tpu.memref_slice %arg18[%add3A_27, %dma_wait3A_255] : memref<10000x128xf32, #tpu.memory_space<vmem_shared>> -> memref<50x128xf32, #tpu.memory_space<vmem_shared>>
      %dma_wait3A_257 = arith.constant 0 : i32
      %dma_wait3A_258 = tpu.memref_slice %arg18[%add3A_27, %dma_wait3A_257] : memref<10000x128xf32, #tpu.memory_space<vmem_shared>> -> memref<50x128xf32, #tpu.memory_space<vmem_shared>>
      tpu.wait_dma2 semaphore(%run_scoped3A_250 : memref<!tpu.dma_semaphore, #tpu.memory_space<semaphore_mem>>) src(%arg14 : memref<50x128xf32, #tpu.memory_space<vmem>>) dst(%dma_wait3A_258 : memref<50x128xf32, #tpu.memory_space<vmem_shared>>)
      tpu.yield
    }) : () -> ()
    %add3A_28 = arith.constant 300 : i32
    %add3A_29 = arith.addi %mul3A_2, %add3A_28 : i32
    "tpu.region"() ({
      %run_scoped3A_250 = tpu.sem_alloc : memref<!tpu.dma_semaphore, #tpu.memory_space<semaphore_mem>>
      %dma_start3A_251 = arith.constant 0 : i32
      %dma_start3A_252 = tpu.memref_slice %arg18[%add3A_29, %dma_start3A_251] : memref<10000x128xf32, #tpu.memory_space<vmem_shared>> -> memref<50x128xf32, #tpu.memory_space<vmem_shared>>
      %dma_start3A_253 = arith.constant 0 : i32
      %dma_start3A_254 = tpu.memref_slice %arg18[%add3A_29, %dma_start3A_253] : memref<10000x128xf32, #tpu.memory_space<vmem_shared>> -> memref<50x128xf32, #tpu.memory_space<vmem_shared>>
      tpu.enqueue_dma source(%arg14 : memref<50x128xf32, #tpu.memory_space<vmem>>) target(%dma_start3A_254 : memref<50x128xf32, #tpu.memory_space<vmem_shared>>) target_semaphore(%run_scoped3A_250 : memref<!tpu.dma_semaphore, #tpu.memory_space<semaphore_mem>>)
      %dma_wait3A_255 = arith.constant 0 : i32
      %dma_wait3A_256 = tpu.memref_slice %arg18[%add3A_29, %dma_wait3A_255] : memref<10000x128xf32, #tpu.memory_space<vmem_shared>> -> memref<50x128xf32, #tpu.memory_space<vmem_shared>>
      %dma_wait3A_257 = arith.constant 0 : i32
      %dma_wait3A_258 = tpu.memref_slice %arg18[%add3A_29, %dma_wait3A_257] : memref<10000x128xf32, #tpu.memory_space<vmem_shared>> -> memref<50x128xf32, #tpu.memory_space<vmem_shared>>
      tpu.wait_dma2 semaphore(%run_scoped3A_250 : memref<!tpu.dma_semaphore, #tpu.memory_space<semaphore_mem>>) src(%arg14 : memref<50x128xf32, #tpu.memory_space<vmem>>) dst(%dma_wait3A_258 : memref<50x128xf32, #tpu.memory_space<vmem_shared>>)
      tpu.yield
    }) : () -> ()
    %add3A_30 = arith.constant 350 : i32
    %add3A_31 = arith.addi %mul3A_2, %add3A_30 : i32
    "tpu.region"() ({
      %run_scoped3A_250 = tpu.sem_alloc : memref<!tpu.dma_semaphore, #tpu.memory_space<semaphore_mem>>
      %dma_start3A_251 = arith.constant 0 : i32
      %dma_start3A_252 = tpu.memref_slice %arg18[%add3A_31, %dma_start3A_251] : memref<10000x128xf32, #tpu.memory_space<vmem_shared>> -> memref<50x128xf32, #tpu.memory_space<vmem_shared>>
      %dma_start3A_253 = arith.constant 0 : i32
      %dma_start3A_254 = tpu.memref_slice %arg18[%add3A_31, %dma_start3A_253] : memref<10000x128xf32, #tpu.memory_space<vmem_shared>> -> memref<50x128xf32, #tpu.memory_space<vmem_shared>>
      tpu.enqueue_dma source(%arg14 : memref<50x128xf32, #tpu.memory_space<vmem>>) target(%dma_start3A_254 : memref<50x128xf32, #tpu.memory_space<vmem_shared>>) target_semaphore(%run_scoped3A_250 : memref<!tpu.dma_semaphore, #tpu.memory_space<semaphore_mem>>)
      %dma_wait3A_255 = arith.constant 0 : i32
      %dma_wait3A_256 = tpu.memref_slice %arg18[%add3A_31, %dma_wait3A_255] : memref<10000x128xf32, #tpu.memory_space<vmem_shared>> -> memref<50x128xf32, #tpu.memory_space<vmem_shared>>
      %dma_wait3A_257 = arith.constant 0 : i32
      %dma_wait3A_258 = tpu.memref_slice %arg18[%add3A_31, %dma_wait3A_257] : memref<10000x128xf32, #tpu.memory_space<vmem_shared>> -> memref<50x128xf32, #tpu.memory_space<vmem_shared>>
      tpu.wait_dma2 semaphore(%run_scoped3A_250 : memref<!tpu.dma_semaphore, #tpu.memory_space<semaphore_mem>>) src(%arg14 : memref<50x128xf32, #tpu.memory_space<vmem>>) dst(%dma_wait3A_258 : memref<50x128xf32, #tpu.memory_space<vmem_shared>>)
      tpu.yield
    }) : () -> ()
    %add3A_32 = arith.constant 400 : i32
    %add3A_33 = arith.addi %mul3A_2, %add3A_32 : i32
    "tpu.region"() ({
      %run_scoped3A_250 = tpu.sem_alloc : memref<!tpu.dma_semaphore, #tpu.memory_space<semaphore_mem>>
      %dma_start3A_251 = arith.constant 0 : i32
      %dma_start3A_252 = tpu.memref_slice %arg18[%add3A_33, %dma_start3A_251] : memref<10000x128xf32, #tpu.memory_space<vmem_shared>> -> memref<50x128xf32, #tpu.memory_space<vmem_shared>>
      %dma_start3A_253 = arith.constant 0 : i32
      %dma_start3A_254 = tpu.memref_slice %arg18[%add3A_33, %dma_start3A_253] : memref<10000x128xf32, #tpu.memory_space<vmem_shared>> -> memref<50x128xf32, #tpu.memory_space<vmem_shared>>
      tpu.enqueue_dma source(%arg14 : memref<50x128xf32, #tpu.memory_space<vmem>>) target(%dma_start3A_254 : memref<50x128xf32, #tpu.memory_space<vmem_shared>>) target_semaphore(%run_scoped3A_250 : memref<!tpu.dma_semaphore, #tpu.memory_space<semaphore_mem>>)
      %dma_wait3A_255 = arith.constant 0 : i32
      %dma_wait3A_256 = tpu.memref_slice %arg18[%add3A_33, %dma_wait3A_255] : memref<10000x128xf32, #tpu.memory_space<vmem_shared>> -> memref<50x128xf32, #tpu.memory_space<vmem_shared>>
      %dma_wait3A_257 = arith.constant 0 : i32
      %dma_wait3A_258 = tpu.memref_slice %arg18[%add3A_33, %dma_wait3A_257] : memref<10000x128xf32, #tpu.memory_space<vmem_shared>> -> memref<50x128xf32, #tpu.memory_space<vmem_shared>>
      tpu.wait_dma2 semaphore(%run_scoped3A_250 : memref<!tpu.dma_semaphore, #tpu.memory_space<semaphore_mem>>) src(%arg14 : memref<50x128xf32, #tpu.memory_space<vmem>>) dst(%dma_wait3A_258 : memref<50x128xf32, #tpu.memory_space<vmem_shared>>)
      tpu.yield
    }) : () -> ()
    %add3A_34 = arith.constant 450 : i32
    %add3A_35 = arith.addi %mul3A_2, %add3A_34 : i32
    "tpu.region"() ({
      %run_scoped3A_250 = tpu.sem_alloc : memref<!tpu.dma_semaphore, #tpu.memory_space<semaphore_mem>>
      %dma_start3A_251 = arith.constant 0 : i32
      %dma_start3A_252 = tpu.memref_slice %arg18[%add3A_35, %dma_start3A_251] : memref<10000x128xf32, #tpu.memory_space<vmem_shared>> -> memref<50x128xf32, #tpu.memory_space<vmem_shared>>
      %dma_start3A_253 = arith.constant 0 : i32
      %dma_start3A_254 = tpu.memref_slice %arg18[%add3A_35, %dma_start3A_253] : memref<10000x128xf32, #tpu.memory_space<vmem_shared>> -> memref<50x128xf32, #tpu.memory_space<vmem_shared>>
      tpu.enqueue_dma source(%arg14 : memref<50x128xf32, #tpu.memory_space<vmem>>) target(%dma_start3A_254 : memref<50x128xf32, #tpu.memory_space<vmem_shared>>) target_semaphore(%run_scoped3A_250 : memref<!tpu.dma_semaphore, #tpu.memory_space<semaphore_mem>>)
      %dma_wait3A_255 = arith.constant 0 : i32
      %dma_wait3A_256 = tpu.memref_slice %arg18[%add3A_35, %dma_wait3A_255] : memref<10000x128xf32, #tpu.memory_space<vmem_shared>> -> memref<50x128xf32, #tpu.memory_space<vmem_shared>>
      %dma_wait3A_257 = arith.constant 0 : i32
      %dma_wait3A_258 = tpu.memref_slice %arg18[%add3A_35, %dma_wait3A_257] : memref<10000x128xf32, #tpu.memory_space<vmem_shared>> -> memref<50x128xf32, #tpu.memory_space<vmem_shared>>
      tpu.wait_dma2 semaphore(%run_scoped3A_250 : memref<!tpu.dma_semaphore, #tpu.memory_space<semaphore_mem>>) src(%arg14 : memref<50x128xf32, #tpu.memory_space<vmem>>) dst(%dma_wait3A_258 : memref<50x128xf32, #tpu.memory_space<vmem_shared>>)
      tpu.yield
    }) : () -> ()
    %add3A_36 = arith.constant 500 : i32
    %add3A_37 = arith.addi %mul3A_2, %add3A_36 : i32
    "tpu.region"() ({
      %run_scoped3A_250 = tpu.sem_alloc : memref<!tpu.dma_semaphore, #tpu.memory_space<semaphore_mem>>
      %dma_start3A_251 = arith.constant 0 : i32
      %dma_start3A_252 = tpu.memref_slice %arg18[%add3A_37, %dma_start3A_251] : memref<10000x128xf32, #tpu.memory_space<vmem_shared>> -> memref<50x128xf32, #tpu.memory_space<vmem_shared>>
      %dma_start3A_253 = arith.constant 0 : i32
      %dma_start3A_254 = tpu.memref_slice %arg18[%add3A_37, %dma_start3A_253] : memref<10000x128xf32, #tpu.memory_space<vmem_shared>> -> memref<50x128xf32, #tpu.memory_space<vmem_shared>>
      tpu.enqueue_dma source(%arg14 : memref<50x128xf32, #tpu.memory_space<vmem>>) target(%dma_start3A_254 : memref<50x128xf32, #tpu.memory_space<vmem_shared>>) target_semaphore(%run_scoped3A_250 : memref<!tpu.dma_semaphore, #tpu.memory_space<semaphore_mem>>)
      %dma_wait3A_255 = arith.constant 0 : i32
      %dma_wait3A_256 = tpu.memref_slice %arg18[%add3A_37, %dma_wait3A_255] : memref<10000x128xf32, #tpu.memory_space<vmem_shared>> -> memref<50x128xf32, #tpu.memory_space<vmem_shared>>
      %dma_wait3A_257 = arith.constant 0 : i32
      %dma_wait3A_258 = tpu.memref_slice %arg18[%add3A_37, %dma_wait3A_257] : memref<10000x128xf32, #tpu.memory_space<vmem_shared>> -> memref<50x128xf32, #tpu.memory_space<vmem_shared>>
      tpu.wait_dma2 semaphore(%run_scoped3A_250 : memref<!tpu.dma_semaphore, #tpu.memory_space<semaphore_mem>>) src(%arg14 : memref<50x128xf32, #tpu.memory_space<vmem>>) dst(%dma_wait3A_258 : memref<50x128xf32, #tpu.memory_space<vmem_shared>>)
      tpu.yield
    }) : () -> ()
    %add3A_38 = arith.constant 550 : i32
    %add3A_39 = arith.addi %mul3A_2, %add3A_38 : i32
    "tpu.region"() ({
      %run_scoped3A_250 = tpu.sem_alloc : memref<!tpu.dma_semaphore, #tpu.memory_space<semaphore_mem>>
      %dma_start3A_251 = arith.constant 0 : i32
      %dma_start3A_252 = tpu.memref_slice %arg18[%add3A_39, %dma_start3A_251] : memref<10000x128xf32, #tpu.memory_space<vmem_shared>> -> memref<50x128xf32, #tpu.memory_space<vmem_shared>>
      %dma_start3A_253 = arith.constant 0 : i32
      %dma_start3A_254 = tpu.memref_slice %arg18[%add3A_39, %dma_start3A_253] : memref<10000x128xf32, #tpu.memory_space<vmem_shared>> -> memref<50x128xf32, #tpu.memory_space<vmem_shared>>
      tpu.enqueue_dma source(%arg14 : memref<50x128xf32, #tpu.memory_space<vmem>>) target(%dma_start3A_254 : memref<50x128xf32, #tpu.memory_space<vmem_shared>>) target_semaphore(%run_scoped3A_250 : memref<!tpu.dma_semaphore, #tpu.memory_space<semaphore_mem>>)
      %dma_wait3A_255 = arith.constant 0 : i32
      %dma_wait3A_256 = tpu.memref_slice %arg18[%add3A_39, %dma_wait3A_255] : memref<10000x128xf32, #tpu.memory_space<vmem_shared>> -> memref<50x128xf32, #tpu.memory_space<vmem_shared>>
      %dma_wait3A_257 = arith.constant 0 : i32
      %dma_wait3A_258 = tpu.memref_slice %arg18[%add3A_39, %dma_wait3A_257] : memref<10000x128xf32, #tpu.memory_space<vmem_shared>> -> memref<50x128xf32, #tpu.memory_space<vmem_shared>>
      tpu.wait_dma2 semaphore(%run_scoped3A_250 : memref<!tpu.dma_semaphore, #tpu.memory_space<semaphore_mem>>) src(%arg14 : memref<50x128xf32, #tpu.memory_space<vmem>>) dst(%dma_wait3A_258 : memref<50x128xf32, #tpu.memory_space<vmem_shared>>)
      tpu.yield
    }) : () -> ()
    %add3A_40 = arith.constant 600 : i32
    %add3A_41 = arith.addi %mul3A_2, %add3A_40 : i32
    "tpu.region"() ({
      %run_scoped3A_250 = tpu.sem_alloc : memref<!tpu.dma_semaphore, #tpu.memory_space<semaphore_mem>>
      %dma_start3A_251 = arith.constant 0 : i32
      %dma_start3A_252 = arith.constant 0 : i32
      %dma_start3A_253 = tpu.memref_slice %arg14[%dma_start3A_251, %dma_start3A_252] : memref<50x128xf32, #tpu.memory_space<vmem>> -> memref<25x128xf32, #tpu.memory_space<vmem>>
      %dma_start3A_254 = arith.constant 0 : i32
      %dma_start3A_255 = tpu.memref_slice %arg18[%add3A_41, %dma_start3A_254] : memref<10000x128xf32, #tpu.memory_space<vmem_shared>> -> memref<25x128xf32, #tpu.memory_space<vmem_shared>>
      %dma_start3A_256 = arith.constant 0 : i32
      %dma_start3A_257 = tpu.memref_slice %arg18[%add3A_41, %dma_start3A_256] : memref<10000x128xf32, #tpu.memory_space<vmem_shared>> -> memref<25x128xf32, #tpu.memory_space<vmem_shared>>
      %dma_start3A_258 = arith.constant 0 : i32
      %dma_start3A_259 = arith.constant 0 : i32
      %dma_start3A_260 = tpu.memref_slice %arg14[%dma_start3A_258, %dma_start3A_259] : memref<50x128xf32, #tpu.memory_space<vmem>> -> memref<25x128xf32, #tpu.memory_space<vmem>>
      tpu.enqueue_dma source(%dma_start3A_260 : memref<25x128xf32, #tpu.memory_space<vmem>>) target(%dma_start3A_257 : memref<25x128xf32, #tpu.memory_space<vmem_shared>>) target_semaphore(%run_scoped3A_250 : memref<!tpu.dma_semaphore, #tpu.memory_space<semaphore_mem>>)
      %dma_wait3A_261 = arith.constant 0 : i32
      %dma_wait3A_262 = arith.constant 0 : i32
      %dma_wait3A_263 = tpu.memref_slice %arg14[%dma_wait3A_261, %dma_wait3A_262] : memref<50x128xf32, #tpu.memory_space<vmem>> -> memref<25x128xf32, #tpu.memory_space<vmem>>
      %dma_wait3A_264 = arith.constant 0 : i32
      %dma_wait3A_265 = tpu.memref_slice %arg18[%add3A_41, %dma_wait3A_264] : memref<10000x128xf32, #tpu.memory_space<vmem_shared>> -> memref<25x128xf32, #tpu.memory_space<vmem_shared>>
      %dma_wait3A_266 = arith.constant 0 : i32
      %dma_wait3A_267 = tpu.memref_slice %arg18[%add3A_41, %dma_wait3A_266] : memref<10000x128xf32, #tpu.memory_space<vmem_shared>> -> memref<25x128xf32, #tpu.memory_space<vmem_shared>>
      %dma_wait3A_268 = arith.constant 0 : i32
      %dma_wait3A_269 = arith.constant 0 : i32
      %dma_wait3A_270 = tpu.memref_slice %arg14[%dma_wait3A_268, %dma_wait3A_269] : memref<50x128xf32, #tpu.memory_space<vmem>> -> memref<25x128xf32, #tpu.memory_space<vmem>>
      tpu.wait_dma2 semaphore(%run_scoped3A_250 : memref<!tpu.dma_semaphore, #tpu.memory_space<semaphore_mem>>) src(%dma_wait3A_270 : memref<25x128xf32, #tpu.memory_space<vmem>>) dst(%dma_wait3A_267 : memref<25x128xf32, #tpu.memory_space<vmem_shared>>)
      tpu.yield
    }) : () -> ()
    %barrier3A = arith.constant 0 : index
    tpu.barrier barrier_id(%barrier3A)
    %dma_start3A_42 = arith.constant 2 : i32
    %dma_start3A_43 = arith.constant 0 : i32
    %dma_start3A_44 = tpu.memref_slice %arg10[%dma_start3A_42, %dma_start3A_43] : memref<100x50xi32, #tpu.memory_space<vmem>> -> memref<1x50xi32, #tpu.memory_space<vmem>>
    %dma_start3A_45 = tpu.memref_squeeze %dma_start3A_44 : memref<1x50xi32, #tpu.memory_space<vmem>> -> memref<50xi32, #tpu.memory_space<vmem>>
    %dma_start3A_46 = arith.constant 0 : i32
    %dma_start3A_47 = arith.constant 0 : i32
    %dma_start3A_48 = tpu.memref_slice %arg5[%dma_start3A_46, %dma_start3A_47] : memref<10000x128xf32, #tpu.memory_space<hbm>> -> memref<10000x128xf32, #tpu.memory_space<hbm>>
    tpu.enqueue_indirect_dma source(%dma_start3A_48 : memref<10000x128xf32, #tpu.memory_space<hbm>>) target(%arg14 : memref<50x128xf32, #tpu.memory_space<vmem>>) offsets(%dma_start3A_45 : memref<50xi32, #tpu.memory_space<vmem>>) semaphore(%arg17 : memref<!tpu.dma_semaphore, #tpu.memory_space<semaphore_mem>>)
    %scan3A = arith.constant 0 : i32
    %scan3A_49 = arith.constant 0 : i32
    %scan3A_50 = arith.constant 33 : i32
    %scan3A_51 = arith.addi %scan3A_49, %scan3A_50 : i32
    %scan3A_52 = arith.constant 1 : i32
    scf.for %scan3A_250 = %scan3A_49 to %scan3A_51 step %scan3A_52  : i32 {
      %mul3A_251 = arith.constant 3 : i32
      %mul3A_252 = arith.muli %scan3A_250, %mul3A_251 : i32
      %add3A_253 = arith.constant 0 : i32
      %add3A_254 = arith.addi %mul3A_252, %add3A_253 : i32
      %dma_wait3A_255 = arith.constant 0 : i32
      %dma_wait3A_256 = tpu.memref_slice %arg10[%add3A_254, %dma_wait3A_255] : memref<100x50xi32, #tpu.memory_space<vmem>> -> memref<1x50xi32, #tpu.memory_space<vmem>>
      %dma_wait3A_257 = tpu.memref_squeeze %dma_wait3A_256 : memref<1x50xi32, #tpu.memory_space<vmem>> -> memref<50xi32, #tpu.memory_space<vmem>>
      %dma_wait3A_258 = arith.constant 0 : i32
      %dma_wait3A_259 = arith.constant 0 : i32
      %dma_wait3A_260 = tpu.memref_slice %arg5[%dma_wait3A_258, %dma_wait3A_259] : memref<10000x128xf32, #tpu.memory_space<hbm>> -> memref<10000x128xf32, #tpu.memory_space<hbm>>
      tpu.wait_indirect_dma semaphore(%arg15 : memref<!tpu.dma_semaphore, #tpu.memory_space<semaphore_mem>>) src(%dma_wait3A_260 : memref<10000x128xf32, #tpu.memory_space<hbm>>) dst(%arg12 : memref<50x128xf32, #tpu.memory_space<vmem>>)
      "tpu.region"() ({
        %run_scoped3A_299 = tpu.sem_alloc : memref<!tpu.dma_semaphore, #tpu.memory_space<semaphore_mem>>
        %dma_start3A_300 = arith.constant 0 : i32
        %dma_start3A_301 = tpu.memref_slice %arg11[%add3A_254, %dma_start3A_300] : memref<100x50xi32, #tpu.memory_space<vmem>> -> memref<1x50xi32, #tpu.memory_space<vmem>>
        %dma_start3A_302 = tpu.memref_squeeze %dma_start3A_301 : memref<1x50xi32, #tpu.memory_space<vmem>> -> memref<50xi32, #tpu.memory_space<vmem>>
        %dma_start3A_303 = arith.constant 0 : i32
        %dma_start3A_304 = arith.constant 0 : i32
        %dma_start3A_305 = tpu.memref_slice %arg18[%dma_start3A_303, %dma_start3A_304] : memref<10000x128xf32, #tpu.memory_space<vmem_shared>> -> memref<10000x128xf32, #tpu.memory_space<vmem_shared>>
        tpu.enqueue_indirect_dma source(%arg12 : memref<50x128xf32, #tpu.memory_space<vmem>>) target(%dma_start3A_305 : memref<10000x128xf32, #tpu.memory_space<vmem_shared>>) offsets(%dma_start3A_302 : memref<50xi32, #tpu.memory_space<vmem>>) semaphore(%run_scoped3A_299 : memref<!tpu.dma_semaphore, #tpu.memory_space<semaphore_mem>>) {add = true}
        %dma_wait3A_306 = arith.constant 0 : i32
        %dma_wait3A_307 = tpu.memref_slice %arg11[%add3A_254, %dma_wait3A_306] : memref<100x50xi32, #tpu.memory_space<vmem>> -> memref<1x50xi32, #tpu.memory_space<vmem>>
        %dma_wait3A_308 = tpu.memref_squeeze %dma_wait3A_307 : memref<1x50xi32, #tpu.memory_space<vmem>> -> memref<50xi32, #tpu.memory_space<vmem>>
        %dma_wait3A_309 = arith.constant 0 : i32
        %dma_wait3A_310 = arith.constant 0 : i32
        %dma_wait3A_311 = tpu.memref_slice %arg18[%dma_wait3A_309, %dma_wait3A_310] : memref<10000x128xf32, #tpu.memory_space<vmem_shared>> -> memref<10000x128xf32, #tpu.memory_space<vmem_shared>>
        tpu.wait_indirect_dma semaphore(%run_scoped3A_299 : memref<!tpu.dma_semaphore, #tpu.memory_space<semaphore_mem>>) src(%arg12 : memref<50x128xf32, #tpu.memory_space<vmem>>) dst(%dma_wait3A_311 : memref<10000x128xf32, #tpu.memory_space<vmem_shared>>)
        tpu.yield
      }) : () -> ()
      %add3A_261 = arith.constant 3 : i32
      %add3A_262 = arith.addi %add3A_254, %add3A_261 : i32
      %lt3A = arith.constant 100 : i32
      %lt3A_263 = arith.cmpi slt, %add3A_262, %lt3A : i32
      %convert_element_type3A = arith.extui %lt3A_263 : i1 to i32
      %cond3A = arith.constant 0 : i32
      %cond3A_264 = arith.cmpi ne, %convert_element_type3A, %cond3A : i32
      scf.if %cond3A_264 {
        %add3A_299 = arith.constant 3 : i32
        %add3A_300 = arith.addi %add3A_254, %add3A_299 : i32
        %dma_start3A_301 = arith.constant 0 : i32
        %dma_start3A_302 = tpu.memref_slice %arg10[%add3A_300, %dma_start3A_301] : memref<100x50xi32, #tpu.memory_space<vmem>> -> memref<1x50xi32, #tpu.memory_space<vmem>>
        %dma_start3A_303 = tpu.memref_squeeze %dma_start3A_302 : memref<1x50xi32, #tpu.memory_space<vmem>> -> memref<50xi32, #tpu.memory_space<vmem>>
        %dma_start3A_304 = arith.constant 0 : i32
        %dma_start3A_305 = arith.constant 0 : i32
        %dma_start3A_306 = tpu.memref_slice %arg5[%dma_start3A_304, %dma_start3A_305] : memref<10000x128xf32, #tpu.memory_space<hbm>> -> memref<10000x128xf32, #tpu.memory_space<hbm>>
        tpu.enqueue_indirect_dma source(%dma_start3A_306 : memref<10000x128xf32, #tpu.memory_space<hbm>>) target(%arg12 : memref<50x128xf32, #tpu.memory_space<vmem>>) offsets(%dma_start3A_303 : memref<50xi32, #tpu.memory_space<vmem>>) semaphore(%arg15 : memref<!tpu.dma_semaphore, #tpu.memory_space<semaphore_mem>>)
      } else {
      }
      %mul3A_265 = arith.constant 3 : i32
      %mul3A_266 = arith.muli %scan3A_250, %mul3A_265 : i32
      %add3A_267 = arith.constant 1 : i32
      %add3A_268 = arith.addi %mul3A_266, %add3A_267 : i32
      %dma_wait3A_269 = arith.constant 0 : i32
      %dma_wait3A_270 = tpu.memref_slice %arg10[%add3A_268, %dma_wait3A_269] : memref<100x50xi32, #tpu.memory_space<vmem>> -> memref<1x50xi32, #tpu.memory_space<vmem>>
      %dma_wait3A_271 = tpu.memref_squeeze %dma_wait3A_270 : memref<1x50xi32, #tpu.memory_space<vmem>> -> memref<50xi32, #tpu.memory_space<vmem>>
      %dma_wait3A_272 = arith.constant 0 : i32
      %dma_wait3A_273 = arith.constant 0 : i32
      %dma_wait3A_274 = tpu.memref_slice %arg5[%dma_wait3A_272, %dma_wait3A_273] : memref<10000x128xf32, #tpu.memory_space<hbm>> -> memref<10000x128xf32, #tpu.memory_space<hbm>>
      tpu.wait_indirect_dma semaphore(%arg16 : memref<!tpu.dma_semaphore, #tpu.memory_space<semaphore_mem>>) src(%dma_wait3A_274 : memref<10000x128xf32, #tpu.memory_space<hbm>>) dst(%arg13 : memref<50x128xf32, #tpu.memory_space<vmem>>)
      "tpu.region"() ({
        %run_scoped3A_299 = tpu.sem_alloc : memref<!tpu.dma_semaphore, #tpu.memory_space<semaphore_mem>>
        %dma_start3A_300 = arith.constant 0 : i32
        %dma_start3A_301 = tpu.memref_slice %arg11[%add3A_268, %dma_start3A_300] : memref<100x50xi32, #tpu.memory_space<vmem>> -> memref<1x50xi32, #tpu.memory_space<vmem>>
        %dma_start3A_302 = tpu.memref_squeeze %dma_start3A_301 : memref<1x50xi32, #tpu.memory_space<vmem>> -> memref<50xi32, #tpu.memory_space<vmem>>
        %dma_start3A_303 = arith.constant 0 : i32
        %dma_start3A_304 = arith.constant 0 : i32
        %dma_start3A_305 = tpu.memref_slice %arg18[%dma_start3A_303, %dma_start3A_304] : memref<10000x128xf32, #tpu.memory_space<vmem_shared>> -> memref<10000x128xf32, #tpu.memory_space<vmem_shared>>
        tpu.enqueue_indirect_dma source(%arg13 : memref<50x128xf32, #tpu.memory_space<vmem>>) target(%dma_start3A_305 : memref<10000x128xf32, #tpu.memory_space<vmem_shared>>) offsets(%dma_start3A_302 : memref<50xi32, #tpu.memory_space<vmem>>) semaphore(%run_scoped3A_299 : memref<!tpu.dma_semaphore, #tpu.memory_space<semaphore_mem>>) {add = true}
        %dma_wait3A_306 = arith.constant 0 : i32
        %dma_wait3A_307 = tpu.memref_slice %arg11[%add3A_268, %dma_wait3A_306] : memref<100x50xi32, #tpu.memory_space<vmem>> -> memref<1x50xi32, #tpu.memory_space<vmem>>
        %dma_wait3A_308 = tpu.memref_squeeze %dma_wait3A_307 : memref<1x50xi32, #tpu.memory_space<vmem>> -> memref<50xi32, #tpu.memory_space<vmem>>
        %dma_wait3A_309 = arith.constant 0 : i32
        %dma_wait3A_310 = arith.constant 0 : i32
        %dma_wait3A_311 = tpu.memref_slice %arg18[%dma_wait3A_309, %dma_wait3A_310] : memref<10000x128xf32, #tpu.memory_space<vmem_shared>> -> memref<10000x128xf32, #tpu.memory_space<vmem_shared>>
        tpu.wait_indirect_dma semaphore(%run_scoped3A_299 : memref<!tpu.dma_semaphore, #tpu.memory_space<semaphore_mem>>) src(%arg13 : memref<50x128xf32, #tpu.memory_space<vmem>>) dst(%dma_wait3A_311 : memref<10000x128xf32, #tpu.memory_space<vmem_shared>>)
        tpu.yield
      }) : () -> ()
      %add3A_275 = arith.constant 3 : i32
      %add3A_276 = arith.addi %add3A_268, %add3A_275 : i32
      %lt3A_277 = arith.constant 100 : i32
      %lt3A_278 = arith.cmpi slt, %add3A_276, %lt3A_277 : i32
      %convert_element_type3A_279 = arith.extui %lt3A_278 : i1 to i32
      %cond3A_280 = arith.constant 0 : i32
      %cond3A_281 = arith.cmpi ne, %convert_element_type3A_279, %cond3A_280 : i32
      scf.if %cond3A_281 {
        %add3A_299 = arith.constant 3 : i32
        %add3A_300 = arith.addi %add3A_268, %add3A_299 : i32
        %dma_start3A_301 = arith.constant 0 : i32
        %dma_start3A_302 = tpu.memref_slice %arg10[%add3A_300, %dma_start3A_301] : memref<100x50xi32, #tpu.memory_space<vmem>> -> memref<1x50xi32, #tpu.memory_space<vmem>>
        %dma_start3A_303 = tpu.memref_squeeze %dma_start3A_302 : memref<1x50xi32, #tpu.memory_space<vmem>> -> memref<50xi32, #tpu.memory_space<vmem>>
        %dma_start3A_304 = arith.constant 0 : i32
        %dma_start3A_305 = arith.constant 0 : i32
        %dma_start3A_306 = tpu.memref_slice %arg5[%dma_start3A_304, %dma_start3A_305] : memref<10000x128xf32, #tpu.memory_space<hbm>> -> memref<10000x128xf32, #tpu.memory_space<hbm>>
        tpu.enqueue_indirect_dma source(%dma_start3A_306 : memref<10000x128xf32, #tpu.memory_space<hbm>>) target(%arg13 : memref<50x128xf32, #tpu.memory_space<vmem>>) offsets(%dma_start3A_303 : memref<50xi32, #tpu.memory_space<vmem>>) semaphore(%arg16 : memref<!tpu.dma_semaphore, #tpu.memory_space<semaphore_mem>>)
      } else {
      }
      %mul3A_282 = arith.constant 3 : i32
      %mul3A_283 = arith.muli %scan3A_250, %mul3A_282 : i32
      %add3A_284 = arith.constant 2 : i32
      %add3A_285 = arith.addi %mul3A_283, %add3A_284 : i32
      %dma_wait3A_286 = arith.constant 0 : i32
      %dma_wait3A_287 = tpu.memref_slice %arg10[%add3A_285, %dma_wait3A_286] : memref<100x50xi32, #tpu.memory_space<vmem>> -> memref<1x50xi32, #tpu.memory_space<vmem>>
      %dma_wait3A_288 = tpu.memref_squeeze %dma_wait3A_287 : memref<1x50xi32, #tpu.memory_space<vmem>> -> memref<50xi32, #tpu.memory_space<vmem>>
      %dma_wait3A_289 = arith.constant 0 : i32
      %dma_wait3A_290 = arith.constant 0 : i32
      %dma_wait3A_291 = tpu.memref_slice %arg5[%dma_wait3A_289, %dma_wait3A_290] : memref<10000x128xf32, #tpu.memory_space<hbm>> -> memref<10000x128xf32, #tpu.memory_space<hbm>>
      tpu.wait_indirect_dma semaphore(%arg17 : memref<!tpu.dma_semaphore, #tpu.memory_space<semaphore_mem>>) src(%dma_wait3A_291 : memref<10000x128xf32, #tpu.memory_space<hbm>>) dst(%arg14 : memref<50x128xf32, #tpu.memory_space<vmem>>)
      "tpu.region"() ({
        %run_scoped3A_299 = tpu.sem_alloc : memref<!tpu.dma_semaphore, #tpu.memory_space<semaphore_mem>>
        %dma_start3A_300 = arith.constant 0 : i32
        %dma_start3A_301 = tpu.memref_slice %arg11[%add3A_285, %dma_start3A_300] : memref<100x50xi32, #tpu.memory_space<vmem>> -> memref<1x50xi32, #tpu.memory_space<vmem>>
        %dma_start3A_302 = tpu.memref_squeeze %dma_start3A_301 : memref<1x50xi32, #tpu.memory_space<vmem>> -> memref<50xi32, #tpu.memory_space<vmem>>
        %dma_start3A_303 = arith.constant 0 : i32
        %dma_start3A_304 = arith.constant 0 : i32
        %dma_start3A_305 = tpu.memref_slice %arg18[%dma_start3A_303, %dma_start3A_304] : memref<10000x128xf32, #tpu.memory_space<vmem_shared>> -> memref<10000x128xf32, #tpu.memory_space<vmem_shared>>
        tpu.enqueue_indirect_dma source(%arg14 : memref<50x128xf32, #tpu.memory_space<vmem>>) target(%dma_start3A_305 : memref<10000x128xf32, #tpu.memory_space<vmem_shared>>) offsets(%dma_start3A_302 : memref<50xi32, #tpu.memory_space<vmem>>) semaphore(%run_scoped3A_299 : memref<!tpu.dma_semaphore, #tpu.memory_space<semaphore_mem>>) {add = true}
        %dma_wait3A_306 = arith.constant 0 : i32
        %dma_wait3A_307 = tpu.memref_slice %arg11[%add3A_285, %dma_wait3A_306] : memref<100x50xi32, #tpu.memory_space<vmem>> -> memref<1x50xi32, #tpu.memory_space<vmem>>
        %dma_wait3A_308 = tpu.memref_squeeze %dma_wait3A_307 : memref<1x50xi32, #tpu.memory_space<vmem>> -> memref<50xi32, #tpu.memory_space<vmem>>
        %dma_wait3A_309 = arith.constant 0 : i32
        %dma_wait3A_310 = arith.constant 0 : i32
        %dma_wait3A_311 = tpu.memref_slice %arg18[%dma_wait3A_309, %dma_wait3A_310] : memref<10000x128xf32, #tpu.memory_space<vmem_shared>> -> memref<10000x128xf32, #tpu.memory_space<vmem_shared>>
        tpu.wait_indirect_dma semaphore(%run_scoped3A_299 : memref<!tpu.dma_semaphore, #tpu.memory_space<semaphore_mem>>) src(%arg14 : memref<50x128xf32, #tpu.memory_space<vmem>>) dst(%dma_wait3A_311 : memref<10000x128xf32, #tpu.memory_space<vmem_shared>>)
        tpu.yield
      }) : () -> ()
      %add3A_292 = arith.constant 3 : i32
      %add3A_293 = arith.addi %add3A_285, %add3A_292 : i32
      %lt3A_294 = arith.constant 100 : i32
      %lt3A_295 = arith.cmpi slt, %add3A_293, %lt3A_294 : i32
      %convert_element_type3A_296 = arith.extui %lt3A_295 : i1 to i32
      %cond3A_297 = arith.constant 0 : i32
      %cond3A_298 = arith.cmpi ne, %convert_element_type3A_296, %cond3A_297 : i32
      scf.if %cond3A_298 {
        %add3A_299 = arith.constant 3 : i32
        %add3A_300 = arith.addi %add3A_285, %add3A_299 : i32
        %dma_start3A_301 = arith.constant 0 : i32
        %dma_start3A_302 = tpu.memref_slice %arg10[%add3A_300, %dma_start3A_301] : memref<100x50xi32, #tpu.memory_space<vmem>> -> memref<1x50xi32, #tpu.memory_space<vmem>>
        %dma_start3A_303 = tpu.memref_squeeze %dma_start3A_302 : memref<1x50xi32, #tpu.memory_space<vmem>> -> memref<50xi32, #tpu.memory_space<vmem>>
        %dma_start3A_304 = arith.constant 0 : i32
        %dma_start3A_305 = arith.constant 0 : i32
        %dma_start3A_306 = tpu.memref_slice %arg5[%dma_start3A_304, %dma_start3A_305] : memref<10000x128xf32, #tpu.memory_space<hbm>> -> memref<10000x128xf32, #tpu.memory_space<hbm>>
        tpu.enqueue_indirect_dma source(%dma_start3A_306 : memref<10000x128xf32, #tpu.memory_space<hbm>>) target(%arg14 : memref<50x128xf32, #tpu.memory_space<vmem>>) offsets(%dma_start3A_303 : memref<50xi32, #tpu.memory_space<vmem>>) semaphore(%arg17 : memref<!tpu.dma_semaphore, #tpu.memory_space<semaphore_mem>>)
      } else {
      }
    }
    %scan3A_53 = arith.constant 33 : i32
    %dma_wait3A = arith.constant 99 : i32
    %dma_wait3A_54 = arith.constant 0 : i32
    %dma_wait3A_55 = tpu.memref_slice %arg10[%dma_wait3A, %dma_wait3A_54] : memref<100x50xi32, #tpu.memory_space<vmem>> -> memref<1x50xi32, #tpu.memory_space<vmem>>
    %dma_wait3A_56 = tpu.memref_squeeze %dma_wait3A_55 : memref<1x50xi32, #tpu.memory_space<vmem>> -> memref<50xi32, #tpu.memory_space<vmem>>
    %dma_wait3A_57 = arith.constant 0 : i32
    %dma_wait3A_58 = arith.constant 0 : i32
    %dma_wait3A_59 = tpu.memref_slice %arg5[%dma_wait3A_57, %dma_wait3A_58] : memref<10000x128xf32, #tpu.memory_space<hbm>> -> memref<10000x128xf32, #tpu.memory_space<hbm>>
    tpu.wait_indirect_dma semaphore(%arg15 : memref<!tpu.dma_semaphore, #tpu.memory_space<semaphore_mem>>) src(%dma_wait3A_59 : memref<10000x128xf32, #tpu.memory_space<hbm>>) dst(%arg12 : memref<50x128xf32, #tpu.memory_space<vmem>>)
    %run_scoped3A = arith.constant 99 : i32
    "tpu.region"() ({
      %run_scoped3A_250 = tpu.sem_alloc : memref<!tpu.dma_semaphore, #tpu.memory_space<semaphore_mem>>
      %dma_start3A_251 = arith.constant 0 : i32
      %dma_start3A_252 = tpu.memref_slice %arg11[%run_scoped3A, %dma_start3A_251] : memref<100x50xi32, #tpu.memory_space<vmem>> -> memref<1x50xi32, #tpu.memory_space<vmem>>
      %dma_start3A_253 = tpu.memref_squeeze %dma_start3A_252 : memref<1x50xi32, #tpu.memory_space<vmem>> -> memref<50xi32, #tpu.memory_space<vmem>>
      %dma_start3A_254 = arith.constant 0 : i32
      %dma_start3A_255 = arith.constant 0 : i32
      %dma_start3A_256 = tpu.memref_slice %arg18[%dma_start3A_254, %dma_start3A_255] : memref<10000x128xf32, #tpu.memory_space<vmem_shared>> -> memref<10000x128xf32, #tpu.memory_space<vmem_shared>>
      tpu.enqueue_indirect_dma source(%arg12 : memref<50x128xf32, #tpu.memory_space<vmem>>) target(%dma_start3A_256 : memref<10000x128xf32, #tpu.memory_space<vmem_shared>>) offsets(%dma_start3A_253 : memref<50xi32, #tpu.memory_space<vmem>>) semaphore(%run_scoped3A_250 : memref<!tpu.dma_semaphore, #tpu.memory_space<semaphore_mem>>) {add = true}
      %dma_wait3A_257 = arith.constant 0 : i32
      %dma_wait3A_258 = tpu.memref_slice %arg11[%run_scoped3A, %dma_wait3A_257] : memref<100x50xi32, #tpu.memory_space<vmem>> -> memref<1x50xi32, #tpu.memory_space<vmem>>
      %dma_wait3A_259 = tpu.memref_squeeze %dma_wait3A_258 : memref<1x50xi32, #tpu.memory_space<vmem>> -> memref<50xi32, #tpu.memory_space<vmem>>
      %dma_wait3A_260 = arith.constant 0 : i32
      %dma_wait3A_261 = arith.constant 0 : i32
      %dma_wait3A_262 = tpu.memref_slice %arg18[%dma_wait3A_260, %dma_wait3A_261] : memref<10000x128xf32, #tpu.memory_space<vmem_shared>> -> memref<10000x128xf32, #tpu.memory_space<vmem_shared>>
      tpu.wait_indirect_dma semaphore(%run_scoped3A_250 : memref<!tpu.dma_semaphore, #tpu.memory_space<semaphore_mem>>) src(%arg12 : memref<50x128xf32, #tpu.memory_space<vmem>>) dst(%dma_wait3A_262 : memref<10000x128xf32, #tpu.memory_space<vmem_shared>>)
      tpu.yield
    }) : () -> ()
    %barrier3A_60 = arith.constant 0 : index
    tpu.barrier barrier_id(%barrier3A_60)
    %dma_start3A_61 = arith.constant 0 : i32
    %dma_start3A_62 = arith.constant 0 : i32
    %dma_start3A_63 = tpu.memref_slice %arg10[%dma_start3A_61, %dma_start3A_62] : memref<100x50xi32, #tpu.memory_space<vmem>> -> memref<1x50xi32, #tpu.memory_space<vmem>>
    %dma_start3A_64 = tpu.memref_squeeze %dma_start3A_63 : memref<1x50xi32, #tpu.memory_space<vmem>> -> memref<50xi32, #tpu.memory_space<vmem>>
    %dma_start3A_65 = arith.constant 0 : i32
    %dma_start3A_66 = arith.constant 0 : i32
    %dma_start3A_67 = tpu.memref_slice %arg6[%dma_start3A_65, %dma_start3A_66] : memref<10000x128xf32, #tpu.memory_space<hbm>> -> memref<10000x128xf32, #tpu.memory_space<hbm>>
    tpu.enqueue_indirect_dma source(%dma_start3A_67 : memref<10000x128xf32, #tpu.memory_space<hbm>>) target(%arg12 : memref<50x128xf32, #tpu.memory_space<vmem>>) offsets(%dma_start3A_64 : memref<50xi32, #tpu.memory_space<vmem>>) semaphore(%arg15 : memref<!tpu.dma_semaphore, #tpu.memory_space<semaphore_mem>>)
    %dma_start3A_68 = arith.constant 1 : i32
    %dma_start3A_69 = arith.constant 0 : i32
    %dma_start3A_70 = tpu.memref_slice %arg10[%dma_start3A_68, %dma_start3A_69] : memref<100x50xi32, #tpu.memory_space<vmem>> -> memref<1x50xi32, #tpu.memory_space<vmem>>
    %dma_start3A_71 = tpu.memref_squeeze %dma_start3A_70 : memref<1x50xi32, #tpu.memory_space<vmem>> -> memref<50xi32, #tpu.memory_space<vmem>>
    %dma_start3A_72 = arith.constant 0 : i32
    %dma_start3A_73 = arith.constant 0 : i32
    %dma_start3A_74 = tpu.memref_slice %arg6[%dma_start3A_72, %dma_start3A_73] : memref<10000x128xf32, #tpu.memory_space<hbm>> -> memref<10000x128xf32, #tpu.memory_space<hbm>>
    tpu.enqueue_indirect_dma source(%dma_start3A_74 : memref<10000x128xf32, #tpu.memory_space<hbm>>) target(%arg13 : memref<50x128xf32, #tpu.memory_space<vmem>>) offsets(%dma_start3A_71 : memref<50xi32, #tpu.memory_space<vmem>>) semaphore(%arg16 : memref<!tpu.dma_semaphore, #tpu.memory_space<semaphore_mem>>)
    "tpu.region"() ({
      %run_scoped3A_250 = tpu.sem_alloc : memref<!tpu.dma_semaphore, #tpu.memory_space<semaphore_mem>>
      %dma_start3A_251 = arith.constant 0 : i32
      %dma_start3A_252 = arith.constant 0 : i32
      %dma_start3A_253 = tpu.memref_slice %arg9[%arg0, %arg1, %dma_start3A_251, %dma_start3A_252] : memref<2x16x625x512xf32, #tpu.memory_space<hbm>> -> memref<1x1x625x128xf32, #tpu.memory_space<hbm>>
      %dma_start3A_254 = tpu.memref_squeeze %dma_start3A_253 : memref<1x1x625x128xf32, #tpu.memory_space<hbm>> -> memref<625x128xf32, #tpu.memory_space<hbm>>
      %dma_start3A_255 = arith.constant 0 : i32
      %dma_start3A_256 = tpu.memref_slice %arg18[%mul3A_2, %dma_start3A_255] : memref<10000x128xf32, #tpu.memory_space<vmem_shared>> -> memref<625x128xf32, #tpu.memory_space<vmem_shared>>
      tpu.enqueue_dma source(%dma_start3A_256 : memref<625x128xf32, #tpu.memory_space<vmem_shared>>) target(%dma_start3A_254 : memref<625x128xf32, #tpu.memory_space<hbm>>) target_semaphore(%run_scoped3A_250 : memref<!tpu.dma_semaphore, #tpu.memory_space<semaphore_mem>>)
      %dma_wait3A_257 = arith.constant 0 : i32
      %dma_wait3A_258 = arith.constant 0 : i32
      %dma_wait3A_259 = tpu.memref_slice %arg9[%arg0, %arg1, %dma_wait3A_257, %dma_wait3A_258] : memref<2x16x625x512xf32, #tpu.memory_space<hbm>> -> memref<1x1x625x128xf32, #tpu.memory_space<hbm>>
      %dma_wait3A_260 = tpu.memref_squeeze %dma_wait3A_259 : memref<1x1x625x128xf32, #tpu.memory_space<hbm>> -> memref<625x128xf32, #tpu.memory_space<hbm>>
      %dma_wait3A_261 = arith.constant 0 : i32
      %dma_wait3A_262 = tpu.memref_slice %arg18[%mul3A_2, %dma_wait3A_261] : memref<10000x128xf32, #tpu.memory_space<vmem_shared>> -> memref<625x128xf32, #tpu.memory_space<vmem_shared>>
      tpu.wait_dma2 semaphore(%run_scoped3A_250 : memref<!tpu.dma_semaphore, #tpu.memory_space<semaphore_mem>>) src(%dma_wait3A_262 : memref<625x128xf32, #tpu.memory_space<vmem_shared>>) dst(%dma_wait3A_260 : memref<625x128xf32, #tpu.memory_space<hbm>>)
      tpu.yield
    }) : () -> ()
    "tpu.region"() ({
      %run_scoped3A_250 = tpu.sem_alloc : memref<!tpu.dma_semaphore, #tpu.memory_space<semaphore_mem>>
      tpu.enqueue_dma source(%arg4 : memref<50x128xf32, #tpu.memory_space<hbm>>) target(%arg14 : memref<50x128xf32, #tpu.memory_space<vmem>>) target_semaphore(%run_scoped3A_250 : memref<!tpu.dma_semaphore, #tpu.memory_space<semaphore_mem>>)
      tpu.wait_dma2 semaphore(%run_scoped3A_250 : memref<!tpu.dma_semaphore, #tpu.memory_space<semaphore_mem>>) src(%arg4 : memref<50x128xf32, #tpu.memory_space<hbm>>) dst(%arg14 : memref<50x128xf32, #tpu.memory_space<vmem>>)
      tpu.yield
    }) : () -> ()
    %add3A_75 = arith.constant 0 : i32
    %add3A_76 = arith.addi %mul3A_2, %add3A_75 : i32
    "tpu.region"() ({
      %run_scoped3A_250 = tpu.sem_alloc : memref<!tpu.dma_semaphore, #tpu.memory_space<semaphore_mem>>
      %dma_start3A_251 = arith.constant 0 : i32
      %dma_start3A_252 = tpu.memref_slice %arg18[%add3A_76, %dma_start3A_251] : memref<10000x128xf32, #tpu.memory_space<vmem_shared>> -> memref<50x128xf32, #tpu.memory_space<vmem_shared>>
      %dma_start3A_253 = arith.constant 0 : i32
      %dma_start3A_254 = tpu.memref_slice %arg18[%add3A_76, %dma_start3A_253] : memref<10000x128xf32, #tpu.memory_space<vmem_shared>> -> memref<50x128xf32, #tpu.memory_space<vmem_shared>>
      tpu.enqueue_dma source(%arg14 : memref<50x128xf32, #tpu.memory_space<vmem>>) target(%dma_start3A_254 : memref<50x128xf32, #tpu.memory_space<vmem_shared>>) target_semaphore(%run_scoped3A_250 : memref<!tpu.dma_semaphore, #tpu.memory_space<semaphore_mem>>)
      %dma_wait3A_255 = arith.constant 0 : i32
      %dma_wait3A_256 = tpu.memref_slice %arg18[%add3A_76, %dma_wait3A_255] : memref<10000x128xf32, #tpu.memory_space<vmem_shared>> -> memref<50x128xf32, #tpu.memory_space<vmem_shared>>
      %dma_wait3A_257 = arith.constant 0 : i32
      %dma_wait3A_258 = tpu.memref_slice %arg18[%add3A_76, %dma_wait3A_257] : memref<10000x128xf32, #tpu.memory_space<vmem_shared>> -> memref<50x128xf32, #tpu.memory_space<vmem_shared>>
      tpu.wait_dma2 semaphore(%run_scoped3A_250 : memref<!tpu.dma_semaphore, #tpu.memory_space<semaphore_mem>>) src(%arg14 : memref<50x128xf32, #tpu.memory_space<vmem>>) dst(%dma_wait3A_258 : memref<50x128xf32, #tpu.memory_space<vmem_shared>>)
      tpu.yield
    }) : () -> ()
    %add3A_77 = arith.constant 50 : i32
    %add3A_78 = arith.addi %mul3A_2, %add3A_77 : i32
    "tpu.region"() ({
      %run_scoped3A_250 = tpu.sem_alloc : memref<!tpu.dma_semaphore, #tpu.memory_space<semaphore_mem>>
      %dma_start3A_251 = arith.constant 0 : i32
      %dma_start3A_252 = tpu.memref_slice %arg18[%add3A_78, %dma_start3A_251] : memref<10000x128xf32, #tpu.memory_space<vmem_shared>> -> memref<50x128xf32, #tpu.memory_space<vmem_shared>>
      %dma_start3A_253 = arith.constant 0 : i32
      %dma_start3A_254 = tpu.memref_slice %arg18[%add3A_78, %dma_start3A_253] : memref<10000x128xf32, #tpu.memory_space<vmem_shared>> -> memref<50x128xf32, #tpu.memory_space<vmem_shared>>
      tpu.enqueue_dma source(%arg14 : memref<50x128xf32, #tpu.memory_space<vmem>>) target(%dma_start3A_254 : memref<50x128xf32, #tpu.memory_space<vmem_shared>>) target_semaphore(%run_scoped3A_250 : memref<!tpu.dma_semaphore, #tpu.memory_space<semaphore_mem>>)
      %dma_wait3A_255 = arith.constant 0 : i32
      %dma_wait3A_256 = tpu.memref_slice %arg18[%add3A_78, %dma_wait3A_255] : memref<10000x128xf32, #tpu.memory_space<vmem_shared>> -> memref<50x128xf32, #tpu.memory_space<vmem_shared>>
      %dma_wait3A_257 = arith.constant 0 : i32
      %dma_wait3A_258 = tpu.memref_slice %arg18[%add3A_78, %dma_wait3A_257] : memref<10000x128xf32, #tpu.memory_space<vmem_shared>> -> memref<50x128xf32, #tpu.memory_space<vmem_shared>>
      tpu.wait_dma2 semaphore(%run_scoped3A_250 : memref<!tpu.dma_semaphore, #tpu.memory_space<semaphore_mem>>) src(%arg14 : memref<50x128xf32, #tpu.memory_space<vmem>>) dst(%dma_wait3A_258 : memref<50x128xf32, #tpu.memory_space<vmem_shared>>)
      tpu.yield
    }) : () -> ()
    %add3A_79 = arith.constant 100 : i32
    %add3A_80 = arith.addi %mul3A_2, %add3A_79 : i32
    "tpu.region"() ({
      %run_scoped3A_250 = tpu.sem_alloc : memref<!tpu.dma_semaphore, #tpu.memory_space<semaphore_mem>>
      %dma_start3A_251 = arith.constant 0 : i32
      %dma_start3A_252 = tpu.memref_slice %arg18[%add3A_80, %dma_start3A_251] : memref<10000x128xf32, #tpu.memory_space<vmem_shared>> -> memref<50x128xf32, #tpu.memory_space<vmem_shared>>
      %dma_start3A_253 = arith.constant 0 : i32
      %dma_start3A_254 = tpu.memref_slice %arg18[%add3A_80, %dma_start3A_253] : memref<10000x128xf32, #tpu.memory_space<vmem_shared>> -> memref<50x128xf32, #tpu.memory_space<vmem_shared>>
      tpu.enqueue_dma source(%arg14 : memref<50x128xf32, #tpu.memory_space<vmem>>) target(%dma_start3A_254 : memref<50x128xf32, #tpu.memory_space<vmem_shared>>) target_semaphore(%run_scoped3A_250 : memref<!tpu.dma_semaphore, #tpu.memory_space<semaphore_mem>>)
      %dma_wait3A_255 = arith.constant 0 : i32
      %dma_wait3A_256 = tpu.memref_slice %arg18[%add3A_80, %dma_wait3A_255] : memref<10000x128xf32, #tpu.memory_space<vmem_shared>> -> memref<50x128xf32, #tpu.memory_space<vmem_shared>>
      %dma_wait3A_257 = arith.constant 0 : i32
      %dma_wait3A_258 = tpu.memref_slice %arg18[%add3A_80, %dma_wait3A_257] : memref<10000x128xf32, #tpu.memory_space<vmem_shared>> -> memref<50x128xf32, #tpu.memory_space<vmem_shared>>
      tpu.wait_dma2 semaphore(%run_scoped3A_250 : memref<!tpu.dma_semaphore, #tpu.memory_space<semaphore_mem>>) src(%arg14 : memref<50x128xf32, #tpu.memory_space<vmem>>) dst(%dma_wait3A_258 : memref<50x128xf32, #tpu.memory_space<vmem_shared>>)
      tpu.yield
    }) : () -> ()
    %add3A_81 = arith.constant 150 : i32
    %add3A_82 = arith.addi %mul3A_2, %add3A_81 : i32
    "tpu.region"() ({
      %run_scoped3A_250 = tpu.sem_alloc : memref<!tpu.dma_semaphore, #tpu.memory_space<semaphore_mem>>
      %dma_start3A_251 = arith.constant 0 : i32
      %dma_start3A_252 = tpu.memref_slice %arg18[%add3A_82, %dma_start3A_251] : memref<10000x128xf32, #tpu.memory_space<vmem_shared>> -> memref<50x128xf32, #tpu.memory_space<vmem_shared>>
      %dma_start3A_253 = arith.constant 0 : i32
      %dma_start3A_254 = tpu.memref_slice %arg18[%add3A_82, %dma_start3A_253] : memref<10000x128xf32, #tpu.memory_space<vmem_shared>> -> memref<50x128xf32, #tpu.memory_space<vmem_shared>>
      tpu.enqueue_dma source(%arg14 : memref<50x128xf32, #tpu.memory_space<vmem>>) target(%dma_start3A_254 : memref<50x128xf32, #tpu.memory_space<vmem_shared>>) target_semaphore(%run_scoped3A_250 : memref<!tpu.dma_semaphore, #tpu.memory_space<semaphore_mem>>)
      %dma_wait3A_255 = arith.constant 0 : i32
      %dma_wait3A_256 = tpu.memref_slice %arg18[%add3A_82, %dma_wait3A_255] : memref<10000x128xf32, #tpu.memory_space<vmem_shared>> -> memref<50x128xf32, #tpu.memory_space<vmem_shared>>
      %dma_wait3A_257 = arith.constant 0 : i32
      %dma_wait3A_258 = tpu.memref_slice %arg18[%add3A_82, %dma_wait3A_257] : memref<10000x128xf32, #tpu.memory_space<vmem_shared>> -> memref<50x128xf32, #tpu.memory_space<vmem_shared>>
      tpu.wait_dma2 semaphore(%run_scoped3A_250 : memref<!tpu.dma_semaphore, #tpu.memory_space<semaphore_mem>>) src(%arg14 : memref<50x128xf32, #tpu.memory_space<vmem>>) dst(%dma_wait3A_258 : memref<50x128xf32, #tpu.memory_space<vmem_shared>>)
      tpu.yield
    }) : () -> ()
    %add3A_83 = arith.constant 200 : i32
    %add3A_84 = arith.addi %mul3A_2, %add3A_83 : i32
    "tpu.region"() ({
      %run_scoped3A_250 = tpu.sem_alloc : memref<!tpu.dma_semaphore, #tpu.memory_space<semaphore_mem>>
      %dma_start3A_251 = arith.constant 0 : i32
      %dma_start3A_252 = tpu.memref_slice %arg18[%add3A_84, %dma_start3A_251] : memref<10000x128xf32, #tpu.memory_space<vmem_shared>> -> memref<50x128xf32, #tpu.memory_space<vmem_shared>>
      %dma_start3A_253 = arith.constant 0 : i32
      %dma_start3A_254 = tpu.memref_slice %arg18[%add3A_84, %dma_start3A_253] : memref<10000x128xf32, #tpu.memory_space<vmem_shared>> -> memref<50x128xf32, #tpu.memory_space<vmem_shared>>
      tpu.enqueue_dma source(%arg14 : memref<50x128xf32, #tpu.memory_space<vmem>>) target(%dma_start3A_254 : memref<50x128xf32, #tpu.memory_space<vmem_shared>>) target_semaphore(%run_scoped3A_250 : memref<!tpu.dma_semaphore, #tpu.memory_space<semaphore_mem>>)
      %dma_wait3A_255 = arith.constant 0 : i32
      %dma_wait3A_256 = tpu.memref_slice %arg18[%add3A_84, %dma_wait3A_255] : memref<10000x128xf32, #tpu.memory_space<vmem_shared>> -> memref<50x128xf32, #tpu.memory_space<vmem_shared>>
      %dma_wait3A_257 = arith.constant 0 : i32
      %dma_wait3A_258 = tpu.memref_slice %arg18[%add3A_84, %dma_wait3A_257] : memref<10000x128xf32, #tpu.memory_space<vmem_shared>> -> memref<50x128xf32, #tpu.memory_space<vmem_shared>>
      tpu.wait_dma2 semaphore(%run_scoped3A_250 : memref<!tpu.dma_semaphore, #tpu.memory_space<semaphore_mem>>) src(%arg14 : memref<50x128xf32, #tpu.memory_space<vmem>>) dst(%dma_wait3A_258 : memref<50x128xf32, #tpu.memory_space<vmem_shared>>)
      tpu.yield
    }) : () -> ()
    %add3A_85 = arith.constant 250 : i32
    %add3A_86 = arith.addi %mul3A_2, %add3A_85 : i32
    "tpu.region"() ({
      %run_scoped3A_250 = tpu.sem_alloc : memref<!tpu.dma_semaphore, #tpu.memory_space<semaphore_mem>>
      %dma_start3A_251 = arith.constant 0 : i32
      %dma_start3A_252 = tpu.memref_slice %arg18[%add3A_86, %dma_start3A_251] : memref<10000x128xf32, #tpu.memory_space<vmem_shared>> -> memref<50x128xf32, #tpu.memory_space<vmem_shared>>
      %dma_start3A_253 = arith.constant 0 : i32
      %dma_start3A_254 = tpu.memref_slice %arg18[%add3A_86, %dma_start3A_253] : memref<10000x128xf32, #tpu.memory_space<vmem_shared>> -> memref<50x128xf32, #tpu.memory_space<vmem_shared>>
      tpu.enqueue_dma source(%arg14 : memref<50x128xf32, #tpu.memory_space<vmem>>) target(%dma_start3A_254 : memref<50x128xf32, #tpu.memory_space<vmem_shared>>) target_semaphore(%run_scoped3A_250 : memref<!tpu.dma_semaphore, #tpu.memory_space<semaphore_mem>>)
      %dma_wait3A_255 = arith.constant 0 : i32
      %dma_wait3A_256 = tpu.memref_slice %arg18[%add3A_86, %dma_wait3A_255] : memref<10000x128xf32, #tpu.memory_space<vmem_shared>> -> memref<50x128xf32, #tpu.memory_space<vmem_shared>>
      %dma_wait3A_257 = arith.constant 0 : i32
      %dma_wait3A_258 = tpu.memref_slice %arg18[%add3A_86, %dma_wait3A_257] : memref<10000x128xf32, #tpu.memory_space<vmem_shared>> -> memref<50x128xf32, #tpu.memory_space<vmem_shared>>
      tpu.wait_dma2 semaphore(%run_scoped3A_250 : memref<!tpu.dma_semaphore, #tpu.memory_space<semaphore_mem>>) src(%arg14 : memref<50x128xf32, #tpu.memory_space<vmem>>) dst(%dma_wait3A_258 : memref<50x128xf32, #tpu.memory_space<vmem_shared>>)
      tpu.yield
    }) : () -> ()
    %add3A_87 = arith.constant 300 : i32
    %add3A_88 = arith.addi %mul3A_2, %add3A_87 : i32
    "tpu.region"() ({
      %run_scoped3A_250 = tpu.sem_alloc : memref<!tpu.dma_semaphore, #tpu.memory_space<semaphore_mem>>
      %dma_start3A_251 = arith.constant 0 : i32
      %dma_start3A_252 = tpu.memref_slice %arg18[%add3A_88, %dma_start3A_251] : memref<10000x128xf32, #tpu.memory_space<vmem_shared>> -> memref<50x128xf32, #tpu.memory_space<vmem_shared>>
      %dma_start3A_253 = arith.constant 0 : i32
      %dma_start3A_254 = tpu.memref_slice %arg18[%add3A_88, %dma_start3A_253] : memref<10000x128xf32, #tpu.memory_space<vmem_shared>> -> memref<50x128xf32, #tpu.memory_space<vmem_shared>>
      tpu.enqueue_dma source(%arg14 : memref<50x128xf32, #tpu.memory_space<vmem>>) target(%dma_start3A_254 : memref<50x128xf32, #tpu.memory_space<vmem_shared>>) target_semaphore(%run_scoped3A_250 : memref<!tpu.dma_semaphore, #tpu.memory_space<semaphore_mem>>)
      %dma_wait3A_255 = arith.constant 0 : i32
      %dma_wait3A_256 = tpu.memref_slice %arg18[%add3A_88, %dma_wait3A_255] : memref<10000x128xf32, #tpu.memory_space<vmem_shared>> -> memref<50x128xf32, #tpu.memory_space<vmem_shared>>
      %dma_wait3A_257 = arith.constant 0 : i32
      %dma_wait3A_258 = tpu.memref_slice %arg18[%add3A_88, %dma_wait3A_257] : memref<10000x128xf32, #tpu.memory_space<vmem_shared>> -> memref<50x128xf32, #tpu.memory_space<vmem_shared>>
      tpu.wait_dma2 semaphore(%run_scoped3A_250 : memref<!tpu.dma_semaphore, #tpu.memory_space<semaphore_mem>>) src(%arg14 : memref<50x128xf32, #tpu.memory_space<vmem>>) dst(%dma_wait3A_258 : memref<50x128xf32, #tpu.memory_space<vmem_shared>>)
      tpu.yield
    }) : () -> ()
    %add3A_89 = arith.constant 350 : i32
    %add3A_90 = arith.addi %mul3A_2, %add3A_89 : i32
    "tpu.region"() ({
      %run_scoped3A_250 = tpu.sem_alloc : memref<!tpu.dma_semaphore, #tpu.memory_space<semaphore_mem>>
      %dma_start3A_251 = arith.constant 0 : i32
      %dma_start3A_252 = tpu.memref_slice %arg18[%add3A_90, %dma_start3A_251] : memref<10000x128xf32, #tpu.memory_space<vmem_shared>> -> memref<50x128xf32, #tpu.memory_space<vmem_shared>>
      %dma_start3A_253 = arith.constant 0 : i32
      %dma_start3A_254 = tpu.memref_slice %arg18[%add3A_90, %dma_start3A_253] : memref<10000x128xf32, #tpu.memory_space<vmem_shared>> -> memref<50x128xf32, #tpu.memory_space<vmem_shared>>
      tpu.enqueue_dma source(%arg14 : memref<50x128xf32, #tpu.memory_space<vmem>>) target(%dma_start3A_254 : memref<50x128xf32, #tpu.memory_space<vmem_shared>>) target_semaphore(%run_scoped3A_250 : memref<!tpu.dma_semaphore, #tpu.memory_space<semaphore_mem>>)
      %dma_wait3A_255 = arith.constant 0 : i32
      %dma_wait3A_256 = tpu.memref_slice %arg18[%add3A_90, %dma_wait3A_255] : memref<10000x128xf32, #tpu.memory_space<vmem_shared>> -> memref<50x128xf32, #tpu.memory_space<vmem_shared>>
      %dma_wait3A_257 = arith.constant 0 : i32
      %dma_wait3A_258 = tpu.memref_slice %arg18[%add3A_90, %dma_wait3A_257] : memref<10000x128xf32, #tpu.memory_space<vmem_shared>> -> memref<50x128xf32, #tpu.memory_space<vmem_shared>>
      tpu.wait_dma2 semaphore(%run_scoped3A_250 : memref<!tpu.dma_semaphore, #tpu.memory_space<semaphore_mem>>) src(%arg14 : memref<50x128xf32, #tpu.memory_space<vmem>>) dst(%dma_wait3A_258 : memref<50x128xf32, #tpu.memory_space<vmem_shared>>)
      tpu.yield
    }) : () -> ()
    %add3A_91 = arith.constant 400 : i32
    %add3A_92 = arith.addi %mul3A_2, %add3A_91 : i32
    "tpu.region"() ({
      %run_scoped3A_250 = tpu.sem_alloc : memref<!tpu.dma_semaphore, #tpu.memory_space<semaphore_mem>>
      %dma_start3A_251 = arith.constant 0 : i32
      %dma_start3A_252 = tpu.memref_slice %arg18[%add3A_92, %dma_start3A_251] : memref<10000x128xf32, #tpu.memory_space<vmem_shared>> -> memref<50x128xf32, #tpu.memory_space<vmem_shared>>
      %dma_start3A_253 = arith.constant 0 : i32
      %dma_start3A_254 = tpu.memref_slice %arg18[%add3A_92, %dma_start3A_253] : memref<10000x128xf32, #tpu.memory_space<vmem_shared>> -> memref<50x128xf32, #tpu.memory_space<vmem_shared>>
      tpu.enqueue_dma source(%arg14 : memref<50x128xf32, #tpu.memory_space<vmem>>) target(%dma_start3A_254 : memref<50x128xf32, #tpu.memory_space<vmem_shared>>) target_semaphore(%run_scoped3A_250 : memref<!tpu.dma_semaphore, #tpu.memory_space<semaphore_mem>>)
      %dma_wait3A_255 = arith.constant 0 : i32
      %dma_wait3A_256 = tpu.memref_slice %arg18[%add3A_92, %dma_wait3A_255] : memref<10000x128xf32, #tpu.memory_space<vmem_shared>> -> memref<50x128xf32, #tpu.memory_space<vmem_shared>>
      %dma_wait3A_257 = arith.constant 0 : i32
      %dma_wait3A_258 = tpu.memref_slice %arg18[%add3A_92, %dma_wait3A_257] : memref<10000x128xf32, #tpu.memory_space<vmem_shared>> -> memref<50x128xf32, #tpu.memory_space<vmem_shared>>
      tpu.wait_dma2 semaphore(%run_scoped3A_250 : memref<!tpu.dma_semaphore, #tpu.memory_space<semaphore_mem>>) src(%arg14 : memref<50x128xf32, #tpu.memory_space<vmem>>) dst(%dma_wait3A_258 : memref<50x128xf32, #tpu.memory_space<vmem_shared>>)
      tpu.yield
    }) : () -> ()
    %add3A_93 = arith.constant 450 : i32
    %add3A_94 = arith.addi %mul3A_2, %add3A_93 : i32
    "tpu.region"() ({
      %run_scoped3A_250 = tpu.sem_alloc : memref<!tpu.dma_semaphore, #tpu.memory_space<semaphore_mem>>
      %dma_start3A_251 = arith.constant 0 : i32
      %dma_start3A_252 = tpu.memref_slice %arg18[%add3A_94, %dma_start3A_251] : memref<10000x128xf32, #tpu.memory_space<vmem_shared>> -> memref<50x128xf32, #tpu.memory_space<vmem_shared>>
      %dma_start3A_253 = arith.constant 0 : i32
      %dma_start3A_254 = tpu.memref_slice %arg18[%add3A_94, %dma_start3A_253] : memref<10000x128xf32, #tpu.memory_space<vmem_shared>> -> memref<50x128xf32, #tpu.memory_space<vmem_shared>>
      tpu.enqueue_dma source(%arg14 : memref<50x128xf32, #tpu.memory_space<vmem>>) target(%dma_start3A_254 : memref<50x128xf32, #tpu.memory_space<vmem_shared>>) target_semaphore(%run_scoped3A_250 : memref<!tpu.dma_semaphore, #tpu.memory_space<semaphore_mem>>)
      %dma_wait3A_255 = arith.constant 0 : i32
      %dma_wait3A_256 = tpu.memref_slice %arg18[%add3A_94, %dma_wait3A_255] : memref<10000x128xf32, #tpu.memory_space<vmem_shared>> -> memref<50x128xf32, #tpu.memory_space<vmem_shared>>
      %dma_wait3A_257 = arith.constant 0 : i32
      %dma_wait3A_258 = tpu.memref_slice %arg18[%add3A_94, %dma_wait3A_257] : memref<10000x128xf32, #tpu.memory_space<vmem_shared>> -> memref<50x128xf32, #tpu.memory_space<vmem_shared>>
      tpu.wait_dma2 semaphore(%run_scoped3A_250 : memref<!tpu.dma_semaphore, #tpu.memory_space<semaphore_mem>>) src(%arg14 : memref<50x128xf32, #tpu.memory_space<vmem>>) dst(%dma_wait3A_258 : memref<50x128xf32, #tpu.memory_space<vmem_shared>>)
      tpu.yield
    }) : () -> ()
    %add3A_95 = arith.constant 500 : i32
    %add3A_96 = arith.addi %mul3A_2, %add3A_95 : i32
    "tpu.region"() ({
      %run_scoped3A_250 = tpu.sem_alloc : memref<!tpu.dma_semaphore, #tpu.memory_space<semaphore_mem>>
      %dma_start3A_251 = arith.constant 0 : i32
      %dma_start3A_252 = tpu.memref_slice %arg18[%add3A_96, %dma_start3A_251] : memref<10000x128xf32, #tpu.memory_space<vmem_shared>> -> memref<50x128xf32, #tpu.memory_space<vmem_shared>>
      %dma_start3A_253 = arith.constant 0 : i32
      %dma_start3A_254 = tpu.memref_slice %arg18[%add3A_96, %dma_start3A_253] : memref<10000x128xf32, #tpu.memory_space<vmem_shared>> -> memref<50x128xf32, #tpu.memory_space<vmem_shared>>
      tpu.enqueue_dma source(%arg14 : memref<50x128xf32, #tpu.memory_space<vmem>>) target(%dma_start3A_254 : memref<50x128xf32, #tpu.memory_space<vmem_shared>>) target_semaphore(%run_scoped3A_250 : memref<!tpu.dma_semaphore, #tpu.memory_space<semaphore_mem>>)
      %dma_wait3A_255 = arith.constant 0 : i32
      %dma_wait3A_256 = tpu.memref_slice %arg18[%add3A_96, %dma_wait3A_255] : memref<10000x128xf32, #tpu.memory_space<vmem_shared>> -> memref<50x128xf32, #tpu.memory_space<vmem_shared>>
      %dma_wait3A_257 = arith.constant 0 : i32
      %dma_wait3A_258 = tpu.memref_slice %arg18[%add3A_96, %dma_wait3A_257] : memref<10000x128xf32, #tpu.memory_space<vmem_shared>> -> memref<50x128xf32, #tpu.memory_space<vmem_shared>>
      tpu.wait_dma2 semaphore(%run_scoped3A_250 : memref<!tpu.dma_semaphore, #tpu.memory_space<semaphore_mem>>) src(%arg14 : memref<50x128xf32, #tpu.memory_space<vmem>>) dst(%dma_wait3A_258 : memref<50x128xf32, #tpu.memory_space<vmem_shared>>)
      tpu.yield
    }) : () -> ()
    %add3A_97 = arith.constant 550 : i32
    %add3A_98 = arith.addi %mul3A_2, %add3A_97 : i32
    "tpu.region"() ({
      %run_scoped3A_250 = tpu.sem_alloc : memref<!tpu.dma_semaphore, #tpu.memory_space<semaphore_mem>>
      %dma_start3A_251 = arith.constant 0 : i32
      %dma_start3A_252 = tpu.memref_slice %arg18[%add3A_98, %dma_start3A_251] : memref<10000x128xf32, #tpu.memory_space<vmem_shared>> -> memref<50x128xf32, #tpu.memory_space<vmem_shared>>
      %dma_start3A_253 = arith.constant 0 : i32
      %dma_start3A_254 = tpu.memref_slice %arg18[%add3A_98, %dma_start3A_253] : memref<10000x128xf32, #tpu.memory_space<vmem_shared>> -> memref<50x128xf32, #tpu.memory_space<vmem_shared>>
      tpu.enqueue_dma source(%arg14 : memref<50x128xf32, #tpu.memory_space<vmem>>) target(%dma_start3A_254 : memref<50x128xf32, #tpu.memory_space<vmem_shared>>) target_semaphore(%run_scoped3A_250 : memref<!tpu.dma_semaphore, #tpu.memory_space<semaphore_mem>>)
      %dma_wait3A_255 = arith.constant 0 : i32
      %dma_wait3A_256 = tpu.memref_slice %arg18[%add3A_98, %dma_wait3A_255] : memref<10000x128xf32, #tpu.memory_space<vmem_shared>> -> memref<50x128xf32, #tpu.memory_space<vmem_shared>>
      %dma_wait3A_257 = arith.constant 0 : i32
      %dma_wait3A_258 = tpu.memref_slice %arg18[%add3A_98, %dma_wait3A_257] : memref<10000x128xf32, #tpu.memory_space<vmem_shared>> -> memref<50x128xf32, #tpu.memory_space<vmem_shared>>
      tpu.wait_dma2 semaphore(%run_scoped3A_250 : memref<!tpu.dma_semaphore, #tpu.memory_space<semaphore_mem>>) src(%arg14 : memref<50x128xf32, #tpu.memory_space<vmem>>) dst(%dma_wait3A_258 : memref<50x128xf32, #tpu.memory_space<vmem_shared>>)
      tpu.yield
    }) : () -> ()
    %add3A_99 = arith.constant 600 : i32
    %add3A_100 = arith.addi %mul3A_2, %add3A_99 : i32
    "tpu.region"() ({
      %run_scoped3A_250 = tpu.sem_alloc : memref<!tpu.dma_semaphore, #tpu.memory_space<semaphore_mem>>
      %dma_start3A_251 = arith.constant 0 : i32
      %dma_start3A_252 = arith.constant 0 : i32
      %dma_start3A_253 = tpu.memref_slice %arg14[%dma_start3A_251, %dma_start3A_252] : memref<50x128xf32, #tpu.memory_space<vmem>> -> memref<25x128xf32, #tpu.memory_space<vmem>>
      %dma_start3A_254 = arith.constant 0 : i32
      %dma_start3A_255 = tpu.memref_slice %arg18[%add3A_100, %dma_start3A_254] : memref<10000x128xf32, #tpu.memory_space<vmem_shared>> -> memref<25x128xf32, #tpu.memory_space<vmem_shared>>
      %dma_start3A_256 = arith.constant 0 : i32
      %dma_start3A_257 = tpu.memref_slice %arg18[%add3A_100, %dma_start3A_256] : memref<10000x128xf32, #tpu.memory_space<vmem_shared>> -> memref<25x128xf32, #tpu.memory_space<vmem_shared>>
      %dma_start3A_258 = arith.constant 0 : i32
      %dma_start3A_259 = arith.constant 0 : i32
      %dma_start3A_260 = tpu.memref_slice %arg14[%dma_start3A_258, %dma_start3A_259] : memref<50x128xf32, #tpu.memory_space<vmem>> -> memref<25x128xf32, #tpu.memory_space<vmem>>
      tpu.enqueue_dma source(%dma_start3A_260 : memref<25x128xf32, #tpu.memory_space<vmem>>) target(%dma_start3A_257 : memref<25x128xf32, #tpu.memory_space<vmem_shared>>) target_semaphore(%run_scoped3A_250 : memref<!tpu.dma_semaphore, #tpu.memory_space<semaphore_mem>>)
      %dma_wait3A_261 = arith.constant 0 : i32
      %dma_wait3A_262 = arith.constant 0 : i32
      %dma_wait3A_263 = tpu.memref_slice %arg14[%dma_wait3A_261, %dma_wait3A_262] : memref<50x128xf32, #tpu.memory_space<vmem>> -> memref<25x128xf32, #tpu.memory_space<vmem>>
      %dma_wait3A_264 = arith.constant 0 : i32
      %dma_wait3A_265 = tpu.memref_slice %arg18[%add3A_100, %dma_wait3A_264] : memref<10000x128xf32, #tpu.memory_space<vmem_shared>> -> memref<25x128xf32, #tpu.memory_space<vmem_shared>>
      %dma_wait3A_266 = arith.constant 0 : i32
      %dma_wait3A_267 = tpu.memref_slice %arg18[%add3A_100, %dma_wait3A_266] : memref<10000x128xf32, #tpu.memory_space<vmem_shared>> -> memref<25x128xf32, #tpu.memory_space<vmem_shared>>
      %dma_wait3A_268 = arith.constant 0 : i32
      %dma_wait3A_269 = arith.constant 0 : i32
      %dma_wait3A_270 = tpu.memref_slice %arg14[%dma_wait3A_268, %dma_wait3A_269] : memref<50x128xf32, #tpu.memory_space<vmem>> -> memref<25x128xf32, #tpu.memory_space<vmem>>
      tpu.wait_dma2 semaphore(%run_scoped3A_250 : memref<!tpu.dma_semaphore, #tpu.memory_space<semaphore_mem>>) src(%dma_wait3A_270 : memref<25x128xf32, #tpu.memory_space<vmem>>) dst(%dma_wait3A_267 : memref<25x128xf32, #tpu.memory_space<vmem_shared>>)
      tpu.yield
    }) : () -> ()
    %barrier3A_101 = arith.constant 0 : index
    tpu.barrier barrier_id(%barrier3A_101)
    %dma_start3A_102 = arith.constant 2 : i32
    %dma_start3A_103 = arith.constant 0 : i32
    %dma_start3A_104 = tpu.memref_slice %arg10[%dma_start3A_102, %dma_start3A_103] : memref<100x50xi32, #tpu.memory_space<vmem>> -> memref<1x50xi32, #tpu.memory_space<vmem>>
    %dma_start3A_105 = tpu.memref_squeeze %dma_start3A_104 : memref<1x50xi32, #tpu.memory_space<vmem>> -> memref<50xi32, #tpu.memory_space<vmem>>
    %dma_start3A_106 = arith.constant 0 : i32
    %dma_start3A_107 = arith.constant 0 : i32
    %dma_start3A_108 = tpu.memref_slice %arg6[%dma_start3A_106, %dma_start3A_107] : memref<10000x128xf32, #tpu.memory_space<hbm>> -> memref<10000x128xf32, #tpu.memory_space<hbm>>
    tpu.enqueue_indirect_dma source(%dma_start3A_108 : memref<10000x128xf32, #tpu.memory_space<hbm>>) target(%arg14 : memref<50x128xf32, #tpu.memory_space<vmem>>) offsets(%dma_start3A_105 : memref<50xi32, #tpu.memory_space<vmem>>) semaphore(%arg17 : memref<!tpu.dma_semaphore, #tpu.memory_space<semaphore_mem>>)
    %scan3A_109 = arith.constant 0 : i32
    %scan3A_110 = arith.constant 0 : i32
    %scan3A_111 = arith.constant 33 : i32
    %scan3A_112 = arith.addi %scan3A_110, %scan3A_111 : i32
    %scan3A_113 = arith.constant 1 : i32
    scf.for %scan3A_250 = %scan3A_110 to %scan3A_112 step %scan3A_113  : i32 {
      %mul3A_251 = arith.constant 3 : i32
      %mul3A_252 = arith.muli %scan3A_250, %mul3A_251 : i32
      %add3A_253 = arith.constant 0 : i32
      %add3A_254 = arith.addi %mul3A_252, %add3A_253 : i32
      %dma_wait3A_255 = arith.constant 0 : i32
      %dma_wait3A_256 = tpu.memref_slice %arg10[%add3A_254, %dma_wait3A_255] : memref<100x50xi32, #tpu.memory_space<vmem>> -> memref<1x50xi32, #tpu.memory_space<vmem>>
      %dma_wait3A_257 = tpu.memref_squeeze %dma_wait3A_256 : memref<1x50xi32, #tpu.memory_space<vmem>> -> memref<50xi32, #tpu.memory_space<vmem>>
      %dma_wait3A_258 = arith.constant 0 : i32
      %dma_wait3A_259 = arith.constant 0 : i32
      %dma_wait3A_260 = tpu.memref_slice %arg6[%dma_wait3A_258, %dma_wait3A_259] : memref<10000x128xf32, #tpu.memory_space<hbm>> -> memref<10000x128xf32, #tpu.memory_space<hbm>>
      tpu.wait_indirect_dma semaphore(%arg15 : memref<!tpu.dma_semaphore, #tpu.memory_space<semaphore_mem>>) src(%dma_wait3A_260 : memref<10000x128xf32, #tpu.memory_space<hbm>>) dst(%arg12 : memref<50x128xf32, #tpu.memory_space<vmem>>)
      "tpu.region"() ({
        %run_scoped3A_299 = tpu.sem_alloc : memref<!tpu.dma_semaphore, #tpu.memory_space<semaphore_mem>>
        %dma_start3A_300 = arith.constant 0 : i32
        %dma_start3A_301 = tpu.memref_slice %arg11[%add3A_254, %dma_start3A_300] : memref<100x50xi32, #tpu.memory_space<vmem>> -> memref<1x50xi32, #tpu.memory_space<vmem>>
        %dma_start3A_302 = tpu.memref_squeeze %dma_start3A_301 : memref<1x50xi32, #tpu.memory_space<vmem>> -> memref<50xi32, #tpu.memory_space<vmem>>
        %dma_start3A_303 = arith.constant 0 : i32
        %dma_start3A_304 = arith.constant 0 : i32
        %dma_start3A_305 = tpu.memref_slice %arg18[%dma_start3A_303, %dma_start3A_304] : memref<10000x128xf32, #tpu.memory_space<vmem_shared>> -> memref<10000x128xf32, #tpu.memory_space<vmem_shared>>
        tpu.enqueue_indirect_dma source(%arg12 : memref<50x128xf32, #tpu.memory_space<vmem>>) target(%dma_start3A_305 : memref<10000x128xf32, #tpu.memory_space<vmem_shared>>) offsets(%dma_start3A_302 : memref<50xi32, #tpu.memory_space<vmem>>) semaphore(%run_scoped3A_299 : memref<!tpu.dma_semaphore, #tpu.memory_space<semaphore_mem>>) {add = true}
        %dma_wait3A_306 = arith.constant 0 : i32
        %dma_wait3A_307 = tpu.memref_slice %arg11[%add3A_254, %dma_wait3A_306] : memref<100x50xi32, #tpu.memory_space<vmem>> -> memref<1x50xi32, #tpu.memory_space<vmem>>
        %dma_wait3A_308 = tpu.memref_squeeze %dma_wait3A_307 : memref<1x50xi32, #tpu.memory_space<vmem>> -> memref<50xi32, #tpu.memory_space<vmem>>
        %dma_wait3A_309 = arith.constant 0 : i32
        %dma_wait3A_310 = arith.constant 0 : i32
        %dma_wait3A_311 = tpu.memref_slice %arg18[%dma_wait3A_309, %dma_wait3A_310] : memref<10000x128xf32, #tpu.memory_space<vmem_shared>> -> memref<10000x128xf32, #tpu.memory_space<vmem_shared>>
        tpu.wait_indirect_dma semaphore(%run_scoped3A_299 : memref<!tpu.dma_semaphore, #tpu.memory_space<semaphore_mem>>) src(%arg12 : memref<50x128xf32, #tpu.memory_space<vmem>>) dst(%dma_wait3A_311 : memref<10000x128xf32, #tpu.memory_space<vmem_shared>>)
        tpu.yield
      }) : () -> ()
      %add3A_261 = arith.constant 3 : i32
      %add3A_262 = arith.addi %add3A_254, %add3A_261 : i32
      %lt3A = arith.constant 100 : i32
      %lt3A_263 = arith.cmpi slt, %add3A_262, %lt3A : i32
      %convert_element_type3A = arith.extui %lt3A_263 : i1 to i32
      %cond3A = arith.constant 0 : i32
      %cond3A_264 = arith.cmpi ne, %convert_element_type3A, %cond3A : i32
      scf.if %cond3A_264 {
        %add3A_299 = arith.constant 3 : i32
        %add3A_300 = arith.addi %add3A_254, %add3A_299 : i32
        %dma_start3A_301 = arith.constant 0 : i32
        %dma_start3A_302 = tpu.memref_slice %arg10[%add3A_300, %dma_start3A_301] : memref<100x50xi32, #tpu.memory_space<vmem>> -> memref<1x50xi32, #tpu.memory_space<vmem>>
        %dma_start3A_303 = tpu.memref_squeeze %dma_start3A_302 : memref<1x50xi32, #tpu.memory_space<vmem>> -> memref<50xi32, #tpu.memory_space<vmem>>
        %dma_start3A_304 = arith.constant 0 : i32
        %dma_start3A_305 = arith.constant 0 : i32
        %dma_start3A_306 = tpu.memref_slice %arg6[%dma_start3A_304, %dma_start3A_305] : memref<10000x128xf32, #tpu.memory_space<hbm>> -> memref<10000x128xf32, #tpu.memory_space<hbm>>
        tpu.enqueue_indirect_dma source(%dma_start3A_306 : memref<10000x128xf32, #tpu.memory_space<hbm>>) target(%arg12 : memref<50x128xf32, #tpu.memory_space<vmem>>) offsets(%dma_start3A_303 : memref<50xi32, #tpu.memory_space<vmem>>) semaphore(%arg15 : memref<!tpu.dma_semaphore, #tpu.memory_space<semaphore_mem>>)
      } else {
      }
      %mul3A_265 = arith.constant 3 : i32
      %mul3A_266 = arith.muli %scan3A_250, %mul3A_265 : i32
      %add3A_267 = arith.constant 1 : i32
      %add3A_268 = arith.addi %mul3A_266, %add3A_267 : i32
      %dma_wait3A_269 = arith.constant 0 : i32
      %dma_wait3A_270 = tpu.memref_slice %arg10[%add3A_268, %dma_wait3A_269] : memref<100x50xi32, #tpu.memory_space<vmem>> -> memref<1x50xi32, #tpu.memory_space<vmem>>
      %dma_wait3A_271 = tpu.memref_squeeze %dma_wait3A_270 : memref<1x50xi32, #tpu.memory_space<vmem>> -> memref<50xi32, #tpu.memory_space<vmem>>
      %dma_wait3A_272 = arith.constant 0 : i32
      %dma_wait3A_273 = arith.constant 0 : i32
      %dma_wait3A_274 = tpu.memref_slice %arg6[%dma_wait3A_272, %dma_wait3A_273] : memref<10000x128xf32, #tpu.memory_space<hbm>> -> memref<10000x128xf32, #tpu.memory_space<hbm>>
      tpu.wait_indirect_dma semaphore(%arg16 : memref<!tpu.dma_semaphore, #tpu.memory_space<semaphore_mem>>) src(%dma_wait3A_274 : memref<10000x128xf32, #tpu.memory_space<hbm>>) dst(%arg13 : memref<50x128xf32, #tpu.memory_space<vmem>>)
      "tpu.region"() ({
        %run_scoped3A_299 = tpu.sem_alloc : memref<!tpu.dma_semaphore, #tpu.memory_space<semaphore_mem>>
        %dma_start3A_300 = arith.constant 0 : i32
        %dma_start3A_301 = tpu.memref_slice %arg11[%add3A_268, %dma_start3A_300] : memref<100x50xi32, #tpu.memory_space<vmem>> -> memref<1x50xi32, #tpu.memory_space<vmem>>
        %dma_start3A_302 = tpu.memref_squeeze %dma_start3A_301 : memref<1x50xi32, #tpu.memory_space<vmem>> -> memref<50xi32, #tpu.memory_space<vmem>>
        %dma_start3A_303 = arith.constant 0 : i32
        %dma_start3A_304 = arith.constant 0 : i32
        %dma_start3A_305 = tpu.memref_slice %arg18[%dma_start3A_303, %dma_start3A_304] : memref<10000x128xf32, #tpu.memory_space<vmem_shared>> -> memref<10000x128xf32, #tpu.memory_space<vmem_shared>>
        tpu.enqueue_indirect_dma source(%arg13 : memref<50x128xf32, #tpu.memory_space<vmem>>) target(%dma_start3A_305 : memref<10000x128xf32, #tpu.memory_space<vmem_shared>>) offsets(%dma_start3A_302 : memref<50xi32, #tpu.memory_space<vmem>>) semaphore(%run_scoped3A_299 : memref<!tpu.dma_semaphore, #tpu.memory_space<semaphore_mem>>) {add = true}
        %dma_wait3A_306 = arith.constant 0 : i32
        %dma_wait3A_307 = tpu.memref_slice %arg11[%add3A_268, %dma_wait3A_306] : memref<100x50xi32, #tpu.memory_space<vmem>> -> memref<1x50xi32, #tpu.memory_space<vmem>>
        %dma_wait3A_308 = tpu.memref_squeeze %dma_wait3A_307 : memref<1x50xi32, #tpu.memory_space<vmem>> -> memref<50xi32, #tpu.memory_space<vmem>>
        %dma_wait3A_309 = arith.constant 0 : i32
        %dma_wait3A_310 = arith.constant 0 : i32
        %dma_wait3A_311 = tpu.memref_slice %arg18[%dma_wait3A_309, %dma_wait3A_310] : memref<10000x128xf32, #tpu.memory_space<vmem_shared>> -> memref<10000x128xf32, #tpu.memory_space<vmem_shared>>
        tpu.wait_indirect_dma semaphore(%run_scoped3A_299 : memref<!tpu.dma_semaphore, #tpu.memory_space<semaphore_mem>>) src(%arg13 : memref<50x128xf32, #tpu.memory_space<vmem>>) dst(%dma_wait3A_311 : memref<10000x128xf32, #tpu.memory_space<vmem_shared>>)
        tpu.yield
      }) : () -> ()
      %add3A_275 = arith.constant 3 : i32
      %add3A_276 = arith.addi %add3A_268, %add3A_275 : i32
      %lt3A_277 = arith.constant 100 : i32
      %lt3A_278 = arith.cmpi slt, %add3A_276, %lt3A_277 : i32
      %convert_element_type3A_279 = arith.extui %lt3A_278 : i1 to i32
      %cond3A_280 = arith.constant 0 : i32
      %cond3A_281 = arith.cmpi ne, %convert_element_type3A_279, %cond3A_280 : i32
      scf.if %cond3A_281 {
        %add3A_299 = arith.constant 3 : i32
        %add3A_300 = arith.addi %add3A_268, %add3A_299 : i32
        %dma_start3A_301 = arith.constant 0 : i32
        %dma_start3A_302 = tpu.memref_slice %arg10[%add3A_300, %dma_start3A_301] : memref<100x50xi32, #tpu.memory_space<vmem>> -> memref<1x50xi32, #tpu.memory_space<vmem>>
        %dma_start3A_303 = tpu.memref_squeeze %dma_start3A_302 : memref<1x50xi32, #tpu.memory_space<vmem>> -> memref<50xi32, #tpu.memory_space<vmem>>
        %dma_start3A_304 = arith.constant 0 : i32
        %dma_start3A_305 = arith.constant 0 : i32
        %dma_start3A_306 = tpu.memref_slice %arg6[%dma_start3A_304, %dma_start3A_305] : memref<10000x128xf32, #tpu.memory_space<hbm>> -> memref<10000x128xf32, #tpu.memory_space<hbm>>
        tpu.enqueue_indirect_dma source(%dma_start3A_306 : memref<10000x128xf32, #tpu.memory_space<hbm>>) target(%arg13 : memref<50x128xf32, #tpu.memory_space<vmem>>) offsets(%dma_start3A_303 : memref<50xi32, #tpu.memory_space<vmem>>) semaphore(%arg16 : memref<!tpu.dma_semaphore, #tpu.memory_space<semaphore_mem>>)
      } else {
      }
      %mul3A_282 = arith.constant 3 : i32
      %mul3A_283 = arith.muli %scan3A_250, %mul3A_282 : i32
      %add3A_284 = arith.constant 2 : i32
      %add3A_285 = arith.addi %mul3A_283, %add3A_284 : i32
      %dma_wait3A_286 = arith.constant 0 : i32
      %dma_wait3A_287 = tpu.memref_slice %arg10[%add3A_285, %dma_wait3A_286] : memref<100x50xi32, #tpu.memory_space<vmem>> -> memref<1x50xi32, #tpu.memory_space<vmem>>
      %dma_wait3A_288 = tpu.memref_squeeze %dma_wait3A_287 : memref<1x50xi32, #tpu.memory_space<vmem>> -> memref<50xi32, #tpu.memory_space<vmem>>
      %dma_wait3A_289 = arith.constant 0 : i32
      %dma_wait3A_290 = arith.constant 0 : i32
      %dma_wait3A_291 = tpu.memref_slice %arg6[%dma_wait3A_289, %dma_wait3A_290] : memref<10000x128xf32, #tpu.memory_space<hbm>> -> memref<10000x128xf32, #tpu.memory_space<hbm>>
      tpu.wait_indirect_dma semaphore(%arg17 : memref<!tpu.dma_semaphore, #tpu.memory_space<semaphore_mem>>) src(%dma_wait3A_291 : memref<10000x128xf32, #tpu.memory_space<hbm>>) dst(%arg14 : memref<50x128xf32, #tpu.memory_space<vmem>>)
      "tpu.region"() ({
        %run_scoped3A_299 = tpu.sem_alloc : memref<!tpu.dma_semaphore, #tpu.memory_space<semaphore_mem>>
        %dma_start3A_300 = arith.constant 0 : i32
        %dma_start3A_301 = tpu.memref_slice %arg11[%add3A_285, %dma_start3A_300] : memref<100x50xi32, #tpu.memory_space<vmem>> -> memref<1x50xi32, #tpu.memory_space<vmem>>
        %dma_start3A_302 = tpu.memref_squeeze %dma_start3A_301 : memref<1x50xi32, #tpu.memory_space<vmem>> -> memref<50xi32, #tpu.memory_space<vmem>>
        %dma_start3A_303 = arith.constant 0 : i32
        %dma_start3A_304 = arith.constant 0 : i32
        %dma_start3A_305 = tpu.memref_slice %arg18[%dma_start3A_303, %dma_start3A_304] : memref<10000x128xf32, #tpu.memory_space<vmem_shared>> -> memref<10000x128xf32, #tpu.memory_space<vmem_shared>>
        tpu.enqueue_indirect_dma source(%arg14 : memref<50x128xf32, #tpu.memory_space<vmem>>) target(%dma_start3A_305 : memref<10000x128xf32, #tpu.memory_space<vmem_shared>>) offsets(%dma_start3A_302 : memref<50xi32, #tpu.memory_space<vmem>>) semaphore(%run_scoped3A_299 : memref<!tpu.dma_semaphore, #tpu.memory_space<semaphore_mem>>) {add = true}
        %dma_wait3A_306 = arith.constant 0 : i32
        %dma_wait3A_307 = tpu.memref_slice %arg11[%add3A_285, %dma_wait3A_306] : memref<100x50xi32, #tpu.memory_space<vmem>> -> memref<1x50xi32, #tpu.memory_space<vmem>>
        %dma_wait3A_308 = tpu.memref_squeeze %dma_wait3A_307 : memref<1x50xi32, #tpu.memory_space<vmem>> -> memref<50xi32, #tpu.memory_space<vmem>>
        %dma_wait3A_309 = arith.constant 0 : i32
        %dma_wait3A_310 = arith.constant 0 : i32
        %dma_wait3A_311 = tpu.memref_slice %arg18[%dma_wait3A_309, %dma_wait3A_310] : memref<10000x128xf32, #tpu.memory_space<vmem_shared>> -> memref<10000x128xf32, #tpu.memory_space<vmem_shared>>
        tpu.wait_indirect_dma semaphore(%run_scoped3A_299 : memref<!tpu.dma_semaphore, #tpu.memory_space<semaphore_mem>>) src(%arg14 : memref<50x128xf32, #tpu.memory_space<vmem>>) dst(%dma_wait3A_311 : memref<10000x128xf32, #tpu.memory_space<vmem_shared>>)
        tpu.yield
      }) : () -> ()
      %add3A_292 = arith.constant 3 : i32
      %add3A_293 = arith.addi %add3A_285, %add3A_292 : i32
      %lt3A_294 = arith.constant 100 : i32
      %lt3A_295 = arith.cmpi slt, %add3A_293, %lt3A_294 : i32
      %convert_element_type3A_296 = arith.extui %lt3A_295 : i1 to i32
      %cond3A_297 = arith.constant 0 : i32
      %cond3A_298 = arith.cmpi ne, %convert_element_type3A_296, %cond3A_297 : i32
      scf.if %cond3A_298 {
        %add3A_299 = arith.constant 3 : i32
        %add3A_300 = arith.addi %add3A_285, %add3A_299 : i32
        %dma_start3A_301 = arith.constant 0 : i32
        %dma_start3A_302 = tpu.memref_slice %arg10[%add3A_300, %dma_start3A_301] : memref<100x50xi32, #tpu.memory_space<vmem>> -> memref<1x50xi32, #tpu.memory_space<vmem>>
        %dma_start3A_303 = tpu.memref_squeeze %dma_start3A_302 : memref<1x50xi32, #tpu.memory_space<vmem>> -> memref<50xi32, #tpu.memory_space<vmem>>
        %dma_start3A_304 = arith.constant 0 : i32
        %dma_start3A_305 = arith.constant 0 : i32
        %dma_start3A_306 = tpu.memref_slice %arg6[%dma_start3A_304, %dma_start3A_305] : memref<10000x128xf32, #tpu.memory_space<hbm>> -> memref<10000x128xf32, #tpu.memory_space<hbm>>
        tpu.enqueue_indirect_dma source(%dma_start3A_306 : memref<10000x128xf32, #tpu.memory_space<hbm>>) target(%arg14 : memref<50x128xf32, #tpu.memory_space<vmem>>) offsets(%dma_start3A_303 : memref<50xi32, #tpu.memory_space<vmem>>) semaphore(%arg17 : memref<!tpu.dma_semaphore, #tpu.memory_space<semaphore_mem>>)
      } else {
      }
    }
    %scan3A_114 = arith.constant 33 : i32
    %dma_wait3A_115 = arith.constant 99 : i32
    %dma_wait3A_116 = arith.constant 0 : i32
    %dma_wait3A_117 = tpu.memref_slice %arg10[%dma_wait3A_115, %dma_wait3A_116] : memref<100x50xi32, #tpu.memory_space<vmem>> -> memref<1x50xi32, #tpu.memory_space<vmem>>
    %dma_wait3A_118 = tpu.memref_squeeze %dma_wait3A_117 : memref<1x50xi32, #tpu.memory_space<vmem>> -> memref<50xi32, #tpu.memory_space<vmem>>
    %dma_wait3A_119 = arith.constant 0 : i32
    %dma_wait3A_120 = arith.constant 0 : i32
    %dma_wait3A_121 = tpu.memref_slice %arg6[%dma_wait3A_119, %dma_wait3A_120] : memref<10000x128xf32, #tpu.memory_space<hbm>> -> memref<10000x128xf32, #tpu.memory_space<hbm>>
    tpu.wait_indirect_dma semaphore(%arg15 : memref<!tpu.dma_semaphore, #tpu.memory_space<semaphore_mem>>) src(%dma_wait3A_121 : memref<10000x128xf32, #tpu.memory_space<hbm>>) dst(%arg12 : memref<50x128xf32, #tpu.memory_space<vmem>>)
    %run_scoped3A_122 = arith.constant 99 : i32
    "tpu.region"() ({
      %run_scoped3A_250 = tpu.sem_alloc : memref<!tpu.dma_semaphore, #tpu.memory_space<semaphore_mem>>
      %dma_start3A_251 = arith.constant 0 : i32
      %dma_start3A_252 = tpu.memref_slice %arg11[%run_scoped3A_122, %dma_start3A_251] : memref<100x50xi32, #tpu.memory_space<vmem>> -> memref<1x50xi32, #tpu.memory_space<vmem>>
      %dma_start3A_253 = tpu.memref_squeeze %dma_start3A_252 : memref<1x50xi32, #tpu.memory_space<vmem>> -> memref<50xi32, #tpu.memory_space<vmem>>
      %dma_start3A_254 = arith.constant 0 : i32
      %dma_start3A_255 = arith.constant 0 : i32
      %dma_start3A_256 = tpu.memref_slice %arg18[%dma_start3A_254, %dma_start3A_255] : memref<10000x128xf32, #tpu.memory_space<vmem_shared>> -> memref<10000x128xf32, #tpu.memory_space<vmem_shared>>
      tpu.enqueue_indirect_dma source(%arg12 : memref<50x128xf32, #tpu.memory_space<vmem>>) target(%dma_start3A_256 : memref<10000x128xf32, #tpu.memory_space<vmem_shared>>) offsets(%dma_start3A_253 : memref<50xi32, #tpu.memory_space<vmem>>) semaphore(%run_scoped3A_250 : memref<!tpu.dma_semaphore, #tpu.memory_space<semaphore_mem>>) {add = true}
      %dma_wait3A_257 = arith.constant 0 : i32
      %dma_wait3A_258 = tpu.memref_slice %arg11[%run_scoped3A_122, %dma_wait3A_257] : memref<100x50xi32, #tpu.memory_space<vmem>> -> memref<1x50xi32, #tpu.memory_space<vmem>>
      %dma_wait3A_259 = tpu.memref_squeeze %dma_wait3A_258 : memref<1x50xi32, #tpu.memory_space<vmem>> -> memref<50xi32, #tpu.memory_space<vmem>>
      %dma_wait3A_260 = arith.constant 0 : i32
      %dma_wait3A_261 = arith.constant 0 : i32
      %dma_wait3A_262 = tpu.memref_slice %arg18[%dma_wait3A_260, %dma_wait3A_261] : memref<10000x128xf32, #tpu.memory_space<vmem_shared>> -> memref<10000x128xf32, #tpu.memory_space<vmem_shared>>
      tpu.wait_indirect_dma semaphore(%run_scoped3A_250 : memref<!tpu.dma_semaphore, #tpu.memory_space<semaphore_mem>>) src(%arg12 : memref<50x128xf32, #tpu.memory_space<vmem>>) dst(%dma_wait3A_262 : memref<10000x128xf32, #tpu.memory_space<vmem_shared>>)
      tpu.yield
    }) : () -> ()
    %barrier3A_123 = arith.constant 0 : index
    tpu.barrier barrier_id(%barrier3A_123)
    %dma_start3A_124 = arith.constant 0 : i32
    %dma_start3A_125 = arith.constant 0 : i32
    %dma_start3A_126 = tpu.memref_slice %arg10[%dma_start3A_124, %dma_start3A_125] : memref<100x50xi32, #tpu.memory_space<vmem>> -> memref<1x50xi32, #tpu.memory_space<vmem>>
    %dma_start3A_127 = tpu.memref_squeeze %dma_start3A_126 : memref<1x50xi32, #tpu.memory_space<vmem>> -> memref<50xi32, #tpu.memory_space<vmem>>
    %dma_start3A_128 = arith.constant 0 : i32
    %dma_start3A_129 = arith.constant 0 : i32
    %dma_start3A_130 = tpu.memref_slice %arg7[%dma_start3A_128, %dma_start3A_129] : memref<10000x128xf32, #tpu.memory_space<hbm>> -> memref<10000x128xf32, #tpu.memory_space<hbm>>
    tpu.enqueue_indirect_dma source(%dma_start3A_130 : memref<10000x128xf32, #tpu.memory_space<hbm>>) target(%arg12 : memref<50x128xf32, #tpu.memory_space<vmem>>) offsets(%dma_start3A_127 : memref<50xi32, #tpu.memory_space<vmem>>) semaphore(%arg15 : memref<!tpu.dma_semaphore, #tpu.memory_space<semaphore_mem>>)
    %dma_start3A_131 = arith.constant 1 : i32
    %dma_start3A_132 = arith.constant 0 : i32
    %dma_start3A_133 = tpu.memref_slice %arg10[%dma_start3A_131, %dma_start3A_132] : memref<100x50xi32, #tpu.memory_space<vmem>> -> memref<1x50xi32, #tpu.memory_space<vmem>>
    %dma_start3A_134 = tpu.memref_squeeze %dma_start3A_133 : memref<1x50xi32, #tpu.memory_space<vmem>> -> memref<50xi32, #tpu.memory_space<vmem>>
    %dma_start3A_135 = arith.constant 0 : i32
    %dma_start3A_136 = arith.constant 0 : i32
    %dma_start3A_137 = tpu.memref_slice %arg7[%dma_start3A_135, %dma_start3A_136] : memref<10000x128xf32, #tpu.memory_space<hbm>> -> memref<10000x128xf32, #tpu.memory_space<hbm>>
    tpu.enqueue_indirect_dma source(%dma_start3A_137 : memref<10000x128xf32, #tpu.memory_space<hbm>>) target(%arg13 : memref<50x128xf32, #tpu.memory_space<vmem>>) offsets(%dma_start3A_134 : memref<50xi32, #tpu.memory_space<vmem>>) semaphore(%arg16 : memref<!tpu.dma_semaphore, #tpu.memory_space<semaphore_mem>>)
    "tpu.region"() ({
      %run_scoped3A_250 = tpu.sem_alloc : memref<!tpu.dma_semaphore, #tpu.memory_space<semaphore_mem>>
      %dma_start3A_251 = arith.constant 0 : i32
      %dma_start3A_252 = arith.constant 128 : i32
      %dma_start3A_253 = tpu.memref_slice %arg9[%arg0, %arg1, %dma_start3A_251, %dma_start3A_252] : memref<2x16x625x512xf32, #tpu.memory_space<hbm>> -> memref<1x1x625x128xf32, #tpu.memory_space<hbm>>
      %dma_start3A_254 = tpu.memref_squeeze %dma_start3A_253 : memref<1x1x625x128xf32, #tpu.memory_space<hbm>> -> memref<625x128xf32, #tpu.memory_space<hbm>>
      %dma_start3A_255 = arith.constant 0 : i32
      %dma_start3A_256 = tpu.memref_slice %arg18[%mul3A_2, %dma_start3A_255] : memref<10000x128xf32, #tpu.memory_space<vmem_shared>> -> memref<625x128xf32, #tpu.memory_space<vmem_shared>>
      tpu.enqueue_dma source(%dma_start3A_256 : memref<625x128xf32, #tpu.memory_space<vmem_shared>>) target(%dma_start3A_254 : memref<625x128xf32, #tpu.memory_space<hbm>>) target_semaphore(%run_scoped3A_250 : memref<!tpu.dma_semaphore, #tpu.memory_space<semaphore_mem>>)
      %dma_wait3A_257 = arith.constant 0 : i32
      %dma_wait3A_258 = arith.constant 128 : i32
      %dma_wait3A_259 = tpu.memref_slice %arg9[%arg0, %arg1, %dma_wait3A_257, %dma_wait3A_258] : memref<2x16x625x512xf32, #tpu.memory_space<hbm>> -> memref<1x1x625x128xf32, #tpu.memory_space<hbm>>
      %dma_wait3A_260 = tpu.memref_squeeze %dma_wait3A_259 : memref<1x1x625x128xf32, #tpu.memory_space<hbm>> -> memref<625x128xf32, #tpu.memory_space<hbm>>
      %dma_wait3A_261 = arith.constant 0 : i32
      %dma_wait3A_262 = tpu.memref_slice %arg18[%mul3A_2, %dma_wait3A_261] : memref<10000x128xf32, #tpu.memory_space<vmem_shared>> -> memref<625x128xf32, #tpu.memory_space<vmem_shared>>
      tpu.wait_dma2 semaphore(%run_scoped3A_250 : memref<!tpu.dma_semaphore, #tpu.memory_space<semaphore_mem>>) src(%dma_wait3A_262 : memref<625x128xf32, #tpu.memory_space<vmem_shared>>) dst(%dma_wait3A_260 : memref<625x128xf32, #tpu.memory_space<hbm>>)
      tpu.yield
    }) : () -> ()
    "tpu.region"() ({
      %run_scoped3A_250 = tpu.sem_alloc : memref<!tpu.dma_semaphore, #tpu.memory_space<semaphore_mem>>
      tpu.enqueue_dma source(%arg4 : memref<50x128xf32, #tpu.memory_space<hbm>>) target(%arg14 : memref<50x128xf32, #tpu.memory_space<vmem>>) target_semaphore(%run_scoped3A_250 : memref<!tpu.dma_semaphore, #tpu.memory_space<semaphore_mem>>)
      tpu.wait_dma2 semaphore(%run_scoped3A_250 : memref<!tpu.dma_semaphore, #tpu.memory_space<semaphore_mem>>) src(%arg4 : memref<50x128xf32, #tpu.memory_space<hbm>>) dst(%arg14 : memref<50x128xf32, #tpu.memory_space<vmem>>)
      tpu.yield
    }) : () -> ()
    %add3A_138 = arith.constant 0 : i32
    %add3A_139 = arith.addi %mul3A_2, %add3A_138 : i32
    "tpu.region"() ({
      %run_scoped3A_250 = tpu.sem_alloc : memref<!tpu.dma_semaphore, #tpu.memory_space<semaphore_mem>>
      %dma_start3A_251 = arith.constant 0 : i32
      %dma_start3A_252 = tpu.memref_slice %arg18[%add3A_139, %dma_start3A_251] : memref<10000x128xf32, #tpu.memory_space<vmem_shared>> -> memref<50x128xf32, #tpu.memory_space<vmem_shared>>
      %dma_start3A_253 = arith.constant 0 : i32
      %dma_start3A_254 = tpu.memref_slice %arg18[%add3A_139, %dma_start3A_253] : memref<10000x128xf32, #tpu.memory_space<vmem_shared>> -> memref<50x128xf32, #tpu.memory_space<vmem_shared>>
      tpu.enqueue_dma source(%arg14 : memref<50x128xf32, #tpu.memory_space<vmem>>) target(%dma_start3A_254 : memref<50x128xf32, #tpu.memory_space<vmem_shared>>) target_semaphore(%run_scoped3A_250 : memref<!tpu.dma_semaphore, #tpu.memory_space<semaphore_mem>>)
      %dma_wait3A_255 = arith.constant 0 : i32
      %dma_wait3A_256 = tpu.memref_slice %arg18[%add3A_139, %dma_wait3A_255] : memref<10000x128xf32, #tpu.memory_space<vmem_shared>> -> memref<50x128xf32, #tpu.memory_space<vmem_shared>>
      %dma_wait3A_257 = arith.constant 0 : i32
      %dma_wait3A_258 = tpu.memref_slice %arg18[%add3A_139, %dma_wait3A_257] : memref<10000x128xf32, #tpu.memory_space<vmem_shared>> -> memref<50x128xf32, #tpu.memory_space<vmem_shared>>
      tpu.wait_dma2 semaphore(%run_scoped3A_250 : memref<!tpu.dma_semaphore, #tpu.memory_space<semaphore_mem>>) src(%arg14 : memref<50x128xf32, #tpu.memory_space<vmem>>) dst(%dma_wait3A_258 : memref<50x128xf32, #tpu.memory_space<vmem_shared>>)
      tpu.yield
    }) : () -> ()
    %add3A_140 = arith.constant 50 : i32
    %add3A_141 = arith.addi %mul3A_2, %add3A_140 : i32
    "tpu.region"() ({
      %run_scoped3A_250 = tpu.sem_alloc : memref<!tpu.dma_semaphore, #tpu.memory_space<semaphore_mem>>
      %dma_start3A_251 = arith.constant 0 : i32
      %dma_start3A_252 = tpu.memref_slice %arg18[%add3A_141, %dma_start3A_251] : memref<10000x128xf32, #tpu.memory_space<vmem_shared>> -> memref<50x128xf32, #tpu.memory_space<vmem_shared>>
      %dma_start3A_253 = arith.constant 0 : i32
      %dma_start3A_254 = tpu.memref_slice %arg18[%add3A_141, %dma_start3A_253] : memref<10000x128xf32, #tpu.memory_space<vmem_shared>> -> memref<50x128xf32, #tpu.memory_space<vmem_shared>>
      tpu.enqueue_dma source(%arg14 : memref<50x128xf32, #tpu.memory_space<vmem>>) target(%dma_start3A_254 : memref<50x128xf32, #tpu.memory_space<vmem_shared>>) target_semaphore(%run_scoped3A_250 : memref<!tpu.dma_semaphore, #tpu.memory_space<semaphore_mem>>)
      %dma_wait3A_255 = arith.constant 0 : i32
      %dma_wait3A_256 = tpu.memref_slice %arg18[%add3A_141, %dma_wait3A_255] : memref<10000x128xf32, #tpu.memory_space<vmem_shared>> -> memref<50x128xf32, #tpu.memory_space<vmem_shared>>
      %dma_wait3A_257 = arith.constant 0 : i32
      %dma_wait3A_258 = tpu.memref_slice %arg18[%add3A_141, %dma_wait3A_257] : memref<10000x128xf32, #tpu.memory_space<vmem_shared>> -> memref<50x128xf32, #tpu.memory_space<vmem_shared>>
      tpu.wait_dma2 semaphore(%run_scoped3A_250 : memref<!tpu.dma_semaphore, #tpu.memory_space<semaphore_mem>>) src(%arg14 : memref<50x128xf32, #tpu.memory_space<vmem>>) dst(%dma_wait3A_258 : memref<50x128xf32, #tpu.memory_space<vmem_shared>>)
      tpu.yield
    }) : () -> ()
    %add3A_142 = arith.constant 100 : i32
    %add3A_143 = arith.addi %mul3A_2, %add3A_142 : i32
    "tpu.region"() ({
      %run_scoped3A_250 = tpu.sem_alloc : memref<!tpu.dma_semaphore, #tpu.memory_space<semaphore_mem>>
      %dma_start3A_251 = arith.constant 0 : i32
      %dma_start3A_252 = tpu.memref_slice %arg18[%add3A_143, %dma_start3A_251] : memref<10000x128xf32, #tpu.memory_space<vmem_shared>> -> memref<50x128xf32, #tpu.memory_space<vmem_shared>>
      %dma_start3A_253 = arith.constant 0 : i32
      %dma_start3A_254 = tpu.memref_slice %arg18[%add3A_143, %dma_start3A_253] : memref<10000x128xf32, #tpu.memory_space<vmem_shared>> -> memref<50x128xf32, #tpu.memory_space<vmem_shared>>
      tpu.enqueue_dma source(%arg14 : memref<50x128xf32, #tpu.memory_space<vmem>>) target(%dma_start3A_254 : memref<50x128xf32, #tpu.memory_space<vmem_shared>>) target_semaphore(%run_scoped3A_250 : memref<!tpu.dma_semaphore, #tpu.memory_space<semaphore_mem>>)
      %dma_wait3A_255 = arith.constant 0 : i32
      %dma_wait3A_256 = tpu.memref_slice %arg18[%add3A_143, %dma_wait3A_255] : memref<10000x128xf32, #tpu.memory_space<vmem_shared>> -> memref<50x128xf32, #tpu.memory_space<vmem_shared>>
      %dma_wait3A_257 = arith.constant 0 : i32
      %dma_wait3A_258 = tpu.memref_slice %arg18[%add3A_143, %dma_wait3A_257] : memref<10000x128xf32, #tpu.memory_space<vmem_shared>> -> memref<50x128xf32, #tpu.memory_space<vmem_shared>>
      tpu.wait_dma2 semaphore(%run_scoped3A_250 : memref<!tpu.dma_semaphore, #tpu.memory_space<semaphore_mem>>) src(%arg14 : memref<50x128xf32, #tpu.memory_space<vmem>>) dst(%dma_wait3A_258 : memref<50x128xf32, #tpu.memory_space<vmem_shared>>)
      tpu.yield
    }) : () -> ()
    %add3A_144 = arith.constant 150 : i32
    %add3A_145 = arith.addi %mul3A_2, %add3A_144 : i32
    "tpu.region"() ({
      %run_scoped3A_250 = tpu.sem_alloc : memref<!tpu.dma_semaphore, #tpu.memory_space<semaphore_mem>>
      %dma_start3A_251 = arith.constant 0 : i32
      %dma_start3A_252 = tpu.memref_slice %arg18[%add3A_145, %dma_start3A_251] : memref<10000x128xf32, #tpu.memory_space<vmem_shared>> -> memref<50x128xf32, #tpu.memory_space<vmem_shared>>
      %dma_start3A_253 = arith.constant 0 : i32
      %dma_start3A_254 = tpu.memref_slice %arg18[%add3A_145, %dma_start3A_253] : memref<10000x128xf32, #tpu.memory_space<vmem_shared>> -> memref<50x128xf32, #tpu.memory_space<vmem_shared>>
      tpu.enqueue_dma source(%arg14 : memref<50x128xf32, #tpu.memory_space<vmem>>) target(%dma_start3A_254 : memref<50x128xf32, #tpu.memory_space<vmem_shared>>) target_semaphore(%run_scoped3A_250 : memref<!tpu.dma_semaphore, #tpu.memory_space<semaphore_mem>>)
      %dma_wait3A_255 = arith.constant 0 : i32
      %dma_wait3A_256 = tpu.memref_slice %arg18[%add3A_145, %dma_wait3A_255] : memref<10000x128xf32, #tpu.memory_space<vmem_shared>> -> memref<50x128xf32, #tpu.memory_space<vmem_shared>>
      %dma_wait3A_257 = arith.constant 0 : i32
      %dma_wait3A_258 = tpu.memref_slice %arg18[%add3A_145, %dma_wait3A_257] : memref<10000x128xf32, #tpu.memory_space<vmem_shared>> -> memref<50x128xf32, #tpu.memory_space<vmem_shared>>
      tpu.wait_dma2 semaphore(%run_scoped3A_250 : memref<!tpu.dma_semaphore, #tpu.memory_space<semaphore_mem>>) src(%arg14 : memref<50x128xf32, #tpu.memory_space<vmem>>) dst(%dma_wait3A_258 : memref<50x128xf32, #tpu.memory_space<vmem_shared>>)
      tpu.yield
    }) : () -> ()
    %add3A_146 = arith.constant 200 : i32
    %add3A_147 = arith.addi %mul3A_2, %add3A_146 : i32
    "tpu.region"() ({
      %run_scoped3A_250 = tpu.sem_alloc : memref<!tpu.dma_semaphore, #tpu.memory_space<semaphore_mem>>
      %dma_start3A_251 = arith.constant 0 : i32
      %dma_start3A_252 = tpu.memref_slice %arg18[%add3A_147, %dma_start3A_251] : memref<10000x128xf32, #tpu.memory_space<vmem_shared>> -> memref<50x128xf32, #tpu.memory_space<vmem_shared>>
      %dma_start3A_253 = arith.constant 0 : i32
      %dma_start3A_254 = tpu.memref_slice %arg18[%add3A_147, %dma_start3A_253] : memref<10000x128xf32, #tpu.memory_space<vmem_shared>> -> memref<50x128xf32, #tpu.memory_space<vmem_shared>>
      tpu.enqueue_dma source(%arg14 : memref<50x128xf32, #tpu.memory_space<vmem>>) target(%dma_start3A_254 : memref<50x128xf32, #tpu.memory_space<vmem_shared>>) target_semaphore(%run_scoped3A_250 : memref<!tpu.dma_semaphore, #tpu.memory_space<semaphore_mem>>)
      %dma_wait3A_255 = arith.constant 0 : i32
      %dma_wait3A_256 = tpu.memref_slice %arg18[%add3A_147, %dma_wait3A_255] : memref<10000x128xf32, #tpu.memory_space<vmem_shared>> -> memref<50x128xf32, #tpu.memory_space<vmem_shared>>
      %dma_wait3A_257 = arith.constant 0 : i32
      %dma_wait3A_258 = tpu.memref_slice %arg18[%add3A_147, %dma_wait3A_257] : memref<10000x128xf32, #tpu.memory_space<vmem_shared>> -> memref<50x128xf32, #tpu.memory_space<vmem_shared>>
      tpu.wait_dma2 semaphore(%run_scoped3A_250 : memref<!tpu.dma_semaphore, #tpu.memory_space<semaphore_mem>>) src(%arg14 : memref<50x128xf32, #tpu.memory_space<vmem>>) dst(%dma_wait3A_258 : memref<50x128xf32, #tpu.memory_space<vmem_shared>>)
      tpu.yield
    }) : () -> ()
    %add3A_148 = arith.constant 250 : i32
    %add3A_149 = arith.addi %mul3A_2, %add3A_148 : i32
    "tpu.region"() ({
      %run_scoped3A_250 = tpu.sem_alloc : memref<!tpu.dma_semaphore, #tpu.memory_space<semaphore_mem>>
      %dma_start3A_251 = arith.constant 0 : i32
      %dma_start3A_252 = tpu.memref_slice %arg18[%add3A_149, %dma_start3A_251] : memref<10000x128xf32, #tpu.memory_space<vmem_shared>> -> memref<50x128xf32, #tpu.memory_space<vmem_shared>>
      %dma_start3A_253 = arith.constant 0 : i32
      %dma_start3A_254 = tpu.memref_slice %arg18[%add3A_149, %dma_start3A_253] : memref<10000x128xf32, #tpu.memory_space<vmem_shared>> -> memref<50x128xf32, #tpu.memory_space<vmem_shared>>
      tpu.enqueue_dma source(%arg14 : memref<50x128xf32, #tpu.memory_space<vmem>>) target(%dma_start3A_254 : memref<50x128xf32, #tpu.memory_space<vmem_shared>>) target_semaphore(%run_scoped3A_250 : memref<!tpu.dma_semaphore, #tpu.memory_space<semaphore_mem>>)
      %dma_wait3A_255 = arith.constant 0 : i32
      %dma_wait3A_256 = tpu.memref_slice %arg18[%add3A_149, %dma_wait3A_255] : memref<10000x128xf32, #tpu.memory_space<vmem_shared>> -> memref<50x128xf32, #tpu.memory_space<vmem_shared>>
      %dma_wait3A_257 = arith.constant 0 : i32
      %dma_wait3A_258 = tpu.memref_slice %arg18[%add3A_149, %dma_wait3A_257] : memref<10000x128xf32, #tpu.memory_space<vmem_shared>> -> memref<50x128xf32, #tpu.memory_space<vmem_shared>>
      tpu.wait_dma2 semaphore(%run_scoped3A_250 : memref<!tpu.dma_semaphore, #tpu.memory_space<semaphore_mem>>) src(%arg14 : memref<50x128xf32, #tpu.memory_space<vmem>>) dst(%dma_wait3A_258 : memref<50x128xf32, #tpu.memory_space<vmem_shared>>)
      tpu.yield
    }) : () -> ()
    %add3A_150 = arith.constant 300 : i32
    %add3A_151 = arith.addi %mul3A_2, %add3A_150 : i32
    "tpu.region"() ({
      %run_scoped3A_250 = tpu.sem_alloc : memref<!tpu.dma_semaphore, #tpu.memory_space<semaphore_mem>>
      %dma_start3A_251 = arith.constant 0 : i32
      %dma_start3A_252 = tpu.memref_slice %arg18[%add3A_151, %dma_start3A_251] : memref<10000x128xf32, #tpu.memory_space<vmem_shared>> -> memref<50x128xf32, #tpu.memory_space<vmem_shared>>
      %dma_start3A_253 = arith.constant 0 : i32
      %dma_start3A_254 = tpu.memref_slice %arg18[%add3A_151, %dma_start3A_253] : memref<10000x128xf32, #tpu.memory_space<vmem_shared>> -> memref<50x128xf32, #tpu.memory_space<vmem_shared>>
      tpu.enqueue_dma source(%arg14 : memref<50x128xf32, #tpu.memory_space<vmem>>) target(%dma_start3A_254 : memref<50x128xf32, #tpu.memory_space<vmem_shared>>) target_semaphore(%run_scoped3A_250 : memref<!tpu.dma_semaphore, #tpu.memory_space<semaphore_mem>>)
      %dma_wait3A_255 = arith.constant 0 : i32
      %dma_wait3A_256 = tpu.memref_slice %arg18[%add3A_151, %dma_wait3A_255] : memref<10000x128xf32, #tpu.memory_space<vmem_shared>> -> memref<50x128xf32, #tpu.memory_space<vmem_shared>>
      %dma_wait3A_257 = arith.constant 0 : i32
      %dma_wait3A_258 = tpu.memref_slice %arg18[%add3A_151, %dma_wait3A_257] : memref<10000x128xf32, #tpu.memory_space<vmem_shared>> -> memref<50x128xf32, #tpu.memory_space<vmem_shared>>
      tpu.wait_dma2 semaphore(%run_scoped3A_250 : memref<!tpu.dma_semaphore, #tpu.memory_space<semaphore_mem>>) src(%arg14 : memref<50x128xf32, #tpu.memory_space<vmem>>) dst(%dma_wait3A_258 : memref<50x128xf32, #tpu.memory_space<vmem_shared>>)
      tpu.yield
    }) : () -> ()
    %add3A_152 = arith.constant 350 : i32
    %add3A_153 = arith.addi %mul3A_2, %add3A_152 : i32
    "tpu.region"() ({
      %run_scoped3A_250 = tpu.sem_alloc : memref<!tpu.dma_semaphore, #tpu.memory_space<semaphore_mem>>
      %dma_start3A_251 = arith.constant 0 : i32
      %dma_start3A_252 = tpu.memref_slice %arg18[%add3A_153, %dma_start3A_251] : memref<10000x128xf32, #tpu.memory_space<vmem_shared>> -> memref<50x128xf32, #tpu.memory_space<vmem_shared>>
      %dma_start3A_253 = arith.constant 0 : i32
      %dma_start3A_254 = tpu.memref_slice %arg18[%add3A_153, %dma_start3A_253] : memref<10000x128xf32, #tpu.memory_space<vmem_shared>> -> memref<50x128xf32, #tpu.memory_space<vmem_shared>>
      tpu.enqueue_dma source(%arg14 : memref<50x128xf32, #tpu.memory_space<vmem>>) target(%dma_start3A_254 : memref<50x128xf32, #tpu.memory_space<vmem_shared>>) target_semaphore(%run_scoped3A_250 : memref<!tpu.dma_semaphore, #tpu.memory_space<semaphore_mem>>)
      %dma_wait3A_255 = arith.constant 0 : i32
      %dma_wait3A_256 = tpu.memref_slice %arg18[%add3A_153, %dma_wait3A_255] : memref<10000x128xf32, #tpu.memory_space<vmem_shared>> -> memref<50x128xf32, #tpu.memory_space<vmem_shared>>
      %dma_wait3A_257 = arith.constant 0 : i32
      %dma_wait3A_258 = tpu.memref_slice %arg18[%add3A_153, %dma_wait3A_257] : memref<10000x128xf32, #tpu.memory_space<vmem_shared>> -> memref<50x128xf32, #tpu.memory_space<vmem_shared>>
      tpu.wait_dma2 semaphore(%run_scoped3A_250 : memref<!tpu.dma_semaphore, #tpu.memory_space<semaphore_mem>>) src(%arg14 : memref<50x128xf32, #tpu.memory_space<vmem>>) dst(%dma_wait3A_258 : memref<50x128xf32, #tpu.memory_space<vmem_shared>>)
      tpu.yield
    }) : () -> ()
    %add3A_154 = arith.constant 400 : i32
    %add3A_155 = arith.addi %mul3A_2, %add3A_154 : i32
    "tpu.region"() ({
      %run_scoped3A_250 = tpu.sem_alloc : memref<!tpu.dma_semaphore, #tpu.memory_space<semaphore_mem>>
      %dma_start3A_251 = arith.constant 0 : i32
      %dma_start3A_252 = tpu.memref_slice %arg18[%add3A_155, %dma_start3A_251] : memref<10000x128xf32, #tpu.memory_space<vmem_shared>> -> memref<50x128xf32, #tpu.memory_space<vmem_shared>>
      %dma_start3A_253 = arith.constant 0 : i32
      %dma_start3A_254 = tpu.memref_slice %arg18[%add3A_155, %dma_start3A_253] : memref<10000x128xf32, #tpu.memory_space<vmem_shared>> -> memref<50x128xf32, #tpu.memory_space<vmem_shared>>
      tpu.enqueue_dma source(%arg14 : memref<50x128xf32, #tpu.memory_space<vmem>>) target(%dma_start3A_254 : memref<50x128xf32, #tpu.memory_space<vmem_shared>>) target_semaphore(%run_scoped3A_250 : memref<!tpu.dma_semaphore, #tpu.memory_space<semaphore_mem>>)
      %dma_wait3A_255 = arith.constant 0 : i32
      %dma_wait3A_256 = tpu.memref_slice %arg18[%add3A_155, %dma_wait3A_255] : memref<10000x128xf32, #tpu.memory_space<vmem_shared>> -> memref<50x128xf32, #tpu.memory_space<vmem_shared>>
      %dma_wait3A_257 = arith.constant 0 : i32
      %dma_wait3A_258 = tpu.memref_slice %arg18[%add3A_155, %dma_wait3A_257] : memref<10000x128xf32, #tpu.memory_space<vmem_shared>> -> memref<50x128xf32, #tpu.memory_space<vmem_shared>>
      tpu.wait_dma2 semaphore(%run_scoped3A_250 : memref<!tpu.dma_semaphore, #tpu.memory_space<semaphore_mem>>) src(%arg14 : memref<50x128xf32, #tpu.memory_space<vmem>>) dst(%dma_wait3A_258 : memref<50x128xf32, #tpu.memory_space<vmem_shared>>)
      tpu.yield
    }) : () -> ()
    %add3A_156 = arith.constant 450 : i32
    %add3A_157 = arith.addi %mul3A_2, %add3A_156 : i32
    "tpu.region"() ({
      %run_scoped3A_250 = tpu.sem_alloc : memref<!tpu.dma_semaphore, #tpu.memory_space<semaphore_mem>>
      %dma_start3A_251 = arith.constant 0 : i32
      %dma_start3A_252 = tpu.memref_slice %arg18[%add3A_157, %dma_start3A_251] : memref<10000x128xf32, #tpu.memory_space<vmem_shared>> -> memref<50x128xf32, #tpu.memory_space<vmem_shared>>
      %dma_start3A_253 = arith.constant 0 : i32
      %dma_start3A_254 = tpu.memref_slice %arg18[%add3A_157, %dma_start3A_253] : memref<10000x128xf32, #tpu.memory_space<vmem_shared>> -> memref<50x128xf32, #tpu.memory_space<vmem_shared>>
      tpu.enqueue_dma source(%arg14 : memref<50x128xf32, #tpu.memory_space<vmem>>) target(%dma_start3A_254 : memref<50x128xf32, #tpu.memory_space<vmem_shared>>) target_semaphore(%run_scoped3A_250 : memref<!tpu.dma_semaphore, #tpu.memory_space<semaphore_mem>>)
      %dma_wait3A_255 = arith.constant 0 : i32
      %dma_wait3A_256 = tpu.memref_slice %arg18[%add3A_157, %dma_wait3A_255] : memref<10000x128xf32, #tpu.memory_space<vmem_shared>> -> memref<50x128xf32, #tpu.memory_space<vmem_shared>>
      %dma_wait3A_257 = arith.constant 0 : i32
      %dma_wait3A_258 = tpu.memref_slice %arg18[%add3A_157, %dma_wait3A_257] : memref<10000x128xf32, #tpu.memory_space<vmem_shared>> -> memref<50x128xf32, #tpu.memory_space<vmem_shared>>
      tpu.wait_dma2 semaphore(%run_scoped3A_250 : memref<!tpu.dma_semaphore, #tpu.memory_space<semaphore_mem>>) src(%arg14 : memref<50x128xf32, #tpu.memory_space<vmem>>) dst(%dma_wait3A_258 : memref<50x128xf32, #tpu.memory_space<vmem_shared>>)
      tpu.yield
    }) : () -> ()
    %add3A_158 = arith.constant 500 : i32
    %add3A_159 = arith.addi %mul3A_2, %add3A_158 : i32
    "tpu.region"() ({
      %run_scoped3A_250 = tpu.sem_alloc : memref<!tpu.dma_semaphore, #tpu.memory_space<semaphore_mem>>
      %dma_start3A_251 = arith.constant 0 : i32
      %dma_start3A_252 = tpu.memref_slice %arg18[%add3A_159, %dma_start3A_251] : memref<10000x128xf32, #tpu.memory_space<vmem_shared>> -> memref<50x128xf32, #tpu.memory_space<vmem_shared>>
      %dma_start3A_253 = arith.constant 0 : i32
      %dma_start3A_254 = tpu.memref_slice %arg18[%add3A_159, %dma_start3A_253] : memref<10000x128xf32, #tpu.memory_space<vmem_shared>> -> memref<50x128xf32, #tpu.memory_space<vmem_shared>>
      tpu.enqueue_dma source(%arg14 : memref<50x128xf32, #tpu.memory_space<vmem>>) target(%dma_start3A_254 : memref<50x128xf32, #tpu.memory_space<vmem_shared>>) target_semaphore(%run_scoped3A_250 : memref<!tpu.dma_semaphore, #tpu.memory_space<semaphore_mem>>)
      %dma_wait3A_255 = arith.constant 0 : i32
      %dma_wait3A_256 = tpu.memref_slice %arg18[%add3A_159, %dma_wait3A_255] : memref<10000x128xf32, #tpu.memory_space<vmem_shared>> -> memref<50x128xf32, #tpu.memory_space<vmem_shared>>
      %dma_wait3A_257 = arith.constant 0 : i32
      %dma_wait3A_258 = tpu.memref_slice %arg18[%add3A_159, %dma_wait3A_257] : memref<10000x128xf32, #tpu.memory_space<vmem_shared>> -> memref<50x128xf32, #tpu.memory_space<vmem_shared>>
      tpu.wait_dma2 semaphore(%run_scoped3A_250 : memref<!tpu.dma_semaphore, #tpu.memory_space<semaphore_mem>>) src(%arg14 : memref<50x128xf32, #tpu.memory_space<vmem>>) dst(%dma_wait3A_258 : memref<50x128xf32, #tpu.memory_space<vmem_shared>>)
      tpu.yield
    }) : () -> ()
    %add3A_160 = arith.constant 550 : i32
    %add3A_161 = arith.addi %mul3A_2, %add3A_160 : i32
    "tpu.region"() ({
      %run_scoped3A_250 = tpu.sem_alloc : memref<!tpu.dma_semaphore, #tpu.memory_space<semaphore_mem>>
      %dma_start3A_251 = arith.constant 0 : i32
      %dma_start3A_252 = tpu.memref_slice %arg18[%add3A_161, %dma_start3A_251] : memref<10000x128xf32, #tpu.memory_space<vmem_shared>> -> memref<50x128xf32, #tpu.memory_space<vmem_shared>>
      %dma_start3A_253 = arith.constant 0 : i32
      %dma_start3A_254 = tpu.memref_slice %arg18[%add3A_161, %dma_start3A_253] : memref<10000x128xf32, #tpu.memory_space<vmem_shared>> -> memref<50x128xf32, #tpu.memory_space<vmem_shared>>
      tpu.enqueue_dma source(%arg14 : memref<50x128xf32, #tpu.memory_space<vmem>>) target(%dma_start3A_254 : memref<50x128xf32, #tpu.memory_space<vmem_shared>>) target_semaphore(%run_scoped3A_250 : memref<!tpu.dma_semaphore, #tpu.memory_space<semaphore_mem>>)
      %dma_wait3A_255 = arith.constant 0 : i32
      %dma_wait3A_256 = tpu.memref_slice %arg18[%add3A_161, %dma_wait3A_255] : memref<10000x128xf32, #tpu.memory_space<vmem_shared>> -> memref<50x128xf32, #tpu.memory_space<vmem_shared>>
      %dma_wait3A_257 = arith.constant 0 : i32
      %dma_wait3A_258 = tpu.memref_slice %arg18[%add3A_161, %dma_wait3A_257] : memref<10000x128xf32, #tpu.memory_space<vmem_shared>> -> memref<50x128xf32, #tpu.memory_space<vmem_shared>>
      tpu.wait_dma2 semaphore(%run_scoped3A_250 : memref<!tpu.dma_semaphore, #tpu.memory_space<semaphore_mem>>) src(%arg14 : memref<50x128xf32, #tpu.memory_space<vmem>>) dst(%dma_wait3A_258 : memref<50x128xf32, #tpu.memory_space<vmem_shared>>)
      tpu.yield
    }) : () -> ()
    %add3A_162 = arith.constant 600 : i32
    %add3A_163 = arith.addi %mul3A_2, %add3A_162 : i32
    "tpu.region"() ({
      %run_scoped3A_250 = tpu.sem_alloc : memref<!tpu.dma_semaphore, #tpu.memory_space<semaphore_mem>>
      %dma_start3A_251 = arith.constant 0 : i32
      %dma_start3A_252 = arith.constant 0 : i32
      %dma_start3A_253 = tpu.memref_slice %arg14[%dma_start3A_251, %dma_start3A_252] : memref<50x128xf32, #tpu.memory_space<vmem>> -> memref<25x128xf32, #tpu.memory_space<vmem>>
      %dma_start3A_254 = arith.constant 0 : i32
      %dma_start3A_255 = tpu.memref_slice %arg18[%add3A_163, %dma_start3A_254] : memref<10000x128xf32, #tpu.memory_space<vmem_shared>> -> memref<25x128xf32, #tpu.memory_space<vmem_shared>>
      %dma_start3A_256 = arith.constant 0 : i32
      %dma_start3A_257 = tpu.memref_slice %arg18[%add3A_163, %dma_start3A_256] : memref<10000x128xf32, #tpu.memory_space<vmem_shared>> -> memref<25x128xf32, #tpu.memory_space<vmem_shared>>
      %dma_start3A_258 = arith.constant 0 : i32
      %dma_start3A_259 = arith.constant 0 : i32
      %dma_start3A_260 = tpu.memref_slice %arg14[%dma_start3A_258, %dma_start3A_259] : memref<50x128xf32, #tpu.memory_space<vmem>> -> memref<25x128xf32, #tpu.memory_space<vmem>>
      tpu.enqueue_dma source(%dma_start3A_260 : memref<25x128xf32, #tpu.memory_space<vmem>>) target(%dma_start3A_257 : memref<25x128xf32, #tpu.memory_space<vmem_shared>>) target_semaphore(%run_scoped3A_250 : memref<!tpu.dma_semaphore, #tpu.memory_space<semaphore_mem>>)
      %dma_wait3A_261 = arith.constant 0 : i32
      %dma_wait3A_262 = arith.constant 0 : i32
      %dma_wait3A_263 = tpu.memref_slice %arg14[%dma_wait3A_261, %dma_wait3A_262] : memref<50x128xf32, #tpu.memory_space<vmem>> -> memref<25x128xf32, #tpu.memory_space<vmem>>
      %dma_wait3A_264 = arith.constant 0 : i32
      %dma_wait3A_265 = tpu.memref_slice %arg18[%add3A_163, %dma_wait3A_264] : memref<10000x128xf32, #tpu.memory_space<vmem_shared>> -> memref<25x128xf32, #tpu.memory_space<vmem_shared>>
      %dma_wait3A_266 = arith.constant 0 : i32
      %dma_wait3A_267 = tpu.memref_slice %arg18[%add3A_163, %dma_wait3A_266] : memref<10000x128xf32, #tpu.memory_space<vmem_shared>> -> memref<25x128xf32, #tpu.memory_space<vmem_shared>>
      %dma_wait3A_268 = arith.constant 0 : i32
      %dma_wait3A_269 = arith.constant 0 : i32
      %dma_wait3A_270 = tpu.memref_slice %arg14[%dma_wait3A_268, %dma_wait3A_269] : memref<50x128xf32, #tpu.memory_space<vmem>> -> memref<25x128xf32, #tpu.memory_space<vmem>>
      tpu.wait_dma2 semaphore(%run_scoped3A_250 : memref<!tpu.dma_semaphore, #tpu.memory_space<semaphore_mem>>) src(%dma_wait3A_270 : memref<25x128xf32, #tpu.memory_space<vmem>>) dst(%dma_wait3A_267 : memref<25x128xf32, #tpu.memory_space<vmem_shared>>)
      tpu.yield
    }) : () -> ()
    %barrier3A_164 = arith.constant 0 : index
    tpu.barrier barrier_id(%barrier3A_164)
    %dma_start3A_165 = arith.constant 2 : i32
    %dma_start3A_166 = arith.constant 0 : i32
    %dma_start3A_167 = tpu.memref_slice %arg10[%dma_start3A_165, %dma_start3A_166] : memref<100x50xi32, #tpu.memory_space<vmem>> -> memref<1x50xi32, #tpu.memory_space<vmem>>
    %dma_start3A_168 = tpu.memref_squeeze %dma_start3A_167 : memref<1x50xi32, #tpu.memory_space<vmem>> -> memref<50xi32, #tpu.memory_space<vmem>>
    %dma_start3A_169 = arith.constant 0 : i32
    %dma_start3A_170 = arith.constant 0 : i32
    %dma_start3A_171 = tpu.memref_slice %arg7[%dma_start3A_169, %dma_start3A_170] : memref<10000x128xf32, #tpu.memory_space<hbm>> -> memref<10000x128xf32, #tpu.memory_space<hbm>>
    tpu.enqueue_indirect_dma source(%dma_start3A_171 : memref<10000x128xf32, #tpu.memory_space<hbm>>) target(%arg14 : memref<50x128xf32, #tpu.memory_space<vmem>>) offsets(%dma_start3A_168 : memref<50xi32, #tpu.memory_space<vmem>>) semaphore(%arg17 : memref<!tpu.dma_semaphore, #tpu.memory_space<semaphore_mem>>)
    %scan3A_172 = arith.constant 0 : i32
    %scan3A_173 = arith.constant 0 : i32
    %scan3A_174 = arith.constant 33 : i32
    %scan3A_175 = arith.addi %scan3A_173, %scan3A_174 : i32
    %scan3A_176 = arith.constant 1 : i32
    scf.for %scan3A_250 = %scan3A_173 to %scan3A_175 step %scan3A_176  : i32 {
      %mul3A_251 = arith.constant 3 : i32
      %mul3A_252 = arith.muli %scan3A_250, %mul3A_251 : i32
      %add3A_253 = arith.constant 0 : i32
      %add3A_254 = arith.addi %mul3A_252, %add3A_253 : i32
      %dma_wait3A_255 = arith.constant 0 : i32
      %dma_wait3A_256 = tpu.memref_slice %arg10[%add3A_254, %dma_wait3A_255] : memref<100x50xi32, #tpu.memory_space<vmem>> -> memref<1x50xi32, #tpu.memory_space<vmem>>
      %dma_wait3A_257 = tpu.memref_squeeze %dma_wait3A_256 : memref<1x50xi32, #tpu.memory_space<vmem>> -> memref<50xi32, #tpu.memory_space<vmem>>
      %dma_wait3A_258 = arith.constant 0 : i32
      %dma_wait3A_259 = arith.constant 0 : i32
      %dma_wait3A_260 = tpu.memref_slice %arg7[%dma_wait3A_258, %dma_wait3A_259] : memref<10000x128xf32, #tpu.memory_space<hbm>> -> memref<10000x128xf32, #tpu.memory_space<hbm>>
      tpu.wait_indirect_dma semaphore(%arg15 : memref<!tpu.dma_semaphore, #tpu.memory_space<semaphore_mem>>) src(%dma_wait3A_260 : memref<10000x128xf32, #tpu.memory_space<hbm>>) dst(%arg12 : memref<50x128xf32, #tpu.memory_space<vmem>>)
      "tpu.region"() ({
        %run_scoped3A_299 = tpu.sem_alloc : memref<!tpu.dma_semaphore, #tpu.memory_space<semaphore_mem>>
        %dma_start3A_300 = arith.constant 0 : i32
        %dma_start3A_301 = tpu.memref_slice %arg11[%add3A_254, %dma_start3A_300] : memref<100x50xi32, #tpu.memory_space<vmem>> -> memref<1x50xi32, #tpu.memory_space<vmem>>
        %dma_start3A_302 = tpu.memref_squeeze %dma_start3A_301 : memref<1x50xi32, #tpu.memory_space<vmem>> -> memref<50xi32, #tpu.memory_space<vmem>>
        %dma_start3A_303 = arith.constant 0 : i32
        %dma_start3A_304 = arith.constant 0 : i32
        %dma_start3A_305 = tpu.memref_slice %arg18[%dma_start3A_303, %dma_start3A_304] : memref<10000x128xf32, #tpu.memory_space<vmem_shared>> -> memref<10000x128xf32, #tpu.memory_space<vmem_shared>>
        tpu.enqueue_indirect_dma source(%arg12 : memref<50x128xf32, #tpu.memory_space<vmem>>) target(%dma_start3A_305 : memref<10000x128xf32, #tpu.memory_space<vmem_shared>>) offsets(%dma_start3A_302 : memref<50xi32, #tpu.memory_space<vmem>>) semaphore(%run_scoped3A_299 : memref<!tpu.dma_semaphore, #tpu.memory_space<semaphore_mem>>) {add = true}
        %dma_wait3A_306 = arith.constant 0 : i32
        %dma_wait3A_307 = tpu.memref_slice %arg11[%add3A_254, %dma_wait3A_306] : memref<100x50xi32, #tpu.memory_space<vmem>> -> memref<1x50xi32, #tpu.memory_space<vmem>>
        %dma_wait3A_308 = tpu.memref_squeeze %dma_wait3A_307 : memref<1x50xi32, #tpu.memory_space<vmem>> -> memref<50xi32, #tpu.memory_space<vmem>>
        %dma_wait3A_309 = arith.constant 0 : i32
        %dma_wait3A_310 = arith.constant 0 : i32
        %dma_wait3A_311 = tpu.memref_slice %arg18[%dma_wait3A_309, %dma_wait3A_310] : memref<10000x128xf32, #tpu.memory_space<vmem_shared>> -> memref<10000x128xf32, #tpu.memory_space<vmem_shared>>
        tpu.wait_indirect_dma semaphore(%run_scoped3A_299 : memref<!tpu.dma_semaphore, #tpu.memory_space<semaphore_mem>>) src(%arg12 : memref<50x128xf32, #tpu.memory_space<vmem>>) dst(%dma_wait3A_311 : memref<10000x128xf32, #tpu.memory_space<vmem_shared>>)
        tpu.yield
      }) : () -> ()
      %add3A_261 = arith.constant 3 : i32
      %add3A_262 = arith.addi %add3A_254, %add3A_261 : i32
      %lt3A = arith.constant 100 : i32
      %lt3A_263 = arith.cmpi slt, %add3A_262, %lt3A : i32
      %convert_element_type3A = arith.extui %lt3A_263 : i1 to i32
      %cond3A = arith.constant 0 : i32
      %cond3A_264 = arith.cmpi ne, %convert_element_type3A, %cond3A : i32
      scf.if %cond3A_264 {
        %add3A_299 = arith.constant 3 : i32
        %add3A_300 = arith.addi %add3A_254, %add3A_299 : i32
        %dma_start3A_301 = arith.constant 0 : i32
        %dma_start3A_302 = tpu.memref_slice %arg10[%add3A_300, %dma_start3A_301] : memref<100x50xi32, #tpu.memory_space<vmem>> -> memref<1x50xi32, #tpu.memory_space<vmem>>
        %dma_start3A_303 = tpu.memref_squeeze %dma_start3A_302 : memref<1x50xi32, #tpu.memory_space<vmem>> -> memref<50xi32, #tpu.memory_space<vmem>>
        %dma_start3A_304 = arith.constant 0 : i32
        %dma_start3A_305 = arith.constant 0 : i32
        %dma_start3A_306 = tpu.memref_slice %arg7[%dma_start3A_304, %dma_start3A_305] : memref<10000x128xf32, #tpu.memory_space<hbm>> -> memref<10000x128xf32, #tpu.memory_space<hbm>>
        tpu.enqueue_indirect_dma source(%dma_start3A_306 : memref<10000x128xf32, #tpu.memory_space<hbm>>) target(%arg12 : memref<50x128xf32, #tpu.memory_space<vmem>>) offsets(%dma_start3A_303 : memref<50xi32, #tpu.memory_space<vmem>>) semaphore(%arg15 : memref<!tpu.dma_semaphore, #tpu.memory_space<semaphore_mem>>)
      } else {
      }
      %mul3A_265 = arith.constant 3 : i32
      %mul3A_266 = arith.muli %scan3A_250, %mul3A_265 : i32
      %add3A_267 = arith.constant 1 : i32
      %add3A_268 = arith.addi %mul3A_266, %add3A_267 : i32
      %dma_wait3A_269 = arith.constant 0 : i32
      %dma_wait3A_270 = tpu.memref_slice %arg10[%add3A_268, %dma_wait3A_269] : memref<100x50xi32, #tpu.memory_space<vmem>> -> memref<1x50xi32, #tpu.memory_space<vmem>>
      %dma_wait3A_271 = tpu.memref_squeeze %dma_wait3A_270 : memref<1x50xi32, #tpu.memory_space<vmem>> -> memref<50xi32, #tpu.memory_space<vmem>>
      %dma_wait3A_272 = arith.constant 0 : i32
      %dma_wait3A_273 = arith.constant 0 : i32
      %dma_wait3A_274 = tpu.memref_slice %arg7[%dma_wait3A_272, %dma_wait3A_273] : memref<10000x128xf32, #tpu.memory_space<hbm>> -> memref<10000x128xf32, #tpu.memory_space<hbm>>
      tpu.wait_indirect_dma semaphore(%arg16 : memref<!tpu.dma_semaphore, #tpu.memory_space<semaphore_mem>>) src(%dma_wait3A_274 : memref<10000x128xf32, #tpu.memory_space<hbm>>) dst(%arg13 : memref<50x128xf32, #tpu.memory_space<vmem>>)
      "tpu.region"() ({
        %run_scoped3A_299 = tpu.sem_alloc : memref<!tpu.dma_semaphore, #tpu.memory_space<semaphore_mem>>
        %dma_start3A_300 = arith.constant 0 : i32
        %dma_start3A_301 = tpu.memref_slice %arg11[%add3A_268, %dma_start3A_300] : memref<100x50xi32, #tpu.memory_space<vmem>> -> memref<1x50xi32, #tpu.memory_space<vmem>>
        %dma_start3A_302 = tpu.memref_squeeze %dma_start3A_301 : memref<1x50xi32, #tpu.memory_space<vmem>> -> memref<50xi32, #tpu.memory_space<vmem>>
        %dma_start3A_303 = arith.constant 0 : i32
        %dma_start3A_304 = arith.constant 0 : i32
        %dma_start3A_305 = tpu.memref_slice %arg18[%dma_start3A_303, %dma_start3A_304] : memref<10000x128xf32, #tpu.memory_space<vmem_shared>> -> memref<10000x128xf32, #tpu.memory_space<vmem_shared>>
        tpu.enqueue_indirect_dma source(%arg13 : memref<50x128xf32, #tpu.memory_space<vmem>>) target(%dma_start3A_305 : memref<10000x128xf32, #tpu.memory_space<vmem_shared>>) offsets(%dma_start3A_302 : memref<50xi32, #tpu.memory_space<vmem>>) semaphore(%run_scoped3A_299 : memref<!tpu.dma_semaphore, #tpu.memory_space<semaphore_mem>>) {add = true}
        %dma_wait3A_306 = arith.constant 0 : i32
        %dma_wait3A_307 = tpu.memref_slice %arg11[%add3A_268, %dma_wait3A_306] : memref<100x50xi32, #tpu.memory_space<vmem>> -> memref<1x50xi32, #tpu.memory_space<vmem>>
        %dma_wait3A_308 = tpu.memref_squeeze %dma_wait3A_307 : memref<1x50xi32, #tpu.memory_space<vmem>> -> memref<50xi32, #tpu.memory_space<vmem>>
        %dma_wait3A_309 = arith.constant 0 : i32
        %dma_wait3A_310 = arith.constant 0 : i32
        %dma_wait3A_311 = tpu.memref_slice %arg18[%dma_wait3A_309, %dma_wait3A_310] : memref<10000x128xf32, #tpu.memory_space<vmem_shared>> -> memref<10000x128xf32, #tpu.memory_space<vmem_shared>>
        tpu.wait_indirect_dma semaphore(%run_scoped3A_299 : memref<!tpu.dma_semaphore, #tpu.memory_space<semaphore_mem>>) src(%arg13 : memref<50x128xf32, #tpu.memory_space<vmem>>) dst(%dma_wait3A_311 : memref<10000x128xf32, #tpu.memory_space<vmem_shared>>)
        tpu.yield
      }) : () -> ()
      %add3A_275 = arith.constant 3 : i32
      %add3A_276 = arith.addi %add3A_268, %add3A_275 : i32
      %lt3A_277 = arith.constant 100 : i32
      %lt3A_278 = arith.cmpi slt, %add3A_276, %lt3A_277 : i32
      %convert_element_type3A_279 = arith.extui %lt3A_278 : i1 to i32
      %cond3A_280 = arith.constant 0 : i32
      %cond3A_281 = arith.cmpi ne, %convert_element_type3A_279, %cond3A_280 : i32
      scf.if %cond3A_281 {
        %add3A_299 = arith.constant 3 : i32
        %add3A_300 = arith.addi %add3A_268, %add3A_299 : i32
        %dma_start3A_301 = arith.constant 0 : i32
        %dma_start3A_302 = tpu.memref_slice %arg10[%add3A_300, %dma_start3A_301] : memref<100x50xi32, #tpu.memory_space<vmem>> -> memref<1x50xi32, #tpu.memory_space<vmem>>
        %dma_start3A_303 = tpu.memref_squeeze %dma_start3A_302 : memref<1x50xi32, #tpu.memory_space<vmem>> -> memref<50xi32, #tpu.memory_space<vmem>>
        %dma_start3A_304 = arith.constant 0 : i32
        %dma_start3A_305 = arith.constant 0 : i32
        %dma_start3A_306 = tpu.memref_slice %arg7[%dma_start3A_304, %dma_start3A_305] : memref<10000x128xf32, #tpu.memory_space<hbm>> -> memref<10000x128xf32, #tpu.memory_space<hbm>>
        tpu.enqueue_indirect_dma source(%dma_start3A_306 : memref<10000x128xf32, #tpu.memory_space<hbm>>) target(%arg13 : memref<50x128xf32, #tpu.memory_space<vmem>>) offsets(%dma_start3A_303 : memref<50xi32, #tpu.memory_space<vmem>>) semaphore(%arg16 : memref<!tpu.dma_semaphore, #tpu.memory_space<semaphore_mem>>)
      } else {
      }
      %mul3A_282 = arith.constant 3 : i32
      %mul3A_283 = arith.muli %scan3A_250, %mul3A_282 : i32
      %add3A_284 = arith.constant 2 : i32
      %add3A_285 = arith.addi %mul3A_283, %add3A_284 : i32
      %dma_wait3A_286 = arith.constant 0 : i32
      %dma_wait3A_287 = tpu.memref_slice %arg10[%add3A_285, %dma_wait3A_286] : memref<100x50xi32, #tpu.memory_space<vmem>> -> memref<1x50xi32, #tpu.memory_space<vmem>>
      %dma_wait3A_288 = tpu.memref_squeeze %dma_wait3A_287 : memref<1x50xi32, #tpu.memory_space<vmem>> -> memref<50xi32, #tpu.memory_space<vmem>>
      %dma_wait3A_289 = arith.constant 0 : i32
      %dma_wait3A_290 = arith.constant 0 : i32
      %dma_wait3A_291 = tpu.memref_slice %arg7[%dma_wait3A_289, %dma_wait3A_290] : memref<10000x128xf32, #tpu.memory_space<hbm>> -> memref<10000x128xf32, #tpu.memory_space<hbm>>
      tpu.wait_indirect_dma semaphore(%arg17 : memref<!tpu.dma_semaphore, #tpu.memory_space<semaphore_mem>>) src(%dma_wait3A_291 : memref<10000x128xf32, #tpu.memory_space<hbm>>) dst(%arg14 : memref<50x128xf32, #tpu.memory_space<vmem>>)
      "tpu.region"() ({
        %run_scoped3A_299 = tpu.sem_alloc : memref<!tpu.dma_semaphore, #tpu.memory_space<semaphore_mem>>
        %dma_start3A_300 = arith.constant 0 : i32
        %dma_start3A_301 = tpu.memref_slice %arg11[%add3A_285, %dma_start3A_300] : memref<100x50xi32, #tpu.memory_space<vmem>> -> memref<1x50xi32, #tpu.memory_space<vmem>>
        %dma_start3A_302 = tpu.memref_squeeze %dma_start3A_301 : memref<1x50xi32, #tpu.memory_space<vmem>> -> memref<50xi32, #tpu.memory_space<vmem>>
        %dma_start3A_303 = arith.constant 0 : i32
        %dma_start3A_304 = arith.constant 0 : i32
        %dma_start3A_305 = tpu.memref_slice %arg18[%dma_start3A_303, %dma_start3A_304] : memref<10000x128xf32, #tpu.memory_space<vmem_shared>> -> memref<10000x128xf32, #tpu.memory_space<vmem_shared>>
        tpu.enqueue_indirect_dma source(%arg14 : memref<50x128xf32, #tpu.memory_space<vmem>>) target(%dma_start3A_305 : memref<10000x128xf32, #tpu.memory_space<vmem_shared>>) offsets(%dma_start3A_302 : memref<50xi32, #tpu.memory_space<vmem>>) semaphore(%run_scoped3A_299 : memref<!tpu.dma_semaphore, #tpu.memory_space<semaphore_mem>>) {add = true}
        %dma_wait3A_306 = arith.constant 0 : i32
        %dma_wait3A_307 = tpu.memref_slice %arg11[%add3A_285, %dma_wait3A_306] : memref<100x50xi32, #tpu.memory_space<vmem>> -> memref<1x50xi32, #tpu.memory_space<vmem>>
        %dma_wait3A_308 = tpu.memref_squeeze %dma_wait3A_307 : memref<1x50xi32, #tpu.memory_space<vmem>> -> memref<50xi32, #tpu.memory_space<vmem>>
        %dma_wait3A_309 = arith.constant 0 : i32
        %dma_wait3A_310 = arith.constant 0 : i32
        %dma_wait3A_311 = tpu.memref_slice %arg18[%dma_wait3A_309, %dma_wait3A_310] : memref<10000x128xf32, #tpu.memory_space<vmem_shared>> -> memref<10000x128xf32, #tpu.memory_space<vmem_shared>>
        tpu.wait_indirect_dma semaphore(%run_scoped3A_299 : memref<!tpu.dma_semaphore, #tpu.memory_space<semaphore_mem>>) src(%arg14 : memref<50x128xf32, #tpu.memory_space<vmem>>) dst(%dma_wait3A_311 : memref<10000x128xf32, #tpu.memory_space<vmem_shared>>)
        tpu.yield
      }) : () -> ()
      %add3A_292 = arith.constant 3 : i32
      %add3A_293 = arith.addi %add3A_285, %add3A_292 : i32
      %lt3A_294 = arith.constant 100 : i32
      %lt3A_295 = arith.cmpi slt, %add3A_293, %lt3A_294 : i32
      %convert_element_type3A_296 = arith.extui %lt3A_295 : i1 to i32
      %cond3A_297 = arith.constant 0 : i32
      %cond3A_298 = arith.cmpi ne, %convert_element_type3A_296, %cond3A_297 : i32
      scf.if %cond3A_298 {
        %add3A_299 = arith.constant 3 : i32
        %add3A_300 = arith.addi %add3A_285, %add3A_299 : i32
        %dma_start3A_301 = arith.constant 0 : i32
        %dma_start3A_302 = tpu.memref_slice %arg10[%add3A_300, %dma_start3A_301] : memref<100x50xi32, #tpu.memory_space<vmem>> -> memref<1x50xi32, #tpu.memory_space<vmem>>
        %dma_start3A_303 = tpu.memref_squeeze %dma_start3A_302 : memref<1x50xi32, #tpu.memory_space<vmem>> -> memref<50xi32, #tpu.memory_space<vmem>>
        %dma_start3A_304 = arith.constant 0 : i32
        %dma_start3A_305 = arith.constant 0 : i32
        %dma_start3A_306 = tpu.memref_slice %arg7[%dma_start3A_304, %dma_start3A_305] : memref<10000x128xf32, #tpu.memory_space<hbm>> -> memref<10000x128xf32, #tpu.memory_space<hbm>>
        tpu.enqueue_indirect_dma source(%dma_start3A_306 : memref<10000x128xf32, #tpu.memory_space<hbm>>) target(%arg14 : memref<50x128xf32, #tpu.memory_space<vmem>>) offsets(%dma_start3A_303 : memref<50xi32, #tpu.memory_space<vmem>>) semaphore(%arg17 : memref<!tpu.dma_semaphore, #tpu.memory_space<semaphore_mem>>)
      } else {
      }
    }
    %scan3A_177 = arith.constant 33 : i32
    %dma_wait3A_178 = arith.constant 99 : i32
    %dma_wait3A_179 = arith.constant 0 : i32
    %dma_wait3A_180 = tpu.memref_slice %arg10[%dma_wait3A_178, %dma_wait3A_179] : memref<100x50xi32, #tpu.memory_space<vmem>> -> memref<1x50xi32, #tpu.memory_space<vmem>>
    %dma_wait3A_181 = tpu.memref_squeeze %dma_wait3A_180 : memref<1x50xi32, #tpu.memory_space<vmem>> -> memref<50xi32, #tpu.memory_space<vmem>>
    %dma_wait3A_182 = arith.constant 0 : i32
    %dma_wait3A_183 = arith.constant 0 : i32
    %dma_wait3A_184 = tpu.memref_slice %arg7[%dma_wait3A_182, %dma_wait3A_183] : memref<10000x128xf32, #tpu.memory_space<hbm>> -> memref<10000x128xf32, #tpu.memory_space<hbm>>
    tpu.wait_indirect_dma semaphore(%arg15 : memref<!tpu.dma_semaphore, #tpu.memory_space<semaphore_mem>>) src(%dma_wait3A_184 : memref<10000x128xf32, #tpu.memory_space<hbm>>) dst(%arg12 : memref<50x128xf32, #tpu.memory_space<vmem>>)
    %run_scoped3A_185 = arith.constant 99 : i32
    "tpu.region"() ({
      %run_scoped3A_250 = tpu.sem_alloc : memref<!tpu.dma_semaphore, #tpu.memory_space<semaphore_mem>>
      %dma_start3A_251 = arith.constant 0 : i32
      %dma_start3A_252 = tpu.memref_slice %arg11[%run_scoped3A_185, %dma_start3A_251] : memref<100x50xi32, #tpu.memory_space<vmem>> -> memref<1x50xi32, #tpu.memory_space<vmem>>
      %dma_start3A_253 = tpu.memref_squeeze %dma_start3A_252 : memref<1x50xi32, #tpu.memory_space<vmem>> -> memref<50xi32, #tpu.memory_space<vmem>>
      %dma_start3A_254 = arith.constant 0 : i32
      %dma_start3A_255 = arith.constant 0 : i32
      %dma_start3A_256 = tpu.memref_slice %arg18[%dma_start3A_254, %dma_start3A_255] : memref<10000x128xf32, #tpu.memory_space<vmem_shared>> -> memref<10000x128xf32, #tpu.memory_space<vmem_shared>>
      tpu.enqueue_indirect_dma source(%arg12 : memref<50x128xf32, #tpu.memory_space<vmem>>) target(%dma_start3A_256 : memref<10000x128xf32, #tpu.memory_space<vmem_shared>>) offsets(%dma_start3A_253 : memref<50xi32, #tpu.memory_space<vmem>>) semaphore(%run_scoped3A_250 : memref<!tpu.dma_semaphore, #tpu.memory_space<semaphore_mem>>) {add = true}
      %dma_wait3A_257 = arith.constant 0 : i32
      %dma_wait3A_258 = tpu.memref_slice %arg11[%run_scoped3A_185, %dma_wait3A_257] : memref<100x50xi32, #tpu.memory_space<vmem>> -> memref<1x50xi32, #tpu.memory_space<vmem>>
      %dma_wait3A_259 = tpu.memref_squeeze %dma_wait3A_258 : memref<1x50xi32, #tpu.memory_space<vmem>> -> memref<50xi32, #tpu.memory_space<vmem>>
      %dma_wait3A_260 = arith.constant 0 : i32
      %dma_wait3A_261 = arith.constant 0 : i32
      %dma_wait3A_262 = tpu.memref_slice %arg18[%dma_wait3A_260, %dma_wait3A_261] : memref<10000x128xf32, #tpu.memory_space<vmem_shared>> -> memref<10000x128xf32, #tpu.memory_space<vmem_shared>>
      tpu.wait_indirect_dma semaphore(%run_scoped3A_250 : memref<!tpu.dma_semaphore, #tpu.memory_space<semaphore_mem>>) src(%arg12 : memref<50x128xf32, #tpu.memory_space<vmem>>) dst(%dma_wait3A_262 : memref<10000x128xf32, #tpu.memory_space<vmem_shared>>)
      tpu.yield
    }) : () -> ()
    %barrier3A_186 = arith.constant 0 : index
    tpu.barrier barrier_id(%barrier3A_186)
    %dma_start3A_187 = arith.constant 0 : i32
    %dma_start3A_188 = arith.constant 0 : i32
    %dma_start3A_189 = tpu.memref_slice %arg10[%dma_start3A_187, %dma_start3A_188] : memref<100x50xi32, #tpu.memory_space<vmem>> -> memref<1x50xi32, #tpu.memory_space<vmem>>
    %dma_start3A_190 = tpu.memref_squeeze %dma_start3A_189 : memref<1x50xi32, #tpu.memory_space<vmem>> -> memref<50xi32, #tpu.memory_space<vmem>>
    %dma_start3A_191 = arith.constant 0 : i32
    %dma_start3A_192 = arith.constant 0 : i32
    %dma_start3A_193 = tpu.memref_slice %arg8[%dma_start3A_191, %dma_start3A_192] : memref<10000x128xf32, #tpu.memory_space<hbm>> -> memref<10000x128xf32, #tpu.memory_space<hbm>>
    tpu.enqueue_indirect_dma source(%dma_start3A_193 : memref<10000x128xf32, #tpu.memory_space<hbm>>) target(%arg12 : memref<50x128xf32, #tpu.memory_space<vmem>>) offsets(%dma_start3A_190 : memref<50xi32, #tpu.memory_space<vmem>>) semaphore(%arg15 : memref<!tpu.dma_semaphore, #tpu.memory_space<semaphore_mem>>)
    %dma_start3A_194 = arith.constant 1 : i32
    %dma_start3A_195 = arith.constant 0 : i32
    %dma_start3A_196 = tpu.memref_slice %arg10[%dma_start3A_194, %dma_start3A_195] : memref<100x50xi32, #tpu.memory_space<vmem>> -> memref<1x50xi32, #tpu.memory_space<vmem>>
    %dma_start3A_197 = tpu.memref_squeeze %dma_start3A_196 : memref<1x50xi32, #tpu.memory_space<vmem>> -> memref<50xi32, #tpu.memory_space<vmem>>
    %dma_start3A_198 = arith.constant 0 : i32
    %dma_start3A_199 = arith.constant 0 : i32
    %dma_start3A_200 = tpu.memref_slice %arg8[%dma_start3A_198, %dma_start3A_199] : memref<10000x128xf32, #tpu.memory_space<hbm>> -> memref<10000x128xf32, #tpu.memory_space<hbm>>
    tpu.enqueue_indirect_dma source(%dma_start3A_200 : memref<10000x128xf32, #tpu.memory_space<hbm>>) target(%arg13 : memref<50x128xf32, #tpu.memory_space<vmem>>) offsets(%dma_start3A_197 : memref<50xi32, #tpu.memory_space<vmem>>) semaphore(%arg16 : memref<!tpu.dma_semaphore, #tpu.memory_space<semaphore_mem>>)
    "tpu.region"() ({
      %run_scoped3A_250 = tpu.sem_alloc : memref<!tpu.dma_semaphore, #tpu.memory_space<semaphore_mem>>
      %dma_start3A_251 = arith.constant 0 : i32
      %dma_start3A_252 = arith.constant 256 : i32
      %dma_start3A_253 = tpu.memref_slice %arg9[%arg0, %arg1, %dma_start3A_251, %dma_start3A_252] : memref<2x16x625x512xf32, #tpu.memory_space<hbm>> -> memref<1x1x625x128xf32, #tpu.memory_space<hbm>>
      %dma_start3A_254 = tpu.memref_squeeze %dma_start3A_253 : memref<1x1x625x128xf32, #tpu.memory_space<hbm>> -> memref<625x128xf32, #tpu.memory_space<hbm>>
      %dma_start3A_255 = arith.constant 0 : i32
      %dma_start3A_256 = tpu.memref_slice %arg18[%mul3A_2, %dma_start3A_255] : memref<10000x128xf32, #tpu.memory_space<vmem_shared>> -> memref<625x128xf32, #tpu.memory_space<vmem_shared>>
      tpu.enqueue_dma source(%dma_start3A_256 : memref<625x128xf32, #tpu.memory_space<vmem_shared>>) target(%dma_start3A_254 : memref<625x128xf32, #tpu.memory_space<hbm>>) target_semaphore(%run_scoped3A_250 : memref<!tpu.dma_semaphore, #tpu.memory_space<semaphore_mem>>)
      %dma_wait3A_257 = arith.constant 0 : i32
      %dma_wait3A_258 = arith.constant 256 : i32
      %dma_wait3A_259 = tpu.memref_slice %arg9[%arg0, %arg1, %dma_wait3A_257, %dma_wait3A_258] : memref<2x16x625x512xf32, #tpu.memory_space<hbm>> -> memref<1x1x625x128xf32, #tpu.memory_space<hbm>>
      %dma_wait3A_260 = tpu.memref_squeeze %dma_wait3A_259 : memref<1x1x625x128xf32, #tpu.memory_space<hbm>> -> memref<625x128xf32, #tpu.memory_space<hbm>>
      %dma_wait3A_261 = arith.constant 0 : i32
      %dma_wait3A_262 = tpu.memref_slice %arg18[%mul3A_2, %dma_wait3A_261] : memref<10000x128xf32, #tpu.memory_space<vmem_shared>> -> memref<625x128xf32, #tpu.memory_space<vmem_shared>>
      tpu.wait_dma2 semaphore(%run_scoped3A_250 : memref<!tpu.dma_semaphore, #tpu.memory_space<semaphore_mem>>) src(%dma_wait3A_262 : memref<625x128xf32, #tpu.memory_space<vmem_shared>>) dst(%dma_wait3A_260 : memref<625x128xf32, #tpu.memory_space<hbm>>)
      tpu.yield
    }) : () -> ()
    "tpu.region"() ({
      %run_scoped3A_250 = tpu.sem_alloc : memref<!tpu.dma_semaphore, #tpu.memory_space<semaphore_mem>>
      tpu.enqueue_dma source(%arg4 : memref<50x128xf32, #tpu.memory_space<hbm>>) target(%arg14 : memref<50x128xf32, #tpu.memory_space<vmem>>) target_semaphore(%run_scoped3A_250 : memref<!tpu.dma_semaphore, #tpu.memory_space<semaphore_mem>>)
      tpu.wait_dma2 semaphore(%run_scoped3A_250 : memref<!tpu.dma_semaphore, #tpu.memory_space<semaphore_mem>>) src(%arg4 : memref<50x128xf32, #tpu.memory_space<hbm>>) dst(%arg14 : memref<50x128xf32, #tpu.memory_space<vmem>>)
      tpu.yield
    }) : () -> ()
    %add3A_201 = arith.constant 0 : i32
    %add3A_202 = arith.addi %mul3A_2, %add3A_201 : i32
    "tpu.region"() ({
      %run_scoped3A_250 = tpu.sem_alloc : memref<!tpu.dma_semaphore, #tpu.memory_space<semaphore_mem>>
      %dma_start3A_251 = arith.constant 0 : i32
      %dma_start3A_252 = tpu.memref_slice %arg18[%add3A_202, %dma_start3A_251] : memref<10000x128xf32, #tpu.memory_space<vmem_shared>> -> memref<50x128xf32, #tpu.memory_space<vmem_shared>>
      %dma_start3A_253 = arith.constant 0 : i32
      %dma_start3A_254 = tpu.memref_slice %arg18[%add3A_202, %dma_start3A_253] : memref<10000x128xf32, #tpu.memory_space<vmem_shared>> -> memref<50x128xf32, #tpu.memory_space<vmem_shared>>
      tpu.enqueue_dma source(%arg14 : memref<50x128xf32, #tpu.memory_space<vmem>>) target(%dma_start3A_254 : memref<50x128xf32, #tpu.memory_space<vmem_shared>>) target_semaphore(%run_scoped3A_250 : memref<!tpu.dma_semaphore, #tpu.memory_space<semaphore_mem>>)
      %dma_wait3A_255 = arith.constant 0 : i32
      %dma_wait3A_256 = tpu.memref_slice %arg18[%add3A_202, %dma_wait3A_255] : memref<10000x128xf32, #tpu.memory_space<vmem_shared>> -> memref<50x128xf32, #tpu.memory_space<vmem_shared>>
      %dma_wait3A_257 = arith.constant 0 : i32
      %dma_wait3A_258 = tpu.memref_slice %arg18[%add3A_202, %dma_wait3A_257] : memref<10000x128xf32, #tpu.memory_space<vmem_shared>> -> memref<50x128xf32, #tpu.memory_space<vmem_shared>>
      tpu.wait_dma2 semaphore(%run_scoped3A_250 : memref<!tpu.dma_semaphore, #tpu.memory_space<semaphore_mem>>) src(%arg14 : memref<50x128xf32, #tpu.memory_space<vmem>>) dst(%dma_wait3A_258 : memref<50x128xf32, #tpu.memory_space<vmem_shared>>)
      tpu.yield
    }) : () -> ()
    %add3A_203 = arith.constant 50 : i32
    %add3A_204 = arith.addi %mul3A_2, %add3A_203 : i32
    "tpu.region"() ({
      %run_scoped3A_250 = tpu.sem_alloc : memref<!tpu.dma_semaphore, #tpu.memory_space<semaphore_mem>>
      %dma_start3A_251 = arith.constant 0 : i32
      %dma_start3A_252 = tpu.memref_slice %arg18[%add3A_204, %dma_start3A_251] : memref<10000x128xf32, #tpu.memory_space<vmem_shared>> -> memref<50x128xf32, #tpu.memory_space<vmem_shared>>
      %dma_start3A_253 = arith.constant 0 : i32
      %dma_start3A_254 = tpu.memref_slice %arg18[%add3A_204, %dma_start3A_253] : memref<10000x128xf32, #tpu.memory_space<vmem_shared>> -> memref<50x128xf32, #tpu.memory_space<vmem_shared>>
      tpu.enqueue_dma source(%arg14 : memref<50x128xf32, #tpu.memory_space<vmem>>) target(%dma_start3A_254 : memref<50x128xf32, #tpu.memory_space<vmem_shared>>) target_semaphore(%run_scoped3A_250 : memref<!tpu.dma_semaphore, #tpu.memory_space<semaphore_mem>>)
      %dma_wait3A_255 = arith.constant 0 : i32
      %dma_wait3A_256 = tpu.memref_slice %arg18[%add3A_204, %dma_wait3A_255] : memref<10000x128xf32, #tpu.memory_space<vmem_shared>> -> memref<50x128xf32, #tpu.memory_space<vmem_shared>>
      %dma_wait3A_257 = arith.constant 0 : i32
      %dma_wait3A_258 = tpu.memref_slice %arg18[%add3A_204, %dma_wait3A_257] : memref<10000x128xf32, #tpu.memory_space<vmem_shared>> -> memref<50x128xf32, #tpu.memory_space<vmem_shared>>
      tpu.wait_dma2 semaphore(%run_scoped3A_250 : memref<!tpu.dma_semaphore, #tpu.memory_space<semaphore_mem>>) src(%arg14 : memref<50x128xf32, #tpu.memory_space<vmem>>) dst(%dma_wait3A_258 : memref<50x128xf32, #tpu.memory_space<vmem_shared>>)
      tpu.yield
    }) : () -> ()
    %add3A_205 = arith.constant 100 : i32
    %add3A_206 = arith.addi %mul3A_2, %add3A_205 : i32
    "tpu.region"() ({
      %run_scoped3A_250 = tpu.sem_alloc : memref<!tpu.dma_semaphore, #tpu.memory_space<semaphore_mem>>
      %dma_start3A_251 = arith.constant 0 : i32
      %dma_start3A_252 = tpu.memref_slice %arg18[%add3A_206, %dma_start3A_251] : memref<10000x128xf32, #tpu.memory_space<vmem_shared>> -> memref<50x128xf32, #tpu.memory_space<vmem_shared>>
      %dma_start3A_253 = arith.constant 0 : i32
      %dma_start3A_254 = tpu.memref_slice %arg18[%add3A_206, %dma_start3A_253] : memref<10000x128xf32, #tpu.memory_space<vmem_shared>> -> memref<50x128xf32, #tpu.memory_space<vmem_shared>>
      tpu.enqueue_dma source(%arg14 : memref<50x128xf32, #tpu.memory_space<vmem>>) target(%dma_start3A_254 : memref<50x128xf32, #tpu.memory_space<vmem_shared>>) target_semaphore(%run_scoped3A_250 : memref<!tpu.dma_semaphore, #tpu.memory_space<semaphore_mem>>)
      %dma_wait3A_255 = arith.constant 0 : i32
      %dma_wait3A_256 = tpu.memref_slice %arg18[%add3A_206, %dma_wait3A_255] : memref<10000x128xf32, #tpu.memory_space<vmem_shared>> -> memref<50x128xf32, #tpu.memory_space<vmem_shared>>
      %dma_wait3A_257 = arith.constant 0 : i32
      %dma_wait3A_258 = tpu.memref_slice %arg18[%add3A_206, %dma_wait3A_257] : memref<10000x128xf32, #tpu.memory_space<vmem_shared>> -> memref<50x128xf32, #tpu.memory_space<vmem_shared>>
      tpu.wait_dma2 semaphore(%run_scoped3A_250 : memref<!tpu.dma_semaphore, #tpu.memory_space<semaphore_mem>>) src(%arg14 : memref<50x128xf32, #tpu.memory_space<vmem>>) dst(%dma_wait3A_258 : memref<50x128xf32, #tpu.memory_space<vmem_shared>>)
      tpu.yield
    }) : () -> ()
    %add3A_207 = arith.constant 150 : i32
    %add3A_208 = arith.addi %mul3A_2, %add3A_207 : i32
    "tpu.region"() ({
      %run_scoped3A_250 = tpu.sem_alloc : memref<!tpu.dma_semaphore, #tpu.memory_space<semaphore_mem>>
      %dma_start3A_251 = arith.constant 0 : i32
      %dma_start3A_252 = tpu.memref_slice %arg18[%add3A_208, %dma_start3A_251] : memref<10000x128xf32, #tpu.memory_space<vmem_shared>> -> memref<50x128xf32, #tpu.memory_space<vmem_shared>>
      %dma_start3A_253 = arith.constant 0 : i32
      %dma_start3A_254 = tpu.memref_slice %arg18[%add3A_208, %dma_start3A_253] : memref<10000x128xf32, #tpu.memory_space<vmem_shared>> -> memref<50x128xf32, #tpu.memory_space<vmem_shared>>
      tpu.enqueue_dma source(%arg14 : memref<50x128xf32, #tpu.memory_space<vmem>>) target(%dma_start3A_254 : memref<50x128xf32, #tpu.memory_space<vmem_shared>>) target_semaphore(%run_scoped3A_250 : memref<!tpu.dma_semaphore, #tpu.memory_space<semaphore_mem>>)
      %dma_wait3A_255 = arith.constant 0 : i32
      %dma_wait3A_256 = tpu.memref_slice %arg18[%add3A_208, %dma_wait3A_255] : memref<10000x128xf32, #tpu.memory_space<vmem_shared>> -> memref<50x128xf32, #tpu.memory_space<vmem_shared>>
      %dma_wait3A_257 = arith.constant 0 : i32
      %dma_wait3A_258 = tpu.memref_slice %arg18[%add3A_208, %dma_wait3A_257] : memref<10000x128xf32, #tpu.memory_space<vmem_shared>> -> memref<50x128xf32, #tpu.memory_space<vmem_shared>>
      tpu.wait_dma2 semaphore(%run_scoped3A_250 : memref<!tpu.dma_semaphore, #tpu.memory_space<semaphore_mem>>) src(%arg14 : memref<50x128xf32, #tpu.memory_space<vmem>>) dst(%dma_wait3A_258 : memref<50x128xf32, #tpu.memory_space<vmem_shared>>)
      tpu.yield
    }) : () -> ()
    %add3A_209 = arith.constant 200 : i32
    %add3A_210 = arith.addi %mul3A_2, %add3A_209 : i32
    "tpu.region"() ({
      %run_scoped3A_250 = tpu.sem_alloc : memref<!tpu.dma_semaphore, #tpu.memory_space<semaphore_mem>>
      %dma_start3A_251 = arith.constant 0 : i32
      %dma_start3A_252 = tpu.memref_slice %arg18[%add3A_210, %dma_start3A_251] : memref<10000x128xf32, #tpu.memory_space<vmem_shared>> -> memref<50x128xf32, #tpu.memory_space<vmem_shared>>
      %dma_start3A_253 = arith.constant 0 : i32
      %dma_start3A_254 = tpu.memref_slice %arg18[%add3A_210, %dma_start3A_253] : memref<10000x128xf32, #tpu.memory_space<vmem_shared>> -> memref<50x128xf32, #tpu.memory_space<vmem_shared>>
      tpu.enqueue_dma source(%arg14 : memref<50x128xf32, #tpu.memory_space<vmem>>) target(%dma_start3A_254 : memref<50x128xf32, #tpu.memory_space<vmem_shared>>) target_semaphore(%run_scoped3A_250 : memref<!tpu.dma_semaphore, #tpu.memory_space<semaphore_mem>>)
      %dma_wait3A_255 = arith.constant 0 : i32
      %dma_wait3A_256 = tpu.memref_slice %arg18[%add3A_210, %dma_wait3A_255] : memref<10000x128xf32, #tpu.memory_space<vmem_shared>> -> memref<50x128xf32, #tpu.memory_space<vmem_shared>>
      %dma_wait3A_257 = arith.constant 0 : i32
      %dma_wait3A_258 = tpu.memref_slice %arg18[%add3A_210, %dma_wait3A_257] : memref<10000x128xf32, #tpu.memory_space<vmem_shared>> -> memref<50x128xf32, #tpu.memory_space<vmem_shared>>
      tpu.wait_dma2 semaphore(%run_scoped3A_250 : memref<!tpu.dma_semaphore, #tpu.memory_space<semaphore_mem>>) src(%arg14 : memref<50x128xf32, #tpu.memory_space<vmem>>) dst(%dma_wait3A_258 : memref<50x128xf32, #tpu.memory_space<vmem_shared>>)
      tpu.yield
    }) : () -> ()
    %add3A_211 = arith.constant 250 : i32
    %add3A_212 = arith.addi %mul3A_2, %add3A_211 : i32
    "tpu.region"() ({
      %run_scoped3A_250 = tpu.sem_alloc : memref<!tpu.dma_semaphore, #tpu.memory_space<semaphore_mem>>
      %dma_start3A_251 = arith.constant 0 : i32
      %dma_start3A_252 = tpu.memref_slice %arg18[%add3A_212, %dma_start3A_251] : memref<10000x128xf32, #tpu.memory_space<vmem_shared>> -> memref<50x128xf32, #tpu.memory_space<vmem_shared>>
      %dma_start3A_253 = arith.constant 0 : i32
      %dma_start3A_254 = tpu.memref_slice %arg18[%add3A_212, %dma_start3A_253] : memref<10000x128xf32, #tpu.memory_space<vmem_shared>> -> memref<50x128xf32, #tpu.memory_space<vmem_shared>>
      tpu.enqueue_dma source(%arg14 : memref<50x128xf32, #tpu.memory_space<vmem>>) target(%dma_start3A_254 : memref<50x128xf32, #tpu.memory_space<vmem_shared>>) target_semaphore(%run_scoped3A_250 : memref<!tpu.dma_semaphore, #tpu.memory_space<semaphore_mem>>)
      %dma_wait3A_255 = arith.constant 0 : i32
      %dma_wait3A_256 = tpu.memref_slice %arg18[%add3A_212, %dma_wait3A_255] : memref<10000x128xf32, #tpu.memory_space<vmem_shared>> -> memref<50x128xf32, #tpu.memory_space<vmem_shared>>
      %dma_wait3A_257 = arith.constant 0 : i32
      %dma_wait3A_258 = tpu.memref_slice %arg18[%add3A_212, %dma_wait3A_257] : memref<10000x128xf32, #tpu.memory_space<vmem_shared>> -> memref<50x128xf32, #tpu.memory_space<vmem_shared>>
      tpu.wait_dma2 semaphore(%run_scoped3A_250 : memref<!tpu.dma_semaphore, #tpu.memory_space<semaphore_mem>>) src(%arg14 : memref<50x128xf32, #tpu.memory_space<vmem>>) dst(%dma_wait3A_258 : memref<50x128xf32, #tpu.memory_space<vmem_shared>>)
      tpu.yield
    }) : () -> ()
    %add3A_213 = arith.constant 300 : i32
    %add3A_214 = arith.addi %mul3A_2, %add3A_213 : i32
    "tpu.region"() ({
      %run_scoped3A_250 = tpu.sem_alloc : memref<!tpu.dma_semaphore, #tpu.memory_space<semaphore_mem>>
      %dma_start3A_251 = arith.constant 0 : i32
      %dma_start3A_252 = tpu.memref_slice %arg18[%add3A_214, %dma_start3A_251] : memref<10000x128xf32, #tpu.memory_space<vmem_shared>> -> memref<50x128xf32, #tpu.memory_space<vmem_shared>>
      %dma_start3A_253 = arith.constant 0 : i32
      %dma_start3A_254 = tpu.memref_slice %arg18[%add3A_214, %dma_start3A_253] : memref<10000x128xf32, #tpu.memory_space<vmem_shared>> -> memref<50x128xf32, #tpu.memory_space<vmem_shared>>
      tpu.enqueue_dma source(%arg14 : memref<50x128xf32, #tpu.memory_space<vmem>>) target(%dma_start3A_254 : memref<50x128xf32, #tpu.memory_space<vmem_shared>>) target_semaphore(%run_scoped3A_250 : memref<!tpu.dma_semaphore, #tpu.memory_space<semaphore_mem>>)
      %dma_wait3A_255 = arith.constant 0 : i32
      %dma_wait3A_256 = tpu.memref_slice %arg18[%add3A_214, %dma_wait3A_255] : memref<10000x128xf32, #tpu.memory_space<vmem_shared>> -> memref<50x128xf32, #tpu.memory_space<vmem_shared>>
      %dma_wait3A_257 = arith.constant 0 : i32
      %dma_wait3A_258 = tpu.memref_slice %arg18[%add3A_214, %dma_wait3A_257] : memref<10000x128xf32, #tpu.memory_space<vmem_shared>> -> memref<50x128xf32, #tpu.memory_space<vmem_shared>>
      tpu.wait_dma2 semaphore(%run_scoped3A_250 : memref<!tpu.dma_semaphore, #tpu.memory_space<semaphore_mem>>) src(%arg14 : memref<50x128xf32, #tpu.memory_space<vmem>>) dst(%dma_wait3A_258 : memref<50x128xf32, #tpu.memory_space<vmem_shared>>)
      tpu.yield
    }) : () -> ()
    %add3A_215 = arith.constant 350 : i32
    %add3A_216 = arith.addi %mul3A_2, %add3A_215 : i32
    "tpu.region"() ({
      %run_scoped3A_250 = tpu.sem_alloc : memref<!tpu.dma_semaphore, #tpu.memory_space<semaphore_mem>>
      %dma_start3A_251 = arith.constant 0 : i32
      %dma_start3A_252 = tpu.memref_slice %arg18[%add3A_216, %dma_start3A_251] : memref<10000x128xf32, #tpu.memory_space<vmem_shared>> -> memref<50x128xf32, #tpu.memory_space<vmem_shared>>
      %dma_start3A_253 = arith.constant 0 : i32
      %dma_start3A_254 = tpu.memref_slice %arg18[%add3A_216, %dma_start3A_253] : memref<10000x128xf32, #tpu.memory_space<vmem_shared>> -> memref<50x128xf32, #tpu.memory_space<vmem_shared>>
      tpu.enqueue_dma source(%arg14 : memref<50x128xf32, #tpu.memory_space<vmem>>) target(%dma_start3A_254 : memref<50x128xf32, #tpu.memory_space<vmem_shared>>) target_semaphore(%run_scoped3A_250 : memref<!tpu.dma_semaphore, #tpu.memory_space<semaphore_mem>>)
      %dma_wait3A_255 = arith.constant 0 : i32
      %dma_wait3A_256 = tpu.memref_slice %arg18[%add3A_216, %dma_wait3A_255] : memref<10000x128xf32, #tpu.memory_space<vmem_shared>> -> memref<50x128xf32, #tpu.memory_space<vmem_shared>>
      %dma_wait3A_257 = arith.constant 0 : i32
      %dma_wait3A_258 = tpu.memref_slice %arg18[%add3A_216, %dma_wait3A_257] : memref<10000x128xf32, #tpu.memory_space<vmem_shared>> -> memref<50x128xf32, #tpu.memory_space<vmem_shared>>
      tpu.wait_dma2 semaphore(%run_scoped3A_250 : memref<!tpu.dma_semaphore, #tpu.memory_space<semaphore_mem>>) src(%arg14 : memref<50x128xf32, #tpu.memory_space<vmem>>) dst(%dma_wait3A_258 : memref<50x128xf32, #tpu.memory_space<vmem_shared>>)
      tpu.yield
    }) : () -> ()
    %add3A_217 = arith.constant 400 : i32
    %add3A_218 = arith.addi %mul3A_2, %add3A_217 : i32
    "tpu.region"() ({
      %run_scoped3A_250 = tpu.sem_alloc : memref<!tpu.dma_semaphore, #tpu.memory_space<semaphore_mem>>
      %dma_start3A_251 = arith.constant 0 : i32
      %dma_start3A_252 = tpu.memref_slice %arg18[%add3A_218, %dma_start3A_251] : memref<10000x128xf32, #tpu.memory_space<vmem_shared>> -> memref<50x128xf32, #tpu.memory_space<vmem_shared>>
      %dma_start3A_253 = arith.constant 0 : i32
      %dma_start3A_254 = tpu.memref_slice %arg18[%add3A_218, %dma_start3A_253] : memref<10000x128xf32, #tpu.memory_space<vmem_shared>> -> memref<50x128xf32, #tpu.memory_space<vmem_shared>>
      tpu.enqueue_dma source(%arg14 : memref<50x128xf32, #tpu.memory_space<vmem>>) target(%dma_start3A_254 : memref<50x128xf32, #tpu.memory_space<vmem_shared>>) target_semaphore(%run_scoped3A_250 : memref<!tpu.dma_semaphore, #tpu.memory_space<semaphore_mem>>)
      %dma_wait3A_255 = arith.constant 0 : i32
      %dma_wait3A_256 = tpu.memref_slice %arg18[%add3A_218, %dma_wait3A_255] : memref<10000x128xf32, #tpu.memory_space<vmem_shared>> -> memref<50x128xf32, #tpu.memory_space<vmem_shared>>
      %dma_wait3A_257 = arith.constant 0 : i32
      %dma_wait3A_258 = tpu.memref_slice %arg18[%add3A_218, %dma_wait3A_257] : memref<10000x128xf32, #tpu.memory_space<vmem_shared>> -> memref<50x128xf32, #tpu.memory_space<vmem_shared>>
      tpu.wait_dma2 semaphore(%run_scoped3A_250 : memref<!tpu.dma_semaphore, #tpu.memory_space<semaphore_mem>>) src(%arg14 : memref<50x128xf32, #tpu.memory_space<vmem>>) dst(%dma_wait3A_258 : memref<50x128xf32, #tpu.memory_space<vmem_shared>>)
      tpu.yield
    }) : () -> ()
    %add3A_219 = arith.constant 450 : i32
    %add3A_220 = arith.addi %mul3A_2, %add3A_219 : i32
    "tpu.region"() ({
      %run_scoped3A_250 = tpu.sem_alloc : memref<!tpu.dma_semaphore, #tpu.memory_space<semaphore_mem>>
      %dma_start3A_251 = arith.constant 0 : i32
      %dma_start3A_252 = tpu.memref_slice %arg18[%add3A_220, %dma_start3A_251] : memref<10000x128xf32, #tpu.memory_space<vmem_shared>> -> memref<50x128xf32, #tpu.memory_space<vmem_shared>>
      %dma_start3A_253 = arith.constant 0 : i32
      %dma_start3A_254 = tpu.memref_slice %arg18[%add3A_220, %dma_start3A_253] : memref<10000x128xf32, #tpu.memory_space<vmem_shared>> -> memref<50x128xf32, #tpu.memory_space<vmem_shared>>
      tpu.enqueue_dma source(%arg14 : memref<50x128xf32, #tpu.memory_space<vmem>>) target(%dma_start3A_254 : memref<50x128xf32, #tpu.memory_space<vmem_shared>>) target_semaphore(%run_scoped3A_250 : memref<!tpu.dma_semaphore, #tpu.memory_space<semaphore_mem>>)
      %dma_wait3A_255 = arith.constant 0 : i32
      %dma_wait3A_256 = tpu.memref_slice %arg18[%add3A_220, %dma_wait3A_255] : memref<10000x128xf32, #tpu.memory_space<vmem_shared>> -> memref<50x128xf32, #tpu.memory_space<vmem_shared>>
      %dma_wait3A_257 = arith.constant 0 : i32
      %dma_wait3A_258 = tpu.memref_slice %arg18[%add3A_220, %dma_wait3A_257] : memref<10000x128xf32, #tpu.memory_space<vmem_shared>> -> memref<50x128xf32, #tpu.memory_space<vmem_shared>>
      tpu.wait_dma2 semaphore(%run_scoped3A_250 : memref<!tpu.dma_semaphore, #tpu.memory_space<semaphore_mem>>) src(%arg14 : memref<50x128xf32, #tpu.memory_space<vmem>>) dst(%dma_wait3A_258 : memref<50x128xf32, #tpu.memory_space<vmem_shared>>)
      tpu.yield
    }) : () -> ()
    %add3A_221 = arith.constant 500 : i32
    %add3A_222 = arith.addi %mul3A_2, %add3A_221 : i32
    "tpu.region"() ({
      %run_scoped3A_250 = tpu.sem_alloc : memref<!tpu.dma_semaphore, #tpu.memory_space<semaphore_mem>>
      %dma_start3A_251 = arith.constant 0 : i32
      %dma_start3A_252 = tpu.memref_slice %arg18[%add3A_222, %dma_start3A_251] : memref<10000x128xf32, #tpu.memory_space<vmem_shared>> -> memref<50x128xf32, #tpu.memory_space<vmem_shared>>
      %dma_start3A_253 = arith.constant 0 : i32
      %dma_start3A_254 = tpu.memref_slice %arg18[%add3A_222, %dma_start3A_253] : memref<10000x128xf32, #tpu.memory_space<vmem_shared>> -> memref<50x128xf32, #tpu.memory_space<vmem_shared>>
      tpu.enqueue_dma source(%arg14 : memref<50x128xf32, #tpu.memory_space<vmem>>) target(%dma_start3A_254 : memref<50x128xf32, #tpu.memory_space<vmem_shared>>) target_semaphore(%run_scoped3A_250 : memref<!tpu.dma_semaphore, #tpu.memory_space<semaphore_mem>>)
      %dma_wait3A_255 = arith.constant 0 : i32
      %dma_wait3A_256 = tpu.memref_slice %arg18[%add3A_222, %dma_wait3A_255] : memref<10000x128xf32, #tpu.memory_space<vmem_shared>> -> memref<50x128xf32, #tpu.memory_space<vmem_shared>>
      %dma_wait3A_257 = arith.constant 0 : i32
      %dma_wait3A_258 = tpu.memref_slice %arg18[%add3A_222, %dma_wait3A_257] : memref<10000x128xf32, #tpu.memory_space<vmem_shared>> -> memref<50x128xf32, #tpu.memory_space<vmem_shared>>
      tpu.wait_dma2 semaphore(%run_scoped3A_250 : memref<!tpu.dma_semaphore, #tpu.memory_space<semaphore_mem>>) src(%arg14 : memref<50x128xf32, #tpu.memory_space<vmem>>) dst(%dma_wait3A_258 : memref<50x128xf32, #tpu.memory_space<vmem_shared>>)
      tpu.yield
    }) : () -> ()
    %add3A_223 = arith.constant 550 : i32
    %add3A_224 = arith.addi %mul3A_2, %add3A_223 : i32
    "tpu.region"() ({
      %run_scoped3A_250 = tpu.sem_alloc : memref<!tpu.dma_semaphore, #tpu.memory_space<semaphore_mem>>
      %dma_start3A_251 = arith.constant 0 : i32
      %dma_start3A_252 = tpu.memref_slice %arg18[%add3A_224, %dma_start3A_251] : memref<10000x128xf32, #tpu.memory_space<vmem_shared>> -> memref<50x128xf32, #tpu.memory_space<vmem_shared>>
      %dma_start3A_253 = arith.constant 0 : i32
      %dma_start3A_254 = tpu.memref_slice %arg18[%add3A_224, %dma_start3A_253] : memref<10000x128xf32, #tpu.memory_space<vmem_shared>> -> memref<50x128xf32, #tpu.memory_space<vmem_shared>>
      tpu.enqueue_dma source(%arg14 : memref<50x128xf32, #tpu.memory_space<vmem>>) target(%dma_start3A_254 : memref<50x128xf32, #tpu.memory_space<vmem_shared>>) target_semaphore(%run_scoped3A_250 : memref<!tpu.dma_semaphore, #tpu.memory_space<semaphore_mem>>)
      %dma_wait3A_255 = arith.constant 0 : i32
      %dma_wait3A_256 = tpu.memref_slice %arg18[%add3A_224, %dma_wait3A_255] : memref<10000x128xf32, #tpu.memory_space<vmem_shared>> -> memref<50x128xf32, #tpu.memory_space<vmem_shared>>
      %dma_wait3A_257 = arith.constant 0 : i32
      %dma_wait3A_258 = tpu.memref_slice %arg18[%add3A_224, %dma_wait3A_257] : memref<10000x128xf32, #tpu.memory_space<vmem_shared>> -> memref<50x128xf32, #tpu.memory_space<vmem_shared>>
      tpu.wait_dma2 semaphore(%run_scoped3A_250 : memref<!tpu.dma_semaphore, #tpu.memory_space<semaphore_mem>>) src(%arg14 : memref<50x128xf32, #tpu.memory_space<vmem>>) dst(%dma_wait3A_258 : memref<50x128xf32, #tpu.memory_space<vmem_shared>>)
      tpu.yield
    }) : () -> ()
    %add3A_225 = arith.constant 600 : i32
    %add3A_226 = arith.addi %mul3A_2, %add3A_225 : i32
    "tpu.region"() ({
      %run_scoped3A_250 = tpu.sem_alloc : memref<!tpu.dma_semaphore, #tpu.memory_space<semaphore_mem>>
      %dma_start3A_251 = arith.constant 0 : i32
      %dma_start3A_252 = arith.constant 0 : i32
      %dma_start3A_253 = tpu.memref_slice %arg14[%dma_start3A_251, %dma_start3A_252] : memref<50x128xf32, #tpu.memory_space<vmem>> -> memref<25x128xf32, #tpu.memory_space<vmem>>
      %dma_start3A_254 = arith.constant 0 : i32
      %dma_start3A_255 = tpu.memref_slice %arg18[%add3A_226, %dma_start3A_254] : memref<10000x128xf32, #tpu.memory_space<vmem_shared>> -> memref<25x128xf32, #tpu.memory_space<vmem_shared>>
      %dma_start3A_256 = arith.constant 0 : i32
      %dma_start3A_257 = tpu.memref_slice %arg18[%add3A_226, %dma_start3A_256] : memref<10000x128xf32, #tpu.memory_space<vmem_shared>> -> memref<25x128xf32, #tpu.memory_space<vmem_shared>>
      %dma_start3A_258 = arith.constant 0 : i32
      %dma_start3A_259 = arith.constant 0 : i32
      %dma_start3A_260 = tpu.memref_slice %arg14[%dma_start3A_258, %dma_start3A_259] : memref<50x128xf32, #tpu.memory_space<vmem>> -> memref<25x128xf32, #tpu.memory_space<vmem>>
      tpu.enqueue_dma source(%dma_start3A_260 : memref<25x128xf32, #tpu.memory_space<vmem>>) target(%dma_start3A_257 : memref<25x128xf32, #tpu.memory_space<vmem_shared>>) target_semaphore(%run_scoped3A_250 : memref<!tpu.dma_semaphore, #tpu.memory_space<semaphore_mem>>)
      %dma_wait3A_261 = arith.constant 0 : i32
      %dma_wait3A_262 = arith.constant 0 : i32
      %dma_wait3A_263 = tpu.memref_slice %arg14[%dma_wait3A_261, %dma_wait3A_262] : memref<50x128xf32, #tpu.memory_space<vmem>> -> memref<25x128xf32, #tpu.memory_space<vmem>>
      %dma_wait3A_264 = arith.constant 0 : i32
      %dma_wait3A_265 = tpu.memref_slice %arg18[%add3A_226, %dma_wait3A_264] : memref<10000x128xf32, #tpu.memory_space<vmem_shared>> -> memref<25x128xf32, #tpu.memory_space<vmem_shared>>
      %dma_wait3A_266 = arith.constant 0 : i32
      %dma_wait3A_267 = tpu.memref_slice %arg18[%add3A_226, %dma_wait3A_266] : memref<10000x128xf32, #tpu.memory_space<vmem_shared>> -> memref<25x128xf32, #tpu.memory_space<vmem_shared>>
      %dma_wait3A_268 = arith.constant 0 : i32
      %dma_wait3A_269 = arith.constant 0 : i32
      %dma_wait3A_270 = tpu.memref_slice %arg14[%dma_wait3A_268, %dma_wait3A_269] : memref<50x128xf32, #tpu.memory_space<vmem>> -> memref<25x128xf32, #tpu.memory_space<vmem>>
      tpu.wait_dma2 semaphore(%run_scoped3A_250 : memref<!tpu.dma_semaphore, #tpu.memory_space<semaphore_mem>>) src(%dma_wait3A_270 : memref<25x128xf32, #tpu.memory_space<vmem>>) dst(%dma_wait3A_267 : memref<25x128xf32, #tpu.memory_space<vmem_shared>>)
      tpu.yield
    }) : () -> ()
    %barrier3A_227 = arith.constant 0 : index
    tpu.barrier barrier_id(%barrier3A_227)
    %dma_start3A_228 = arith.constant 2 : i32
    %dma_start3A_229 = arith.constant 0 : i32
    %dma_start3A_230 = tpu.memref_slice %arg10[%dma_start3A_228, %dma_start3A_229] : memref<100x50xi32, #tpu.memory_space<vmem>> -> memref<1x50xi32, #tpu.memory_space<vmem>>
    %dma_start3A_231 = tpu.memref_squeeze %dma_start3A_230 : memref<1x50xi32, #tpu.memory_space<vmem>> -> memref<50xi32, #tpu.memory_space<vmem>>
    %dma_start3A_232 = arith.constant 0 : i32
    %dma_start3A_233 = arith.constant 0 : i32
    %dma_start3A_234 = tpu.memref_slice %arg8[%dma_start3A_232, %dma_start3A_233] : memref<10000x128xf32, #tpu.memory_space<hbm>> -> memref<10000x128xf32, #tpu.memory_space<hbm>>
    tpu.enqueue_indirect_dma source(%dma_start3A_234 : memref<10000x128xf32, #tpu.memory_space<hbm>>) target(%arg14 : memref<50x128xf32, #tpu.memory_space<vmem>>) offsets(%dma_start3A_231 : memref<50xi32, #tpu.memory_space<vmem>>) semaphore(%arg17 : memref<!tpu.dma_semaphore, #tpu.memory_space<semaphore_mem>>)
    %scan3A_235 = arith.constant 0 : i32
    %scan3A_236 = arith.constant 0 : i32
    %scan3A_237 = arith.constant 33 : i32
    %scan3A_238 = arith.addi %scan3A_236, %scan3A_237 : i32
    %scan3A_239 = arith.constant 1 : i32
    scf.for %scan3A_250 = %scan3A_236 to %scan3A_238 step %scan3A_239  : i32 {
      %mul3A_251 = arith.constant 3 : i32
      %mul3A_252 = arith.muli %scan3A_250, %mul3A_251 : i32
      %add3A_253 = arith.constant 0 : i32
      %add3A_254 = arith.addi %mul3A_252, %add3A_253 : i32
      %dma_wait3A_255 = arith.constant 0 : i32
      %dma_wait3A_256 = tpu.memref_slice %arg10[%add3A_254, %dma_wait3A_255] : memref<100x50xi32, #tpu.memory_space<vmem>> -> memref<1x50xi32, #tpu.memory_space<vmem>>
      %dma_wait3A_257 = tpu.memref_squeeze %dma_wait3A_256 : memref<1x50xi32, #tpu.memory_space<vmem>> -> memref<50xi32, #tpu.memory_space<vmem>>
      %dma_wait3A_258 = arith.constant 0 : i32
      %dma_wait3A_259 = arith.constant 0 : i32
      %dma_wait3A_260 = tpu.memref_slice %arg8[%dma_wait3A_258, %dma_wait3A_259] : memref<10000x128xf32, #tpu.memory_space<hbm>> -> memref<10000x128xf32, #tpu.memory_space<hbm>>
      tpu.wait_indirect_dma semaphore(%arg15 : memref<!tpu.dma_semaphore, #tpu.memory_space<semaphore_mem>>) src(%dma_wait3A_260 : memref<10000x128xf32, #tpu.memory_space<hbm>>) dst(%arg12 : memref<50x128xf32, #tpu.memory_space<vmem>>)
      "tpu.region"() ({
        %run_scoped3A_299 = tpu.sem_alloc : memref<!tpu.dma_semaphore, #tpu.memory_space<semaphore_mem>>
        %dma_start3A_300 = arith.constant 0 : i32
        %dma_start3A_301 = tpu.memref_slice %arg11[%add3A_254, %dma_start3A_300] : memref<100x50xi32, #tpu.memory_space<vmem>> -> memref<1x50xi32, #tpu.memory_space<vmem>>
        %dma_start3A_302 = tpu.memref_squeeze %dma_start3A_301 : memref<1x50xi32, #tpu.memory_space<vmem>> -> memref<50xi32, #tpu.memory_space<vmem>>
        %dma_start3A_303 = arith.constant 0 : i32
        %dma_start3A_304 = arith.constant 0 : i32
        %dma_start3A_305 = tpu.memref_slice %arg18[%dma_start3A_303, %dma_start3A_304] : memref<10000x128xf32, #tpu.memory_space<vmem_shared>> -> memref<10000x128xf32, #tpu.memory_space<vmem_shared>>
        tpu.enqueue_indirect_dma source(%arg12 : memref<50x128xf32, #tpu.memory_space<vmem>>) target(%dma_start3A_305 : memref<10000x128xf32, #tpu.memory_space<vmem_shared>>) offsets(%dma_start3A_302 : memref<50xi32, #tpu.memory_space<vmem>>) semaphore(%run_scoped3A_299 : memref<!tpu.dma_semaphore, #tpu.memory_space<semaphore_mem>>) {add = true}
        %dma_wait3A_306 = arith.constant 0 : i32
        %dma_wait3A_307 = tpu.memref_slice %arg11[%add3A_254, %dma_wait3A_306] : memref<100x50xi32, #tpu.memory_space<vmem>> -> memref<1x50xi32, #tpu.memory_space<vmem>>
        %dma_wait3A_308 = tpu.memref_squeeze %dma_wait3A_307 : memref<1x50xi32, #tpu.memory_space<vmem>> -> memref<50xi32, #tpu.memory_space<vmem>>
        %dma_wait3A_309 = arith.constant 0 : i32
        %dma_wait3A_310 = arith.constant 0 : i32
        %dma_wait3A_311 = tpu.memref_slice %arg18[%dma_wait3A_309, %dma_wait3A_310] : memref<10000x128xf32, #tpu.memory_space<vmem_shared>> -> memref<10000x128xf32, #tpu.memory_space<vmem_shared>>
        tpu.wait_indirect_dma semaphore(%run_scoped3A_299 : memref<!tpu.dma_semaphore, #tpu.memory_space<semaphore_mem>>) src(%arg12 : memref<50x128xf32, #tpu.memory_space<vmem>>) dst(%dma_wait3A_311 : memref<10000x128xf32, #tpu.memory_space<vmem_shared>>)
        tpu.yield
      }) : () -> ()
      %add3A_261 = arith.constant 3 : i32
      %add3A_262 = arith.addi %add3A_254, %add3A_261 : i32
      %lt3A = arith.constant 100 : i32
      %lt3A_263 = arith.cmpi slt, %add3A_262, %lt3A : i32
      %convert_element_type3A = arith.extui %lt3A_263 : i1 to i32
      %cond3A = arith.constant 0 : i32
      %cond3A_264 = arith.cmpi ne, %convert_element_type3A, %cond3A : i32
      scf.if %cond3A_264 {
        %add3A_299 = arith.constant 3 : i32
        %add3A_300 = arith.addi %add3A_254, %add3A_299 : i32
        %dma_start3A_301 = arith.constant 0 : i32
        %dma_start3A_302 = tpu.memref_slice %arg10[%add3A_300, %dma_start3A_301] : memref<100x50xi32, #tpu.memory_space<vmem>> -> memref<1x50xi32, #tpu.memory_space<vmem>>
        %dma_start3A_303 = tpu.memref_squeeze %dma_start3A_302 : memref<1x50xi32, #tpu.memory_space<vmem>> -> memref<50xi32, #tpu.memory_space<vmem>>
        %dma_start3A_304 = arith.constant 0 : i32
        %dma_start3A_305 = arith.constant 0 : i32
        %dma_start3A_306 = tpu.memref_slice %arg8[%dma_start3A_304, %dma_start3A_305] : memref<10000x128xf32, #tpu.memory_space<hbm>> -> memref<10000x128xf32, #tpu.memory_space<hbm>>
        tpu.enqueue_indirect_dma source(%dma_start3A_306 : memref<10000x128xf32, #tpu.memory_space<hbm>>) target(%arg12 : memref<50x128xf32, #tpu.memory_space<vmem>>) offsets(%dma_start3A_303 : memref<50xi32, #tpu.memory_space<vmem>>) semaphore(%arg15 : memref<!tpu.dma_semaphore, #tpu.memory_space<semaphore_mem>>)
      } else {
      }
      %mul3A_265 = arith.constant 3 : i32
      %mul3A_266 = arith.muli %scan3A_250, %mul3A_265 : i32
      %add3A_267 = arith.constant 1 : i32
      %add3A_268 = arith.addi %mul3A_266, %add3A_267 : i32
      %dma_wait3A_269 = arith.constant 0 : i32
      %dma_wait3A_270 = tpu.memref_slice %arg10[%add3A_268, %dma_wait3A_269] : memref<100x50xi32, #tpu.memory_space<vmem>> -> memref<1x50xi32, #tpu.memory_space<vmem>>
      %dma_wait3A_271 = tpu.memref_squeeze %dma_wait3A_270 : memref<1x50xi32, #tpu.memory_space<vmem>> -> memref<50xi32, #tpu.memory_space<vmem>>
      %dma_wait3A_272 = arith.constant 0 : i32
      %dma_wait3A_273 = arith.constant 0 : i32
      %dma_wait3A_274 = tpu.memref_slice %arg8[%dma_wait3A_272, %dma_wait3A_273] : memref<10000x128xf32, #tpu.memory_space<hbm>> -> memref<10000x128xf32, #tpu.memory_space<hbm>>
      tpu.wait_indirect_dma semaphore(%arg16 : memref<!tpu.dma_semaphore, #tpu.memory_space<semaphore_mem>>) src(%dma_wait3A_274 : memref<10000x128xf32, #tpu.memory_space<hbm>>) dst(%arg13 : memref<50x128xf32, #tpu.memory_space<vmem>>)
      "tpu.region"() ({
        %run_scoped3A_299 = tpu.sem_alloc : memref<!tpu.dma_semaphore, #tpu.memory_space<semaphore_mem>>
        %dma_start3A_300 = arith.constant 0 : i32
        %dma_start3A_301 = tpu.memref_slice %arg11[%add3A_268, %dma_start3A_300] : memref<100x50xi32, #tpu.memory_space<vmem>> -> memref<1x50xi32, #tpu.memory_space<vmem>>
        %dma_start3A_302 = tpu.memref_squeeze %dma_start3A_301 : memref<1x50xi32, #tpu.memory_space<vmem>> -> memref<50xi32, #tpu.memory_space<vmem>>
        %dma_start3A_303 = arith.constant 0 : i32
        %dma_start3A_304 = arith.constant 0 : i32
        %dma_start3A_305 = tpu.memref_slice %arg18[%dma_start3A_303, %dma_start3A_304] : memref<10000x128xf32, #tpu.memory_space<vmem_shared>> -> memref<10000x128xf32, #tpu.memory_space<vmem_shared>>
        tpu.enqueue_indirect_dma source(%arg13 : memref<50x128xf32, #tpu.memory_space<vmem>>) target(%dma_start3A_305 : memref<10000x128xf32, #tpu.memory_space<vmem_shared>>) offsets(%dma_start3A_302 : memref<50xi32, #tpu.memory_space<vmem>>) semaphore(%run_scoped3A_299 : memref<!tpu.dma_semaphore, #tpu.memory_space<semaphore_mem>>) {add = true}
        %dma_wait3A_306 = arith.constant 0 : i32
        %dma_wait3A_307 = tpu.memref_slice %arg11[%add3A_268, %dma_wait3A_306] : memref<100x50xi32, #tpu.memory_space<vmem>> -> memref<1x50xi32, #tpu.memory_space<vmem>>
        %dma_wait3A_308 = tpu.memref_squeeze %dma_wait3A_307 : memref<1x50xi32, #tpu.memory_space<vmem>> -> memref<50xi32, #tpu.memory_space<vmem>>
        %dma_wait3A_309 = arith.constant 0 : i32
        %dma_wait3A_310 = arith.constant 0 : i32
        %dma_wait3A_311 = tpu.memref_slice %arg18[%dma_wait3A_309, %dma_wait3A_310] : memref<10000x128xf32, #tpu.memory_space<vmem_shared>> -> memref<10000x128xf32, #tpu.memory_space<vmem_shared>>
        tpu.wait_indirect_dma semaphore(%run_scoped3A_299 : memref<!tpu.dma_semaphore, #tpu.memory_space<semaphore_mem>>) src(%arg13 : memref<50x128xf32, #tpu.memory_space<vmem>>) dst(%dma_wait3A_311 : memref<10000x128xf32, #tpu.memory_space<vmem_shared>>)
        tpu.yield
      }) : () -> ()
      %add3A_275 = arith.constant 3 : i32
      %add3A_276 = arith.addi %add3A_268, %add3A_275 : i32
      %lt3A_277 = arith.constant 100 : i32
      %lt3A_278 = arith.cmpi slt, %add3A_276, %lt3A_277 : i32
      %convert_element_type3A_279 = arith.extui %lt3A_278 : i1 to i32
      %cond3A_280 = arith.constant 0 : i32
      %cond3A_281 = arith.cmpi ne, %convert_element_type3A_279, %cond3A_280 : i32
      scf.if %cond3A_281 {
        %add3A_299 = arith.constant 3 : i32
        %add3A_300 = arith.addi %add3A_268, %add3A_299 : i32
        %dma_start3A_301 = arith.constant 0 : i32
        %dma_start3A_302 = tpu.memref_slice %arg10[%add3A_300, %dma_start3A_301] : memref<100x50xi32, #tpu.memory_space<vmem>> -> memref<1x50xi32, #tpu.memory_space<vmem>>
        %dma_start3A_303 = tpu.memref_squeeze %dma_start3A_302 : memref<1x50xi32, #tpu.memory_space<vmem>> -> memref<50xi32, #tpu.memory_space<vmem>>
        %dma_start3A_304 = arith.constant 0 : i32
        %dma_start3A_305 = arith.constant 0 : i32
        %dma_start3A_306 = tpu.memref_slice %arg8[%dma_start3A_304, %dma_start3A_305] : memref<10000x128xf32, #tpu.memory_space<hbm>> -> memref<10000x128xf32, #tpu.memory_space<hbm>>
        tpu.enqueue_indirect_dma source(%dma_start3A_306 : memref<10000x128xf32, #tpu.memory_space<hbm>>) target(%arg13 : memref<50x128xf32, #tpu.memory_space<vmem>>) offsets(%dma_start3A_303 : memref<50xi32, #tpu.memory_space<vmem>>) semaphore(%arg16 : memref<!tpu.dma_semaphore, #tpu.memory_space<semaphore_mem>>)
      } else {
      }
      %mul3A_282 = arith.constant 3 : i32
      %mul3A_283 = arith.muli %scan3A_250, %mul3A_282 : i32
      %add3A_284 = arith.constant 2 : i32
      %add3A_285 = arith.addi %mul3A_283, %add3A_284 : i32
      %dma_wait3A_286 = arith.constant 0 : i32
      %dma_wait3A_287 = tpu.memref_slice %arg10[%add3A_285, %dma_wait3A_286] : memref<100x50xi32, #tpu.memory_space<vmem>> -> memref<1x50xi32, #tpu.memory_space<vmem>>
      %dma_wait3A_288 = tpu.memref_squeeze %dma_wait3A_287 : memref<1x50xi32, #tpu.memory_space<vmem>> -> memref<50xi32, #tpu.memory_space<vmem>>
      %dma_wait3A_289 = arith.constant 0 : i32
      %dma_wait3A_290 = arith.constant 0 : i32
      %dma_wait3A_291 = tpu.memref_slice %arg8[%dma_wait3A_289, %dma_wait3A_290] : memref<10000x128xf32, #tpu.memory_space<hbm>> -> memref<10000x128xf32, #tpu.memory_space<hbm>>
      tpu.wait_indirect_dma semaphore(%arg17 : memref<!tpu.dma_semaphore, #tpu.memory_space<semaphore_mem>>) src(%dma_wait3A_291 : memref<10000x128xf32, #tpu.memory_space<hbm>>) dst(%arg14 : memref<50x128xf32, #tpu.memory_space<vmem>>)
      "tpu.region"() ({
        %run_scoped3A_299 = tpu.sem_alloc : memref<!tpu.dma_semaphore, #tpu.memory_space<semaphore_mem>>
        %dma_start3A_300 = arith.constant 0 : i32
        %dma_start3A_301 = tpu.memref_slice %arg11[%add3A_285, %dma_start3A_300] : memref<100x50xi32, #tpu.memory_space<vmem>> -> memref<1x50xi32, #tpu.memory_space<vmem>>
        %dma_start3A_302 = tpu.memref_squeeze %dma_start3A_301 : memref<1x50xi32, #tpu.memory_space<vmem>> -> memref<50xi32, #tpu.memory_space<vmem>>
        %dma_start3A_303 = arith.constant 0 : i32
        %dma_start3A_304 = arith.constant 0 : i32
        %dma_start3A_305 = tpu.memref_slice %arg18[%dma_start3A_303, %dma_start3A_304] : memref<10000x128xf32, #tpu.memory_space<vmem_shared>> -> memref<10000x128xf32, #tpu.memory_space<vmem_shared>>
        tpu.enqueue_indirect_dma source(%arg14 : memref<50x128xf32, #tpu.memory_space<vmem>>) target(%dma_start3A_305 : memref<10000x128xf32, #tpu.memory_space<vmem_shared>>) offsets(%dma_start3A_302 : memref<50xi32, #tpu.memory_space<vmem>>) semaphore(%run_scoped3A_299 : memref<!tpu.dma_semaphore, #tpu.memory_space<semaphore_mem>>) {add = true}
        %dma_wait3A_306 = arith.constant 0 : i32
        %dma_wait3A_307 = tpu.memref_slice %arg11[%add3A_285, %dma_wait3A_306] : memref<100x50xi32, #tpu.memory_space<vmem>> -> memref<1x50xi32, #tpu.memory_space<vmem>>
        %dma_wait3A_308 = tpu.memref_squeeze %dma_wait3A_307 : memref<1x50xi32, #tpu.memory_space<vmem>> -> memref<50xi32, #tpu.memory_space<vmem>>
        %dma_wait3A_309 = arith.constant 0 : i32
        %dma_wait3A_310 = arith.constant 0 : i32
        %dma_wait3A_311 = tpu.memref_slice %arg18[%dma_wait3A_309, %dma_wait3A_310] : memref<10000x128xf32, #tpu.memory_space<vmem_shared>> -> memref<10000x128xf32, #tpu.memory_space<vmem_shared>>
        tpu.wait_indirect_dma semaphore(%run_scoped3A_299 : memref<!tpu.dma_semaphore, #tpu.memory_space<semaphore_mem>>) src(%arg14 : memref<50x128xf32, #tpu.memory_space<vmem>>) dst(%dma_wait3A_311 : memref<10000x128xf32, #tpu.memory_space<vmem_shared>>)
        tpu.yield
      }) : () -> ()
      %add3A_292 = arith.constant 3 : i32
      %add3A_293 = arith.addi %add3A_285, %add3A_292 : i32
      %lt3A_294 = arith.constant 100 : i32
      %lt3A_295 = arith.cmpi slt, %add3A_293, %lt3A_294 : i32
      %convert_element_type3A_296 = arith.extui %lt3A_295 : i1 to i32
      %cond3A_297 = arith.constant 0 : i32
      %cond3A_298 = arith.cmpi ne, %convert_element_type3A_296, %cond3A_297 : i32
      scf.if %cond3A_298 {
        %add3A_299 = arith.constant 3 : i32
        %add3A_300 = arith.addi %add3A_285, %add3A_299 : i32
        %dma_start3A_301 = arith.constant 0 : i32
        %dma_start3A_302 = tpu.memref_slice %arg10[%add3A_300, %dma_start3A_301] : memref<100x50xi32, #tpu.memory_space<vmem>> -> memref<1x50xi32, #tpu.memory_space<vmem>>
        %dma_start3A_303 = tpu.memref_squeeze %dma_start3A_302 : memref<1x50xi32, #tpu.memory_space<vmem>> -> memref<50xi32, #tpu.memory_space<vmem>>
        %dma_start3A_304 = arith.constant 0 : i32
        %dma_start3A_305 = arith.constant 0 : i32
        %dma_start3A_306 = tpu.memref_slice %arg8[%dma_start3A_304, %dma_start3A_305] : memref<10000x128xf32, #tpu.memory_space<hbm>> -> memref<10000x128xf32, #tpu.memory_space<hbm>>
        tpu.enqueue_indirect_dma source(%dma_start3A_306 : memref<10000x128xf32, #tpu.memory_space<hbm>>) target(%arg14 : memref<50x128xf32, #tpu.memory_space<vmem>>) offsets(%dma_start3A_303 : memref<50xi32, #tpu.memory_space<vmem>>) semaphore(%arg17 : memref<!tpu.dma_semaphore, #tpu.memory_space<semaphore_mem>>)
      } else {
      }
    }
    %scan3A_240 = arith.constant 33 : i32
    %dma_wait3A_241 = arith.constant 99 : i32
    %dma_wait3A_242 = arith.constant 0 : i32
    %dma_wait3A_243 = tpu.memref_slice %arg10[%dma_wait3A_241, %dma_wait3A_242] : memref<100x50xi32, #tpu.memory_space<vmem>> -> memref<1x50xi32, #tpu.memory_space<vmem>>
    %dma_wait3A_244 = tpu.memref_squeeze %dma_wait3A_243 : memref<1x50xi32, #tpu.memory_space<vmem>> -> memref<50xi32, #tpu.memory_space<vmem>>
    %dma_wait3A_245 = arith.constant 0 : i32
    %dma_wait3A_246 = arith.constant 0 : i32
    %dma_wait3A_247 = tpu.memref_slice %arg8[%dma_wait3A_245, %dma_wait3A_246] : memref<10000x128xf32, #tpu.memory_space<hbm>> -> memref<10000x128xf32, #tpu.memory_space<hbm>>
    tpu.wait_indirect_dma semaphore(%arg15 : memref<!tpu.dma_semaphore, #tpu.memory_space<semaphore_mem>>) src(%dma_wait3A_247 : memref<10000x128xf32, #tpu.memory_space<hbm>>) dst(%arg12 : memref<50x128xf32, #tpu.memory_space<vmem>>)
    %run_scoped3A_248 = arith.constant 99 : i32
    "tpu.region"() ({
      %run_scoped3A_250 = tpu.sem_alloc : memref<!tpu.dma_semaphore, #tpu.memory_space<semaphore_mem>>
      %dma_start3A_251 = arith.constant 0 : i32
      %dma_start3A_252 = tpu.memref_slice %arg11[%run_scoped3A_248, %dma_start3A_251] : memref<100x50xi32, #tpu.memory_space<vmem>> -> memref<1x50xi32, #tpu.memory_space<vmem>>
      %dma_start3A_253 = tpu.memref_squeeze %dma_start3A_252 : memref<1x50xi32, #tpu.memory_space<vmem>> -> memref<50xi32, #tpu.memory_space<vmem>>
      %dma_start3A_254 = arith.constant 0 : i32
      %dma_start3A_255 = arith.constant 0 : i32
      %dma_start3A_256 = tpu.memref_slice %arg18[%dma_start3A_254, %dma_start3A_255] : memref<10000x128xf32, #tpu.memory_space<vmem_shared>> -> memref<10000x128xf32, #tpu.memory_space<vmem_shared>>
      tpu.enqueue_indirect_dma source(%arg12 : memref<50x128xf32, #tpu.memory_space<vmem>>) target(%dma_start3A_256 : memref<10000x128xf32, #tpu.memory_space<vmem_shared>>) offsets(%dma_start3A_253 : memref<50xi32, #tpu.memory_space<vmem>>) semaphore(%run_scoped3A_250 : memref<!tpu.dma_semaphore, #tpu.memory_space<semaphore_mem>>) {add = true}
      %dma_wait3A_257 = arith.constant 0 : i32
      %dma_wait3A_258 = tpu.memref_slice %arg11[%run_scoped3A_248, %dma_wait3A_257] : memref<100x50xi32, #tpu.memory_space<vmem>> -> memref<1x50xi32, #tpu.memory_space<vmem>>
      %dma_wait3A_259 = tpu.memref_squeeze %dma_wait3A_258 : memref<1x50xi32, #tpu.memory_space<vmem>> -> memref<50xi32, #tpu.memory_space<vmem>>
      %dma_wait3A_260 = arith.constant 0 : i32
      %dma_wait3A_261 = arith.constant 0 : i32
      %dma_wait3A_262 = tpu.memref_slice %arg18[%dma_wait3A_260, %dma_wait3A_261] : memref<10000x128xf32, #tpu.memory_space<vmem_shared>> -> memref<10000x128xf32, #tpu.memory_space<vmem_shared>>
      tpu.wait_indirect_dma semaphore(%run_scoped3A_250 : memref<!tpu.dma_semaphore, #tpu.memory_space<semaphore_mem>>) src(%arg12 : memref<50x128xf32, #tpu.memory_space<vmem>>) dst(%dma_wait3A_262 : memref<10000x128xf32, #tpu.memory_space<vmem_shared>>)
      tpu.yield
    }) : () -> ()
    %barrier3A_249 = arith.constant 0 : index
    tpu.barrier barrier_id(%barrier3A_249)
    "tpu.region"() ({
      %run_scoped3A_250 = tpu.sem_alloc : memref<!tpu.dma_semaphore, #tpu.memory_space<semaphore_mem>>
      %dma_start3A_251 = arith.constant 0 : i32
      %dma_start3A_252 = arith.constant 384 : i32
      %dma_start3A_253 = tpu.memref_slice %arg9[%arg0, %arg1, %dma_start3A_251, %dma_start3A_252] : memref<2x16x625x512xf32, #tpu.memory_space<hbm>> -> memref<1x1x625x128xf32, #tpu.memory_space<hbm>>
      %dma_start3A_254 = tpu.memref_squeeze %dma_start3A_253 : memref<1x1x625x128xf32, #tpu.memory_space<hbm>> -> memref<625x128xf32, #tpu.memory_space<hbm>>
      %dma_start3A_255 = arith.constant 0 : i32
      %dma_start3A_256 = tpu.memref_slice %arg18[%mul3A_2, %dma_start3A_255] : memref<10000x128xf32, #tpu.memory_space<vmem_shared>> -> memref<625x128xf32, #tpu.memory_space<vmem_shared>>
      tpu.enqueue_dma source(%dma_start3A_256 : memref<625x128xf32, #tpu.memory_space<vmem_shared>>) target(%dma_start3A_254 : memref<625x128xf32, #tpu.memory_space<hbm>>) target_semaphore(%run_scoped3A_250 : memref<!tpu.dma_semaphore, #tpu.memory_space<semaphore_mem>>)
      %dma_wait3A_257 = arith.constant 0 : i32
      %dma_wait3A_258 = arith.constant 384 : i32
      %dma_wait3A_259 = tpu.memref_slice %arg9[%arg0, %arg1, %dma_wait3A_257, %dma_wait3A_258] : memref<2x16x625x512xf32, #tpu.memory_space<hbm>> -> memref<1x1x625x128xf32, #tpu.memory_space<hbm>>
      %dma_wait3A_260 = tpu.memref_squeeze %dma_wait3A_259 : memref<1x1x625x128xf32, #tpu.memory_space<hbm>> -> memref<625x128xf32, #tpu.memory_space<hbm>>
      %dma_wait3A_261 = arith.constant 0 : i32
      %dma_wait3A_262 = tpu.memref_slice %arg18[%mul3A_2, %dma_wait3A_261] : memref<10000x128xf32, #tpu.memory_space<vmem_shared>> -> memref<625x128xf32, #tpu.memory_space<vmem_shared>>
      tpu.wait_dma2 semaphore(%run_scoped3A_250 : memref<!tpu.dma_semaphore, #tpu.memory_space<semaphore_mem>>) src(%dma_wait3A_262 : memref<625x128xf32, #tpu.memory_space<vmem_shared>>) dst(%dma_wait3A_260 : memref<625x128xf32, #tpu.memory_space<hbm>>)
      tpu.yield
    }) : () -> ()
    return
  }
}

#map = affine_map<(d0, d1) -> (0, 0, 0)>
#map1 = affine_map<(d0, d1) -> (0, 0)>
#map2 = affine_map<(d0, d1) -> (0, 0, 0, 0)>
module attributes {stable_mosaic.version = 14 : i64} {
  func.func @seg(%arg0: i32, %arg1: i32, %arg2: memref<32x100x50xi32, #tpu.memory_space<hbm>>, %arg3: memref<32x100x50xi32, #tpu.memory_space<hbm>>, %arg4: memref<50x128xf32, #tpu.memory_space<hbm>>, %arg5: memref<10000x128xf32, #tpu.memory_space<hbm>>, %arg6: memref<10000x128xf32, #tpu.memory_space<hbm>>, %arg7: memref<2x16x625x256xf32, #tpu.memory_space<hbm>>, %arg8: memref<100x50xi32, #tpu.memory_space<vmem>>, %arg9: memref<100x50xi32, #tpu.memory_space<vmem>>, %arg10: memref<50x128xf32, #tpu.memory_space<vmem>>, %arg11: memref<50x128xf32, #tpu.memory_space<vmem>>, %arg12: memref<50x128xf32, #tpu.memory_space<vmem>>, %arg13: memref<!tpu.dma_semaphore, #tpu.memory_space<semaphore_mem>>, %arg14: memref<!tpu.dma_semaphore, #tpu.memory_space<semaphore_mem>>, %arg15: memref<!tpu.dma_semaphore, #tpu.memory_space<semaphore_mem>>, %arg16: memref<10000x128xf32, #tpu.memory_space<vmem_shared>>) attributes {dimension_semantics = [#tpu.dimension_semantics<core_parallel>, #tpu.dimension_semantics<subcore_parallel>], iteration_bounds = array<i64: 2, 16>, scalar_prefetch = 0 : i64, scratch_operands = 9 : i64, tpu.core_type = #tpu.core_type<sc_vector_subcore>, window_params = [{transform_indices = #map}, {transform_indices = #map}, {transform_indices = #map1}, {transform_indices = #map1}, {transform_indices = #map1}, {transform_indices = #map2}]} {
    %mul3A = arith.constant 16 : i32
    %mul3A_0 = arith.muli %arg0, %mul3A : i32
    %add3A = arith.addi %mul3A_0, %arg1 : i32
    "tpu.region"() ({
      %run_scoped3A_124 = tpu.sem_alloc : memref<!tpu.dma_semaphore, #tpu.memory_space<semaphore_mem>>
      %dma_start3A_125 = arith.constant 0 : i32
      %dma_start3A_126 = arith.constant 0 : i32
      %dma_start3A_127 = tpu.memref_slice %arg2[%add3A, %dma_start3A_125, %dma_start3A_126] : memref<32x100x50xi32, #tpu.memory_space<hbm>> -> memref<1x100x50xi32, #tpu.memory_space<hbm>>
      %dma_start3A_128 = tpu.memref_squeeze %dma_start3A_127 : memref<1x100x50xi32, #tpu.memory_space<hbm>> -> memref<100x50xi32, #tpu.memory_space<hbm>>
      %dma_start3A_129 = arith.constant 0 : i32
      %dma_start3A_130 = arith.constant 0 : i32
      %dma_start3A_131 = tpu.memref_slice %arg2[%add3A, %dma_start3A_129, %dma_start3A_130] : memref<32x100x50xi32, #tpu.memory_space<hbm>> -> memref<1x100x50xi32, #tpu.memory_space<hbm>>
      %dma_start3A_132 = tpu.memref_squeeze %dma_start3A_131 : memref<1x100x50xi32, #tpu.memory_space<hbm>> -> memref<100x50xi32, #tpu.memory_space<hbm>>
      tpu.enqueue_dma source(%dma_start3A_132 : memref<100x50xi32, #tpu.memory_space<hbm>>) target(%arg8 : memref<100x50xi32, #tpu.memory_space<vmem>>) target_semaphore(%run_scoped3A_124 : memref<!tpu.dma_semaphore, #tpu.memory_space<semaphore_mem>>)
      %dma_wait3A_133 = arith.constant 0 : i32
      %dma_wait3A_134 = arith.constant 0 : i32
      %dma_wait3A_135 = tpu.memref_slice %arg2[%add3A, %dma_wait3A_133, %dma_wait3A_134] : memref<32x100x50xi32, #tpu.memory_space<hbm>> -> memref<1x100x50xi32, #tpu.memory_space<hbm>>
      %dma_wait3A_136 = tpu.memref_squeeze %dma_wait3A_135 : memref<1x100x50xi32, #tpu.memory_space<hbm>> -> memref<100x50xi32, #tpu.memory_space<hbm>>
      %dma_wait3A_137 = arith.constant 0 : i32
      %dma_wait3A_138 = arith.constant 0 : i32
      %dma_wait3A_139 = tpu.memref_slice %arg2[%add3A, %dma_wait3A_137, %dma_wait3A_138] : memref<32x100x50xi32, #tpu.memory_space<hbm>> -> memref<1x100x50xi32, #tpu.memory_space<hbm>>
      %dma_wait3A_140 = tpu.memref_squeeze %dma_wait3A_139 : memref<1x100x50xi32, #tpu.memory_space<hbm>> -> memref<100x50xi32, #tpu.memory_space<hbm>>
      tpu.wait_dma2 semaphore(%run_scoped3A_124 : memref<!tpu.dma_semaphore, #tpu.memory_space<semaphore_mem>>) src(%dma_wait3A_140 : memref<100x50xi32, #tpu.memory_space<hbm>>) dst(%arg8 : memref<100x50xi32, #tpu.memory_space<vmem>>)
      tpu.yield
    }) : () -> ()
    "tpu.region"() ({
      %run_scoped3A_124 = tpu.sem_alloc : memref<!tpu.dma_semaphore, #tpu.memory_space<semaphore_mem>>
      %dma_start3A_125 = arith.constant 0 : i32
      %dma_start3A_126 = arith.constant 0 : i32
      %dma_start3A_127 = tpu.memref_slice %arg3[%add3A, %dma_start3A_125, %dma_start3A_126] : memref<32x100x50xi32, #tpu.memory_space<hbm>> -> memref<1x100x50xi32, #tpu.memory_space<hbm>>
      %dma_start3A_128 = tpu.memref_squeeze %dma_start3A_127 : memref<1x100x50xi32, #tpu.memory_space<hbm>> -> memref<100x50xi32, #tpu.memory_space<hbm>>
      %dma_start3A_129 = arith.constant 0 : i32
      %dma_start3A_130 = arith.constant 0 : i32
      %dma_start3A_131 = tpu.memref_slice %arg3[%add3A, %dma_start3A_129, %dma_start3A_130] : memref<32x100x50xi32, #tpu.memory_space<hbm>> -> memref<1x100x50xi32, #tpu.memory_space<hbm>>
      %dma_start3A_132 = tpu.memref_squeeze %dma_start3A_131 : memref<1x100x50xi32, #tpu.memory_space<hbm>> -> memref<100x50xi32, #tpu.memory_space<hbm>>
      tpu.enqueue_dma source(%dma_start3A_132 : memref<100x50xi32, #tpu.memory_space<hbm>>) target(%arg9 : memref<100x50xi32, #tpu.memory_space<vmem>>) target_semaphore(%run_scoped3A_124 : memref<!tpu.dma_semaphore, #tpu.memory_space<semaphore_mem>>)
      %dma_wait3A_133 = arith.constant 0 : i32
      %dma_wait3A_134 = arith.constant 0 : i32
      %dma_wait3A_135 = tpu.memref_slice %arg3[%add3A, %dma_wait3A_133, %dma_wait3A_134] : memref<32x100x50xi32, #tpu.memory_space<hbm>> -> memref<1x100x50xi32, #tpu.memory_space<hbm>>
      %dma_wait3A_136 = tpu.memref_squeeze %dma_wait3A_135 : memref<1x100x50xi32, #tpu.memory_space<hbm>> -> memref<100x50xi32, #tpu.memory_space<hbm>>
      %dma_wait3A_137 = arith.constant 0 : i32
      %dma_wait3A_138 = arith.constant 0 : i32
      %dma_wait3A_139 = tpu.memref_slice %arg3[%add3A, %dma_wait3A_137, %dma_wait3A_138] : memref<32x100x50xi32, #tpu.memory_space<hbm>> -> memref<1x100x50xi32, #tpu.memory_space<hbm>>
      %dma_wait3A_140 = tpu.memref_squeeze %dma_wait3A_139 : memref<1x100x50xi32, #tpu.memory_space<hbm>> -> memref<100x50xi32, #tpu.memory_space<hbm>>
      tpu.wait_dma2 semaphore(%run_scoped3A_124 : memref<!tpu.dma_semaphore, #tpu.memory_space<semaphore_mem>>) src(%dma_wait3A_140 : memref<100x50xi32, #tpu.memory_space<hbm>>) dst(%arg9 : memref<100x50xi32, #tpu.memory_space<vmem>>)
      tpu.yield
    }) : () -> ()
    %mul3A_1 = arith.constant 625 : i32
    %mul3A_2 = arith.muli %arg1, %mul3A_1 : i32
    %dma_start3A = arith.constant 0 : i32
    %dma_start3A_3 = arith.constant 0 : i32
    %dma_start3A_4 = tpu.memref_slice %arg8[%dma_start3A, %dma_start3A_3] : memref<100x50xi32, #tpu.memory_space<vmem>> -> memref<1x50xi32, #tpu.memory_space<vmem>>
    %dma_start3A_5 = tpu.memref_squeeze %dma_start3A_4 : memref<1x50xi32, #tpu.memory_space<vmem>> -> memref<50xi32, #tpu.memory_space<vmem>>
    %dma_start3A_6 = arith.constant 0 : i32
    %dma_start3A_7 = arith.constant 0 : i32
    %dma_start3A_8 = tpu.memref_slice %arg5[%dma_start3A_6, %dma_start3A_7] : memref<10000x128xf32, #tpu.memory_space<hbm>> -> memref<10000x128xf32, #tpu.memory_space<hbm>>
    tpu.enqueue_indirect_dma source(%dma_start3A_8 : memref<10000x128xf32, #tpu.memory_space<hbm>>) target(%arg10 : memref<50x128xf32, #tpu.memory_space<vmem>>) offsets(%dma_start3A_5 : memref<50xi32, #tpu.memory_space<vmem>>) semaphore(%arg13 : memref<!tpu.dma_semaphore, #tpu.memory_space<semaphore_mem>>)
    %dma_start3A_9 = arith.constant 1 : i32
    %dma_start3A_10 = arith.constant 0 : i32
    %dma_start3A_11 = tpu.memref_slice %arg8[%dma_start3A_9, %dma_start3A_10] : memref<100x50xi32, #tpu.memory_space<vmem>> -> memref<1x50xi32, #tpu.memory_space<vmem>>
    %dma_start3A_12 = tpu.memref_squeeze %dma_start3A_11 : memref<1x50xi32, #tpu.memory_space<vmem>> -> memref<50xi32, #tpu.memory_space<vmem>>
    %dma_start3A_13 = arith.constant 0 : i32
    %dma_start3A_14 = arith.constant 0 : i32
    %dma_start3A_15 = tpu.memref_slice %arg5[%dma_start3A_13, %dma_start3A_14] : memref<10000x128xf32, #tpu.memory_space<hbm>> -> memref<10000x128xf32, #tpu.memory_space<hbm>>
    tpu.enqueue_indirect_dma source(%dma_start3A_15 : memref<10000x128xf32, #tpu.memory_space<hbm>>) target(%arg11 : memref<50x128xf32, #tpu.memory_space<vmem>>) offsets(%dma_start3A_12 : memref<50xi32, #tpu.memory_space<vmem>>) semaphore(%arg14 : memref<!tpu.dma_semaphore, #tpu.memory_space<semaphore_mem>>)
    "tpu.region"() ({
      %run_scoped3A_124 = tpu.sem_alloc : memref<!tpu.dma_semaphore, #tpu.memory_space<semaphore_mem>>
      tpu.enqueue_dma source(%arg4 : memref<50x128xf32, #tpu.memory_space<hbm>>) target(%arg12 : memref<50x128xf32, #tpu.memory_space<vmem>>) target_semaphore(%run_scoped3A_124 : memref<!tpu.dma_semaphore, #tpu.memory_space<semaphore_mem>>)
      tpu.wait_dma2 semaphore(%run_scoped3A_124 : memref<!tpu.dma_semaphore, #tpu.memory_space<semaphore_mem>>) src(%arg4 : memref<50x128xf32, #tpu.memory_space<hbm>>) dst(%arg12 : memref<50x128xf32, #tpu.memory_space<vmem>>)
      tpu.yield
    }) : () -> ()
    %add3A_16 = arith.constant 0 : i32
    %add3A_17 = arith.addi %mul3A_2, %add3A_16 : i32
    "tpu.region"() ({
      %run_scoped3A_124 = tpu.sem_alloc : memref<!tpu.dma_semaphore, #tpu.memory_space<semaphore_mem>>
      %dma_start3A_125 = arith.constant 0 : i32
      %dma_start3A_126 = tpu.memref_slice %arg16[%add3A_17, %dma_start3A_125] : memref<10000x128xf32, #tpu.memory_space<vmem_shared>> -> memref<50x128xf32, #tpu.memory_space<vmem_shared>>
      %dma_start3A_127 = arith.constant 0 : i32
      %dma_start3A_128 = tpu.memref_slice %arg16[%add3A_17, %dma_start3A_127] : memref<10000x128xf32, #tpu.memory_space<vmem_shared>> -> memref<50x128xf32, #tpu.memory_space<vmem_shared>>
      tpu.enqueue_dma source(%arg12 : memref<50x128xf32, #tpu.memory_space<vmem>>) target(%dma_start3A_128 : memref<50x128xf32, #tpu.memory_space<vmem_shared>>) target_semaphore(%run_scoped3A_124 : memref<!tpu.dma_semaphore, #tpu.memory_space<semaphore_mem>>)
      %dma_wait3A_129 = arith.constant 0 : i32
      %dma_wait3A_130 = tpu.memref_slice %arg16[%add3A_17, %dma_wait3A_129] : memref<10000x128xf32, #tpu.memory_space<vmem_shared>> -> memref<50x128xf32, #tpu.memory_space<vmem_shared>>
      %dma_wait3A_131 = arith.constant 0 : i32
      %dma_wait3A_132 = tpu.memref_slice %arg16[%add3A_17, %dma_wait3A_131] : memref<10000x128xf32, #tpu.memory_space<vmem_shared>> -> memref<50x128xf32, #tpu.memory_space<vmem_shared>>
      tpu.wait_dma2 semaphore(%run_scoped3A_124 : memref<!tpu.dma_semaphore, #tpu.memory_space<semaphore_mem>>) src(%arg12 : memref<50x128xf32, #tpu.memory_space<vmem>>) dst(%dma_wait3A_132 : memref<50x128xf32, #tpu.memory_space<vmem_shared>>)
      tpu.yield
    }) : () -> ()
    %add3A_18 = arith.constant 50 : i32
    %add3A_19 = arith.addi %mul3A_2, %add3A_18 : i32
    "tpu.region"() ({
      %run_scoped3A_124 = tpu.sem_alloc : memref<!tpu.dma_semaphore, #tpu.memory_space<semaphore_mem>>
      %dma_start3A_125 = arith.constant 0 : i32
      %dma_start3A_126 = tpu.memref_slice %arg16[%add3A_19, %dma_start3A_125] : memref<10000x128xf32, #tpu.memory_space<vmem_shared>> -> memref<50x128xf32, #tpu.memory_space<vmem_shared>>
      %dma_start3A_127 = arith.constant 0 : i32
      %dma_start3A_128 = tpu.memref_slice %arg16[%add3A_19, %dma_start3A_127] : memref<10000x128xf32, #tpu.memory_space<vmem_shared>> -> memref<50x128xf32, #tpu.memory_space<vmem_shared>>
      tpu.enqueue_dma source(%arg12 : memref<50x128xf32, #tpu.memory_space<vmem>>) target(%dma_start3A_128 : memref<50x128xf32, #tpu.memory_space<vmem_shared>>) target_semaphore(%run_scoped3A_124 : memref<!tpu.dma_semaphore, #tpu.memory_space<semaphore_mem>>)
      %dma_wait3A_129 = arith.constant 0 : i32
      %dma_wait3A_130 = tpu.memref_slice %arg16[%add3A_19, %dma_wait3A_129] : memref<10000x128xf32, #tpu.memory_space<vmem_shared>> -> memref<50x128xf32, #tpu.memory_space<vmem_shared>>
      %dma_wait3A_131 = arith.constant 0 : i32
      %dma_wait3A_132 = tpu.memref_slice %arg16[%add3A_19, %dma_wait3A_131] : memref<10000x128xf32, #tpu.memory_space<vmem_shared>> -> memref<50x128xf32, #tpu.memory_space<vmem_shared>>
      tpu.wait_dma2 semaphore(%run_scoped3A_124 : memref<!tpu.dma_semaphore, #tpu.memory_space<semaphore_mem>>) src(%arg12 : memref<50x128xf32, #tpu.memory_space<vmem>>) dst(%dma_wait3A_132 : memref<50x128xf32, #tpu.memory_space<vmem_shared>>)
      tpu.yield
    }) : () -> ()
    %add3A_20 = arith.constant 100 : i32
    %add3A_21 = arith.addi %mul3A_2, %add3A_20 : i32
    "tpu.region"() ({
      %run_scoped3A_124 = tpu.sem_alloc : memref<!tpu.dma_semaphore, #tpu.memory_space<semaphore_mem>>
      %dma_start3A_125 = arith.constant 0 : i32
      %dma_start3A_126 = tpu.memref_slice %arg16[%add3A_21, %dma_start3A_125] : memref<10000x128xf32, #tpu.memory_space<vmem_shared>> -> memref<50x128xf32, #tpu.memory_space<vmem_shared>>
      %dma_start3A_127 = arith.constant 0 : i32
      %dma_start3A_128 = tpu.memref_slice %arg16[%add3A_21, %dma_start3A_127] : memref<10000x128xf32, #tpu.memory_space<vmem_shared>> -> memref<50x128xf32, #tpu.memory_space<vmem_shared>>
      tpu.enqueue_dma source(%arg12 : memref<50x128xf32, #tpu.memory_space<vmem>>) target(%dma_start3A_128 : memref<50x128xf32, #tpu.memory_space<vmem_shared>>) target_semaphore(%run_scoped3A_124 : memref<!tpu.dma_semaphore, #tpu.memory_space<semaphore_mem>>)
      %dma_wait3A_129 = arith.constant 0 : i32
      %dma_wait3A_130 = tpu.memref_slice %arg16[%add3A_21, %dma_wait3A_129] : memref<10000x128xf32, #tpu.memory_space<vmem_shared>> -> memref<50x128xf32, #tpu.memory_space<vmem_shared>>
      %dma_wait3A_131 = arith.constant 0 : i32
      %dma_wait3A_132 = tpu.memref_slice %arg16[%add3A_21, %dma_wait3A_131] : memref<10000x128xf32, #tpu.memory_space<vmem_shared>> -> memref<50x128xf32, #tpu.memory_space<vmem_shared>>
      tpu.wait_dma2 semaphore(%run_scoped3A_124 : memref<!tpu.dma_semaphore, #tpu.memory_space<semaphore_mem>>) src(%arg12 : memref<50x128xf32, #tpu.memory_space<vmem>>) dst(%dma_wait3A_132 : memref<50x128xf32, #tpu.memory_space<vmem_shared>>)
      tpu.yield
    }) : () -> ()
    %add3A_22 = arith.constant 150 : i32
    %add3A_23 = arith.addi %mul3A_2, %add3A_22 : i32
    "tpu.region"() ({
      %run_scoped3A_124 = tpu.sem_alloc : memref<!tpu.dma_semaphore, #tpu.memory_space<semaphore_mem>>
      %dma_start3A_125 = arith.constant 0 : i32
      %dma_start3A_126 = tpu.memref_slice %arg16[%add3A_23, %dma_start3A_125] : memref<10000x128xf32, #tpu.memory_space<vmem_shared>> -> memref<50x128xf32, #tpu.memory_space<vmem_shared>>
      %dma_start3A_127 = arith.constant 0 : i32
      %dma_start3A_128 = tpu.memref_slice %arg16[%add3A_23, %dma_start3A_127] : memref<10000x128xf32, #tpu.memory_space<vmem_shared>> -> memref<50x128xf32, #tpu.memory_space<vmem_shared>>
      tpu.enqueue_dma source(%arg12 : memref<50x128xf32, #tpu.memory_space<vmem>>) target(%dma_start3A_128 : memref<50x128xf32, #tpu.memory_space<vmem_shared>>) target_semaphore(%run_scoped3A_124 : memref<!tpu.dma_semaphore, #tpu.memory_space<semaphore_mem>>)
      %dma_wait3A_129 = arith.constant 0 : i32
      %dma_wait3A_130 = tpu.memref_slice %arg16[%add3A_23, %dma_wait3A_129] : memref<10000x128xf32, #tpu.memory_space<vmem_shared>> -> memref<50x128xf32, #tpu.memory_space<vmem_shared>>
      %dma_wait3A_131 = arith.constant 0 : i32
      %dma_wait3A_132 = tpu.memref_slice %arg16[%add3A_23, %dma_wait3A_131] : memref<10000x128xf32, #tpu.memory_space<vmem_shared>> -> memref<50x128xf32, #tpu.memory_space<vmem_shared>>
      tpu.wait_dma2 semaphore(%run_scoped3A_124 : memref<!tpu.dma_semaphore, #tpu.memory_space<semaphore_mem>>) src(%arg12 : memref<50x128xf32, #tpu.memory_space<vmem>>) dst(%dma_wait3A_132 : memref<50x128xf32, #tpu.memory_space<vmem_shared>>)
      tpu.yield
    }) : () -> ()
    %add3A_24 = arith.constant 200 : i32
    %add3A_25 = arith.addi %mul3A_2, %add3A_24 : i32
    "tpu.region"() ({
      %run_scoped3A_124 = tpu.sem_alloc : memref<!tpu.dma_semaphore, #tpu.memory_space<semaphore_mem>>
      %dma_start3A_125 = arith.constant 0 : i32
      %dma_start3A_126 = tpu.memref_slice %arg16[%add3A_25, %dma_start3A_125] : memref<10000x128xf32, #tpu.memory_space<vmem_shared>> -> memref<50x128xf32, #tpu.memory_space<vmem_shared>>
      %dma_start3A_127 = arith.constant 0 : i32
      %dma_start3A_128 = tpu.memref_slice %arg16[%add3A_25, %dma_start3A_127] : memref<10000x128xf32, #tpu.memory_space<vmem_shared>> -> memref<50x128xf32, #tpu.memory_space<vmem_shared>>
      tpu.enqueue_dma source(%arg12 : memref<50x128xf32, #tpu.memory_space<vmem>>) target(%dma_start3A_128 : memref<50x128xf32, #tpu.memory_space<vmem_shared>>) target_semaphore(%run_scoped3A_124 : memref<!tpu.dma_semaphore, #tpu.memory_space<semaphore_mem>>)
      %dma_wait3A_129 = arith.constant 0 : i32
      %dma_wait3A_130 = tpu.memref_slice %arg16[%add3A_25, %dma_wait3A_129] : memref<10000x128xf32, #tpu.memory_space<vmem_shared>> -> memref<50x128xf32, #tpu.memory_space<vmem_shared>>
      %dma_wait3A_131 = arith.constant 0 : i32
      %dma_wait3A_132 = tpu.memref_slice %arg16[%add3A_25, %dma_wait3A_131] : memref<10000x128xf32, #tpu.memory_space<vmem_shared>> -> memref<50x128xf32, #tpu.memory_space<vmem_shared>>
      tpu.wait_dma2 semaphore(%run_scoped3A_124 : memref<!tpu.dma_semaphore, #tpu.memory_space<semaphore_mem>>) src(%arg12 : memref<50x128xf32, #tpu.memory_space<vmem>>) dst(%dma_wait3A_132 : memref<50x128xf32, #tpu.memory_space<vmem_shared>>)
      tpu.yield
    }) : () -> ()
    %add3A_26 = arith.constant 250 : i32
    %add3A_27 = arith.addi %mul3A_2, %add3A_26 : i32
    "tpu.region"() ({
      %run_scoped3A_124 = tpu.sem_alloc : memref<!tpu.dma_semaphore, #tpu.memory_space<semaphore_mem>>
      %dma_start3A_125 = arith.constant 0 : i32
      %dma_start3A_126 = tpu.memref_slice %arg16[%add3A_27, %dma_start3A_125] : memref<10000x128xf32, #tpu.memory_space<vmem_shared>> -> memref<50x128xf32, #tpu.memory_space<vmem_shared>>
      %dma_start3A_127 = arith.constant 0 : i32
      %dma_start3A_128 = tpu.memref_slice %arg16[%add3A_27, %dma_start3A_127] : memref<10000x128xf32, #tpu.memory_space<vmem_shared>> -> memref<50x128xf32, #tpu.memory_space<vmem_shared>>
      tpu.enqueue_dma source(%arg12 : memref<50x128xf32, #tpu.memory_space<vmem>>) target(%dma_start3A_128 : memref<50x128xf32, #tpu.memory_space<vmem_shared>>) target_semaphore(%run_scoped3A_124 : memref<!tpu.dma_semaphore, #tpu.memory_space<semaphore_mem>>)
      %dma_wait3A_129 = arith.constant 0 : i32
      %dma_wait3A_130 = tpu.memref_slice %arg16[%add3A_27, %dma_wait3A_129] : memref<10000x128xf32, #tpu.memory_space<vmem_shared>> -> memref<50x128xf32, #tpu.memory_space<vmem_shared>>
      %dma_wait3A_131 = arith.constant 0 : i32
      %dma_wait3A_132 = tpu.memref_slice %arg16[%add3A_27, %dma_wait3A_131] : memref<10000x128xf32, #tpu.memory_space<vmem_shared>> -> memref<50x128xf32, #tpu.memory_space<vmem_shared>>
      tpu.wait_dma2 semaphore(%run_scoped3A_124 : memref<!tpu.dma_semaphore, #tpu.memory_space<semaphore_mem>>) src(%arg12 : memref<50x128xf32, #tpu.memory_space<vmem>>) dst(%dma_wait3A_132 : memref<50x128xf32, #tpu.memory_space<vmem_shared>>)
      tpu.yield
    }) : () -> ()
    %add3A_28 = arith.constant 300 : i32
    %add3A_29 = arith.addi %mul3A_2, %add3A_28 : i32
    "tpu.region"() ({
      %run_scoped3A_124 = tpu.sem_alloc : memref<!tpu.dma_semaphore, #tpu.memory_space<semaphore_mem>>
      %dma_start3A_125 = arith.constant 0 : i32
      %dma_start3A_126 = tpu.memref_slice %arg16[%add3A_29, %dma_start3A_125] : memref<10000x128xf32, #tpu.memory_space<vmem_shared>> -> memref<50x128xf32, #tpu.memory_space<vmem_shared>>
      %dma_start3A_127 = arith.constant 0 : i32
      %dma_start3A_128 = tpu.memref_slice %arg16[%add3A_29, %dma_start3A_127] : memref<10000x128xf32, #tpu.memory_space<vmem_shared>> -> memref<50x128xf32, #tpu.memory_space<vmem_shared>>
      tpu.enqueue_dma source(%arg12 : memref<50x128xf32, #tpu.memory_space<vmem>>) target(%dma_start3A_128 : memref<50x128xf32, #tpu.memory_space<vmem_shared>>) target_semaphore(%run_scoped3A_124 : memref<!tpu.dma_semaphore, #tpu.memory_space<semaphore_mem>>)
      %dma_wait3A_129 = arith.constant 0 : i32
      %dma_wait3A_130 = tpu.memref_slice %arg16[%add3A_29, %dma_wait3A_129] : memref<10000x128xf32, #tpu.memory_space<vmem_shared>> -> memref<50x128xf32, #tpu.memory_space<vmem_shared>>
      %dma_wait3A_131 = arith.constant 0 : i32
      %dma_wait3A_132 = tpu.memref_slice %arg16[%add3A_29, %dma_wait3A_131] : memref<10000x128xf32, #tpu.memory_space<vmem_shared>> -> memref<50x128xf32, #tpu.memory_space<vmem_shared>>
      tpu.wait_dma2 semaphore(%run_scoped3A_124 : memref<!tpu.dma_semaphore, #tpu.memory_space<semaphore_mem>>) src(%arg12 : memref<50x128xf32, #tpu.memory_space<vmem>>) dst(%dma_wait3A_132 : memref<50x128xf32, #tpu.memory_space<vmem_shared>>)
      tpu.yield
    }) : () -> ()
    %add3A_30 = arith.constant 350 : i32
    %add3A_31 = arith.addi %mul3A_2, %add3A_30 : i32
    "tpu.region"() ({
      %run_scoped3A_124 = tpu.sem_alloc : memref<!tpu.dma_semaphore, #tpu.memory_space<semaphore_mem>>
      %dma_start3A_125 = arith.constant 0 : i32
      %dma_start3A_126 = tpu.memref_slice %arg16[%add3A_31, %dma_start3A_125] : memref<10000x128xf32, #tpu.memory_space<vmem_shared>> -> memref<50x128xf32, #tpu.memory_space<vmem_shared>>
      %dma_start3A_127 = arith.constant 0 : i32
      %dma_start3A_128 = tpu.memref_slice %arg16[%add3A_31, %dma_start3A_127] : memref<10000x128xf32, #tpu.memory_space<vmem_shared>> -> memref<50x128xf32, #tpu.memory_space<vmem_shared>>
      tpu.enqueue_dma source(%arg12 : memref<50x128xf32, #tpu.memory_space<vmem>>) target(%dma_start3A_128 : memref<50x128xf32, #tpu.memory_space<vmem_shared>>) target_semaphore(%run_scoped3A_124 : memref<!tpu.dma_semaphore, #tpu.memory_space<semaphore_mem>>)
      %dma_wait3A_129 = arith.constant 0 : i32
      %dma_wait3A_130 = tpu.memref_slice %arg16[%add3A_31, %dma_wait3A_129] : memref<10000x128xf32, #tpu.memory_space<vmem_shared>> -> memref<50x128xf32, #tpu.memory_space<vmem_shared>>
      %dma_wait3A_131 = arith.constant 0 : i32
      %dma_wait3A_132 = tpu.memref_slice %arg16[%add3A_31, %dma_wait3A_131] : memref<10000x128xf32, #tpu.memory_space<vmem_shared>> -> memref<50x128xf32, #tpu.memory_space<vmem_shared>>
      tpu.wait_dma2 semaphore(%run_scoped3A_124 : memref<!tpu.dma_semaphore, #tpu.memory_space<semaphore_mem>>) src(%arg12 : memref<50x128xf32, #tpu.memory_space<vmem>>) dst(%dma_wait3A_132 : memref<50x128xf32, #tpu.memory_space<vmem_shared>>)
      tpu.yield
    }) : () -> ()
    %add3A_32 = arith.constant 400 : i32
    %add3A_33 = arith.addi %mul3A_2, %add3A_32 : i32
    "tpu.region"() ({
      %run_scoped3A_124 = tpu.sem_alloc : memref<!tpu.dma_semaphore, #tpu.memory_space<semaphore_mem>>
      %dma_start3A_125 = arith.constant 0 : i32
      %dma_start3A_126 = tpu.memref_slice %arg16[%add3A_33, %dma_start3A_125] : memref<10000x128xf32, #tpu.memory_space<vmem_shared>> -> memref<50x128xf32, #tpu.memory_space<vmem_shared>>
      %dma_start3A_127 = arith.constant 0 : i32
      %dma_start3A_128 = tpu.memref_slice %arg16[%add3A_33, %dma_start3A_127] : memref<10000x128xf32, #tpu.memory_space<vmem_shared>> -> memref<50x128xf32, #tpu.memory_space<vmem_shared>>
      tpu.enqueue_dma source(%arg12 : memref<50x128xf32, #tpu.memory_space<vmem>>) target(%dma_start3A_128 : memref<50x128xf32, #tpu.memory_space<vmem_shared>>) target_semaphore(%run_scoped3A_124 : memref<!tpu.dma_semaphore, #tpu.memory_space<semaphore_mem>>)
      %dma_wait3A_129 = arith.constant 0 : i32
      %dma_wait3A_130 = tpu.memref_slice %arg16[%add3A_33, %dma_wait3A_129] : memref<10000x128xf32, #tpu.memory_space<vmem_shared>> -> memref<50x128xf32, #tpu.memory_space<vmem_shared>>
      %dma_wait3A_131 = arith.constant 0 : i32
      %dma_wait3A_132 = tpu.memref_slice %arg16[%add3A_33, %dma_wait3A_131] : memref<10000x128xf32, #tpu.memory_space<vmem_shared>> -> memref<50x128xf32, #tpu.memory_space<vmem_shared>>
      tpu.wait_dma2 semaphore(%run_scoped3A_124 : memref<!tpu.dma_semaphore, #tpu.memory_space<semaphore_mem>>) src(%arg12 : memref<50x128xf32, #tpu.memory_space<vmem>>) dst(%dma_wait3A_132 : memref<50x128xf32, #tpu.memory_space<vmem_shared>>)
      tpu.yield
    }) : () -> ()
    %add3A_34 = arith.constant 450 : i32
    %add3A_35 = arith.addi %mul3A_2, %add3A_34 : i32
    "tpu.region"() ({
      %run_scoped3A_124 = tpu.sem_alloc : memref<!tpu.dma_semaphore, #tpu.memory_space<semaphore_mem>>
      %dma_start3A_125 = arith.constant 0 : i32
      %dma_start3A_126 = tpu.memref_slice %arg16[%add3A_35, %dma_start3A_125] : memref<10000x128xf32, #tpu.memory_space<vmem_shared>> -> memref<50x128xf32, #tpu.memory_space<vmem_shared>>
      %dma_start3A_127 = arith.constant 0 : i32
      %dma_start3A_128 = tpu.memref_slice %arg16[%add3A_35, %dma_start3A_127] : memref<10000x128xf32, #tpu.memory_space<vmem_shared>> -> memref<50x128xf32, #tpu.memory_space<vmem_shared>>
      tpu.enqueue_dma source(%arg12 : memref<50x128xf32, #tpu.memory_space<vmem>>) target(%dma_start3A_128 : memref<50x128xf32, #tpu.memory_space<vmem_shared>>) target_semaphore(%run_scoped3A_124 : memref<!tpu.dma_semaphore, #tpu.memory_space<semaphore_mem>>)
      %dma_wait3A_129 = arith.constant 0 : i32
      %dma_wait3A_130 = tpu.memref_slice %arg16[%add3A_35, %dma_wait3A_129] : memref<10000x128xf32, #tpu.memory_space<vmem_shared>> -> memref<50x128xf32, #tpu.memory_space<vmem_shared>>
      %dma_wait3A_131 = arith.constant 0 : i32
      %dma_wait3A_132 = tpu.memref_slice %arg16[%add3A_35, %dma_wait3A_131] : memref<10000x128xf32, #tpu.memory_space<vmem_shared>> -> memref<50x128xf32, #tpu.memory_space<vmem_shared>>
      tpu.wait_dma2 semaphore(%run_scoped3A_124 : memref<!tpu.dma_semaphore, #tpu.memory_space<semaphore_mem>>) src(%arg12 : memref<50x128xf32, #tpu.memory_space<vmem>>) dst(%dma_wait3A_132 : memref<50x128xf32, #tpu.memory_space<vmem_shared>>)
      tpu.yield
    }) : () -> ()
    %add3A_36 = arith.constant 500 : i32
    %add3A_37 = arith.addi %mul3A_2, %add3A_36 : i32
    "tpu.region"() ({
      %run_scoped3A_124 = tpu.sem_alloc : memref<!tpu.dma_semaphore, #tpu.memory_space<semaphore_mem>>
      %dma_start3A_125 = arith.constant 0 : i32
      %dma_start3A_126 = tpu.memref_slice %arg16[%add3A_37, %dma_start3A_125] : memref<10000x128xf32, #tpu.memory_space<vmem_shared>> -> memref<50x128xf32, #tpu.memory_space<vmem_shared>>
      %dma_start3A_127 = arith.constant 0 : i32
      %dma_start3A_128 = tpu.memref_slice %arg16[%add3A_37, %dma_start3A_127] : memref<10000x128xf32, #tpu.memory_space<vmem_shared>> -> memref<50x128xf32, #tpu.memory_space<vmem_shared>>
      tpu.enqueue_dma source(%arg12 : memref<50x128xf32, #tpu.memory_space<vmem>>) target(%dma_start3A_128 : memref<50x128xf32, #tpu.memory_space<vmem_shared>>) target_semaphore(%run_scoped3A_124 : memref<!tpu.dma_semaphore, #tpu.memory_space<semaphore_mem>>)
      %dma_wait3A_129 = arith.constant 0 : i32
      %dma_wait3A_130 = tpu.memref_slice %arg16[%add3A_37, %dma_wait3A_129] : memref<10000x128xf32, #tpu.memory_space<vmem_shared>> -> memref<50x128xf32, #tpu.memory_space<vmem_shared>>
      %dma_wait3A_131 = arith.constant 0 : i32
      %dma_wait3A_132 = tpu.memref_slice %arg16[%add3A_37, %dma_wait3A_131] : memref<10000x128xf32, #tpu.memory_space<vmem_shared>> -> memref<50x128xf32, #tpu.memory_space<vmem_shared>>
      tpu.wait_dma2 semaphore(%run_scoped3A_124 : memref<!tpu.dma_semaphore, #tpu.memory_space<semaphore_mem>>) src(%arg12 : memref<50x128xf32, #tpu.memory_space<vmem>>) dst(%dma_wait3A_132 : memref<50x128xf32, #tpu.memory_space<vmem_shared>>)
      tpu.yield
    }) : () -> ()
    %add3A_38 = arith.constant 550 : i32
    %add3A_39 = arith.addi %mul3A_2, %add3A_38 : i32
    "tpu.region"() ({
      %run_scoped3A_124 = tpu.sem_alloc : memref<!tpu.dma_semaphore, #tpu.memory_space<semaphore_mem>>
      %dma_start3A_125 = arith.constant 0 : i32
      %dma_start3A_126 = tpu.memref_slice %arg16[%add3A_39, %dma_start3A_125] : memref<10000x128xf32, #tpu.memory_space<vmem_shared>> -> memref<50x128xf32, #tpu.memory_space<vmem_shared>>
      %dma_start3A_127 = arith.constant 0 : i32
      %dma_start3A_128 = tpu.memref_slice %arg16[%add3A_39, %dma_start3A_127] : memref<10000x128xf32, #tpu.memory_space<vmem_shared>> -> memref<50x128xf32, #tpu.memory_space<vmem_shared>>
      tpu.enqueue_dma source(%arg12 : memref<50x128xf32, #tpu.memory_space<vmem>>) target(%dma_start3A_128 : memref<50x128xf32, #tpu.memory_space<vmem_shared>>) target_semaphore(%run_scoped3A_124 : memref<!tpu.dma_semaphore, #tpu.memory_space<semaphore_mem>>)
      %dma_wait3A_129 = arith.constant 0 : i32
      %dma_wait3A_130 = tpu.memref_slice %arg16[%add3A_39, %dma_wait3A_129] : memref<10000x128xf32, #tpu.memory_space<vmem_shared>> -> memref<50x128xf32, #tpu.memory_space<vmem_shared>>
      %dma_wait3A_131 = arith.constant 0 : i32
      %dma_wait3A_132 = tpu.memref_slice %arg16[%add3A_39, %dma_wait3A_131] : memref<10000x128xf32, #tpu.memory_space<vmem_shared>> -> memref<50x128xf32, #tpu.memory_space<vmem_shared>>
      tpu.wait_dma2 semaphore(%run_scoped3A_124 : memref<!tpu.dma_semaphore, #tpu.memory_space<semaphore_mem>>) src(%arg12 : memref<50x128xf32, #tpu.memory_space<vmem>>) dst(%dma_wait3A_132 : memref<50x128xf32, #tpu.memory_space<vmem_shared>>)
      tpu.yield
    }) : () -> ()
    %add3A_40 = arith.constant 600 : i32
    %add3A_41 = arith.addi %mul3A_2, %add3A_40 : i32
    "tpu.region"() ({
      %run_scoped3A_124 = tpu.sem_alloc : memref<!tpu.dma_semaphore, #tpu.memory_space<semaphore_mem>>
      %dma_start3A_125 = arith.constant 0 : i32
      %dma_start3A_126 = arith.constant 0 : i32
      %dma_start3A_127 = tpu.memref_slice %arg12[%dma_start3A_125, %dma_start3A_126] : memref<50x128xf32, #tpu.memory_space<vmem>> -> memref<25x128xf32, #tpu.memory_space<vmem>>
      %dma_start3A_128 = arith.constant 0 : i32
      %dma_start3A_129 = tpu.memref_slice %arg16[%add3A_41, %dma_start3A_128] : memref<10000x128xf32, #tpu.memory_space<vmem_shared>> -> memref<25x128xf32, #tpu.memory_space<vmem_shared>>
      %dma_start3A_130 = arith.constant 0 : i32
      %dma_start3A_131 = tpu.memref_slice %arg16[%add3A_41, %dma_start3A_130] : memref<10000x128xf32, #tpu.memory_space<vmem_shared>> -> memref<25x128xf32, #tpu.memory_space<vmem_shared>>
      %dma_start3A_132 = arith.constant 0 : i32
      %dma_start3A_133 = arith.constant 0 : i32
      %dma_start3A_134 = tpu.memref_slice %arg12[%dma_start3A_132, %dma_start3A_133] : memref<50x128xf32, #tpu.memory_space<vmem>> -> memref<25x128xf32, #tpu.memory_space<vmem>>
      tpu.enqueue_dma source(%dma_start3A_134 : memref<25x128xf32, #tpu.memory_space<vmem>>) target(%dma_start3A_131 : memref<25x128xf32, #tpu.memory_space<vmem_shared>>) target_semaphore(%run_scoped3A_124 : memref<!tpu.dma_semaphore, #tpu.memory_space<semaphore_mem>>)
      %dma_wait3A_135 = arith.constant 0 : i32
      %dma_wait3A_136 = arith.constant 0 : i32
      %dma_wait3A_137 = tpu.memref_slice %arg12[%dma_wait3A_135, %dma_wait3A_136] : memref<50x128xf32, #tpu.memory_space<vmem>> -> memref<25x128xf32, #tpu.memory_space<vmem>>
      %dma_wait3A_138 = arith.constant 0 : i32
      %dma_wait3A_139 = tpu.memref_slice %arg16[%add3A_41, %dma_wait3A_138] : memref<10000x128xf32, #tpu.memory_space<vmem_shared>> -> memref<25x128xf32, #tpu.memory_space<vmem_shared>>
      %dma_wait3A_140 = arith.constant 0 : i32
      %dma_wait3A_141 = tpu.memref_slice %arg16[%add3A_41, %dma_wait3A_140] : memref<10000x128xf32, #tpu.memory_space<vmem_shared>> -> memref<25x128xf32, #tpu.memory_space<vmem_shared>>
      %dma_wait3A_142 = arith.constant 0 : i32
      %dma_wait3A_143 = arith.constant 0 : i32
      %dma_wait3A_144 = tpu.memref_slice %arg12[%dma_wait3A_142, %dma_wait3A_143] : memref<50x128xf32, #tpu.memory_space<vmem>> -> memref<25x128xf32, #tpu.memory_space<vmem>>
      tpu.wait_dma2 semaphore(%run_scoped3A_124 : memref<!tpu.dma_semaphore, #tpu.memory_space<semaphore_mem>>) src(%dma_wait3A_144 : memref<25x128xf32, #tpu.memory_space<vmem>>) dst(%dma_wait3A_141 : memref<25x128xf32, #tpu.memory_space<vmem_shared>>)
      tpu.yield
    }) : () -> ()
    %barrier3A = arith.constant 0 : index
    tpu.barrier barrier_id(%barrier3A)
    %dma_start3A_42 = arith.constant 2 : i32
    %dma_start3A_43 = arith.constant 0 : i32
    %dma_start3A_44 = tpu.memref_slice %arg8[%dma_start3A_42, %dma_start3A_43] : memref<100x50xi32, #tpu.memory_space<vmem>> -> memref<1x50xi32, #tpu.memory_space<vmem>>
    %dma_start3A_45 = tpu.memref_squeeze %dma_start3A_44 : memref<1x50xi32, #tpu.memory_space<vmem>> -> memref<50xi32, #tpu.memory_space<vmem>>
    %dma_start3A_46 = arith.constant 0 : i32
    %dma_start3A_47 = arith.constant 0 : i32
    %dma_start3A_48 = tpu.memref_slice %arg5[%dma_start3A_46, %dma_start3A_47] : memref<10000x128xf32, #tpu.memory_space<hbm>> -> memref<10000x128xf32, #tpu.memory_space<hbm>>
    tpu.enqueue_indirect_dma source(%dma_start3A_48 : memref<10000x128xf32, #tpu.memory_space<hbm>>) target(%arg12 : memref<50x128xf32, #tpu.memory_space<vmem>>) offsets(%dma_start3A_45 : memref<50xi32, #tpu.memory_space<vmem>>) semaphore(%arg15 : memref<!tpu.dma_semaphore, #tpu.memory_space<semaphore_mem>>)
    %scan3A = arith.constant 0 : i32
    %scan3A_49 = arith.constant 0 : i32
    %scan3A_50 = arith.constant 33 : i32
    %scan3A_51 = arith.addi %scan3A_49, %scan3A_50 : i32
    %scan3A_52 = arith.constant 1 : i32
    scf.for %scan3A_124 = %scan3A_49 to %scan3A_51 step %scan3A_52  : i32 {
      %mul3A_125 = arith.constant 3 : i32
      %mul3A_126 = arith.muli %scan3A_124, %mul3A_125 : i32
      %add3A_127 = arith.constant 0 : i32
      %add3A_128 = arith.addi %mul3A_126, %add3A_127 : i32
      %dma_wait3A_129 = arith.constant 0 : i32
      %dma_wait3A_130 = tpu.memref_slice %arg8[%add3A_128, %dma_wait3A_129] : memref<100x50xi32, #tpu.memory_space<vmem>> -> memref<1x50xi32, #tpu.memory_space<vmem>>
      %dma_wait3A_131 = tpu.memref_squeeze %dma_wait3A_130 : memref<1x50xi32, #tpu.memory_space<vmem>> -> memref<50xi32, #tpu.memory_space<vmem>>
      %dma_wait3A_132 = arith.constant 0 : i32
      %dma_wait3A_133 = arith.constant 0 : i32
      %dma_wait3A_134 = tpu.memref_slice %arg5[%dma_wait3A_132, %dma_wait3A_133] : memref<10000x128xf32, #tpu.memory_space<hbm>> -> memref<10000x128xf32, #tpu.memory_space<hbm>>
      tpu.wait_indirect_dma semaphore(%arg13 : memref<!tpu.dma_semaphore, #tpu.memory_space<semaphore_mem>>) src(%dma_wait3A_134 : memref<10000x128xf32, #tpu.memory_space<hbm>>) dst(%arg10 : memref<50x128xf32, #tpu.memory_space<vmem>>)
      "tpu.region"() ({
        %run_scoped3A_173 = tpu.sem_alloc : memref<!tpu.dma_semaphore, #tpu.memory_space<semaphore_mem>>
        %dma_start3A_174 = arith.constant 0 : i32
        %dma_start3A_175 = tpu.memref_slice %arg9[%add3A_128, %dma_start3A_174] : memref<100x50xi32, #tpu.memory_space<vmem>> -> memref<1x50xi32, #tpu.memory_space<vmem>>
        %dma_start3A_176 = tpu.memref_squeeze %dma_start3A_175 : memref<1x50xi32, #tpu.memory_space<vmem>> -> memref<50xi32, #tpu.memory_space<vmem>>
        %dma_start3A_177 = arith.constant 0 : i32
        %dma_start3A_178 = arith.constant 0 : i32
        %dma_start3A_179 = tpu.memref_slice %arg16[%dma_start3A_177, %dma_start3A_178] : memref<10000x128xf32, #tpu.memory_space<vmem_shared>> -> memref<10000x128xf32, #tpu.memory_space<vmem_shared>>
        tpu.enqueue_indirect_dma source(%arg10 : memref<50x128xf32, #tpu.memory_space<vmem>>) target(%dma_start3A_179 : memref<10000x128xf32, #tpu.memory_space<vmem_shared>>) offsets(%dma_start3A_176 : memref<50xi32, #tpu.memory_space<vmem>>) semaphore(%run_scoped3A_173 : memref<!tpu.dma_semaphore, #tpu.memory_space<semaphore_mem>>) {add = true}
        %dma_wait3A_180 = arith.constant 0 : i32
        %dma_wait3A_181 = tpu.memref_slice %arg9[%add3A_128, %dma_wait3A_180] : memref<100x50xi32, #tpu.memory_space<vmem>> -> memref<1x50xi32, #tpu.memory_space<vmem>>
        %dma_wait3A_182 = tpu.memref_squeeze %dma_wait3A_181 : memref<1x50xi32, #tpu.memory_space<vmem>> -> memref<50xi32, #tpu.memory_space<vmem>>
        %dma_wait3A_183 = arith.constant 0 : i32
        %dma_wait3A_184 = arith.constant 0 : i32
        %dma_wait3A_185 = tpu.memref_slice %arg16[%dma_wait3A_183, %dma_wait3A_184] : memref<10000x128xf32, #tpu.memory_space<vmem_shared>> -> memref<10000x128xf32, #tpu.memory_space<vmem_shared>>
        tpu.wait_indirect_dma semaphore(%run_scoped3A_173 : memref<!tpu.dma_semaphore, #tpu.memory_space<semaphore_mem>>) src(%arg10 : memref<50x128xf32, #tpu.memory_space<vmem>>) dst(%dma_wait3A_185 : memref<10000x128xf32, #tpu.memory_space<vmem_shared>>)
        tpu.yield
      }) : () -> ()
      %add3A_135 = arith.constant 3 : i32
      %add3A_136 = arith.addi %add3A_128, %add3A_135 : i32
      %lt3A = arith.constant 100 : i32
      %lt3A_137 = arith.cmpi slt, %add3A_136, %lt3A : i32
      %convert_element_type3A = arith.extui %lt3A_137 : i1 to i32
      %cond3A = arith.constant 0 : i32
      %cond3A_138 = arith.cmpi ne, %convert_element_type3A, %cond3A : i32
      scf.if %cond3A_138 {
        %add3A_173 = arith.constant 3 : i32
        %add3A_174 = arith.addi %add3A_128, %add3A_173 : i32
        %dma_start3A_175 = arith.constant 0 : i32
        %dma_start3A_176 = tpu.memref_slice %arg8[%add3A_174, %dma_start3A_175] : memref<100x50xi32, #tpu.memory_space<vmem>> -> memref<1x50xi32, #tpu.memory_space<vmem>>
        %dma_start3A_177 = tpu.memref_squeeze %dma_start3A_176 : memref<1x50xi32, #tpu.memory_space<vmem>> -> memref<50xi32, #tpu.memory_space<vmem>>
        %dma_start3A_178 = arith.constant 0 : i32
        %dma_start3A_179 = arith.constant 0 : i32
        %dma_start3A_180 = tpu.memref_slice %arg5[%dma_start3A_178, %dma_start3A_179] : memref<10000x128xf32, #tpu.memory_space<hbm>> -> memref<10000x128xf32, #tpu.memory_space<hbm>>
        tpu.enqueue_indirect_dma source(%dma_start3A_180 : memref<10000x128xf32, #tpu.memory_space<hbm>>) target(%arg10 : memref<50x128xf32, #tpu.memory_space<vmem>>) offsets(%dma_start3A_177 : memref<50xi32, #tpu.memory_space<vmem>>) semaphore(%arg13 : memref<!tpu.dma_semaphore, #tpu.memory_space<semaphore_mem>>)
      } else {
      }
      %mul3A_139 = arith.constant 3 : i32
      %mul3A_140 = arith.muli %scan3A_124, %mul3A_139 : i32
      %add3A_141 = arith.constant 1 : i32
      %add3A_142 = arith.addi %mul3A_140, %add3A_141 : i32
      %dma_wait3A_143 = arith.constant 0 : i32
      %dma_wait3A_144 = tpu.memref_slice %arg8[%add3A_142, %dma_wait3A_143] : memref<100x50xi32, #tpu.memory_space<vmem>> -> memref<1x50xi32, #tpu.memory_space<vmem>>
      %dma_wait3A_145 = tpu.memref_squeeze %dma_wait3A_144 : memref<1x50xi32, #tpu.memory_space<vmem>> -> memref<50xi32, #tpu.memory_space<vmem>>
      %dma_wait3A_146 = arith.constant 0 : i32
      %dma_wait3A_147 = arith.constant 0 : i32
      %dma_wait3A_148 = tpu.memref_slice %arg5[%dma_wait3A_146, %dma_wait3A_147] : memref<10000x128xf32, #tpu.memory_space<hbm>> -> memref<10000x128xf32, #tpu.memory_space<hbm>>
      tpu.wait_indirect_dma semaphore(%arg14 : memref<!tpu.dma_semaphore, #tpu.memory_space<semaphore_mem>>) src(%dma_wait3A_148 : memref<10000x128xf32, #tpu.memory_space<hbm>>) dst(%arg11 : memref<50x128xf32, #tpu.memory_space<vmem>>)
      "tpu.region"() ({
        %run_scoped3A_173 = tpu.sem_alloc : memref<!tpu.dma_semaphore, #tpu.memory_space<semaphore_mem>>
        %dma_start3A_174 = arith.constant 0 : i32
        %dma_start3A_175 = tpu.memref_slice %arg9[%add3A_142, %dma_start3A_174] : memref<100x50xi32, #tpu.memory_space<vmem>> -> memref<1x50xi32, #tpu.memory_space<vmem>>
        %dma_start3A_176 = tpu.memref_squeeze %dma_start3A_175 : memref<1x50xi32, #tpu.memory_space<vmem>> -> memref<50xi32, #tpu.memory_space<vmem>>
        %dma_start3A_177 = arith.constant 0 : i32
        %dma_start3A_178 = arith.constant 0 : i32
        %dma_start3A_179 = tpu.memref_slice %arg16[%dma_start3A_177, %dma_start3A_178] : memref<10000x128xf32, #tpu.memory_space<vmem_shared>> -> memref<10000x128xf32, #tpu.memory_space<vmem_shared>>
        tpu.enqueue_indirect_dma source(%arg11 : memref<50x128xf32, #tpu.memory_space<vmem>>) target(%dma_start3A_179 : memref<10000x128xf32, #tpu.memory_space<vmem_shared>>) offsets(%dma_start3A_176 : memref<50xi32, #tpu.memory_space<vmem>>) semaphore(%run_scoped3A_173 : memref<!tpu.dma_semaphore, #tpu.memory_space<semaphore_mem>>) {add = true}
        %dma_wait3A_180 = arith.constant 0 : i32
        %dma_wait3A_181 = tpu.memref_slice %arg9[%add3A_142, %dma_wait3A_180] : memref<100x50xi32, #tpu.memory_space<vmem>> -> memref<1x50xi32, #tpu.memory_space<vmem>>
        %dma_wait3A_182 = tpu.memref_squeeze %dma_wait3A_181 : memref<1x50xi32, #tpu.memory_space<vmem>> -> memref<50xi32, #tpu.memory_space<vmem>>
        %dma_wait3A_183 = arith.constant 0 : i32
        %dma_wait3A_184 = arith.constant 0 : i32
        %dma_wait3A_185 = tpu.memref_slice %arg16[%dma_wait3A_183, %dma_wait3A_184] : memref<10000x128xf32, #tpu.memory_space<vmem_shared>> -> memref<10000x128xf32, #tpu.memory_space<vmem_shared>>
        tpu.wait_indirect_dma semaphore(%run_scoped3A_173 : memref<!tpu.dma_semaphore, #tpu.memory_space<semaphore_mem>>) src(%arg11 : memref<50x128xf32, #tpu.memory_space<vmem>>) dst(%dma_wait3A_185 : memref<10000x128xf32, #tpu.memory_space<vmem_shared>>)
        tpu.yield
      }) : () -> ()
      %add3A_149 = arith.constant 3 : i32
      %add3A_150 = arith.addi %add3A_142, %add3A_149 : i32
      %lt3A_151 = arith.constant 100 : i32
      %lt3A_152 = arith.cmpi slt, %add3A_150, %lt3A_151 : i32
      %convert_element_type3A_153 = arith.extui %lt3A_152 : i1 to i32
      %cond3A_154 = arith.constant 0 : i32
      %cond3A_155 = arith.cmpi ne, %convert_element_type3A_153, %cond3A_154 : i32
      scf.if %cond3A_155 {
        %add3A_173 = arith.constant 3 : i32
        %add3A_174 = arith.addi %add3A_142, %add3A_173 : i32
        %dma_start3A_175 = arith.constant 0 : i32
        %dma_start3A_176 = tpu.memref_slice %arg8[%add3A_174, %dma_start3A_175] : memref<100x50xi32, #tpu.memory_space<vmem>> -> memref<1x50xi32, #tpu.memory_space<vmem>>
        %dma_start3A_177 = tpu.memref_squeeze %dma_start3A_176 : memref<1x50xi32, #tpu.memory_space<vmem>> -> memref<50xi32, #tpu.memory_space<vmem>>
        %dma_start3A_178 = arith.constant 0 : i32
        %dma_start3A_179 = arith.constant 0 : i32
        %dma_start3A_180 = tpu.memref_slice %arg5[%dma_start3A_178, %dma_start3A_179] : memref<10000x128xf32, #tpu.memory_space<hbm>> -> memref<10000x128xf32, #tpu.memory_space<hbm>>
        tpu.enqueue_indirect_dma source(%dma_start3A_180 : memref<10000x128xf32, #tpu.memory_space<hbm>>) target(%arg11 : memref<50x128xf32, #tpu.memory_space<vmem>>) offsets(%dma_start3A_177 : memref<50xi32, #tpu.memory_space<vmem>>) semaphore(%arg14 : memref<!tpu.dma_semaphore, #tpu.memory_space<semaphore_mem>>)
      } else {
      }
      %mul3A_156 = arith.constant 3 : i32
      %mul3A_157 = arith.muli %scan3A_124, %mul3A_156 : i32
      %add3A_158 = arith.constant 2 : i32
      %add3A_159 = arith.addi %mul3A_157, %add3A_158 : i32
      %dma_wait3A_160 = arith.constant 0 : i32
      %dma_wait3A_161 = tpu.memref_slice %arg8[%add3A_159, %dma_wait3A_160] : memref<100x50xi32, #tpu.memory_space<vmem>> -> memref<1x50xi32, #tpu.memory_space<vmem>>
      %dma_wait3A_162 = tpu.memref_squeeze %dma_wait3A_161 : memref<1x50xi32, #tpu.memory_space<vmem>> -> memref<50xi32, #tpu.memory_space<vmem>>
      %dma_wait3A_163 = arith.constant 0 : i32
      %dma_wait3A_164 = arith.constant 0 : i32
      %dma_wait3A_165 = tpu.memref_slice %arg5[%dma_wait3A_163, %dma_wait3A_164] : memref<10000x128xf32, #tpu.memory_space<hbm>> -> memref<10000x128xf32, #tpu.memory_space<hbm>>
      tpu.wait_indirect_dma semaphore(%arg15 : memref<!tpu.dma_semaphore, #tpu.memory_space<semaphore_mem>>) src(%dma_wait3A_165 : memref<10000x128xf32, #tpu.memory_space<hbm>>) dst(%arg12 : memref<50x128xf32, #tpu.memory_space<vmem>>)
      "tpu.region"() ({
        %run_scoped3A_173 = tpu.sem_alloc : memref<!tpu.dma_semaphore, #tpu.memory_space<semaphore_mem>>
        %dma_start3A_174 = arith.constant 0 : i32
        %dma_start3A_175 = tpu.memref_slice %arg9[%add3A_159, %dma_start3A_174] : memref<100x50xi32, #tpu.memory_space<vmem>> -> memref<1x50xi32, #tpu.memory_space<vmem>>
        %dma_start3A_176 = tpu.memref_squeeze %dma_start3A_175 : memref<1x50xi32, #tpu.memory_space<vmem>> -> memref<50xi32, #tpu.memory_space<vmem>>
        %dma_start3A_177 = arith.constant 0 : i32
        %dma_start3A_178 = arith.constant 0 : i32
        %dma_start3A_179 = tpu.memref_slice %arg16[%dma_start3A_177, %dma_start3A_178] : memref<10000x128xf32, #tpu.memory_space<vmem_shared>> -> memref<10000x128xf32, #tpu.memory_space<vmem_shared>>
        tpu.enqueue_indirect_dma source(%arg12 : memref<50x128xf32, #tpu.memory_space<vmem>>) target(%dma_start3A_179 : memref<10000x128xf32, #tpu.memory_space<vmem_shared>>) offsets(%dma_start3A_176 : memref<50xi32, #tpu.memory_space<vmem>>) semaphore(%run_scoped3A_173 : memref<!tpu.dma_semaphore, #tpu.memory_space<semaphore_mem>>) {add = true}
        %dma_wait3A_180 = arith.constant 0 : i32
        %dma_wait3A_181 = tpu.memref_slice %arg9[%add3A_159, %dma_wait3A_180] : memref<100x50xi32, #tpu.memory_space<vmem>> -> memref<1x50xi32, #tpu.memory_space<vmem>>
        %dma_wait3A_182 = tpu.memref_squeeze %dma_wait3A_181 : memref<1x50xi32, #tpu.memory_space<vmem>> -> memref<50xi32, #tpu.memory_space<vmem>>
        %dma_wait3A_183 = arith.constant 0 : i32
        %dma_wait3A_184 = arith.constant 0 : i32
        %dma_wait3A_185 = tpu.memref_slice %arg16[%dma_wait3A_183, %dma_wait3A_184] : memref<10000x128xf32, #tpu.memory_space<vmem_shared>> -> memref<10000x128xf32, #tpu.memory_space<vmem_shared>>
        tpu.wait_indirect_dma semaphore(%run_scoped3A_173 : memref<!tpu.dma_semaphore, #tpu.memory_space<semaphore_mem>>) src(%arg12 : memref<50x128xf32, #tpu.memory_space<vmem>>) dst(%dma_wait3A_185 : memref<10000x128xf32, #tpu.memory_space<vmem_shared>>)
        tpu.yield
      }) : () -> ()
      %add3A_166 = arith.constant 3 : i32
      %add3A_167 = arith.addi %add3A_159, %add3A_166 : i32
      %lt3A_168 = arith.constant 100 : i32
      %lt3A_169 = arith.cmpi slt, %add3A_167, %lt3A_168 : i32
      %convert_element_type3A_170 = arith.extui %lt3A_169 : i1 to i32
      %cond3A_171 = arith.constant 0 : i32
      %cond3A_172 = arith.cmpi ne, %convert_element_type3A_170, %cond3A_171 : i32
      scf.if %cond3A_172 {
        %add3A_173 = arith.constant 3 : i32
        %add3A_174 = arith.addi %add3A_159, %add3A_173 : i32
        %dma_start3A_175 = arith.constant 0 : i32
        %dma_start3A_176 = tpu.memref_slice %arg8[%add3A_174, %dma_start3A_175] : memref<100x50xi32, #tpu.memory_space<vmem>> -> memref<1x50xi32, #tpu.memory_space<vmem>>
        %dma_start3A_177 = tpu.memref_squeeze %dma_start3A_176 : memref<1x50xi32, #tpu.memory_space<vmem>> -> memref<50xi32, #tpu.memory_space<vmem>>
        %dma_start3A_178 = arith.constant 0 : i32
        %dma_start3A_179 = arith.constant 0 : i32
        %dma_start3A_180 = tpu.memref_slice %arg5[%dma_start3A_178, %dma_start3A_179] : memref<10000x128xf32, #tpu.memory_space<hbm>> -> memref<10000x128xf32, #tpu.memory_space<hbm>>
        tpu.enqueue_indirect_dma source(%dma_start3A_180 : memref<10000x128xf32, #tpu.memory_space<hbm>>) target(%arg12 : memref<50x128xf32, #tpu.memory_space<vmem>>) offsets(%dma_start3A_177 : memref<50xi32, #tpu.memory_space<vmem>>) semaphore(%arg15 : memref<!tpu.dma_semaphore, #tpu.memory_space<semaphore_mem>>)
      } else {
      }
    }
    %scan3A_53 = arith.constant 33 : i32
    %dma_wait3A = arith.constant 99 : i32
    %dma_wait3A_54 = arith.constant 0 : i32
    %dma_wait3A_55 = tpu.memref_slice %arg8[%dma_wait3A, %dma_wait3A_54] : memref<100x50xi32, #tpu.memory_space<vmem>> -> memref<1x50xi32, #tpu.memory_space<vmem>>
    %dma_wait3A_56 = tpu.memref_squeeze %dma_wait3A_55 : memref<1x50xi32, #tpu.memory_space<vmem>> -> memref<50xi32, #tpu.memory_space<vmem>>
    %dma_wait3A_57 = arith.constant 0 : i32
    %dma_wait3A_58 = arith.constant 0 : i32
    %dma_wait3A_59 = tpu.memref_slice %arg5[%dma_wait3A_57, %dma_wait3A_58] : memref<10000x128xf32, #tpu.memory_space<hbm>> -> memref<10000x128xf32, #tpu.memory_space<hbm>>
    tpu.wait_indirect_dma semaphore(%arg13 : memref<!tpu.dma_semaphore, #tpu.memory_space<semaphore_mem>>) src(%dma_wait3A_59 : memref<10000x128xf32, #tpu.memory_space<hbm>>) dst(%arg10 : memref<50x128xf32, #tpu.memory_space<vmem>>)
    %run_scoped3A = arith.constant 99 : i32
    "tpu.region"() ({
      %run_scoped3A_124 = tpu.sem_alloc : memref<!tpu.dma_semaphore, #tpu.memory_space<semaphore_mem>>
      %dma_start3A_125 = arith.constant 0 : i32
      %dma_start3A_126 = tpu.memref_slice %arg9[%run_scoped3A, %dma_start3A_125] : memref<100x50xi32, #tpu.memory_space<vmem>> -> memref<1x50xi32, #tpu.memory_space<vmem>>
      %dma_start3A_127 = tpu.memref_squeeze %dma_start3A_126 : memref<1x50xi32, #tpu.memory_space<vmem>> -> memref<50xi32, #tpu.memory_space<vmem>>
      %dma_start3A_128 = arith.constant 0 : i32
      %dma_start3A_129 = arith.constant 0 : i32
      %dma_start3A_130 = tpu.memref_slice %arg16[%dma_start3A_128, %dma_start3A_129] : memref<10000x128xf32, #tpu.memory_space<vmem_shared>> -> memref<10000x128xf32, #tpu.memory_space<vmem_shared>>
      tpu.enqueue_indirect_dma source(%arg10 : memref<50x128xf32, #tpu.memory_space<vmem>>) target(%dma_start3A_130 : memref<10000x128xf32, #tpu.memory_space<vmem_shared>>) offsets(%dma_start3A_127 : memref<50xi32, #tpu.memory_space<vmem>>) semaphore(%run_scoped3A_124 : memref<!tpu.dma_semaphore, #tpu.memory_space<semaphore_mem>>) {add = true}
      %dma_wait3A_131 = arith.constant 0 : i32
      %dma_wait3A_132 = tpu.memref_slice %arg9[%run_scoped3A, %dma_wait3A_131] : memref<100x50xi32, #tpu.memory_space<vmem>> -> memref<1x50xi32, #tpu.memory_space<vmem>>
      %dma_wait3A_133 = tpu.memref_squeeze %dma_wait3A_132 : memref<1x50xi32, #tpu.memory_space<vmem>> -> memref<50xi32, #tpu.memory_space<vmem>>
      %dma_wait3A_134 = arith.constant 0 : i32
      %dma_wait3A_135 = arith.constant 0 : i32
      %dma_wait3A_136 = tpu.memref_slice %arg16[%dma_wait3A_134, %dma_wait3A_135] : memref<10000x128xf32, #tpu.memory_space<vmem_shared>> -> memref<10000x128xf32, #tpu.memory_space<vmem_shared>>
      tpu.wait_indirect_dma semaphore(%run_scoped3A_124 : memref<!tpu.dma_semaphore, #tpu.memory_space<semaphore_mem>>) src(%arg10 : memref<50x128xf32, #tpu.memory_space<vmem>>) dst(%dma_wait3A_136 : memref<10000x128xf32, #tpu.memory_space<vmem_shared>>)
      tpu.yield
    }) : () -> ()
    %barrier3A_60 = arith.constant 0 : index
    tpu.barrier barrier_id(%barrier3A_60)
    %dma_start3A_61 = arith.constant 0 : i32
    %dma_start3A_62 = arith.constant 0 : i32
    %dma_start3A_63 = tpu.memref_slice %arg8[%dma_start3A_61, %dma_start3A_62] : memref<100x50xi32, #tpu.memory_space<vmem>> -> memref<1x50xi32, #tpu.memory_space<vmem>>
    %dma_start3A_64 = tpu.memref_squeeze %dma_start3A_63 : memref<1x50xi32, #tpu.memory_space<vmem>> -> memref<50xi32, #tpu.memory_space<vmem>>
    %dma_start3A_65 = arith.constant 0 : i32
    %dma_start3A_66 = arith.constant 0 : i32
    %dma_start3A_67 = tpu.memref_slice %arg6[%dma_start3A_65, %dma_start3A_66] : memref<10000x128xf32, #tpu.memory_space<hbm>> -> memref<10000x128xf32, #tpu.memory_space<hbm>>
    tpu.enqueue_indirect_dma source(%dma_start3A_67 : memref<10000x128xf32, #tpu.memory_space<hbm>>) target(%arg10 : memref<50x128xf32, #tpu.memory_space<vmem>>) offsets(%dma_start3A_64 : memref<50xi32, #tpu.memory_space<vmem>>) semaphore(%arg13 : memref<!tpu.dma_semaphore, #tpu.memory_space<semaphore_mem>>)
    %dma_start3A_68 = arith.constant 1 : i32
    %dma_start3A_69 = arith.constant 0 : i32
    %dma_start3A_70 = tpu.memref_slice %arg8[%dma_start3A_68, %dma_start3A_69] : memref<100x50xi32, #tpu.memory_space<vmem>> -> memref<1x50xi32, #tpu.memory_space<vmem>>
    %dma_start3A_71 = tpu.memref_squeeze %dma_start3A_70 : memref<1x50xi32, #tpu.memory_space<vmem>> -> memref<50xi32, #tpu.memory_space<vmem>>
    %dma_start3A_72 = arith.constant 0 : i32
    %dma_start3A_73 = arith.constant 0 : i32
    %dma_start3A_74 = tpu.memref_slice %arg6[%dma_start3A_72, %dma_start3A_73] : memref<10000x128xf32, #tpu.memory_space<hbm>> -> memref<10000x128xf32, #tpu.memory_space<hbm>>
    tpu.enqueue_indirect_dma source(%dma_start3A_74 : memref<10000x128xf32, #tpu.memory_space<hbm>>) target(%arg11 : memref<50x128xf32, #tpu.memory_space<vmem>>) offsets(%dma_start3A_71 : memref<50xi32, #tpu.memory_space<vmem>>) semaphore(%arg14 : memref<!tpu.dma_semaphore, #tpu.memory_space<semaphore_mem>>)
    "tpu.region"() ({
      %run_scoped3A_124 = tpu.sem_alloc : memref<!tpu.dma_semaphore, #tpu.memory_space<semaphore_mem>>
      %dma_start3A_125 = arith.constant 0 : i32
      %dma_start3A_126 = arith.constant 0 : i32
      %dma_start3A_127 = tpu.memref_slice %arg7[%arg0, %arg1, %dma_start3A_125, %dma_start3A_126] : memref<2x16x625x256xf32, #tpu.memory_space<hbm>> -> memref<1x1x625x128xf32, #tpu.memory_space<hbm>>
      %dma_start3A_128 = tpu.memref_squeeze %dma_start3A_127 : memref<1x1x625x128xf32, #tpu.memory_space<hbm>> -> memref<625x128xf32, #tpu.memory_space<hbm>>
      %dma_start3A_129 = arith.constant 0 : i32
      %dma_start3A_130 = tpu.memref_slice %arg16[%mul3A_2, %dma_start3A_129] : memref<10000x128xf32, #tpu.memory_space<vmem_shared>> -> memref<625x128xf32, #tpu.memory_space<vmem_shared>>
      tpu.enqueue_dma source(%dma_start3A_130 : memref<625x128xf32, #tpu.memory_space<vmem_shared>>) target(%dma_start3A_128 : memref<625x128xf32, #tpu.memory_space<hbm>>) target_semaphore(%run_scoped3A_124 : memref<!tpu.dma_semaphore, #tpu.memory_space<semaphore_mem>>)
      %dma_wait3A_131 = arith.constant 0 : i32
      %dma_wait3A_132 = arith.constant 0 : i32
      %dma_wait3A_133 = tpu.memref_slice %arg7[%arg0, %arg1, %dma_wait3A_131, %dma_wait3A_132] : memref<2x16x625x256xf32, #tpu.memory_space<hbm>> -> memref<1x1x625x128xf32, #tpu.memory_space<hbm>>
      %dma_wait3A_134 = tpu.memref_squeeze %dma_wait3A_133 : memref<1x1x625x128xf32, #tpu.memory_space<hbm>> -> memref<625x128xf32, #tpu.memory_space<hbm>>
      %dma_wait3A_135 = arith.constant 0 : i32
      %dma_wait3A_136 = tpu.memref_slice %arg16[%mul3A_2, %dma_wait3A_135] : memref<10000x128xf32, #tpu.memory_space<vmem_shared>> -> memref<625x128xf32, #tpu.memory_space<vmem_shared>>
      tpu.wait_dma2 semaphore(%run_scoped3A_124 : memref<!tpu.dma_semaphore, #tpu.memory_space<semaphore_mem>>) src(%dma_wait3A_136 : memref<625x128xf32, #tpu.memory_space<vmem_shared>>) dst(%dma_wait3A_134 : memref<625x128xf32, #tpu.memory_space<hbm>>)
      tpu.yield
    }) : () -> ()
    "tpu.region"() ({
      %run_scoped3A_124 = tpu.sem_alloc : memref<!tpu.dma_semaphore, #tpu.memory_space<semaphore_mem>>
      tpu.enqueue_dma source(%arg4 : memref<50x128xf32, #tpu.memory_space<hbm>>) target(%arg12 : memref<50x128xf32, #tpu.memory_space<vmem>>) target_semaphore(%run_scoped3A_124 : memref<!tpu.dma_semaphore, #tpu.memory_space<semaphore_mem>>)
      tpu.wait_dma2 semaphore(%run_scoped3A_124 : memref<!tpu.dma_semaphore, #tpu.memory_space<semaphore_mem>>) src(%arg4 : memref<50x128xf32, #tpu.memory_space<hbm>>) dst(%arg12 : memref<50x128xf32, #tpu.memory_space<vmem>>)
      tpu.yield
    }) : () -> ()
    %add3A_75 = arith.constant 0 : i32
    %add3A_76 = arith.addi %mul3A_2, %add3A_75 : i32
    "tpu.region"() ({
      %run_scoped3A_124 = tpu.sem_alloc : memref<!tpu.dma_semaphore, #tpu.memory_space<semaphore_mem>>
      %dma_start3A_125 = arith.constant 0 : i32
      %dma_start3A_126 = tpu.memref_slice %arg16[%add3A_76, %dma_start3A_125] : memref<10000x128xf32, #tpu.memory_space<vmem_shared>> -> memref<50x128xf32, #tpu.memory_space<vmem_shared>>
      %dma_start3A_127 = arith.constant 0 : i32
      %dma_start3A_128 = tpu.memref_slice %arg16[%add3A_76, %dma_start3A_127] : memref<10000x128xf32, #tpu.memory_space<vmem_shared>> -> memref<50x128xf32, #tpu.memory_space<vmem_shared>>
      tpu.enqueue_dma source(%arg12 : memref<50x128xf32, #tpu.memory_space<vmem>>) target(%dma_start3A_128 : memref<50x128xf32, #tpu.memory_space<vmem_shared>>) target_semaphore(%run_scoped3A_124 : memref<!tpu.dma_semaphore, #tpu.memory_space<semaphore_mem>>)
      %dma_wait3A_129 = arith.constant 0 : i32
      %dma_wait3A_130 = tpu.memref_slice %arg16[%add3A_76, %dma_wait3A_129] : memref<10000x128xf32, #tpu.memory_space<vmem_shared>> -> memref<50x128xf32, #tpu.memory_space<vmem_shared>>
      %dma_wait3A_131 = arith.constant 0 : i32
      %dma_wait3A_132 = tpu.memref_slice %arg16[%add3A_76, %dma_wait3A_131] : memref<10000x128xf32, #tpu.memory_space<vmem_shared>> -> memref<50x128xf32, #tpu.memory_space<vmem_shared>>
      tpu.wait_dma2 semaphore(%run_scoped3A_124 : memref<!tpu.dma_semaphore, #tpu.memory_space<semaphore_mem>>) src(%arg12 : memref<50x128xf32, #tpu.memory_space<vmem>>) dst(%dma_wait3A_132 : memref<50x128xf32, #tpu.memory_space<vmem_shared>>)
      tpu.yield
    }) : () -> ()
    %add3A_77 = arith.constant 50 : i32
    %add3A_78 = arith.addi %mul3A_2, %add3A_77 : i32
    "tpu.region"() ({
      %run_scoped3A_124 = tpu.sem_alloc : memref<!tpu.dma_semaphore, #tpu.memory_space<semaphore_mem>>
      %dma_start3A_125 = arith.constant 0 : i32
      %dma_start3A_126 = tpu.memref_slice %arg16[%add3A_78, %dma_start3A_125] : memref<10000x128xf32, #tpu.memory_space<vmem_shared>> -> memref<50x128xf32, #tpu.memory_space<vmem_shared>>
      %dma_start3A_127 = arith.constant 0 : i32
      %dma_start3A_128 = tpu.memref_slice %arg16[%add3A_78, %dma_start3A_127] : memref<10000x128xf32, #tpu.memory_space<vmem_shared>> -> memref<50x128xf32, #tpu.memory_space<vmem_shared>>
      tpu.enqueue_dma source(%arg12 : memref<50x128xf32, #tpu.memory_space<vmem>>) target(%dma_start3A_128 : memref<50x128xf32, #tpu.memory_space<vmem_shared>>) target_semaphore(%run_scoped3A_124 : memref<!tpu.dma_semaphore, #tpu.memory_space<semaphore_mem>>)
      %dma_wait3A_129 = arith.constant 0 : i32
      %dma_wait3A_130 = tpu.memref_slice %arg16[%add3A_78, %dma_wait3A_129] : memref<10000x128xf32, #tpu.memory_space<vmem_shared>> -> memref<50x128xf32, #tpu.memory_space<vmem_shared>>
      %dma_wait3A_131 = arith.constant 0 : i32
      %dma_wait3A_132 = tpu.memref_slice %arg16[%add3A_78, %dma_wait3A_131] : memref<10000x128xf32, #tpu.memory_space<vmem_shared>> -> memref<50x128xf32, #tpu.memory_space<vmem_shared>>
      tpu.wait_dma2 semaphore(%run_scoped3A_124 : memref<!tpu.dma_semaphore, #tpu.memory_space<semaphore_mem>>) src(%arg12 : memref<50x128xf32, #tpu.memory_space<vmem>>) dst(%dma_wait3A_132 : memref<50x128xf32, #tpu.memory_space<vmem_shared>>)
      tpu.yield
    }) : () -> ()
    %add3A_79 = arith.constant 100 : i32
    %add3A_80 = arith.addi %mul3A_2, %add3A_79 : i32
    "tpu.region"() ({
      %run_scoped3A_124 = tpu.sem_alloc : memref<!tpu.dma_semaphore, #tpu.memory_space<semaphore_mem>>
      %dma_start3A_125 = arith.constant 0 : i32
      %dma_start3A_126 = tpu.memref_slice %arg16[%add3A_80, %dma_start3A_125] : memref<10000x128xf32, #tpu.memory_space<vmem_shared>> -> memref<50x128xf32, #tpu.memory_space<vmem_shared>>
      %dma_start3A_127 = arith.constant 0 : i32
      %dma_start3A_128 = tpu.memref_slice %arg16[%add3A_80, %dma_start3A_127] : memref<10000x128xf32, #tpu.memory_space<vmem_shared>> -> memref<50x128xf32, #tpu.memory_space<vmem_shared>>
      tpu.enqueue_dma source(%arg12 : memref<50x128xf32, #tpu.memory_space<vmem>>) target(%dma_start3A_128 : memref<50x128xf32, #tpu.memory_space<vmem_shared>>) target_semaphore(%run_scoped3A_124 : memref<!tpu.dma_semaphore, #tpu.memory_space<semaphore_mem>>)
      %dma_wait3A_129 = arith.constant 0 : i32
      %dma_wait3A_130 = tpu.memref_slice %arg16[%add3A_80, %dma_wait3A_129] : memref<10000x128xf32, #tpu.memory_space<vmem_shared>> -> memref<50x128xf32, #tpu.memory_space<vmem_shared>>
      %dma_wait3A_131 = arith.constant 0 : i32
      %dma_wait3A_132 = tpu.memref_slice %arg16[%add3A_80, %dma_wait3A_131] : memref<10000x128xf32, #tpu.memory_space<vmem_shared>> -> memref<50x128xf32, #tpu.memory_space<vmem_shared>>
      tpu.wait_dma2 semaphore(%run_scoped3A_124 : memref<!tpu.dma_semaphore, #tpu.memory_space<semaphore_mem>>) src(%arg12 : memref<50x128xf32, #tpu.memory_space<vmem>>) dst(%dma_wait3A_132 : memref<50x128xf32, #tpu.memory_space<vmem_shared>>)
      tpu.yield
    }) : () -> ()
    %add3A_81 = arith.constant 150 : i32
    %add3A_82 = arith.addi %mul3A_2, %add3A_81 : i32
    "tpu.region"() ({
      %run_scoped3A_124 = tpu.sem_alloc : memref<!tpu.dma_semaphore, #tpu.memory_space<semaphore_mem>>
      %dma_start3A_125 = arith.constant 0 : i32
      %dma_start3A_126 = tpu.memref_slice %arg16[%add3A_82, %dma_start3A_125] : memref<10000x128xf32, #tpu.memory_space<vmem_shared>> -> memref<50x128xf32, #tpu.memory_space<vmem_shared>>
      %dma_start3A_127 = arith.constant 0 : i32
      %dma_start3A_128 = tpu.memref_slice %arg16[%add3A_82, %dma_start3A_127] : memref<10000x128xf32, #tpu.memory_space<vmem_shared>> -> memref<50x128xf32, #tpu.memory_space<vmem_shared>>
      tpu.enqueue_dma source(%arg12 : memref<50x128xf32, #tpu.memory_space<vmem>>) target(%dma_start3A_128 : memref<50x128xf32, #tpu.memory_space<vmem_shared>>) target_semaphore(%run_scoped3A_124 : memref<!tpu.dma_semaphore, #tpu.memory_space<semaphore_mem>>)
      %dma_wait3A_129 = arith.constant 0 : i32
      %dma_wait3A_130 = tpu.memref_slice %arg16[%add3A_82, %dma_wait3A_129] : memref<10000x128xf32, #tpu.memory_space<vmem_shared>> -> memref<50x128xf32, #tpu.memory_space<vmem_shared>>
      %dma_wait3A_131 = arith.constant 0 : i32
      %dma_wait3A_132 = tpu.memref_slice %arg16[%add3A_82, %dma_wait3A_131] : memref<10000x128xf32, #tpu.memory_space<vmem_shared>> -> memref<50x128xf32, #tpu.memory_space<vmem_shared>>
      tpu.wait_dma2 semaphore(%run_scoped3A_124 : memref<!tpu.dma_semaphore, #tpu.memory_space<semaphore_mem>>) src(%arg12 : memref<50x128xf32, #tpu.memory_space<vmem>>) dst(%dma_wait3A_132 : memref<50x128xf32, #tpu.memory_space<vmem_shared>>)
      tpu.yield
    }) : () -> ()
    %add3A_83 = arith.constant 200 : i32
    %add3A_84 = arith.addi %mul3A_2, %add3A_83 : i32
    "tpu.region"() ({
      %run_scoped3A_124 = tpu.sem_alloc : memref<!tpu.dma_semaphore, #tpu.memory_space<semaphore_mem>>
      %dma_start3A_125 = arith.constant 0 : i32
      %dma_start3A_126 = tpu.memref_slice %arg16[%add3A_84, %dma_start3A_125] : memref<10000x128xf32, #tpu.memory_space<vmem_shared>> -> memref<50x128xf32, #tpu.memory_space<vmem_shared>>
      %dma_start3A_127 = arith.constant 0 : i32
      %dma_start3A_128 = tpu.memref_slice %arg16[%add3A_84, %dma_start3A_127] : memref<10000x128xf32, #tpu.memory_space<vmem_shared>> -> memref<50x128xf32, #tpu.memory_space<vmem_shared>>
      tpu.enqueue_dma source(%arg12 : memref<50x128xf32, #tpu.memory_space<vmem>>) target(%dma_start3A_128 : memref<50x128xf32, #tpu.memory_space<vmem_shared>>) target_semaphore(%run_scoped3A_124 : memref<!tpu.dma_semaphore, #tpu.memory_space<semaphore_mem>>)
      %dma_wait3A_129 = arith.constant 0 : i32
      %dma_wait3A_130 = tpu.memref_slice %arg16[%add3A_84, %dma_wait3A_129] : memref<10000x128xf32, #tpu.memory_space<vmem_shared>> -> memref<50x128xf32, #tpu.memory_space<vmem_shared>>
      %dma_wait3A_131 = arith.constant 0 : i32
      %dma_wait3A_132 = tpu.memref_slice %arg16[%add3A_84, %dma_wait3A_131] : memref<10000x128xf32, #tpu.memory_space<vmem_shared>> -> memref<50x128xf32, #tpu.memory_space<vmem_shared>>
      tpu.wait_dma2 semaphore(%run_scoped3A_124 : memref<!tpu.dma_semaphore, #tpu.memory_space<semaphore_mem>>) src(%arg12 : memref<50x128xf32, #tpu.memory_space<vmem>>) dst(%dma_wait3A_132 : memref<50x128xf32, #tpu.memory_space<vmem_shared>>)
      tpu.yield
    }) : () -> ()
    %add3A_85 = arith.constant 250 : i32
    %add3A_86 = arith.addi %mul3A_2, %add3A_85 : i32
    "tpu.region"() ({
      %run_scoped3A_124 = tpu.sem_alloc : memref<!tpu.dma_semaphore, #tpu.memory_space<semaphore_mem>>
      %dma_start3A_125 = arith.constant 0 : i32
      %dma_start3A_126 = tpu.memref_slice %arg16[%add3A_86, %dma_start3A_125] : memref<10000x128xf32, #tpu.memory_space<vmem_shared>> -> memref<50x128xf32, #tpu.memory_space<vmem_shared>>
      %dma_start3A_127 = arith.constant 0 : i32
      %dma_start3A_128 = tpu.memref_slice %arg16[%add3A_86, %dma_start3A_127] : memref<10000x128xf32, #tpu.memory_space<vmem_shared>> -> memref<50x128xf32, #tpu.memory_space<vmem_shared>>
      tpu.enqueue_dma source(%arg12 : memref<50x128xf32, #tpu.memory_space<vmem>>) target(%dma_start3A_128 : memref<50x128xf32, #tpu.memory_space<vmem_shared>>) target_semaphore(%run_scoped3A_124 : memref<!tpu.dma_semaphore, #tpu.memory_space<semaphore_mem>>)
      %dma_wait3A_129 = arith.constant 0 : i32
      %dma_wait3A_130 = tpu.memref_slice %arg16[%add3A_86, %dma_wait3A_129] : memref<10000x128xf32, #tpu.memory_space<vmem_shared>> -> memref<50x128xf32, #tpu.memory_space<vmem_shared>>
      %dma_wait3A_131 = arith.constant 0 : i32
      %dma_wait3A_132 = tpu.memref_slice %arg16[%add3A_86, %dma_wait3A_131] : memref<10000x128xf32, #tpu.memory_space<vmem_shared>> -> memref<50x128xf32, #tpu.memory_space<vmem_shared>>
      tpu.wait_dma2 semaphore(%run_scoped3A_124 : memref<!tpu.dma_semaphore, #tpu.memory_space<semaphore_mem>>) src(%arg12 : memref<50x128xf32, #tpu.memory_space<vmem>>) dst(%dma_wait3A_132 : memref<50x128xf32, #tpu.memory_space<vmem_shared>>)
      tpu.yield
    }) : () -> ()
    %add3A_87 = arith.constant 300 : i32
    %add3A_88 = arith.addi %mul3A_2, %add3A_87 : i32
    "tpu.region"() ({
      %run_scoped3A_124 = tpu.sem_alloc : memref<!tpu.dma_semaphore, #tpu.memory_space<semaphore_mem>>
      %dma_start3A_125 = arith.constant 0 : i32
      %dma_start3A_126 = tpu.memref_slice %arg16[%add3A_88, %dma_start3A_125] : memref<10000x128xf32, #tpu.memory_space<vmem_shared>> -> memref<50x128xf32, #tpu.memory_space<vmem_shared>>
      %dma_start3A_127 = arith.constant 0 : i32
      %dma_start3A_128 = tpu.memref_slice %arg16[%add3A_88, %dma_start3A_127] : memref<10000x128xf32, #tpu.memory_space<vmem_shared>> -> memref<50x128xf32, #tpu.memory_space<vmem_shared>>
      tpu.enqueue_dma source(%arg12 : memref<50x128xf32, #tpu.memory_space<vmem>>) target(%dma_start3A_128 : memref<50x128xf32, #tpu.memory_space<vmem_shared>>) target_semaphore(%run_scoped3A_124 : memref<!tpu.dma_semaphore, #tpu.memory_space<semaphore_mem>>)
      %dma_wait3A_129 = arith.constant 0 : i32
      %dma_wait3A_130 = tpu.memref_slice %arg16[%add3A_88, %dma_wait3A_129] : memref<10000x128xf32, #tpu.memory_space<vmem_shared>> -> memref<50x128xf32, #tpu.memory_space<vmem_shared>>
      %dma_wait3A_131 = arith.constant 0 : i32
      %dma_wait3A_132 = tpu.memref_slice %arg16[%add3A_88, %dma_wait3A_131] : memref<10000x128xf32, #tpu.memory_space<vmem_shared>> -> memref<50x128xf32, #tpu.memory_space<vmem_shared>>
      tpu.wait_dma2 semaphore(%run_scoped3A_124 : memref<!tpu.dma_semaphore, #tpu.memory_space<semaphore_mem>>) src(%arg12 : memref<50x128xf32, #tpu.memory_space<vmem>>) dst(%dma_wait3A_132 : memref<50x128xf32, #tpu.memory_space<vmem_shared>>)
      tpu.yield
    }) : () -> ()
    %add3A_89 = arith.constant 350 : i32
    %add3A_90 = arith.addi %mul3A_2, %add3A_89 : i32
    "tpu.region"() ({
      %run_scoped3A_124 = tpu.sem_alloc : memref<!tpu.dma_semaphore, #tpu.memory_space<semaphore_mem>>
      %dma_start3A_125 = arith.constant 0 : i32
      %dma_start3A_126 = tpu.memref_slice %arg16[%add3A_90, %dma_start3A_125] : memref<10000x128xf32, #tpu.memory_space<vmem_shared>> -> memref<50x128xf32, #tpu.memory_space<vmem_shared>>
      %dma_start3A_127 = arith.constant 0 : i32
      %dma_start3A_128 = tpu.memref_slice %arg16[%add3A_90, %dma_start3A_127] : memref<10000x128xf32, #tpu.memory_space<vmem_shared>> -> memref<50x128xf32, #tpu.memory_space<vmem_shared>>
      tpu.enqueue_dma source(%arg12 : memref<50x128xf32, #tpu.memory_space<vmem>>) target(%dma_start3A_128 : memref<50x128xf32, #tpu.memory_space<vmem_shared>>) target_semaphore(%run_scoped3A_124 : memref<!tpu.dma_semaphore, #tpu.memory_space<semaphore_mem>>)
      %dma_wait3A_129 = arith.constant 0 : i32
      %dma_wait3A_130 = tpu.memref_slice %arg16[%add3A_90, %dma_wait3A_129] : memref<10000x128xf32, #tpu.memory_space<vmem_shared>> -> memref<50x128xf32, #tpu.memory_space<vmem_shared>>
      %dma_wait3A_131 = arith.constant 0 : i32
      %dma_wait3A_132 = tpu.memref_slice %arg16[%add3A_90, %dma_wait3A_131] : memref<10000x128xf32, #tpu.memory_space<vmem_shared>> -> memref<50x128xf32, #tpu.memory_space<vmem_shared>>
      tpu.wait_dma2 semaphore(%run_scoped3A_124 : memref<!tpu.dma_semaphore, #tpu.memory_space<semaphore_mem>>) src(%arg12 : memref<50x128xf32, #tpu.memory_space<vmem>>) dst(%dma_wait3A_132 : memref<50x128xf32, #tpu.memory_space<vmem_shared>>)
      tpu.yield
    }) : () -> ()
    %add3A_91 = arith.constant 400 : i32
    %add3A_92 = arith.addi %mul3A_2, %add3A_91 : i32
    "tpu.region"() ({
      %run_scoped3A_124 = tpu.sem_alloc : memref<!tpu.dma_semaphore, #tpu.memory_space<semaphore_mem>>
      %dma_start3A_125 = arith.constant 0 : i32
      %dma_start3A_126 = tpu.memref_slice %arg16[%add3A_92, %dma_start3A_125] : memref<10000x128xf32, #tpu.memory_space<vmem_shared>> -> memref<50x128xf32, #tpu.memory_space<vmem_shared>>
      %dma_start3A_127 = arith.constant 0 : i32
      %dma_start3A_128 = tpu.memref_slice %arg16[%add3A_92, %dma_start3A_127] : memref<10000x128xf32, #tpu.memory_space<vmem_shared>> -> memref<50x128xf32, #tpu.memory_space<vmem_shared>>
      tpu.enqueue_dma source(%arg12 : memref<50x128xf32, #tpu.memory_space<vmem>>) target(%dma_start3A_128 : memref<50x128xf32, #tpu.memory_space<vmem_shared>>) target_semaphore(%run_scoped3A_124 : memref<!tpu.dma_semaphore, #tpu.memory_space<semaphore_mem>>)
      %dma_wait3A_129 = arith.constant 0 : i32
      %dma_wait3A_130 = tpu.memref_slice %arg16[%add3A_92, %dma_wait3A_129] : memref<10000x128xf32, #tpu.memory_space<vmem_shared>> -> memref<50x128xf32, #tpu.memory_space<vmem_shared>>
      %dma_wait3A_131 = arith.constant 0 : i32
      %dma_wait3A_132 = tpu.memref_slice %arg16[%add3A_92, %dma_wait3A_131] : memref<10000x128xf32, #tpu.memory_space<vmem_shared>> -> memref<50x128xf32, #tpu.memory_space<vmem_shared>>
      tpu.wait_dma2 semaphore(%run_scoped3A_124 : memref<!tpu.dma_semaphore, #tpu.memory_space<semaphore_mem>>) src(%arg12 : memref<50x128xf32, #tpu.memory_space<vmem>>) dst(%dma_wait3A_132 : memref<50x128xf32, #tpu.memory_space<vmem_shared>>)
      tpu.yield
    }) : () -> ()
    %add3A_93 = arith.constant 450 : i32
    %add3A_94 = arith.addi %mul3A_2, %add3A_93 : i32
    "tpu.region"() ({
      %run_scoped3A_124 = tpu.sem_alloc : memref<!tpu.dma_semaphore, #tpu.memory_space<semaphore_mem>>
      %dma_start3A_125 = arith.constant 0 : i32
      %dma_start3A_126 = tpu.memref_slice %arg16[%add3A_94, %dma_start3A_125] : memref<10000x128xf32, #tpu.memory_space<vmem_shared>> -> memref<50x128xf32, #tpu.memory_space<vmem_shared>>
      %dma_start3A_127 = arith.constant 0 : i32
      %dma_start3A_128 = tpu.memref_slice %arg16[%add3A_94, %dma_start3A_127] : memref<10000x128xf32, #tpu.memory_space<vmem_shared>> -> memref<50x128xf32, #tpu.memory_space<vmem_shared>>
      tpu.enqueue_dma source(%arg12 : memref<50x128xf32, #tpu.memory_space<vmem>>) target(%dma_start3A_128 : memref<50x128xf32, #tpu.memory_space<vmem_shared>>) target_semaphore(%run_scoped3A_124 : memref<!tpu.dma_semaphore, #tpu.memory_space<semaphore_mem>>)
      %dma_wait3A_129 = arith.constant 0 : i32
      %dma_wait3A_130 = tpu.memref_slice %arg16[%add3A_94, %dma_wait3A_129] : memref<10000x128xf32, #tpu.memory_space<vmem_shared>> -> memref<50x128xf32, #tpu.memory_space<vmem_shared>>
      %dma_wait3A_131 = arith.constant 0 : i32
      %dma_wait3A_132 = tpu.memref_slice %arg16[%add3A_94, %dma_wait3A_131] : memref<10000x128xf32, #tpu.memory_space<vmem_shared>> -> memref<50x128xf32, #tpu.memory_space<vmem_shared>>
      tpu.wait_dma2 semaphore(%run_scoped3A_124 : memref<!tpu.dma_semaphore, #tpu.memory_space<semaphore_mem>>) src(%arg12 : memref<50x128xf32, #tpu.memory_space<vmem>>) dst(%dma_wait3A_132 : memref<50x128xf32, #tpu.memory_space<vmem_shared>>)
      tpu.yield
    }) : () -> ()
    %add3A_95 = arith.constant 500 : i32
    %add3A_96 = arith.addi %mul3A_2, %add3A_95 : i32
    "tpu.region"() ({
      %run_scoped3A_124 = tpu.sem_alloc : memref<!tpu.dma_semaphore, #tpu.memory_space<semaphore_mem>>
      %dma_start3A_125 = arith.constant 0 : i32
      %dma_start3A_126 = tpu.memref_slice %arg16[%add3A_96, %dma_start3A_125] : memref<10000x128xf32, #tpu.memory_space<vmem_shared>> -> memref<50x128xf32, #tpu.memory_space<vmem_shared>>
      %dma_start3A_127 = arith.constant 0 : i32
      %dma_start3A_128 = tpu.memref_slice %arg16[%add3A_96, %dma_start3A_127] : memref<10000x128xf32, #tpu.memory_space<vmem_shared>> -> memref<50x128xf32, #tpu.memory_space<vmem_shared>>
      tpu.enqueue_dma source(%arg12 : memref<50x128xf32, #tpu.memory_space<vmem>>) target(%dma_start3A_128 : memref<50x128xf32, #tpu.memory_space<vmem_shared>>) target_semaphore(%run_scoped3A_124 : memref<!tpu.dma_semaphore, #tpu.memory_space<semaphore_mem>>)
      %dma_wait3A_129 = arith.constant 0 : i32
      %dma_wait3A_130 = tpu.memref_slice %arg16[%add3A_96, %dma_wait3A_129] : memref<10000x128xf32, #tpu.memory_space<vmem_shared>> -> memref<50x128xf32, #tpu.memory_space<vmem_shared>>
      %dma_wait3A_131 = arith.constant 0 : i32
      %dma_wait3A_132 = tpu.memref_slice %arg16[%add3A_96, %dma_wait3A_131] : memref<10000x128xf32, #tpu.memory_space<vmem_shared>> -> memref<50x128xf32, #tpu.memory_space<vmem_shared>>
      tpu.wait_dma2 semaphore(%run_scoped3A_124 : memref<!tpu.dma_semaphore, #tpu.memory_space<semaphore_mem>>) src(%arg12 : memref<50x128xf32, #tpu.memory_space<vmem>>) dst(%dma_wait3A_132 : memref<50x128xf32, #tpu.memory_space<vmem_shared>>)
      tpu.yield
    }) : () -> ()
    %add3A_97 = arith.constant 550 : i32
    %add3A_98 = arith.addi %mul3A_2, %add3A_97 : i32
    "tpu.region"() ({
      %run_scoped3A_124 = tpu.sem_alloc : memref<!tpu.dma_semaphore, #tpu.memory_space<semaphore_mem>>
      %dma_start3A_125 = arith.constant 0 : i32
      %dma_start3A_126 = tpu.memref_slice %arg16[%add3A_98, %dma_start3A_125] : memref<10000x128xf32, #tpu.memory_space<vmem_shared>> -> memref<50x128xf32, #tpu.memory_space<vmem_shared>>
      %dma_start3A_127 = arith.constant 0 : i32
      %dma_start3A_128 = tpu.memref_slice %arg16[%add3A_98, %dma_start3A_127] : memref<10000x128xf32, #tpu.memory_space<vmem_shared>> -> memref<50x128xf32, #tpu.memory_space<vmem_shared>>
      tpu.enqueue_dma source(%arg12 : memref<50x128xf32, #tpu.memory_space<vmem>>) target(%dma_start3A_128 : memref<50x128xf32, #tpu.memory_space<vmem_shared>>) target_semaphore(%run_scoped3A_124 : memref<!tpu.dma_semaphore, #tpu.memory_space<semaphore_mem>>)
      %dma_wait3A_129 = arith.constant 0 : i32
      %dma_wait3A_130 = tpu.memref_slice %arg16[%add3A_98, %dma_wait3A_129] : memref<10000x128xf32, #tpu.memory_space<vmem_shared>> -> memref<50x128xf32, #tpu.memory_space<vmem_shared>>
      %dma_wait3A_131 = arith.constant 0 : i32
      %dma_wait3A_132 = tpu.memref_slice %arg16[%add3A_98, %dma_wait3A_131] : memref<10000x128xf32, #tpu.memory_space<vmem_shared>> -> memref<50x128xf32, #tpu.memory_space<vmem_shared>>
      tpu.wait_dma2 semaphore(%run_scoped3A_124 : memref<!tpu.dma_semaphore, #tpu.memory_space<semaphore_mem>>) src(%arg12 : memref<50x128xf32, #tpu.memory_space<vmem>>) dst(%dma_wait3A_132 : memref<50x128xf32, #tpu.memory_space<vmem_shared>>)
      tpu.yield
    }) : () -> ()
    %add3A_99 = arith.constant 600 : i32
    %add3A_100 = arith.addi %mul3A_2, %add3A_99 : i32
    "tpu.region"() ({
      %run_scoped3A_124 = tpu.sem_alloc : memref<!tpu.dma_semaphore, #tpu.memory_space<semaphore_mem>>
      %dma_start3A_125 = arith.constant 0 : i32
      %dma_start3A_126 = arith.constant 0 : i32
      %dma_start3A_127 = tpu.memref_slice %arg12[%dma_start3A_125, %dma_start3A_126] : memref<50x128xf32, #tpu.memory_space<vmem>> -> memref<25x128xf32, #tpu.memory_space<vmem>>
      %dma_start3A_128 = arith.constant 0 : i32
      %dma_start3A_129 = tpu.memref_slice %arg16[%add3A_100, %dma_start3A_128] : memref<10000x128xf32, #tpu.memory_space<vmem_shared>> -> memref<25x128xf32, #tpu.memory_space<vmem_shared>>
      %dma_start3A_130 = arith.constant 0 : i32
      %dma_start3A_131 = tpu.memref_slice %arg16[%add3A_100, %dma_start3A_130] : memref<10000x128xf32, #tpu.memory_space<vmem_shared>> -> memref<25x128xf32, #tpu.memory_space<vmem_shared>>
      %dma_start3A_132 = arith.constant 0 : i32
      %dma_start3A_133 = arith.constant 0 : i32
      %dma_start3A_134 = tpu.memref_slice %arg12[%dma_start3A_132, %dma_start3A_133] : memref<50x128xf32, #tpu.memory_space<vmem>> -> memref<25x128xf32, #tpu.memory_space<vmem>>
      tpu.enqueue_dma source(%dma_start3A_134 : memref<25x128xf32, #tpu.memory_space<vmem>>) target(%dma_start3A_131 : memref<25x128xf32, #tpu.memory_space<vmem_shared>>) target_semaphore(%run_scoped3A_124 : memref<!tpu.dma_semaphore, #tpu.memory_space<semaphore_mem>>)
      %dma_wait3A_135 = arith.constant 0 : i32
      %dma_wait3A_136 = arith.constant 0 : i32
      %dma_wait3A_137 = tpu.memref_slice %arg12[%dma_wait3A_135, %dma_wait3A_136] : memref<50x128xf32, #tpu.memory_space<vmem>> -> memref<25x128xf32, #tpu.memory_space<vmem>>
      %dma_wait3A_138 = arith.constant 0 : i32
      %dma_wait3A_139 = tpu.memref_slice %arg16[%add3A_100, %dma_wait3A_138] : memref<10000x128xf32, #tpu.memory_space<vmem_shared>> -> memref<25x128xf32, #tpu.memory_space<vmem_shared>>
      %dma_wait3A_140 = arith.constant 0 : i32
      %dma_wait3A_141 = tpu.memref_slice %arg16[%add3A_100, %dma_wait3A_140] : memref<10000x128xf32, #tpu.memory_space<vmem_shared>> -> memref<25x128xf32, #tpu.memory_space<vmem_shared>>
      %dma_wait3A_142 = arith.constant 0 : i32
      %dma_wait3A_143 = arith.constant 0 : i32
      %dma_wait3A_144 = tpu.memref_slice %arg12[%dma_wait3A_142, %dma_wait3A_143] : memref<50x128xf32, #tpu.memory_space<vmem>> -> memref<25x128xf32, #tpu.memory_space<vmem>>
      tpu.wait_dma2 semaphore(%run_scoped3A_124 : memref<!tpu.dma_semaphore, #tpu.memory_space<semaphore_mem>>) src(%dma_wait3A_144 : memref<25x128xf32, #tpu.memory_space<vmem>>) dst(%dma_wait3A_141 : memref<25x128xf32, #tpu.memory_space<vmem_shared>>)
      tpu.yield
    }) : () -> ()
    %barrier3A_101 = arith.constant 0 : index
    tpu.barrier barrier_id(%barrier3A_101)
    %dma_start3A_102 = arith.constant 2 : i32
    %dma_start3A_103 = arith.constant 0 : i32
    %dma_start3A_104 = tpu.memref_slice %arg8[%dma_start3A_102, %dma_start3A_103] : memref<100x50xi32, #tpu.memory_space<vmem>> -> memref<1x50xi32, #tpu.memory_space<vmem>>
    %dma_start3A_105 = tpu.memref_squeeze %dma_start3A_104 : memref<1x50xi32, #tpu.memory_space<vmem>> -> memref<50xi32, #tpu.memory_space<vmem>>
    %dma_start3A_106 = arith.constant 0 : i32
    %dma_start3A_107 = arith.constant 0 : i32
    %dma_start3A_108 = tpu.memref_slice %arg6[%dma_start3A_106, %dma_start3A_107] : memref<10000x128xf32, #tpu.memory_space<hbm>> -> memref<10000x128xf32, #tpu.memory_space<hbm>>
    tpu.enqueue_indirect_dma source(%dma_start3A_108 : memref<10000x128xf32, #tpu.memory_space<hbm>>) target(%arg12 : memref<50x128xf32, #tpu.memory_space<vmem>>) offsets(%dma_start3A_105 : memref<50xi32, #tpu.memory_space<vmem>>) semaphore(%arg15 : memref<!tpu.dma_semaphore, #tpu.memory_space<semaphore_mem>>)
    %scan3A_109 = arith.constant 0 : i32
    %scan3A_110 = arith.constant 0 : i32
    %scan3A_111 = arith.constant 33 : i32
    %scan3A_112 = arith.addi %scan3A_110, %scan3A_111 : i32
    %scan3A_113 = arith.constant 1 : i32
    scf.for %scan3A_124 = %scan3A_110 to %scan3A_112 step %scan3A_113  : i32 {
      %mul3A_125 = arith.constant 3 : i32
      %mul3A_126 = arith.muli %scan3A_124, %mul3A_125 : i32
      %add3A_127 = arith.constant 0 : i32
      %add3A_128 = arith.addi %mul3A_126, %add3A_127 : i32
      %dma_wait3A_129 = arith.constant 0 : i32
      %dma_wait3A_130 = tpu.memref_slice %arg8[%add3A_128, %dma_wait3A_129] : memref<100x50xi32, #tpu.memory_space<vmem>> -> memref<1x50xi32, #tpu.memory_space<vmem>>
      %dma_wait3A_131 = tpu.memref_squeeze %dma_wait3A_130 : memref<1x50xi32, #tpu.memory_space<vmem>> -> memref<50xi32, #tpu.memory_space<vmem>>
      %dma_wait3A_132 = arith.constant 0 : i32
      %dma_wait3A_133 = arith.constant 0 : i32
      %dma_wait3A_134 = tpu.memref_slice %arg6[%dma_wait3A_132, %dma_wait3A_133] : memref<10000x128xf32, #tpu.memory_space<hbm>> -> memref<10000x128xf32, #tpu.memory_space<hbm>>
      tpu.wait_indirect_dma semaphore(%arg13 : memref<!tpu.dma_semaphore, #tpu.memory_space<semaphore_mem>>) src(%dma_wait3A_134 : memref<10000x128xf32, #tpu.memory_space<hbm>>) dst(%arg10 : memref<50x128xf32, #tpu.memory_space<vmem>>)
      "tpu.region"() ({
        %run_scoped3A_173 = tpu.sem_alloc : memref<!tpu.dma_semaphore, #tpu.memory_space<semaphore_mem>>
        %dma_start3A_174 = arith.constant 0 : i32
        %dma_start3A_175 = tpu.memref_slice %arg9[%add3A_128, %dma_start3A_174] : memref<100x50xi32, #tpu.memory_space<vmem>> -> memref<1x50xi32, #tpu.memory_space<vmem>>
        %dma_start3A_176 = tpu.memref_squeeze %dma_start3A_175 : memref<1x50xi32, #tpu.memory_space<vmem>> -> memref<50xi32, #tpu.memory_space<vmem>>
        %dma_start3A_177 = arith.constant 0 : i32
        %dma_start3A_178 = arith.constant 0 : i32
        %dma_start3A_179 = tpu.memref_slice %arg16[%dma_start3A_177, %dma_start3A_178] : memref<10000x128xf32, #tpu.memory_space<vmem_shared>> -> memref<10000x128xf32, #tpu.memory_space<vmem_shared>>
        tpu.enqueue_indirect_dma source(%arg10 : memref<50x128xf32, #tpu.memory_space<vmem>>) target(%dma_start3A_179 : memref<10000x128xf32, #tpu.memory_space<vmem_shared>>) offsets(%dma_start3A_176 : memref<50xi32, #tpu.memory_space<vmem>>) semaphore(%run_scoped3A_173 : memref<!tpu.dma_semaphore, #tpu.memory_space<semaphore_mem>>) {add = true}
        %dma_wait3A_180 = arith.constant 0 : i32
        %dma_wait3A_181 = tpu.memref_slice %arg9[%add3A_128, %dma_wait3A_180] : memref<100x50xi32, #tpu.memory_space<vmem>> -> memref<1x50xi32, #tpu.memory_space<vmem>>
        %dma_wait3A_182 = tpu.memref_squeeze %dma_wait3A_181 : memref<1x50xi32, #tpu.memory_space<vmem>> -> memref<50xi32, #tpu.memory_space<vmem>>
        %dma_wait3A_183 = arith.constant 0 : i32
        %dma_wait3A_184 = arith.constant 0 : i32
        %dma_wait3A_185 = tpu.memref_slice %arg16[%dma_wait3A_183, %dma_wait3A_184] : memref<10000x128xf32, #tpu.memory_space<vmem_shared>> -> memref<10000x128xf32, #tpu.memory_space<vmem_shared>>
        tpu.wait_indirect_dma semaphore(%run_scoped3A_173 : memref<!tpu.dma_semaphore, #tpu.memory_space<semaphore_mem>>) src(%arg10 : memref<50x128xf32, #tpu.memory_space<vmem>>) dst(%dma_wait3A_185 : memref<10000x128xf32, #tpu.memory_space<vmem_shared>>)
        tpu.yield
      }) : () -> ()
      %add3A_135 = arith.constant 3 : i32
      %add3A_136 = arith.addi %add3A_128, %add3A_135 : i32
      %lt3A = arith.constant 100 : i32
      %lt3A_137 = arith.cmpi slt, %add3A_136, %lt3A : i32
      %convert_element_type3A = arith.extui %lt3A_137 : i1 to i32
      %cond3A = arith.constant 0 : i32
      %cond3A_138 = arith.cmpi ne, %convert_element_type3A, %cond3A : i32
      scf.if %cond3A_138 {
        %add3A_173 = arith.constant 3 : i32
        %add3A_174 = arith.addi %add3A_128, %add3A_173 : i32
        %dma_start3A_175 = arith.constant 0 : i32
        %dma_start3A_176 = tpu.memref_slice %arg8[%add3A_174, %dma_start3A_175] : memref<100x50xi32, #tpu.memory_space<vmem>> -> memref<1x50xi32, #tpu.memory_space<vmem>>
        %dma_start3A_177 = tpu.memref_squeeze %dma_start3A_176 : memref<1x50xi32, #tpu.memory_space<vmem>> -> memref<50xi32, #tpu.memory_space<vmem>>
        %dma_start3A_178 = arith.constant 0 : i32
        %dma_start3A_179 = arith.constant 0 : i32
        %dma_start3A_180 = tpu.memref_slice %arg6[%dma_start3A_178, %dma_start3A_179] : memref<10000x128xf32, #tpu.memory_space<hbm>> -> memref<10000x128xf32, #tpu.memory_space<hbm>>
        tpu.enqueue_indirect_dma source(%dma_start3A_180 : memref<10000x128xf32, #tpu.memory_space<hbm>>) target(%arg10 : memref<50x128xf32, #tpu.memory_space<vmem>>) offsets(%dma_start3A_177 : memref<50xi32, #tpu.memory_space<vmem>>) semaphore(%arg13 : memref<!tpu.dma_semaphore, #tpu.memory_space<semaphore_mem>>)
      } else {
      }
      %mul3A_139 = arith.constant 3 : i32
      %mul3A_140 = arith.muli %scan3A_124, %mul3A_139 : i32
      %add3A_141 = arith.constant 1 : i32
      %add3A_142 = arith.addi %mul3A_140, %add3A_141 : i32
      %dma_wait3A_143 = arith.constant 0 : i32
      %dma_wait3A_144 = tpu.memref_slice %arg8[%add3A_142, %dma_wait3A_143] : memref<100x50xi32, #tpu.memory_space<vmem>> -> memref<1x50xi32, #tpu.memory_space<vmem>>
      %dma_wait3A_145 = tpu.memref_squeeze %dma_wait3A_144 : memref<1x50xi32, #tpu.memory_space<vmem>> -> memref<50xi32, #tpu.memory_space<vmem>>
      %dma_wait3A_146 = arith.constant 0 : i32
      %dma_wait3A_147 = arith.constant 0 : i32
      %dma_wait3A_148 = tpu.memref_slice %arg6[%dma_wait3A_146, %dma_wait3A_147] : memref<10000x128xf32, #tpu.memory_space<hbm>> -> memref<10000x128xf32, #tpu.memory_space<hbm>>
      tpu.wait_indirect_dma semaphore(%arg14 : memref<!tpu.dma_semaphore, #tpu.memory_space<semaphore_mem>>) src(%dma_wait3A_148 : memref<10000x128xf32, #tpu.memory_space<hbm>>) dst(%arg11 : memref<50x128xf32, #tpu.memory_space<vmem>>)
      "tpu.region"() ({
        %run_scoped3A_173 = tpu.sem_alloc : memref<!tpu.dma_semaphore, #tpu.memory_space<semaphore_mem>>
        %dma_start3A_174 = arith.constant 0 : i32
        %dma_start3A_175 = tpu.memref_slice %arg9[%add3A_142, %dma_start3A_174] : memref<100x50xi32, #tpu.memory_space<vmem>> -> memref<1x50xi32, #tpu.memory_space<vmem>>
        %dma_start3A_176 = tpu.memref_squeeze %dma_start3A_175 : memref<1x50xi32, #tpu.memory_space<vmem>> -> memref<50xi32, #tpu.memory_space<vmem>>
        %dma_start3A_177 = arith.constant 0 : i32
        %dma_start3A_178 = arith.constant 0 : i32
        %dma_start3A_179 = tpu.memref_slice %arg16[%dma_start3A_177, %dma_start3A_178] : memref<10000x128xf32, #tpu.memory_space<vmem_shared>> -> memref<10000x128xf32, #tpu.memory_space<vmem_shared>>
        tpu.enqueue_indirect_dma source(%arg11 : memref<50x128xf32, #tpu.memory_space<vmem>>) target(%dma_start3A_179 : memref<10000x128xf32, #tpu.memory_space<vmem_shared>>) offsets(%dma_start3A_176 : memref<50xi32, #tpu.memory_space<vmem>>) semaphore(%run_scoped3A_173 : memref<!tpu.dma_semaphore, #tpu.memory_space<semaphore_mem>>) {add = true}
        %dma_wait3A_180 = arith.constant 0 : i32
        %dma_wait3A_181 = tpu.memref_slice %arg9[%add3A_142, %dma_wait3A_180] : memref<100x50xi32, #tpu.memory_space<vmem>> -> memref<1x50xi32, #tpu.memory_space<vmem>>
        %dma_wait3A_182 = tpu.memref_squeeze %dma_wait3A_181 : memref<1x50xi32, #tpu.memory_space<vmem>> -> memref<50xi32, #tpu.memory_space<vmem>>
        %dma_wait3A_183 = arith.constant 0 : i32
        %dma_wait3A_184 = arith.constant 0 : i32
        %dma_wait3A_185 = tpu.memref_slice %arg16[%dma_wait3A_183, %dma_wait3A_184] : memref<10000x128xf32, #tpu.memory_space<vmem_shared>> -> memref<10000x128xf32, #tpu.memory_space<vmem_shared>>
        tpu.wait_indirect_dma semaphore(%run_scoped3A_173 : memref<!tpu.dma_semaphore, #tpu.memory_space<semaphore_mem>>) src(%arg11 : memref<50x128xf32, #tpu.memory_space<vmem>>) dst(%dma_wait3A_185 : memref<10000x128xf32, #tpu.memory_space<vmem_shared>>)
        tpu.yield
      }) : () -> ()
      %add3A_149 = arith.constant 3 : i32
      %add3A_150 = arith.addi %add3A_142, %add3A_149 : i32
      %lt3A_151 = arith.constant 100 : i32
      %lt3A_152 = arith.cmpi slt, %add3A_150, %lt3A_151 : i32
      %convert_element_type3A_153 = arith.extui %lt3A_152 : i1 to i32
      %cond3A_154 = arith.constant 0 : i32
      %cond3A_155 = arith.cmpi ne, %convert_element_type3A_153, %cond3A_154 : i32
      scf.if %cond3A_155 {
        %add3A_173 = arith.constant 3 : i32
        %add3A_174 = arith.addi %add3A_142, %add3A_173 : i32
        %dma_start3A_175 = arith.constant 0 : i32
        %dma_start3A_176 = tpu.memref_slice %arg8[%add3A_174, %dma_start3A_175] : memref<100x50xi32, #tpu.memory_space<vmem>> -> memref<1x50xi32, #tpu.memory_space<vmem>>
        %dma_start3A_177 = tpu.memref_squeeze %dma_start3A_176 : memref<1x50xi32, #tpu.memory_space<vmem>> -> memref<50xi32, #tpu.memory_space<vmem>>
        %dma_start3A_178 = arith.constant 0 : i32
        %dma_start3A_179 = arith.constant 0 : i32
        %dma_start3A_180 = tpu.memref_slice %arg6[%dma_start3A_178, %dma_start3A_179] : memref<10000x128xf32, #tpu.memory_space<hbm>> -> memref<10000x128xf32, #tpu.memory_space<hbm>>
        tpu.enqueue_indirect_dma source(%dma_start3A_180 : memref<10000x128xf32, #tpu.memory_space<hbm>>) target(%arg11 : memref<50x128xf32, #tpu.memory_space<vmem>>) offsets(%dma_start3A_177 : memref<50xi32, #tpu.memory_space<vmem>>) semaphore(%arg14 : memref<!tpu.dma_semaphore, #tpu.memory_space<semaphore_mem>>)
      } else {
      }
      %mul3A_156 = arith.constant 3 : i32
      %mul3A_157 = arith.muli %scan3A_124, %mul3A_156 : i32
      %add3A_158 = arith.constant 2 : i32
      %add3A_159 = arith.addi %mul3A_157, %add3A_158 : i32
      %dma_wait3A_160 = arith.constant 0 : i32
      %dma_wait3A_161 = tpu.memref_slice %arg8[%add3A_159, %dma_wait3A_160] : memref<100x50xi32, #tpu.memory_space<vmem>> -> memref<1x50xi32, #tpu.memory_space<vmem>>
      %dma_wait3A_162 = tpu.memref_squeeze %dma_wait3A_161 : memref<1x50xi32, #tpu.memory_space<vmem>> -> memref<50xi32, #tpu.memory_space<vmem>>
      %dma_wait3A_163 = arith.constant 0 : i32
      %dma_wait3A_164 = arith.constant 0 : i32
      %dma_wait3A_165 = tpu.memref_slice %arg6[%dma_wait3A_163, %dma_wait3A_164] : memref<10000x128xf32, #tpu.memory_space<hbm>> -> memref<10000x128xf32, #tpu.memory_space<hbm>>
      tpu.wait_indirect_dma semaphore(%arg15 : memref<!tpu.dma_semaphore, #tpu.memory_space<semaphore_mem>>) src(%dma_wait3A_165 : memref<10000x128xf32, #tpu.memory_space<hbm>>) dst(%arg12 : memref<50x128xf32, #tpu.memory_space<vmem>>)
      "tpu.region"() ({
        %run_scoped3A_173 = tpu.sem_alloc : memref<!tpu.dma_semaphore, #tpu.memory_space<semaphore_mem>>
        %dma_start3A_174 = arith.constant 0 : i32
        %dma_start3A_175 = tpu.memref_slice %arg9[%add3A_159, %dma_start3A_174] : memref<100x50xi32, #tpu.memory_space<vmem>> -> memref<1x50xi32, #tpu.memory_space<vmem>>
        %dma_start3A_176 = tpu.memref_squeeze %dma_start3A_175 : memref<1x50xi32, #tpu.memory_space<vmem>> -> memref<50xi32, #tpu.memory_space<vmem>>
        %dma_start3A_177 = arith.constant 0 : i32
        %dma_start3A_178 = arith.constant 0 : i32
        %dma_start3A_179 = tpu.memref_slice %arg16[%dma_start3A_177, %dma_start3A_178] : memref<10000x128xf32, #tpu.memory_space<vmem_shared>> -> memref<10000x128xf32, #tpu.memory_space<vmem_shared>>
        tpu.enqueue_indirect_dma source(%arg12 : memref<50x128xf32, #tpu.memory_space<vmem>>) target(%dma_start3A_179 : memref<10000x128xf32, #tpu.memory_space<vmem_shared>>) offsets(%dma_start3A_176 : memref<50xi32, #tpu.memory_space<vmem>>) semaphore(%run_scoped3A_173 : memref<!tpu.dma_semaphore, #tpu.memory_space<semaphore_mem>>) {add = true}
        %dma_wait3A_180 = arith.constant 0 : i32
        %dma_wait3A_181 = tpu.memref_slice %arg9[%add3A_159, %dma_wait3A_180] : memref<100x50xi32, #tpu.memory_space<vmem>> -> memref<1x50xi32, #tpu.memory_space<vmem>>
        %dma_wait3A_182 = tpu.memref_squeeze %dma_wait3A_181 : memref<1x50xi32, #tpu.memory_space<vmem>> -> memref<50xi32, #tpu.memory_space<vmem>>
        %dma_wait3A_183 = arith.constant 0 : i32
        %dma_wait3A_184 = arith.constant 0 : i32
        %dma_wait3A_185 = tpu.memref_slice %arg16[%dma_wait3A_183, %dma_wait3A_184] : memref<10000x128xf32, #tpu.memory_space<vmem_shared>> -> memref<10000x128xf32, #tpu.memory_space<vmem_shared>>
        tpu.wait_indirect_dma semaphore(%run_scoped3A_173 : memref<!tpu.dma_semaphore, #tpu.memory_space<semaphore_mem>>) src(%arg12 : memref<50x128xf32, #tpu.memory_space<vmem>>) dst(%dma_wait3A_185 : memref<10000x128xf32, #tpu.memory_space<vmem_shared>>)
        tpu.yield
      }) : () -> ()
      %add3A_166 = arith.constant 3 : i32
      %add3A_167 = arith.addi %add3A_159, %add3A_166 : i32
      %lt3A_168 = arith.constant 100 : i32
      %lt3A_169 = arith.cmpi slt, %add3A_167, %lt3A_168 : i32
      %convert_element_type3A_170 = arith.extui %lt3A_169 : i1 to i32
      %cond3A_171 = arith.constant 0 : i32
      %cond3A_172 = arith.cmpi ne, %convert_element_type3A_170, %cond3A_171 : i32
      scf.if %cond3A_172 {
        %add3A_173 = arith.constant 3 : i32
        %add3A_174 = arith.addi %add3A_159, %add3A_173 : i32
        %dma_start3A_175 = arith.constant 0 : i32
        %dma_start3A_176 = tpu.memref_slice %arg8[%add3A_174, %dma_start3A_175] : memref<100x50xi32, #tpu.memory_space<vmem>> -> memref<1x50xi32, #tpu.memory_space<vmem>>
        %dma_start3A_177 = tpu.memref_squeeze %dma_start3A_176 : memref<1x50xi32, #tpu.memory_space<vmem>> -> memref<50xi32, #tpu.memory_space<vmem>>
        %dma_start3A_178 = arith.constant 0 : i32
        %dma_start3A_179 = arith.constant 0 : i32
        %dma_start3A_180 = tpu.memref_slice %arg6[%dma_start3A_178, %dma_start3A_179] : memref<10000x128xf32, #tpu.memory_space<hbm>> -> memref<10000x128xf32, #tpu.memory_space<hbm>>
        tpu.enqueue_indirect_dma source(%dma_start3A_180 : memref<10000x128xf32, #tpu.memory_space<hbm>>) target(%arg12 : memref<50x128xf32, #tpu.memory_space<vmem>>) offsets(%dma_start3A_177 : memref<50xi32, #tpu.memory_space<vmem>>) semaphore(%arg15 : memref<!tpu.dma_semaphore, #tpu.memory_space<semaphore_mem>>)
      } else {
      }
    }
    %scan3A_114 = arith.constant 33 : i32
    %dma_wait3A_115 = arith.constant 99 : i32
    %dma_wait3A_116 = arith.constant 0 : i32
    %dma_wait3A_117 = tpu.memref_slice %arg8[%dma_wait3A_115, %dma_wait3A_116] : memref<100x50xi32, #tpu.memory_space<vmem>> -> memref<1x50xi32, #tpu.memory_space<vmem>>
    %dma_wait3A_118 = tpu.memref_squeeze %dma_wait3A_117 : memref<1x50xi32, #tpu.memory_space<vmem>> -> memref<50xi32, #tpu.memory_space<vmem>>
    %dma_wait3A_119 = arith.constant 0 : i32
    %dma_wait3A_120 = arith.constant 0 : i32
    %dma_wait3A_121 = tpu.memref_slice %arg6[%dma_wait3A_119, %dma_wait3A_120] : memref<10000x128xf32, #tpu.memory_space<hbm>> -> memref<10000x128xf32, #tpu.memory_space<hbm>>
    tpu.wait_indirect_dma semaphore(%arg13 : memref<!tpu.dma_semaphore, #tpu.memory_space<semaphore_mem>>) src(%dma_wait3A_121 : memref<10000x128xf32, #tpu.memory_space<hbm>>) dst(%arg10 : memref<50x128xf32, #tpu.memory_space<vmem>>)
    %run_scoped3A_122 = arith.constant 99 : i32
    "tpu.region"() ({
      %run_scoped3A_124 = tpu.sem_alloc : memref<!tpu.dma_semaphore, #tpu.memory_space<semaphore_mem>>
      %dma_start3A_125 = arith.constant 0 : i32
      %dma_start3A_126 = tpu.memref_slice %arg9[%run_scoped3A_122, %dma_start3A_125] : memref<100x50xi32, #tpu.memory_space<vmem>> -> memref<1x50xi32, #tpu.memory_space<vmem>>
      %dma_start3A_127 = tpu.memref_squeeze %dma_start3A_126 : memref<1x50xi32, #tpu.memory_space<vmem>> -> memref<50xi32, #tpu.memory_space<vmem>>
      %dma_start3A_128 = arith.constant 0 : i32
      %dma_start3A_129 = arith.constant 0 : i32
      %dma_start3A_130 = tpu.memref_slice %arg16[%dma_start3A_128, %dma_start3A_129] : memref<10000x128xf32, #tpu.memory_space<vmem_shared>> -> memref<10000x128xf32, #tpu.memory_space<vmem_shared>>
      tpu.enqueue_indirect_dma source(%arg10 : memref<50x128xf32, #tpu.memory_space<vmem>>) target(%dma_start3A_130 : memref<10000x128xf32, #tpu.memory_space<vmem_shared>>) offsets(%dma_start3A_127 : memref<50xi32, #tpu.memory_space<vmem>>) semaphore(%run_scoped3A_124 : memref<!tpu.dma_semaphore, #tpu.memory_space<semaphore_mem>>) {add = true}
      %dma_wait3A_131 = arith.constant 0 : i32
      %dma_wait3A_132 = tpu.memref_slice %arg9[%run_scoped3A_122, %dma_wait3A_131] : memref<100x50xi32, #tpu.memory_space<vmem>> -> memref<1x50xi32, #tpu.memory_space<vmem>>
      %dma_wait3A_133 = tpu.memref_squeeze %dma_wait3A_132 : memref<1x50xi32, #tpu.memory_space<vmem>> -> memref<50xi32, #tpu.memory_space<vmem>>
      %dma_wait3A_134 = arith.constant 0 : i32
      %dma_wait3A_135 = arith.constant 0 : i32
      %dma_wait3A_136 = tpu.memref_slice %arg16[%dma_wait3A_134, %dma_wait3A_135] : memref<10000x128xf32, #tpu.memory_space<vmem_shared>> -> memref<10000x128xf32, #tpu.memory_space<vmem_shared>>
      tpu.wait_indirect_dma semaphore(%run_scoped3A_124 : memref<!tpu.dma_semaphore, #tpu.memory_space<semaphore_mem>>) src(%arg10 : memref<50x128xf32, #tpu.memory_space<vmem>>) dst(%dma_wait3A_136 : memref<10000x128xf32, #tpu.memory_space<vmem_shared>>)
      tpu.yield
    }) : () -> ()
    %barrier3A_123 = arith.constant 0 : index
    tpu.barrier barrier_id(%barrier3A_123)
    "tpu.region"() ({
      %run_scoped3A_124 = tpu.sem_alloc : memref<!tpu.dma_semaphore, #tpu.memory_space<semaphore_mem>>
      %dma_start3A_125 = arith.constant 0 : i32
      %dma_start3A_126 = arith.constant 128 : i32
      %dma_start3A_127 = tpu.memref_slice %arg7[%arg0, %arg1, %dma_start3A_125, %dma_start3A_126] : memref<2x16x625x256xf32, #tpu.memory_space<hbm>> -> memref<1x1x625x128xf32, #tpu.memory_space<hbm>>
      %dma_start3A_128 = tpu.memref_squeeze %dma_start3A_127 : memref<1x1x625x128xf32, #tpu.memory_space<hbm>> -> memref<625x128xf32, #tpu.memory_space<hbm>>
      %dma_start3A_129 = arith.constant 0 : i32
      %dma_start3A_130 = tpu.memref_slice %arg16[%mul3A_2, %dma_start3A_129] : memref<10000x128xf32, #tpu.memory_space<vmem_shared>> -> memref<625x128xf32, #tpu.memory_space<vmem_shared>>
      tpu.enqueue_dma source(%dma_start3A_130 : memref<625x128xf32, #tpu.memory_space<vmem_shared>>) target(%dma_start3A_128 : memref<625x128xf32, #tpu.memory_space<hbm>>) target_semaphore(%run_scoped3A_124 : memref<!tpu.dma_semaphore, #tpu.memory_space<semaphore_mem>>)
      %dma_wait3A_131 = arith.constant 0 : i32
      %dma_wait3A_132 = arith.constant 128 : i32
      %dma_wait3A_133 = tpu.memref_slice %arg7[%arg0, %arg1, %dma_wait3A_131, %dma_wait3A_132] : memref<2x16x625x256xf32, #tpu.memory_space<hbm>> -> memref<1x1x625x128xf32, #tpu.memory_space<hbm>>
      %dma_wait3A_134 = tpu.memref_squeeze %dma_wait3A_133 : memref<1x1x625x128xf32, #tpu.memory_space<hbm>> -> memref<625x128xf32, #tpu.memory_space<hbm>>
      %dma_wait3A_135 = arith.constant 0 : i32
      %dma_wait3A_136 = tpu.memref_slice %arg16[%mul3A_2, %dma_wait3A_135] : memref<10000x128xf32, #tpu.memory_space<vmem_shared>> -> memref<625x128xf32, #tpu.memory_space<vmem_shared>>
      tpu.wait_dma2 semaphore(%run_scoped3A_124 : memref<!tpu.dma_semaphore, #tpu.memory_space<semaphore_mem>>) src(%dma_wait3A_136 : memref<625x128xf32, #tpu.memory_space<vmem_shared>>) dst(%dma_wait3A_134 : memref<625x128xf32, #tpu.memory_space<hbm>>)
      tpu.yield
    }) : () -> ()
    return
  }
}

module attributes {stable_mosaic.version = 14 : i64} {
  func.func @body(%arg0: i32, %arg1: memref<2000x256xf32, #tpu.memory_space<vmem>>, %arg2: memref<256x512xf32, #tpu.memory_space<vmem>>, %arg3: memref<2x2000x8xf32, #tpu.memory_space<vmem>>, %arg4: memref<2000x128xf32, #tpu.memory_space<vmem>>, %arg5: memref<2000x128xf32, #tpu.memory_space<vmem>>, %arg6: memref<2000x128xf32, #tpu.memory_space<vmem>>, %arg7: memref<2000x128xf32, #tpu.memory_space<vmem>>) attributes {dimension_semantics = [#tpu.dimension_semantics<arbitrary>], iteration_bounds = array<i64: 5>, scalar_prefetch = 0 : i64, scratch_operands = 0 : i64, tpu.core_type = #tpu.core_type<tc>, window_params = [{transform_indices = @transform_0, window_bounds = array<i64: 2000, 256>}, {pipeline_mode = #tpu.pipeline_mode<synchronous>, transform_indices = @transform_1, window_bounds = array<i64: 256, 512>}, {transform_indices = @transform_2, window_bounds = array<i64: 2, 2000, 8>}, {transform_indices = @transform_3, window_bounds = array<i64: 2000, 128>}, {transform_indices = @transform_4, window_bounds = array<i64: 2000, 128>}, {transform_indices = @transform_5, window_bounds = array<i64: 2000, 128>}, {transform_indices = @transform_6, window_bounds = array<i64: 2000, 128>}]} {
    %get3A = arith.constant 0 : index
    %get3A_0 = arith.constant 0 : index
    %get3A_1 = arith.constant 0 : index
    %get3A_2 = vector.load %arg3[%get3A, %get3A_0, %get3A_1] : memref<2x2000x8xf32, #tpu.memory_space<vmem>>, vector<2x2000x8xf32>
    %slice3A = vector.extract_strided_slice %get3A_2 {offsets = [0, 0, 0], sizes = [1, 2000, 1], strides = [1, 1, 1]} : vector<2x2000x8xf32> to vector<1x2000x1xf32>
    %squeeze3A = vector.shape_cast %slice3A : vector<1x2000x1xf32> to vector<2000xf32>
    %get3A_3 = arith.constant 0 : index
    %get3A_4 = arith.constant 0 : index
    %get3A_5 = arith.constant 0 : index
    %get3A_6 = vector.load %arg3[%get3A_3, %get3A_4, %get3A_5] : memref<2x2000x8xf32, #tpu.memory_space<vmem>>, vector<2x2000x8xf32>
    %slice3A_7 = vector.extract_strided_slice %get3A_6 {offsets = [1, 0, 0], sizes = [1, 2000, 1], strides = [1, 1, 1]} : vector<2x2000x8xf32> to vector<1x2000x1xf32>
    %squeeze3A_8 = vector.shape_cast %slice3A_7 : vector<1x2000x1xf32> to vector<2000xf32>
    %add3A = arith.addf %squeeze3A, %squeeze3A_8 : vector<2000xf32>
    %add3A_9 = arith.constant 1.000000e+00 : f32
    %add3A_10 = vector.broadcast %add3A_9 : f32 to vector<2000xf32>
    %add3A_11 = arith.addf %add3A, %add3A_10 : vector<2000xf32>
    %rsqrt3A = math.rsqrt %add3A_11 : vector<2000xf32>
    %broadcast_in_dim3A = vector.shape_cast %rsqrt3A : vector<2000xf32> to vector<2000x1xf32>
    %get3A_12 = arith.constant 0 : index
    %get3A_13 = arith.constant 0 : index
    %get3A_14 = vector.load %arg1[%get3A_12, %get3A_13] : memref<2000x256xf32, #tpu.memory_space<vmem>>, vector<2000x256xf32>
    %get3A_15 = arith.constant 0 : index
    %get3A_16 = arith.constant 0 : index
    %get3A_17 = vector.load %arg2[%get3A_15, %get3A_16] : memref<256x512xf32, #tpu.memory_space<vmem>>, vector<256x512xf32>
    %dot_general3A = arith.constant dense<0.000000e+00> : vector<2000x512xf32>
    %dot_general3A_18 = tpu.matmul %get3A_14, %get3A_17, %dot_general3A {dimension_numbers = #tpu.dot_dimension_numbers<[1], [0], [0], [1], [0, 0, 1, 1], [], []>, transpose_lhs_hint = false} : vector<2000x256xf32>, vector<256x512xf32>, vector<2000x512xf32> -> vector<2000x512xf32>
    %mul3A = vector.broadcast %broadcast_in_dim3A : vector<2000x1xf32> to vector<2000x512xf32>
    %mul3A_19 = arith.mulf %dot_general3A_18, %mul3A : vector<2000x512xf32>
    %slice3A_20 = vector.extract_strided_slice %mul3A_19 {offsets = [0, 0], sizes = [2000, 128], strides = [1, 1]} : vector<2000x512xf32> to vector<2000x128xf32>
    %swap3A = arith.constant 0 : index
    %swap3A_21 = arith.constant 0 : index
    %swap3A_22 = vector.load %arg4[%swap3A, %swap3A_21] : memref<2000x128xf32, #tpu.memory_space<vmem>>, vector<2000x128xf32>
    tpu.vector_store %arg4[%swap3A, %swap3A_21], %slice3A_20 {strides = array<i32>} : memref<2000x128xf32, #tpu.memory_space<vmem>>, vector<2000x128xf32>,
    %slice3A_23 = vector.extract_strided_slice %mul3A_19 {offsets = [0, 128], sizes = [2000, 128], strides = [1, 1]} : vector<2000x512xf32> to vector<2000x128xf32>
    %swap3A_24 = arith.constant 0 : index
    %swap3A_25 = arith.constant 0 : index
    %swap3A_26 = vector.load %arg5[%swap3A_24, %swap3A_25] : memref<2000x128xf32, #tpu.memory_space<vmem>>, vector<2000x128xf32>
    tpu.vector_store %arg5[%swap3A_24, %swap3A_25], %slice3A_23 {strides = array<i32>} : memref<2000x128xf32, #tpu.memory_space<vmem>>, vector<2000x128xf32>,
    %slice3A_27 = vector.extract_strided_slice %mul3A_19 {offsets = [0, 256], sizes = [2000, 128], strides = [1, 1]} : vector<2000x512xf32> to vector<2000x128xf32>
    %swap3A_28 = arith.constant 0 : index
    %swap3A_29 = arith.constant 0 : index
    %swap3A_30 = vector.load %arg6[%swap3A_28, %swap3A_29] : memref<2000x128xf32, #tpu.memory_space<vmem>>, vector<2000x128xf32>
    tpu.vector_store %arg6[%swap3A_28, %swap3A_29], %slice3A_27 {strides = array<i32>} : memref<2000x128xf32, #tpu.memory_space<vmem>>, vector<2000x128xf32>,
    %slice3A_31 = vector.extract_strided_slice %mul3A_19 {offsets = [0, 384], sizes = [2000, 128], strides = [1, 1]} : vector<2000x512xf32> to vector<2000x128xf32>
    %swap3A_32 = arith.constant 0 : index
    %swap3A_33 = arith.constant 0 : index
    %swap3A_34 = vector.load %arg7[%swap3A_32, %swap3A_33] : memref<2000x128xf32, #tpu.memory_space<vmem>>, vector<2000x128xf32>
    tpu.vector_store %arg7[%swap3A_32, %swap3A_33], %slice3A_31 {strides = array<i32>} : memref<2000x128xf32, #tpu.memory_space<vmem>>, vector<2000x128xf32>,
    return
  }
  func.func @transform_0(%arg0: i32) -> (i32, i32) {
    %c0_i32 = arith.constant 0 : i32
    %c0_i32_0 = arith.constant 0 : i32
    return %arg0, %c0_i32 : i32, i32
  }
  func.func @transform_1(%arg0: i32) -> (i32, i32) {
    %c0_i32 = arith.constant 0 : i32
    %c0_i32_0 = arith.constant 0 : i32
    %c0_i32_1 = arith.constant 0 : i32
    return %c0_i32, %c0_i32_0 : i32, i32
  }
  func.func @transform_2(%arg0: i32) -> (i32, i32, i32) {
    %c0_i32 = arith.constant 0 : i32
    %c0_i32_0 = arith.constant 0 : i32
    %c0_i32_1 = arith.constant 0 : i32
    return %c0_i32, %arg0, %c0_i32_0 : i32, i32, i32
  }
  func.func @transform_3(%arg0: i32) -> (i32, i32) {
    %c0_i32 = arith.constant 0 : i32
    %c0_i32_0 = arith.constant 0 : i32
    return %arg0, %c0_i32 : i32, i32
  }
  func.func @transform_4(%arg0: i32) -> (i32, i32) {
    %c0_i32 = arith.constant 0 : i32
    %c0_i32_0 = arith.constant 0 : i32
    return %arg0, %c0_i32 : i32, i32
  }
  func.func @transform_5(%arg0: i32) -> (i32, i32) {
    %c0_i32 = arith.constant 0 : i32
    %c0_i32_0 = arith.constant 0 : i32
    return %arg0, %c0_i32 : i32, i32
  }
  func.func @transform_6(%arg0: i32) -> (i32, i32) {
    %c0_i32 = arith.constant 0 : i32
    %c0_i32_0 = arith.constant 0 : i32
    return %arg0, %c0_i32 : i32, i32
  }
}

module attributes {stable_mosaic.version = 14 : i64} {
  func.func @body(%arg0: i32, %arg1: memref<2x2000x8xf32, #tpu.memory_space<vmem>>, %arg2: memref<2x2000x512xf32, #tpu.memory_space<vmem>>, %arg3: memref<2000x128xf32, #tpu.memory_space<vmem>>, %arg4: memref<2000x128xf32, #tpu.memory_space<vmem>>, %arg5: memref<2000x128xf32, #tpu.memory_space<vmem>>, %arg6: memref<2000x128xf32, #tpu.memory_space<vmem>>, %arg7: memref<1x512xf32, #tpu.memory_space<vmem>>, %arg8: memref<512x256xf32, #tpu.memory_space<vmem>>, %arg9: memref<2000x128xf32, #tpu.memory_space<vmem>>, %arg10: memref<2000x128xf32, #tpu.memory_space<vmem>>) attributes {dimension_semantics = [#tpu.dimension_semantics<arbitrary>], iteration_bounds = array<i64: 5>, scalar_prefetch = 0 : i64, scratch_operands = 0 : i64, tpu.core_type = #tpu.core_type<tc>, window_params = [{transform_indices = @transform_0, window_bounds = array<i64: 2, 2000, 8>}, {transform_indices = @transform_1, window_bounds = array<i64: 2, 2000, 512>}, {transform_indices = @transform_2, window_bounds = array<i64: 2000, 128>}, {transform_indices = @transform_3, window_bounds = array<i64: 2000, 128>}, {transform_indices = @transform_4, window_bounds = array<i64: 2000, 128>}, {transform_indices = @transform_5, window_bounds = array<i64: 2000, 128>}, {pipeline_mode = #tpu.pipeline_mode<synchronous>, transform_indices = @transform_6, window_bounds = array<i64: 1, 512>}, {pipeline_mode = #tpu.pipeline_mode<synchronous>, transform_indices = @transform_7, window_bounds = array<i64: 512, 256>}, {transform_indices = @transform_8, window_bounds = array<i64: 2000, 128>}, {transform_indices = @transform_9, window_bounds = array<i64: 2000, 128>}]} {
    %get3A = arith.constant 0 : index
    %get3A_0 = arith.constant 0 : index
    %get3A_1 = arith.constant 0 : index
    %get3A_2 = vector.load %arg1[%get3A, %get3A_0, %get3A_1] : memref<2x2000x8xf32, #tpu.memory_space<vmem>>, vector<2x2000x8xf32>
    %slice3A = vector.extract_strided_slice %get3A_2 {offsets = [0, 0, 0], sizes = [1, 2000, 1], strides = [1, 1, 1]} : vector<2x2000x8xf32> to vector<1x2000x1xf32>
    %squeeze3A = vector.shape_cast %slice3A : vector<1x2000x1xf32> to vector<2000xf32>
    %get3A_3 = arith.constant 0 : index
    %get3A_4 = arith.constant 0 : index
    %get3A_5 = arith.constant 0 : index
    %get3A_6 = vector.load %arg1[%get3A_3, %get3A_4, %get3A_5] : memref<2x2000x8xf32, #tpu.memory_space<vmem>>, vector<2x2000x8xf32>
    %slice3A_7 = vector.extract_strided_slice %get3A_6 {offsets = [1, 0, 0], sizes = [1, 2000, 1], strides = [1, 1, 1]} : vector<2x2000x8xf32> to vector<1x2000x1xf32>
    %squeeze3A_8 = vector.shape_cast %slice3A_7 : vector<1x2000x1xf32> to vector<2000xf32>
    %add3A = arith.addf %squeeze3A, %squeeze3A_8 : vector<2000xf32>
    %add3A_9 = arith.constant 1.000000e+00 : f32
    %add3A_10 = vector.broadcast %add3A_9 : f32 to vector<2000xf32>
    %add3A_11 = arith.addf %add3A, %add3A_10 : vector<2000xf32>
    %rsqrt3A = math.rsqrt %add3A_11 : vector<2000xf32>
    %broadcast_in_dim3A = vector.shape_cast %rsqrt3A : vector<2000xf32> to vector<2000x1xf32>
    %get3A_12 = arith.constant 0 : index
    %get3A_13 = arith.constant 0 : index
    %get3A_14 = vector.load %arg3[%get3A_12, %get3A_13] : memref<2000x128xf32, #tpu.memory_space<vmem>>, vector<2000x128xf32>
    %get3A_15 = arith.constant 0 : index
    %get3A_16 = arith.constant 0 : index
    %get3A_17 = vector.load %arg4[%get3A_15, %get3A_16] : memref<2000x128xf32, #tpu.memory_space<vmem>>, vector<2000x128xf32>
    %get3A_18 = arith.constant 0 : index
    %get3A_19 = arith.constant 0 : index
    %get3A_20 = vector.load %arg5[%get3A_18, %get3A_19] : memref<2000x128xf32, #tpu.memory_space<vmem>>, vector<2000x128xf32>
    %get3A_21 = arith.constant 0 : index
    %get3A_22 = arith.constant 0 : index
    %get3A_23 = vector.load %arg6[%get3A_21, %get3A_22] : memref<2000x128xf32, #tpu.memory_space<vmem>>, vector<2000x128xf32>
    %concatenate3A = tpu.concatenate %get3A_14, %get3A_17, %get3A_20, %get3A_23 in 1 : vector<2000x128xf32>, vector<2000x128xf32>, vector<2000x128xf32>, vector<2000x128xf32> -> vector<2000x512xf32>
    %get3A_24 = arith.constant 0 : index
    %get3A_25 = arith.constant 0 : index
    %get3A_26 = arith.constant 0 : index
    %get3A_27 = vector.load %arg2[%get3A_24, %get3A_25, %get3A_26] : memref<2x2000x512xf32, #tpu.memory_space<vmem>>, vector<2x2000x512xf32>
    %slice3A_28 = vector.extract_strided_slice %get3A_27 {offsets = [0, 0, 0], sizes = [1, 2000, 512], strides = [1, 1, 1]} : vector<2x2000x512xf32> to vector<1x2000x512xf32>
    %squeeze3A_29 = vector.shape_cast %slice3A_28 : vector<1x2000x512xf32> to vector<2000x512xf32>
    %slice3A_30 = vector.extract_strided_slice %get3A_27 {offsets = [1, 0, 0], sizes = [1, 2000, 512], strides = [1, 1, 1]} : vector<2x2000x512xf32> to vector<1x2000x512xf32>
    %squeeze3A_31 = vector.shape_cast %slice3A_30 : vector<1x2000x512xf32> to vector<2000x512xf32>
    %add3A_32 = arith.addf %squeeze3A_29, %squeeze3A_31 : vector<2000x512xf32>
    %add3A_33 = arith.addf %add3A_32, %concatenate3A : vector<2000x512xf32>
    %mul3A = vector.broadcast %broadcast_in_dim3A : vector<2000x1xf32> to vector<2000x512xf32>
    %mul3A_34 = arith.mulf %mul3A, %add3A_33 : vector<2000x512xf32>
    %get3A_35 = arith.constant 0 : index
    %get3A_36 = arith.constant 0 : index
    %get3A_37 = vector.load %arg7[%get3A_35, %get3A_36] : memref<1x512xf32, #tpu.memory_space<vmem>>, vector<1x512xf32>
    %add3A_38 = vector.broadcast %get3A_37 : vector<1x512xf32> to vector<2000x512xf32>
    %add3A_39 = arith.addf %mul3A_34, %add3A_38 : vector<2000x512xf32>
    %max3A = arith.constant 0.000000e+00 : f32
    %max3A_40 = vector.broadcast %max3A : f32 to vector<2000x512xf32>
    %max3A_41 = arith.maximumf %add3A_39, %max3A_40 : vector<2000x512xf32>
    %get3A_42 = arith.constant 0 : index
    %get3A_43 = arith.constant 0 : index
    %get3A_44 = vector.load %arg8[%get3A_42, %get3A_43] : memref<512x256xf32, #tpu.memory_space<vmem>>, vector<512x256xf32>
    %dot_general3A = arith.constant dense<0.000000e+00> : vector<2000x256xf32>
    %dot_general3A_45 = tpu.matmul %max3A_41, %get3A_44, %dot_general3A {dimension_numbers = #tpu.dot_dimension_numbers<[1], [0], [0], [1], [0, 0, 1, 1], [], []>, transpose_lhs_hint = false} : vector<2000x512xf32>, vector<512x256xf32>, vector<2000x256xf32> -> vector<2000x256xf32>
    %mul3A_46 = vector.broadcast %broadcast_in_dim3A : vector<2000x1xf32> to vector<2000x256xf32>
    %mul3A_47 = arith.mulf %dot_general3A_45, %mul3A_46 : vector<2000x256xf32>
    %slice3A_48 = vector.extract_strided_slice %mul3A_47 {offsets = [0, 0], sizes = [2000, 128], strides = [1, 1]} : vector<2000x256xf32> to vector<2000x128xf32>
    %swap3A = arith.constant 0 : index
    %swap3A_49 = arith.constant 0 : index
    %swap3A_50 = vector.load %arg9[%swap3A, %swap3A_49] : memref<2000x128xf32, #tpu.memory_space<vmem>>, vector<2000x128xf32>
    tpu.vector_store %arg9[%swap3A, %swap3A_49], %slice3A_48 {strides = array<i32>} : memref<2000x128xf32, #tpu.memory_space<vmem>>, vector<2000x128xf32>,
    %slice3A_51 = vector.extract_strided_slice %mul3A_47 {offsets = [0, 128], sizes = [2000, 128], strides = [1, 1]} : vector<2000x256xf32> to vector<2000x128xf32>
    %swap3A_52 = arith.constant 0 : index
    %swap3A_53 = arith.constant 0 : index
    %swap3A_54 = vector.load %arg10[%swap3A_52, %swap3A_53] : memref<2000x128xf32, #tpu.memory_space<vmem>>, vector<2000x128xf32>
    tpu.vector_store %arg10[%swap3A_52, %swap3A_53], %slice3A_51 {strides = array<i32>} : memref<2000x128xf32, #tpu.memory_space<vmem>>, vector<2000x128xf32>,
    return
  }
  func.func @transform_0(%arg0: i32) -> (i32, i32, i32) {
    %c0_i32 = arith.constant 0 : i32
    %c0_i32_0 = arith.constant 0 : i32
    %c0_i32_1 = arith.constant 0 : i32
    return %c0_i32, %arg0, %c0_i32_0 : i32, i32, i32
  }
  func.func @transform_1(%arg0: i32) -> (i32, i32, i32) {
    %c0_i32 = arith.constant 0 : i32
    %c0_i32_0 = arith.constant 0 : i32
    %c0_i32_1 = arith.constant 0 : i32
    return %c0_i32, %arg0, %c0_i32_0 : i32, i32, i32
  }
  func.func @transform_2(%arg0: i32) -> (i32, i32) {
    %c0_i32 = arith.constant 0 : i32
    %c0_i32_0 = arith.constant 0 : i32
    return %arg0, %c0_i32 : i32, i32
  }
  func.func @transform_3(%arg0: i32) -> (i32, i32) {
    %c0_i32 = arith.constant 0 : i32
    %c0_i32_0 = arith.constant 0 : i32
    return %arg0, %c0_i32 : i32, i32
  }
  func.func @transform_4(%arg0: i32) -> (i32, i32) {
    %c0_i32 = arith.constant 0 : i32
    %c0_i32_0 = arith.constant 0 : i32
    return %arg0, %c0_i32 : i32, i32
  }
  func.func @transform_5(%arg0: i32) -> (i32, i32) {
    %c0_i32 = arith.constant 0 : i32
    %c0_i32_0 = arith.constant 0 : i32
    return %arg0, %c0_i32 : i32, i32
  }
  func.func @transform_6(%arg0: i32) -> (i32, i32) {
    %c0_i32 = arith.constant 0 : i32
    %c0_i32_0 = arith.constant 0 : i32
    %c0_i32_1 = arith.constant 0 : i32
    return %c0_i32, %c0_i32_0 : i32, i32
  }
  func.func @transform_7(%arg0: i32) -> (i32, i32) {
    %c0_i32 = arith.constant 0 : i32
    %c0_i32_0 = arith.constant 0 : i32
    %c0_i32_1 = arith.constant 0 : i32
    return %c0_i32, %c0_i32_0 : i32, i32
  }
  func.func @transform_8(%arg0: i32) -> (i32, i32) {
    %c0_i32 = arith.constant 0 : i32
    %c0_i32_0 = arith.constant 0 : i32
    return %arg0, %c0_i32 : i32, i32
  }
  func.func @transform_9(%arg0: i32) -> (i32, i32) {
    %c0_i32 = arith.constant 0 : i32
    %c0_i32_0 = arith.constant 0 : i32
    return %arg0, %c0_i32 : i32, i32
  }
}

module attributes {stable_mosaic.version = 14 : i64} {
  func.func @body(%arg0: i32, %arg1: memref<2x2000x8xf32, #tpu.memory_space<vmem>>, %arg2: memref<2x2000x256xf32, #tpu.memory_space<vmem>>, %arg3: memref<2000x128xf32, #tpu.memory_space<vmem>>, %arg4: memref<2000x128xf32, #tpu.memory_space<vmem>>, %arg5: memref<1x256xf32, #tpu.memory_space<vmem>>, %arg6: memref<2000x256xf32, #tpu.memory_space<vmem>>) attributes {dimension_semantics = [#tpu.dimension_semantics<arbitrary>], iteration_bounds = array<i64: 5>, scalar_prefetch = 0 : i64, scratch_operands = 0 : i64, tpu.core_type = #tpu.core_type<tc>, window_params = [{transform_indices = @transform_0, window_bounds = array<i64: 2, 2000, 8>}, {transform_indices = @transform_1, window_bounds = array<i64: 2, 2000, 256>}, {transform_indices = @transform_2, window_bounds = array<i64: 2000, 128>}, {transform_indices = @transform_3, window_bounds = array<i64: 2000, 128>}, {pipeline_mode = #tpu.pipeline_mode<synchronous>, transform_indices = @transform_4, window_bounds = array<i64: 1, 256>}, {transform_indices = @transform_5, window_bounds = array<i64: 2000, 256>}]} {
    %get3A = arith.constant 0 : index
    %get3A_0 = arith.constant 0 : index
    %get3A_1 = arith.constant 0 : index
    %get3A_2 = vector.load %arg1[%get3A, %get3A_0, %get3A_1] : memref<2x2000x8xf32, #tpu.memory_space<vmem>>, vector<2x2000x8xf32>
    %slice3A = vector.extract_strided_slice %get3A_2 {offsets = [0, 0, 0], sizes = [1, 2000, 1], strides = [1, 1, 1]} : vector<2x2000x8xf32> to vector<1x2000x1xf32>
    %squeeze3A = vector.shape_cast %slice3A : vector<1x2000x1xf32> to vector<2000xf32>
    %get3A_3 = arith.constant 0 : index
    %get3A_4 = arith.constant 0 : index
    %get3A_5 = arith.constant 0 : index
    %get3A_6 = vector.load %arg1[%get3A_3, %get3A_4, %get3A_5] : memref<2x2000x8xf32, #tpu.memory_space<vmem>>, vector<2x2000x8xf32>
    %slice3A_7 = vector.extract_strided_slice %get3A_6 {offsets = [1, 0, 0], sizes = [1, 2000, 1], strides = [1, 1, 1]} : vector<2x2000x8xf32> to vector<1x2000x1xf32>
    %squeeze3A_8 = vector.shape_cast %slice3A_7 : vector<1x2000x1xf32> to vector<2000xf32>
    %add3A = arith.addf %squeeze3A, %squeeze3A_8 : vector<2000xf32>
    %add3A_9 = arith.constant 1.000000e+00 : f32
    %add3A_10 = vector.broadcast %add3A_9 : f32 to vector<2000xf32>
    %add3A_11 = arith.addf %add3A, %add3A_10 : vector<2000xf32>
    %rsqrt3A = math.rsqrt %add3A_11 : vector<2000xf32>
    %broadcast_in_dim3A = vector.shape_cast %rsqrt3A : vector<2000xf32> to vector<2000x1xf32>
    %get3A_12 = arith.constant 0 : index
    %get3A_13 = arith.constant 0 : index
    %get3A_14 = vector.load %arg3[%get3A_12, %get3A_13] : memref<2000x128xf32, #tpu.memory_space<vmem>>, vector<2000x128xf32>
    %get3A_15 = arith.constant 0 : index
    %get3A_16 = arith.constant 0 : index
    %get3A_17 = vector.load %arg4[%get3A_15, %get3A_16] : memref<2000x128xf32, #tpu.memory_space<vmem>>, vector<2000x128xf32>
    %concatenate3A = tpu.concatenate %get3A_14, %get3A_17 in 1 : vector<2000x128xf32>, vector<2000x128xf32> -> vector<2000x256xf32>
    %get3A_18 = arith.constant 0 : index
    %get3A_19 = arith.constant 0 : index
    %get3A_20 = arith.constant 0 : index
    %get3A_21 = vector.load %arg2[%get3A_18, %get3A_19, %get3A_20] : memref<2x2000x256xf32, #tpu.memory_space<vmem>>, vector<2x2000x256xf32>
    %slice3A_22 = vector.extract_strided_slice %get3A_21 {offsets = [0, 0, 0], sizes = [1, 2000, 256], strides = [1, 1, 1]} : vector<2x2000x256xf32> to vector<1x2000x256xf32>
    %squeeze3A_23 = vector.shape_cast %slice3A_22 : vector<1x2000x256xf32> to vector<2000x256xf32>
    %slice3A_24 = vector.extract_strided_slice %get3A_21 {offsets = [1, 0, 0], sizes = [1, 2000, 256], strides = [1, 1, 1]} : vector<2x2000x256xf32> to vector<1x2000x256xf32>
    %squeeze3A_25 = vector.shape_cast %slice3A_24 : vector<1x2000x256xf32> to vector<2000x256xf32>
    %add3A_26 = arith.addf %squeeze3A_23, %squeeze3A_25 : vector<2000x256xf32>
    %add3A_27 = arith.addf %add3A_26, %concatenate3A : vector<2000x256xf32>
    %mul3A = vector.broadcast %broadcast_in_dim3A : vector<2000x1xf32> to vector<2000x256xf32>
    %mul3A_28 = arith.mulf %mul3A, %add3A_27 : vector<2000x256xf32>
    %get3A_29 = arith.constant 0 : index
    %get3A_30 = arith.constant 0 : index
    %get3A_31 = vector.load %arg5[%get3A_29, %get3A_30] : memref<1x256xf32, #tpu.memory_space<vmem>>, vector<1x256xf32>
    %add3A_32 = vector.broadcast %get3A_31 : vector<1x256xf32> to vector<2000x256xf32>
    %add3A_33 = arith.addf %mul3A_28, %add3A_32 : vector<2000x256xf32>
    %swap3A = arith.constant 0 : index
    %swap3A_34 = arith.constant 0 : index
    %swap3A_35 = vector.load %arg6[%swap3A, %swap3A_34] : memref<2000x256xf32, #tpu.memory_space<vmem>>, vector<2000x256xf32>
    tpu.vector_store %arg6[%swap3A, %swap3A_34], %add3A_33 {strides = array<i32>} : memref<2000x256xf32, #tpu.memory_space<vmem>>, vector<2000x256xf32>,
    return
  }
  func.func @transform_0(%arg0: i32) -> (i32, i32, i32) {
    %c0_i32 = arith.constant 0 : i32
    %c0_i32_0 = arith.constant 0 : i32
    %c0_i32_1 = arith.constant 0 : i32
    return %c0_i32, %arg0, %c0_i32_0 : i32, i32, i32
  }
  func.func @transform_1(%arg0: i32) -> (i32, i32, i32) {
    %c0_i32 = arith.constant 0 : i32
    %c0_i32_0 = arith.constant 0 : i32
    %c0_i32_1 = arith.constant 0 : i32
    return %c0_i32, %arg0, %c0_i32_0 : i32, i32, i32
  }
  func.func @transform_2(%arg0: i32) -> (i32, i32) {
    %c0_i32 = arith.constant 0 : i32
    %c0_i32_0 = arith.constant 0 : i32
    return %arg0, %c0_i32 : i32, i32
  }
  func.func @transform_3(%arg0: i32) -> (i32, i32) {
    %c0_i32 = arith.constant 0 : i32
    %c0_i32_0 = arith.constant 0 : i32
    return %arg0, %c0_i32 : i32, i32
  }
  func.func @transform_4(%arg0: i32) -> (i32, i32) {
    %c0_i32 = arith.constant 0 : i32
    %c0_i32_0 = arith.constant 0 : i32
    %c0_i32_1 = arith.constant 0 : i32
    return %c0_i32, %c0_i32_0 : i32, i32
  }
  func.func @transform_5(%arg0: i32) -> (i32, i32) {
    %c0_i32 = arith.constant 0 : i32
    %c0_i32_0 = arith.constant 0 : i32
    return %arg0, %c0_i32 : i32, i32
  }
}

</mosaic_0001>

<sc_bundles>
// kernel: kernel.11.cloned.1.call-start
scs
__scs_entry_jumppad:
0x0: {  	(pc) =	sbr.rel $0x88, $3  }
0x1: {  	(tag) =	ssettag $0x0;
	lr =	simm.s32 $0x1  }
0x2: {  	[smem:$0x3F9B] =	sst lr;
	_ =	strace $0xD0000000  }
0x3: {  	_ = 	snop  }
0x4: {  	_ = 	snop  }
0x5: {  	_ = 	snop  }
0x6: {  	_ = 	snop  }
0x7: {  	_ = 	snop  }
__scs_overlays_trampoline_lowered:
0x8: {  	[smem:$0x3FAA] =	sst s0  }
0x9: {  	[smem:$0x3FAB] =	sst s1  }
0xa: {  	[smem:$0x3FAC] =	sst s2  }
0xb: {  	[smem:$0x3FAD] =	sst s3  }
0xc: {  	[smem:$0x3FAE] =	sst s4  }
0xd: {  	[smem:$0x3FAF] =	sst s5  }
0xe: {  	[smem:$0x3FB0] =	sst s6  }
0xf: {  	[smem:$0x3FB1] =	sst s7  }
0x10: {  	[smem:$0x3FB2] =	sst s8  }
0x11: {  	[smem:$0x3FB3] =	sst s9;
	s0 =	simm.s32 @!p0 $0x0  }
0x12: {  	s1 =	sld [smem:$0x3F99];
	s0 =	simm.s32 @p0 $0x1  }
0x13: {  	[smem:$0x3FB4] =	sst s0;
	s0 =	simm.s32 @!p1 $0x0  }
0x14: {  	s2 =	sld [smem:$0x3F98];
	s0 =	simm.s32 @p1 $0x1  }
0x15: {  	[smem:$0x3FB5] =	sst s0;
	s0 =	simm.s32 @!p2 $0x0  }
0x16: {  	s3 =	sld [smem:$0x3FDB];
	s0 =	simm.s32 @p2 $0x1  }
0x17: {  	s4 =	simm.s32 $0x1BF5;
	[smem:$0x3FB7] =	sst s0  }
0x18: {  	s0 =	sld [smem:$0x3F9A];
	_ =	swait.ge [sflag:s4], $0x0  }
0x19: {  	s7 =	sld [smem:$0x3F9B]  }
0x1a: {  	s8 =	sadd.s32 $0xFFFFE003, lr  }
0x1b: {  	s9 =	sadd.s32 $0xFFFFFEF7, lr;
	s5 =	simm.s32 $0xFFFFFFFF;
	p2 =	slt.u32 s8, $0xFFFFF086  }
0x1c: {  	p1 =	slt.u32 s9, $0xF7A;
	s5 =	simm.s32 @!p2 $0x0  }
0x1d: {  	s5 =	simm.s32 @p1 $0x1;
	p0 =	seq.s32 s7, s2  }
0x1e: {  	s7 =	smul.u32 @!p0 $0xF7A, s2;
	p2 =	seq.s32 @!p0 s5, $0x0  }
0x1f: {  	s9 =	smul.u32 $0xF7A, s1;
	s8 =	simm.s32 @!p0 $0x1BF5;
	p2 =	por !p2, p0  }
0x20: {  	[sflag:s8] =	ssyncset.s32 @!p0 $0xFFFFF086;
	s6 =	sadd.s32 @!p0 s3, s7;
	s7 =	simm.s32 @!p0 $0x108  }
0x21: {  	s3 =	sadd.s32 s3, s9;
	s6 =	sadd.s32 @!p0 $0x88, s6;
	s7 =	simm.s32 @p2 $0x1082  }
0x22: {  	[simem:s7], [sflag:s8] =	dma.local @!p0 [hbm:s6], $0xF7A  }
0x23: {  	s9 =	sor.u32 $0xD0000000, s2;
	s6 =	simm.s32 $0x108;
	_ =	swait.ge @!p0 [sflag:s8], $0x0  }
0x24: {  	s3 =	sadd.s32 $0x88, s3;
	s6 =	simm.s32 @!p1 $0x1082;
	[sflag:s4] =	ssyncset.s32 $0xFFFFF086  }
0x25: {  	[simem:s6], [sflag:s4] =	dma.local [hbm:s3], $0xF7A  }
0x26: {  	[smem:$0x3F9B] =	sst s1;
	(tag) =	ssettag s2;
	_ =	strace s9  }
0x27: {  	s1 =	sld [smem:$0x3FAB]  }
0x28: {  	s2 =	sld [smem:$0x3FAC]  }
0x29: {  	s4 =	sld [smem:$0x3FAE]  }
0x2a: {  	p0 =	seq.s32 s5, $0x0;
	s5 =	sld [smem:$0x3FAF]  }
0x2b: {  	s6 =	sld [smem:$0x3FB0]  }
0x2c: {  	s7 =	sld [smem:$0x3FB1]  }
0x2d: {  	s3 =	simm.s32 $0x108;
	s8 =	sld [smem:$0x3FB2]  }
0x2e: {  	s3 =	simm.s32 @!p0 $0x1082;
	s9 =	sld [smem:$0x3FB3]  }
0x2f: {  	lr =	sadd.s32 s0, s3;
	s0 =	sld [smem:$0x3FAA]  }
0x30: {  	s3 =	sld [smem:$0x3FAD]  }
0x31: {  	[smem:$0x3FB6] =	sst s10  }
0x32: {  	s10 =	sld [smem:$0x3FB4];
	_ =	sdelay $0x3  }
0x33: {  	p0 =	seq.s32 s10, $0x1;
	s10 =	sld [smem:$0x3FB6];
	_ =	sdelay $0x3  }
0x34: {  	[smem:$0x3FB6] =	sst s10  }
0x35: {  	s10 =	sld [smem:$0x3FB5];
	_ =	sdelay $0x3  }
0x36: {  	p1 =	seq.s32 s10, $0x1;
	s10 =	sld [smem:$0x3FB6];
	_ =	sdelay $0x3  }
0x37: {  	[smem:$0x3FB6] =	sst s10  }
0x38: {  	s10 =	sld [smem:$0x3FB7]  }
0x39: {  	_ = 	snop;
	(pc) =	sbr.ind lr, $3  }
0x3a: {  	_ = 	snop  }
0x3b: {  	_ = 	snop  }
0x3c: {  	p2 =	seq.s32 s10, $0x1;
	s10 =	sld [smem:$0x3FB6]  }
0x3d: {  	_ =	shalt  }
0x3e: {  	_ =	shalt  }
0x3f: {  	_ =	shalt  }
0x40: {  	_ =	shalt  }
0x41: {  	_ =	shalt  }
0x42: {  	_ =	shalt  }
0x43: {  	_ =	shalt  }
0x44: {  	_ =	shalt  }
0x45: {  	_ =	shalt  }
0x46: {  	_ =	shalt  }
0x47: {  	_ =	shalt  }
0x48: {  	_ =	shalt  }
0x49: {  	_ =	shalt  }
0x4a: {  	_ =	shalt  }
0x4b: {  	_ =	shalt  }
0x4c: {  	_ =	shalt  }
0x4d: {  	_ =	shalt  }
0x4e: {  	_ =	shalt  }
0x4f: {  	_ =	shalt  }
0x50: {  	_ =	shalt  }
0x51: {  	_ =	shalt  }
0x52: {  	_ =	shalt  }
0x53: {  	_ =	shalt  }
0x54: {  	_ =	shalt  }
0x55: {  	_ =	shalt  }
0x56: {  	_ =	shalt  }
0x57: {  	_ =	shalt  }
0x58: {  	_ =	shalt  }
0x59: {  	_ =	shalt  }
0x5a: {  	_ =	shalt  }
0x5b: {  	_ =	shalt  }
0x5c: {  	_ =	shalt  }
0x5d: {  	_ =	shalt  }
0x5e: {  	_ =	shalt  }
0x5f: {  	_ =	shalt  }
0x60: {  	_ =	shalt  }
0x61: {  	_ =	shalt  }
0x62: {  	_ =	shalt  }
0x63: {  	_ =	shalt  }
0x64: {  	_ =	shalt  }
0x65: {  	_ =	shalt  }
0x66: {  	_ =	shalt  }
0x67: {  	_ =	shalt  }
0x68: {  	_ =	shalt  }
0x69: {  	_ =	shalt  }
0x6a: {  	_ =	shalt  }
0x6b: {  	_ =	shalt  }
0x6c: {  	_ =	shalt  }
0x6d: {  	_ =	shalt  }
0x6e: {  	_ =	shalt  }
0x6f: {  	_ =	shalt  }
0x70: {  	_ =	shalt  }
0x71: {  	_ =	shalt  }
0x72: {  	_ =	shalt  }
0x73: {  	_ =	shalt  }
0x74: {  	_ =	shalt  }
0x75: {  	_ =	shalt  }
0x76: {  	_ =	shalt  }
0x77: {  	_ =	shalt  }
0x78: {  	_ =	shalt  }
0x79: {  	_ =	shalt  }
0x7a: {  	_ =	shalt  }
0x7b: {  	_ =	shalt  }
0x7c: {  	_ =	shalt  }
0x7d: {  	_ =	shalt  }
0x7e: {  	_ =	shalt  }
0x7f: {  	_ =	shalt  }
0x80: {  	_ =	shalt  }
0x81: {  	_ =	shalt  }
0x82: {  	_ =	shalt  }
0x83: {  	_ =	shalt  }
0x84: {  	_ =	shalt  }
0x85: {  	_ =	shalt  }
0x86: {  	_ =	shalt  }
0x87: {  	_ =	shalt  }
.Lfunc_end0:
.L_simem_size_0:
called_computation.1_lowered:
.L_overlay_start_0:
0x88: {  	s2 =	sld [smem:$0x3FD9]  }
0x89: {  	s3 =	sld [smem:$0x3FFE];
	_ =	sdelay $0x1  }
0x8a: {  	s1 =	srdreg.scid  }
0x8b: {  	s0 =	sand.u32 $0x1, s1  }
0x8c: {  	s16 =	sshll.u32 s0, $0xA;
	s2 =	sadd.s32 s3, s2  }
0x8d: {  	s2 =	sadd.s32 s2, s16  }
0x8e: {  	[smem:$0x3FC2] =	sst s2  }
0x8f: {  	_ = 	snop  }
0x90: {  	(tm) =	ssettm $0x1  }
0x91: {  	s17 =	sld [smem:$0x3FFB];
	_ =	sdelay $0x3  }
0x92: {  	_ =	strace s17  }
0x93: {  	s2 =	sld [smem:$0x3FFC];
	_ =	sdelay $0x3  }
0x94: {  	_ =	strace s2  }
0x95: {  	s2 =	sld [smem:$0x3FFD];
	_ =	sdelay $0x3  }
0x96: {  	_ =	strace s2  }
0x97: {  	_ =	strace $0x8FFFFFFF  }
0x98: {  	s18 =	sld [smem:$0x3FDB];
	_ =	sdelay $0x1  }
0x99: {  	s19 =	simm.s32 $_scs_section_size  }
0x9a: {  	s4 =	simm.s32 $_size__tile_overlayer_lowered;
	s5 =	simm.s32 $_tile_overlayer_lowered  }
0x9b: {  	s22 =	simm.s32 $0x1BFF;
	s21 =	sshll.u32 s5, $0x1;
	s2 =	sadd.s32 s19, s18  }
0x9c: {  	s6 =	simm.s32 $0x0;
	s20 =	sshll.u32 s4, $0x1;
	s4 =	sadd.s32 s21, s2  }
0x9d: {  	[timem:s6], [sflag:s22] =	dma.local [hbm:s4], s20  }
0x9e: {  	_ =	swait.ge [sflag:s22], s20  }
0x9f: {  	s3 =	ssub.s32 $0x0, s20;
	[sflag:s22] =	ssyncset.done $0x0  }
0xa0: {  	[sflag:s22] =	ssyncadd.s32 s3;
	_ =	sdelay $0x1  }
0xa1: {  	s23 =	simm.s32 $0x1B8B  }
0xa2: {  	_ =	swait.ge [sflag:s23], $0x1  }
0xa3: {  	[sflag:s23] =	ssyncset.done $0x0  }
0xa4: {  	s25 =	simm.s32 $0x1B8E;
	s24 =	sld [smem:$0x3FFE];
	[sflag:s23] =	ssyncadd.s32 $0xFFFFFFFF  }
0xa5: {  	s26 =	simm.s32 $execute0_lowered;
	[smem:$0x3FD2] =	sst s25  }
0xa6: {  	s4 =	sshll.u32 s26, $0x1;
	_ =	strace $0x80000049;
	[dreg:$0x1] =	wrdreg $0xFFFFFFFF  }
0xa7: {  	s28 =	simm.s32 $_size_execute0_lowered;
	s2 =	sadd.s32 s2, s4;
	[dreg:$0x0] =	wrdreg $0x0  }
0xa8: {  	s4 =	sshll.u32 s28, $0x1;
	[dreg:$0x2] =	wrdreg s2  }
0xa9: {  	[dreg:$0x3] =	wrdreg s4  }
0xaa: {  	[dreg:$0x4] =	wrdreg $0xC0  }
0xab: {  	_ =	task [dreg:s6], $0x5FFFF  }
0xac: {  	[dreg:$0x1] =	wrdreg $0xFFFFFFFF  }
0xad: {  	[dreg:$0x0] =	wrdreg $0x60  }
0xae: {  	[dreg:$0x2] =	wrdreg s24  }
0xaf: {  	[dreg:$0x3] =	wrdreg $0xBC000  }
0xb0: {  	[dreg:$0x4] =	wrdreg $0x9  }
0xb1: {  	_ =	task.clear_ibuf [dreg:s6], $0x5FFFF;
	_ =	strace $0x90000049  }
0xb2: {  	s29 =	simm.s32 $0x9;
	_ =	strace $0x8000004B  }
0xb3: {  	_ =	swait.ge [sflag:s29], $0x1  }
0xb4: {  	[sflag:s29] =	ssyncadd.s32 $0xFFFFFFFF  }
0xb5: {  	_ =	strace $0x9000004B  }
0xb6: {  	_ =	sfence  }
0xb7: {  	s30 =	sld [smem:$0x0];
	_ =	sdelay $0x2  }
0xb8: {  	s31 =	sshll.u32 s1, $0xD;
	s1 =	sshrl.u32 s1, $0x2  }
0xb9: {  	s3 =	sand.u32 $0x4000, s31;
	s1 =	sadd.s32 s1, s30  }
0xba: {  	s0 =	sor.u32 s3, s0;
	s1 =	sshll.u32 s1, $0x11  }
0xbb: {  	s0 =	sor.u32 s1, s0  }
0xbc: {  	s0 =	sadd.s32 $0x8F2B, s0  }
0xbd: {  	[sflag:s0] =	ssyncadd.remote.s32 $0x1  }
0xbe: {  	_ =	sfence.sel $0xFFFF  }
0xbf: {  	[dreg:$0x0] =	wrdreg $0xFFFFFFFF;
	(pc) =	sbr.abs _section_cstart, $3  }
0xc0: {  	[dreg:$0x1] =	wrdreg $0xFFFFFFFF  }
0xc1: {  	_ =	task.clear_ibuf [dreg:s6], $0x2FFFF;
	_ =	strace $0x9FFFFFFF  }
0xc2: {  	(tm) =	ssettm $0x7FFFFFFF  }
0xc3: {  	_ =	shalt  }
tec
execute0_lowered:
.L_overlay_start_1:
0x0: {  	(tag) =	ssettag $0x1  }
0x1: {  	s0 =	srdreg.scid;
	s1 =	rddreg [dreg:$0x0]  }
0x2: {  	s8 =	stileid.u32;
	s2 =	rddreg [dreg:$0x1];
	s4 =	simm.s32 $0x0  }
0x3: {  	s31 =	simm.s32 $0x4;
	s11 =	simm.s32 $0x8400;
	s0 =	sand.u32 $0x1, s0  }
0x4: {  	[smem:$0x7FF] =	sst s4;
	s5 =	sadd.s32 $0x52000, s1;
	s9 =	smul.u32 $0x4F000, s8  }
0x5: {  	s6 =	sadd.s32 $0x2AE00, s1;
	s7 =	sadd.s32 $0x6DC00, s1;
	s10 =	smul.u32 $0x4E200, s8  }
0x6: {  	s3 =	sshll.u32 s0, $0x4;
	_ =	strace $0x8000004A;
	s17 =	smul.u32 $0x4F0000, s0  }
0x7: {  	[dreg:$0x3] =	wrdreg s5;
	s5 =	sadd.s32 $0x3C00, s1;
	s0 =	ssub.s32 $0x2, s0  }
0x8: {  	s3 =	sor.u32 s8, s3;
	s8 =	sadd.s32 $0x94E00, s1;
	s18 =	sshrl.u32 s0, $0x1  }
0x9: {  	s10 =	sshrl.u32 s10, $0x2;
	s3 =	smul.u32 $0x680, s3;
	s4 =	sadd.s32 s9, s17  }
0xa: {  	s0 =	ssub.s32 s0, s18;
	s9 =	sadd.s32 s10, s2;
	s10 =	simm.s32 $0x80  }
0xb: {  	s4 =	sshrl.u32 s4, $0x3;
	s20 =	sadd.s32 $0x1900, s9;
	s21 =	sadd.s32 $0x3200, s9  }
0xc: {  	s22 =	sadd.s32 $0x4B00, s9;
	s15 =	sadd.s32 $0x6400, s9;
	[dreg:$0x6] =	wrdreg s20  }
0xd: {  	s23 =	sadd.s32 $0x7D00, s9;
	s17 =	sadd.s32 $0x9600, s9;
	[dreg:$0x7] =	wrdreg s21  }
0xe: {  	s18 =	sadd.s32 $0xAF00, s9;
	s0 =	smax.u32 s0, $0x1;
	[dreg:$0x8] =	wrdreg s22  }
0xf: {  	s28 =	sadd.s32 $0x11300, s9;
	s29 =	sadd.s32 $0x12C00, s9;
	[dreg:$0xf] =	wrdreg s23  }
0x10: {  	s30 =	sadd.s32 $0x13800, s9;
	s3 =	sadd.s32 s3, s1;
	[dreg:$0xd] =	wrdreg s0  }
0x11: {  	s1 =	sadd.s32 s4, s1;
	[dreg:$0xe] =	wrdreg s30;
	s19 =	sadd.s32 $0x60C00, s3  }
0x12: {  	s20 =	sadd.s32 $0xE100, s9;
	s3 =	sadd.s32 $0x53C00, s3;
	[dreg:$0x4] =	wrdreg s19  }
0x13: {  	s0 =	simm.s32 $0x6800;
	s24 =	sadd.s32 $0xBC000, s1;
	[dreg:$0x5] =	wrdreg s3  }
0x14: {  	s21 =	simm.s32 $0x2;
	s25 =	sadd.s32 $0xBC080, s1;
	[dreg:$0x9] =	wrdreg s24  }
0x15: {  	s22 =	simm.s32 $0x3;
	s26 =	sadd.s32 $0xBC100, s1;
	[dreg:$0xa] =	wrdreg s25  }
0x16: {  	s1 =	sadd.s32 $0xBC180, s1;
	s19 =	sadd.s32 $0xC800, s9;
	[dreg:$0xb] =	wrdreg s26  }
0x17: {  	[dreg:$0xc] =	wrdreg s1;
	s26 =	sadd.s32 $0xFA00, s9;
	s1 =	simm.s32 $0x32  }
0x18: {  	s25 =	simm.s32 $0xA000;
	s3 =	simm.s32 $0x1;
	s24 =	simm.s32 $0x0  }
.LBB2_1:
0x19: {  	s4 =	simm.s32 $0x0;
	s12 =	rddreg [dreg:$0x4]  }
0x1a: {  	[tilespmem:s4], [sflag:$0x4] =	stream.linear.gather [hbm4b:s12+s4], $0x3200, $0x38;
	[tilespmem:$0x1F480] =	vst v63  }
0x1b: {  	_ =	swait.ge [sflag:s31], $0x3200  }
0x1c: {  	[sflag:s31] =	ssyncset.done $0x0  }
0x1d: {  	s13 =	simm.s32 $0x3400;
	s30 =	rddreg [dreg:$0x5];
	[sflag:s31] =	ssyncadd.s32 $0xFFFFCE00  }
0x1e: {  	[tilespmem:s13], [sflag:$0x4] =	stream.linear.gather [hbm4b:s30+s4], $0x3200, $0x38;
	[tilespmem:$0x1F480] =	vst v63  }
0x1f: {  	_ =	swait.ge [sflag:s31], $0x3200  }
0x20: {  	[sflag:s31] =	ssyncset.done $0x0  }
0x21: {  	[sflag:s31] =	ssyncadd.s32 $0xFFFFCE00  }
0x22: {  	[tilespmem:s0], [sflag:$0x1] =	stream.indirect.gather [hbm4b:s5+s1], $0x80, s4, s1, $0xb8;
	[tilespmem:$0x1F480] =	vst v63  }
0x23: {  	_ = 	snop  }
0x24: {  	[tilespmem:s11], [sflag:$0x2] =	stream.indirect.gather [hbm4b:s5+s1], $0x80, s10, s1, $0xb8;
	[tilespmem:$0x1F480] =	vst v63  }
0x25: {  	s13 =	rddreg [dreg:$0x3]  }
0x26: {  	[tilespmem:s25], [sflag:$0x4] =	stream.linear.gather [hbm4b:s13+s4], $0x1900, $0x38;
	[tilespmem:$0x1F480] =	vst v63  }
0x27: {  	_ =	swait.ge [sflag:s31], $0x1900  }
0x28: {  	[sflag:s31] =	ssyncset.done $0x0  }
0x29: {  	[sflag:s31] =	ssyncadd.s32 $0xFFFFE700  }
0x2a: {  	[spmem:s9] =	stream.linear.scatter [tilespmem:s25], [sflag:$0x4], $0x1900, $0x38;
	[tilespmem:$0x1F480] =	vst v63  }
0x2b: {  	_ =	swait.ge [sflag:s31], $0x1900  }
0x2c: {  	[sflag:s31] =	ssyncset.done $0x0  }
0x2d: {  	s14 =	rddreg [dreg:$0x6];
	[sflag:s31] =	ssyncadd.s32 $0xFFFFE700  }
0x2e: {  	[spmem:s14] =	stream.linear.scatter [tilespmem:s25], [sflag:$0x4], $0x1900, $0x38;
	[tilespmem:$0x1F480] =	vst v63  }
0x2f: {  	_ =	swait.ge [sflag:s31], $0x1900  }
0x30: {  	[sflag:s31] =	ssyncset.done $0x0  }
0x31: {  	s16 =	rddreg [dreg:$0x7];
	[sflag:s31] =	ssyncadd.s32 $0xFFFFE700  }
0x32: {  	[spmem:s16] =	stream.linear.scatter [tilespmem:s25], [sflag:$0x4], $0x1900, $0x38;
	[tilespmem:$0x1F480] =	vst v63  }
0x33: {  	_ =	swait.ge [sflag:s31], $0x1900  }
0x34: {  	[sflag:s31] =	ssyncset.done $0x0  }
0x35: {  	s23 =	rddreg [dreg:$0x8];
	[sflag:s31] =	ssyncadd.s32 $0xFFFFE700  }
0x36: {  	[spmem:s23] =	stream.linear.scatter [tilespmem:s25], [sflag:$0x4], $0x1900, $0x38;
	[tilespmem:$0x1F480] =	vst v63  }
0x37: {  	_ =	swait.ge [sflag:s31], $0x1900  }
0x38: {  	[sflag:s31] =	ssyncset.done $0x0  }
0x39: {  	[sflag:s31] =	ssyncadd.s32 $0xFFFFE700  }
0x3a: {  	[spmem:s15] =	stream.linear.scatter [tilespmem:s25], [sflag:$0x4], $0x1900, $0x38;
	[tilespmem:$0x1F480] =	vst v63  }
0x3b: {  	_ =	swait.ge [sflag:s31], $0x1900  }
0x3c: {  	[sflag:s31] =	ssyncset.done $0x0  }
0x3d: {  	s30 =	rddreg [dreg:$0xf];
	[sflag:s31] =	ssyncadd.s32 $0xFFFFE700  }
0x3e: {  	[spmem:s30] =	stream.linear.scatter [tilespmem:s25], [sflag:$0x4], $0x1900, $0x38;
	[tilespmem:$0x1F480] =	vst v63  }
0x3f: {  	_ =	swait.ge [sflag:s31], $0x1900  }
0x40: {  	[sflag:s31] =	ssyncset.done $0x0  }
0x41: {  	[sflag:s31] =	ssyncadd.s32 $0xFFFFE700  }
0x42: {  	[spmem:s17] =	stream.linear.scatter [tilespmem:s25], [sflag:$0x4], $0x1900, $0x38;
	[tilespmem:$0x1F480] =	vst v63  }
0x43: {  	_ =	swait.ge [sflag:s31], $0x1900  }
0x44: {  	[sflag:s31] =	ssyncset.done $0x0  }
0x45: {  	[sflag:s31] =	ssyncadd.s32 $0xFFFFE700  }
0x46: {  	[spmem:s18] =	stream.linear.scatter [tilespmem:s25], [sflag:$0x4], $0x1900, $0x38;
	[tilespmem:$0x1F480] =	vst v63  }
0x47: {  	_ =	swait.ge [sflag:s31], $0x1900  }
0x48: {  	[sflag:s31] =	ssyncset.done $0x0  }
0x49: {  	[sflag:s31] =	ssyncadd.s32 $0xFFFFE700  }
0x4a: {  	[spmem:s19] =	stream.linear.scatter [tilespmem:s25], [sflag:$0x4], $0x1900, $0x38;
	[tilespmem:$0x1F480] =	vst v63  }
0x4b: {  	_ =	swait.ge [sflag:s31], $0x1900  }
0x4c: {  	[sflag:s31] =	ssyncset.done $0x0  }
0x4d: {  	[sflag:s31] =	ssyncadd.s32 $0xFFFFE700  }
0x4e: {  	[spmem:s20] =	stream.linear.scatter [tilespmem:s25], [sflag:$0x4], $0x1900, $0x38;
	[tilespmem:$0x1F480] =	vst v63  }
0x4f: {  	_ =	swait.ge [sflag:s31], $0x1900  }
0x50: {  	[sflag:s31] =	ssyncset.done $0x0  }
0x51: {  	[sflag:s31] =	ssyncadd.s32 $0xFFFFE700  }
0x52: {  	[spmem:s26] =	stream.linear.scatter [tilespmem:s25], [sflag:$0x4], $0x1900, $0x38;
	[tilespmem:$0x1F480] =	vst v63  }
0x53: {  	_ =	swait.ge [sflag:s31], $0x1900  }
0x54: {  	[sflag:s31] =	ssyncset.done $0x0  }
0x55: {  	[sflag:s31] =	ssyncadd.s32 $0xFFFFE700  }
0x56: {  	[spmem:s28] =	stream.linear.scatter [tilespmem:s25], [sflag:$0x4], $0x1900, $0x38;
	[tilespmem:$0x1F480] =	vst v63  }
0x57: {  	_ =	swait.ge [sflag:s31], $0x1900  }
0x58: {  	[sflag:s31] =	ssyncset.done $0x0  }
0x59: {  	[sflag:s31] =	ssyncadd.s32 $0xFFFFE700  }
0x5a: {  	[spmem:s29] =	stream.linear.scatter [tilespmem:s25], [sflag:$0x4], $0xC80, $0x38;
	[tilespmem:$0x1F480] =	vst v63  }
0x5b: {  	_ =	swait.ge [sflag:s31], $0xC80  }
0x5c: {  	[sflag:s31] =	ssyncset.done $0x0  }
0x5d: {  	[sflag:s31] =	ssyncadd.s32 $0xFFFFF380  }
0x5e: {  	s12 =	simm.s32 $0x100;
	[bflag:$0x0] =	sbarrier.arrive $0xFFFF  }
0x5f: {  	[tilespmem:s25], [sflag:$0x3] =	stream.indirect.gather [hbm4b:s5+s1], $0x80, s12, s1, $0xb8;
	[tilespmem:$0x1F480] =	vst v63  }
0x60: {  	_ =	swait.ge [sflag:s3], $0x1900  }
0x61: {  	[sflag:s3] =	ssyncset.done $0x0  }
0x62: {  	s13 =	simm.s32 $0x3400;
	[sflag:s3] =	ssyncadd.s32 $0xFFFFE700  }
0x63: {  	[spmem:s2] =	stream.indirect.scatter.add.f32 [tilespmem:s0], [sflag:$0x4], $0x80, s13, s1, $0xb8;
	[tilespmem:$0x1F480] =	vst v63  }
0x64: {  	_ =	swait.ge [sflag:s31], $0x1900  }
0x65: {  	[sflag:s31] =	ssyncset.done $0x0  }
0x66: {  	s14 =	simm.s32 $0x180;
	[sflag:s31] =	ssyncadd.s32 $0xFFFFE700  }
0x67: {  	[tilespmem:s0], [sflag:$0x1] =	stream.indirect.gather [hbm4b:s5+s1], $0x80, s14, s1, $0xb8;
	[tilespmem:$0x1F480] =	vst v63  }
0x68: {  	_ =	swait.ge [sflag:s21], $0x1900  }
0x69: {  	[sflag:s21] =	ssyncset.done $0x0  }
0x6a: {  	s16 =	simm.s32 $0x3480;
	[sflag:s21] =	ssyncadd.s32 $0xFFFFE700  }
0x6b: {  	[spmem:s2] =	stream.indirect.scatter.add.f32 [tilespmem:s11], [sflag:$0x4], $0x80, s16, s1, $0xb8;
	[tilespmem:$0x1F480] =	vst v63  }
0x6c: {  	_ =	swait.ge [sflag:s31], $0x1900  }
0x6d: {  	[sflag:s31] =	ssyncset.done $0x0  }
0x6e: {  	s23 =	simm.s32 $0x200;
	[sflag:s31] =	ssyncadd.s32 $0xFFFFE700  }
0x6f: {  	[tilespmem:s11], [sflag:$0x2] =	stream.indirect.gather [hbm4b:s5+s1], $0x80, s23, s1, $0xb8;
	[tilespmem:$0x1F480] =	vst v63  }
0x70: {  	_ =	swait.ge [sflag:s22], $0x1900  }
0x71: {  	[sflag:s22] =	ssyncset.done $0x0  }
0x72: {  	s30 =	simm.s32 $0x3500;
	[sflag:s22] =	ssyncadd.s32 $0xFFFFE700  }
0x73: {  	[spmem:s2] =	stream.indirect.scatter.add.f32 [tilespmem:s25], [sflag:$0x4], $0x80, s30, s1, $0xb8;
	[tilespmem:$0x1F480] =	vst v63  }
0x74: {  	_ =	swait.ge [sflag:s31], $0x1900  }
0x75: {  	[sflag:s31] =	ssyncset.done $0x0  }
0x76: {  	s4 =	simm.s32 $0x600;
	s12 =	simm.s32 $0x280;
	[sflag:s31] =	ssyncadd.s32 $0xFFFFE700  }
.LBB2_2:
0x77: {  	[tilespmem:s25], [sflag:$0x3] =	stream.indirect.gather [hbm4b:s5+s1], $0x80, s12, s1, $0xb8;
	[tilespmem:$0x1F480] =	vst v63  }
0x78: {  	s12 =	smov.u32 s4  }
0x79: {  	p0 =	sne.s32 s4, $0xBA00;
	s4 =	sadd.s32 $0x600, s4;
	_ =	swait.ge [sflag:s3], $0x1900  }
0x7a: {  	s12 =	sshra.s32 s12, $0x2;
	[sflag:s3] =	ssyncset.done $0x0  }
0x7b: {  	s13 =	sadd.s32 $0x3400, s12;
	[sflag:s3] =	ssyncadd.s32 $0xFFFFE700  }
0x7c: {  	[spmem:s2] =	stream.indirect.scatter.add.f32 [tilespmem:s0], [sflag:$0x4], $0x80, s13, s1, $0xb8;
	[tilespmem:$0x1F480] =	vst v63  }
0x7d: {  	_ =	swait.ge [sflag:s31], $0x1900  }
0x7e: {  	[sflag:s31] =	ssyncset.done $0x0  }
0x7f: {  	s13 =	sadd.s32 $0x180, s12;
	[sflag:s31] =	ssyncadd.s32 $0xFFFFE700  }
0x80: {  	[tilespmem:s0], [sflag:$0x1] =	stream.indirect.gather [hbm4b:s5+s1], $0x80, s13, s1, $0xb8;
	[tilespmem:$0x1F480] =	vst v63  }
0x81: {  	_ =	swait.ge [sflag:s21], $0x1900  }
0x82: {  	[sflag:s21] =	ssyncset.done $0x0  }
0x83: {  	s13 =	sadd.s32 $0x3480, s12;
	[sflag:s21] =	ssyncadd.s32 $0xFFFFE700  }
0x84: {  	[spmem:s2] =	stream.indirect.scatter.add.f32 [tilespmem:s11], [sflag:$0x4], $0x80, s13, s1, $0xb8;
	[tilespmem:$0x1F480] =	vst v63  }
0x85: {  	_ =	swait.ge [sflag:s31], $0x1900  }
0x86: {  	[sflag:s31] =	ssyncset.done $0x0  }
0x87: {  	s13 =	sadd.s32 $0x200, s12;
	[sflag:s31] =	ssyncadd.s32 $0xFFFFE700  }
0x88: {  	[tilespmem:s11], [sflag:$0x2] =	stream.indirect.gather [hbm4b:s5+s1], $0x80, s13, s1, $0xb8;
	[tilespmem:$0x1F480] =	vst v63  }
0x89: {  	_ =	swait.ge [sflag:s22], $0x1900  }
0x8a: {  	[sflag:s22] =	ssyncset.done $0x0  }
.Ltmp0:
0x8b: {  	s13 =	sadd.s32 $0x3500, s12;
	[sflag:s22] =	ssyncadd.s32 $0xFFFFE700;
	(pc) =	sbr.rel @p0 .LBB2_2-.Ltmp0, $4  }
0x8c: {  	[spmem:s2] =	stream.indirect.scatter.add.f32 [tilespmem:s25], [sflag:$0x4], $0x80, s13, s1, $0xb8;
	[tilespmem:$0x1F480] =	vst v63  }
0x8d: {  	_ =	swait.ge [sflag:s31], $0x1900  }
0x8e: {  	[sflag:s31] =	ssyncset.done $0x0  }
0x8f: {  	s12 =	sadd.s32 $0x280, s12;
	[sflag:s31] =	ssyncadd.s32 $0xFFFFE700  }
0x90: {  	[tilespmem:s25], [sflag:$0x3] =	stream.indirect.gather [hbm4b:s5+s1], $0x80, s12, s1, $0xb8;
	[tilespmem:$0x1F480] =	vst v63  }
0x91: {  	_ =	swait.ge [sflag:s3], $0x1900  }
0x92: {  	[sflag:s3] =	ssyncset.done $0x0  }
0x93: {  	s4 =	simm.s32 $0x6400;
	[sflag:s3] =	ssyncadd.s32 $0xFFFFE700  }
0x94: {  	[spmem:s2] =	stream.indirect.scatter.add.f32 [tilespmem:s0], [sflag:$0x4], $0x80, s4, s1, $0xb8;
	[tilespmem:$0x1F480] =	vst v63  }
0x95: {  	_ =	swait.ge [sflag:s31], $0x1900  }
0x96: {  	[sflag:s31] =	ssyncset.done $0x0  }
0x97: {  	s16 =	simm.s32 $0x3180;
	[sflag:s31] =	ssyncadd.s32 $0xFFFFE700  }
0x98: {  	[tilespmem:s0], [sflag:$0x1] =	stream.indirect.gather [hbm4b:s5+s1], $0x80, s16, s1, $0xb8;
	[tilespmem:$0x1F480] =	vst v63  }
0x99: {  	_ =	swait.ge [sflag:s21], $0x1900  }
0x9a: {  	[sflag:s21] =	ssyncset.done $0x0  }
0x9b: {  	s23 =	simm.s32 $0x6480;
	[sflag:s21] =	ssyncadd.s32 $0xFFFFE700  }
0x9c: {  	[spmem:s2] =	stream.indirect.scatter.add.f32 [tilespmem:s11], [sflag:$0x4], $0x80, s23, s1, $0xb8;
	[tilespmem:$0x1F480] =	vst v63  }
0x9d: {  	_ =	swait.ge [sflag:s31], $0x1900  }
0x9e: {  	[sflag:s31] =	ssyncset.done $0x0  }
0x9f: {  	[sflag:s31] =	ssyncadd.s32 $0xFFFFE700  }
0xa0: {  	_ =	swait.ge [sflag:s22], $0x1900  }
0xa1: {  	[sflag:s22] =	ssyncset.done $0x0  }
0xa2: {  	s12 =	simm.s32 $0x6500;
	[sflag:s22] =	ssyncadd.s32 $0xFFFFE700  }
0xa3: {  	[spmem:s2] =	stream.indirect.scatter.add.f32 [tilespmem:s25], [sflag:$0x4], $0x80, s12, s1, $0xb8;
	[tilespmem:$0x1F480] =	vst v63  }
0xa4: {  	_ =	swait.ge [sflag:s31], $0x1900  }
0xa5: {  	[sflag:s31] =	ssyncset.done $0x0  }
0xa6: {  	[sflag:s31] =	ssyncadd.s32 $0xFFFFE700  }
0xa7: {  	_ =	swait.ge [sflag:s3], $0x1900  }
0xa8: {  	[sflag:s3] =	ssyncset.done $0x0  }
0xa9: {  	s13 =	simm.s32 $0x6580;
	[sflag:s3] =	ssyncadd.s32 $0xFFFFE700  }
0xaa: {  	[spmem:s2] =	stream.indirect.scatter.add.f32 [tilespmem:s0], [sflag:$0x4], $0x80, s13, s1, $0xb8;
	[tilespmem:$0x1F480] =	vst v63  }
0xab: {  	_ =	swait.ge [sflag:s31], $0x1900  }
0xac: {  	s14 =	stileid.u32;
	[sflag:s31] =	ssyncset.done $0x0  }
0xad: {  	s4 =	sshll.u32 s14, $0x6;
	s14 =	simm.s32 $0x200;
	[sflag:s31] =	ssyncadd.s32 $0xFFFFE700  }
0xae: {  	s30 =	sor.u32 $0x1C04, s4;
	s12 =	simm.s32 $0x0;
	[bflag:$0x0] =	sbarrier.arrive $0xFFFF  }
0xaf: {  	[tilespmem:s0], [sflag:$0x1] =	stream.indirect.gather [hbm4b:s6+s1], $0x80, s12, s1, $0xb8;
	[tilespmem:$0x1F480] =	vst v63  }
0xb0: {  	s23 =	sshrl.u32 s9, $0x3;
	s13 =	simm.s32 $0x8;
	s16 =	rddreg [dreg:$0x9]  }
0xb1: {  	[tilespmem:s11], [sflag:$0x2] =	stream.indirect.gather [hbm4b:s6+s1], $0x80, s10, s1, $0xb8;
	[tilespmem:$0x1F480] =	vst v63  }
0xb2: {  	[hbm:s16@s14], [sflag:s30] =	dma.strided [spmem:s23@s10], $0x2700, s13, $0x10   }
0xb3: {  	s14 =	sadd.s32 $0x9C00, s16;
	s16 =	rddreg [dreg:$0xe]  }
0xb4: {  	s4 =	sshrl.u32 s16, $0x3  }
0xb5: {  	[hbm:s14], [sflag:s30] =	dma.local [spmem:s4], $0x10  }
0xb6: {  	_ =	swait.ge [sflag:s31], $0x2710  }
0xb7: {  	[sflag:s31] =	ssyncset.done $0x0  }
0xb8: {  	s14 =	rddreg [dreg:$0x3];
	[sflag:s31] =	ssyncadd.s32 $0xFFFFD8F0  }
0xb9: {  	[tilespmem:s25], [sflag:$0x4] =	stream.linear.gather [hbm4b:s14+s12], $0x1900, $0x38;
	[tilespmem:$0x1F480] =	vst v63  }
0xba: {  	_ =	swait.ge [sflag:s31], $0x1900  }
0xbb: {  	[sflag:s31] =	ssyncset.done $0x0  }
0xbc: {  	[sflag:s31] =	ssyncadd.s32 $0xFFFFE700  }
0xbd: {  	[spmem:s9] =	stream.linear.scatter [tilespmem:s25], [sflag:$0x4], $0x1900, $0x38;
	[tilespmem:$0x1F480] =	vst v63  }
0xbe: {  	_ =	swait.ge [sflag:s31], $0x1900  }
0xbf: {  	[sflag:s31] =	ssyncset.done $0x0  }
0xc0: {  	s16 =	rddreg [dreg:$0x6];
	[sflag:s31] =	ssyncadd.s32 $0xFFFFE700  }
0xc1: {  	[spmem:s16] =	stream.linear.scatter [tilespmem:s25], [sflag:$0x4], $0x1900, $0x38;
	[tilespmem:$0x1F480] =	vst v63  }
0xc2: {  	_ =	swait.ge [sflag:s31], $0x1900  }
0xc3: {  	[sflag:s31] =	ssyncset.done $0x0  }
0xc4: {  	s13 =	rddreg [dreg:$0x7];
	[sflag:s31] =	ssyncadd.s32 $0xFFFFE700  }
0xc5: {  	[spmem:s13] =	stream.linear.scatter [tilespmem:s25], [sflag:$0x4], $0x1900, $0x38;
	[tilespmem:$0x1F480] =	vst v63  }
0xc6: {  	_ =	swait.ge [sflag:s31], $0x1900  }
0xc7: {  	[sflag:s31] =	ssyncset.done $0x0  }
0xc8: {  	s14 =	rddreg [dreg:$0x8];
	[sflag:s31] =	ssyncadd.s32 $0xFFFFE700  }
0xc9: {  	[spmem:s14] =	stream.linear.scatter [tilespmem:s25], [sflag:$0x4], $0x1900, $0x38;
	[tilespmem:$0x1F480] =	vst v63  }
0xca: {  	_ =	swait.ge [sflag:s31], $0x1900  }
0xcb: {  	[sflag:s31] =	ssyncset.done $0x0  }
0xcc: {  	[sflag:s31] =	ssyncadd.s32 $0xFFFFE700  }
0xcd: {  	[spmem:s15] =	stream.linear.scatter [tilespmem:s25], [sflag:$0x4], $0x1900, $0x38;
	[tilespmem:$0x1F480] =	vst v63  }
0xce: {  	_ =	swait.ge [sflag:s31], $0x1900  }
0xcf: {  	[sflag:s31] =	ssyncset.done $0x0  }
0xd0: {  	s16 =	smov.u32 s15;
	s15 =	rddreg [dreg:$0xf];
	[sflag:s31] =	ssyncadd.s32 $0xFFFFE700  }
0xd1: {  	[spmem:s15] =	stream.linear.scatter [tilespmem:s25], [sflag:$0x4], $0x1900, $0x38;
	[tilespmem:$0x1F480] =	vst v63  }
0xd2: {  	_ =	swait.ge [sflag:s31], $0x1900  }
0xd3: {  	[sflag:s31] =	ssyncset.done $0x0  }
0xd4: {  	[sflag:s31] =	ssyncadd.s32 $0xFFFFE700  }
0xd5: {  	[spmem:s17] =	stream.linear.scatter [tilespmem:s25], [sflag:$0x4], $0x1900, $0x38;
	[tilespmem:$0x1F480] =	vst v63  }
0xd6: {  	_ =	swait.ge [sflag:s31], $0x1900  }
0xd7: {  	[sflag:s31] =	ssyncset.done $0x0  }
0xd8: {  	[sflag:s31] =	ssyncadd.s32 $0xFFFFE700  }
0xd9: {  	[spmem:s18] =	stream.linear.scatter [tilespmem:s25], [sflag:$0x4], $0x1900, $0x38;
	[tilespmem:$0x1F480] =	vst v63  }
0xda: {  	_ =	swait.ge [sflag:s31], $0x1900  }
0xdb: {  	[sflag:s31] =	ssyncset.done $0x0  }
0xdc: {  	[sflag:s31] =	ssyncadd.s32 $0xFFFFE700  }
0xdd: {  	[spmem:s19] =	stream.linear.scatter [tilespmem:s25], [sflag:$0x4], $0x1900, $0x38;
	[tilespmem:$0x1F480] =	vst v63  }
0xde: {  	_ =	swait.ge [sflag:s31], $0x1900  }
0xdf: {  	[sflag:s31] =	ssyncset.done $0x0  }
0xe0: {  	[sflag:s31] =	ssyncadd.s32 $0xFFFFE700  }
0xe1: {  	[spmem:s20] =	stream.linear.scatter [tilespmem:s25], [sflag:$0x4], $0x1900, $0x38;
	[tilespmem:$0x1F480] =	vst v63  }
0xe2: {  	_ =	swait.ge [sflag:s31], $0x1900  }
0xe3: {  	[sflag:s31] =	ssyncset.done $0x0  }
0xe4: {  	[sflag:s31] =	ssyncadd.s32 $0xFFFFE700  }
0xe5: {  	[spmem:s26] =	stream.linear.scatter [tilespmem:s25], [sflag:$0x4], $0x1900, $0x38;
	[tilespmem:$0x1F480] =	vst v63  }
0xe6: {  	_ =	swait.ge [sflag:s31], $0x1900  }
0xe7: {  	[sflag:s31] =	ssyncset.done $0x0  }
0xe8: {  	[sflag:s31] =	ssyncadd.s32 $0xFFFFE700  }
0xe9: {  	[spmem:s28] =	stream.linear.scatter [tilespmem:s25], [sflag:$0x4], $0x1900, $0x38;
	[tilespmem:$0x1F480] =	vst v63  }
0xea: {  	_ =	swait.ge [sflag:s31], $0x1900  }
0xeb: {  	[sflag:s31] =	ssyncset.done $0x0  }
0xec: {  	[sflag:s31] =	ssyncadd.s32 $0xFFFFE700  }
0xed: {  	[spmem:s29] =	stream.linear.scatter [tilespmem:s25], [sflag:$0x4], $0xC80, $0x38;
	[tilespmem:$0x1F480] =	vst v63  }
0xee: {  	_ =	swait.ge [sflag:s31], $0xC80  }
0xef: {  	[sflag:s31] =	ssyncset.done $0x0  }
0xf0: {  	[sflag:s31] =	ssyncadd.s32 $0xFFFFF380  }
0xf1: {  	s13 =	simm.s32 $0x100;
	[bflag:$0x0] =	sbarrier.arrive $0xFFFF  }
0xf2: {  	[tilespmem:s25], [sflag:$0x3] =	stream.indirect.gather [hbm4b:s6+s1], $0x80, s13, s1, $0xb8;
	[tilespmem:$0x1F480] =	vst v63  }
0xf3: {  	_ =	swait.ge [sflag:s3], $0x1900  }
0xf4: {  	[sflag:s3] =	ssyncset.done $0x0  }
0xf5: {  	s14 =	simm.s32 $0x3400;
	[sflag:s3] =	ssyncadd.s32 $0xFFFFE700  }
0xf6: {  	[spmem:s2] =	stream.indirect.scatter.add.f32 [tilespmem:s0], [sflag:$0x4], $0x80, s14, s1, $0xb8;
	[tilespmem:$0x1F480] =	vst v63  }
0xf7: {  	_ =	swait.ge [sflag:s31], $0x1900  }
0xf8: {  	[sflag:s31] =	ssyncset.done $0x0  }
0xf9: {  	s15 =	simm.s32 $0x180;
	[sflag:s31] =	ssyncadd.s32 $0xFFFFE700  }
0xfa: {  	[tilespmem:s0], [sflag:$0x1] =	stream.indirect.gather [hbm4b:s6+s1], $0x80, s15, s1, $0xb8;
	[tilespmem:$0x1F480] =	vst v63  }
0xfb: {  	_ =	swait.ge [sflag:s21], $0x1900  }
0xfc: {  	[sflag:s21] =	ssyncset.done $0x0  }
0xfd: {  	s13 =	simm.s32 $0x3480;
	[sflag:s21] =	ssyncadd.s32 $0xFFFFE700  }
0xfe: {  	[spmem:s2] =	stream.indirect.scatter.add.f32 [tilespmem:s11], [sflag:$0x4], $0x80, s13, s1, $0xb8;
	[tilespmem:$0x1F480] =	vst v63  }
0xff: {  	_ =	swait.ge [sflag:s31], $0x1900  }
0x100: {  	[sflag:s31] =	ssyncset.done $0x0  }
0x101: {  	s14 =	simm.s32 $0x200;
	[sflag:s31] =	ssyncadd.s32 $0xFFFFE700  }
0x102: {  	[tilespmem:s11], [sflag:$0x2] =	stream.indirect.gather [hbm4b:s6+s1], $0x80, s14, s1, $0xb8;
	[tilespmem:$0x1F480] =	vst v63  }
0x103: {  	_ =	swait.ge [sflag:s22], $0x1900  }
0x104: {  	[sflag:s22] =	ssyncset.done $0x0  }
0x105: {  	s15 =	simm.s32 $0x3500;
	[sflag:s22] =	ssyncadd.s32 $0xFFFFE700  }
0x106: {  	[spmem:s2] =	stream.indirect.scatter.add.f32 [tilespmem:s25], [sflag:$0x4], $0x80, s15, s1, $0xb8;
	[tilespmem:$0x1F480] =	vst v63  }
0x107: {  	_ =	swait.ge [sflag:s31], $0x1900  }
0x108: {  	[sflag:s31] =	ssyncset.done $0x0  }
0x109: {  	s12 =	simm.s32 $0x600;
	s13 =	simm.s32 $0x280;
	[sflag:s31] =	ssyncadd.s32 $0xFFFFE700  }
.LBB2_4:
0x10a: {  	[tilespmem:s25], [sflag:$0x3] =	stream.indirect.gather [hbm4b:s6+s1], $0x80, s13, s1, $0xb8;
	[tilespmem:$0x1F480] =	vst v63  }
0x10b: {  	s13 =	smov.u32 s12  }
0x10c: {  	p0 =	sne.s32 s12, $0xBA00;
	s12 =	sadd.s32 $0x600, s12;
	_ =	swait.ge [sflag:s3], $0x1900  }
0x10d: {  	s13 =	sshra.s32 s13, $0x2;
	[sflag:s3] =	ssyncset.done $0x0  }
0x10e: {  	s14 =	sadd.s32 $0x3400, s13;
	[sflag:s3] =	ssyncadd.s32 $0xFFFFE700  }
0x10f: {  	[spmem:s2] =	stream.indirect.scatter.add.f32 [tilespmem:s0], [sflag:$0x4], $0x80, s14, s1, $0xb8;
	[tilespmem:$0x1F480] =	vst v63  }
0x110: {  	_ =	swait.ge [sflag:s31], $0x1900  }
0x111: {  	[sflag:s31] =	ssyncset.done $0x0  }
0x112: {  	s14 =	sadd.s32 $0x180, s13;
	[sflag:s31] =	ssyncadd.s32 $0xFFFFE700  }
0x113: {  	[tilespmem:s0], [sflag:$0x1] =	stream.indirect.gather [hbm4b:s6+s1], $0x80, s14, s1, $0xb8;
	[tilespmem:$0x1F480] =	vst v63  }
0x114: {  	_ =	swait.ge [sflag:s21], $0x1900  }
0x115: {  	[sflag:s21] =	ssyncset.done $0x0  }
0x116: {  	s14 =	sadd.s32 $0x3480, s13;
	[sflag:s21] =	ssyncadd.s32 $0xFFFFE700  }
0x117: {  	[spmem:s2] =	stream.indirect.scatter.add.f32 [tilespmem:s11], [sflag:$0x4], $0x80, s14, s1, $0xb8;
	[tilespmem:$0x1F480] =	vst v63  }
0x118: {  	_ =	swait.ge [sflag:s31], $0x1900  }
0x119: {  	[sflag:s31] =	ssyncset.done $0x0  }
0x11a: {  	s14 =	sadd.s32 $0x200, s13;
	[sflag:s31] =	ssyncadd.s32 $0xFFFFE700  }
0x11b: {  	[tilespmem:s11], [sflag:$0x2] =	stream.indirect.gather [hbm4b:s6+s1], $0x80, s14, s1, $0xb8;
	[tilespmem:$0x1F480] =	vst v63  }
0x11c: {  	_ =	swait.ge [sflag:s22], $0x1900  }
0x11d: {  	[sflag:s22] =	ssyncset.done $0x0  }
.Ltmp1:
0x11e: {  	s14 =	sadd.s32 $0x3500, s13;
	[sflag:s22] =	ssyncadd.s32 $0xFFFFE700;
	(pc) =	sbr.rel @p0 .LBB2_4-.Ltmp1, $4  }
0x11f: {  	[spmem:s2] =	stream.indirect.scatter.add.f32 [tilespmem:s25], [sflag:$0x4], $0x80, s14, s1, $0xb8;
	[tilespmem:$0x1F480] =	vst v63  }
0x120: {  	_ =	swait.ge [sflag:s31], $0x1900  }
0x121: {  	[sflag:s31] =	ssyncset.done $0x0  }
0x122: {  	s13 =	sadd.s32 $0x280, s13;
	[sflag:s31] =	ssyncadd.s32 $0xFFFFE700  }
0x123: {  	[tilespmem:s25], [sflag:$0x3] =	stream.indirect.gather [hbm4b:s6+s1], $0x80, s13, s1, $0xb8;
	[tilespmem:$0x1F480] =	vst v63  }
0x124: {  	_ =	swait.ge [sflag:s3], $0x1900  }
0x125: {  	[sflag:s3] =	ssyncset.done $0x0  }
0x126: {  	s12 =	simm.s32 $0x6400;
	[sflag:s3] =	ssyncadd.s32 $0xFFFFE700  }
0x127: {  	[spmem:s2] =	stream.indirect.scatter.add.f32 [tilespmem:s0], [sflag:$0x4], $0x80, s12, s1, $0xb8;
	[tilespmem:$0x1F480] =	vst v63  }
0x128: {  	_ =	swait.ge [sflag:s31], $0x1900  }
0x129: {  	[sflag:s31] =	ssyncset.done $0x0  }
0x12a: {  	s13 =	simm.s32 $0x3180;
	[sflag:s31] =	ssyncadd.s32 $0xFFFFE700  }
0x12b: {  	[tilespmem:s0], [sflag:$0x1] =	stream.indirect.gather [hbm4b:s6+s1], $0x80, s13, s1, $0xb8;
	[tilespmem:$0x1F480] =	vst v63  }
0x12c: {  	_ =	swait.ge [sflag:s21], $0x1900  }
0x12d: {  	[sflag:s21] =	ssyncset.done $0x0  }
0x12e: {  	s14 =	simm.s32 $0x6480;
	[sflag:s21] =	ssyncadd.s32 $0xFFFFE700  }
0x12f: {  	[spmem:s2] =	stream.indirect.scatter.add.f32 [tilespmem:s11], [sflag:$0x4], $0x80, s14, s1, $0xb8;
	[tilespmem:$0x1F480] =	vst v63  }
0x130: {  	_ =	swait.ge [sflag:s31], $0x1900  }
0x131: {  	[sflag:s31] =	ssyncset.done $0x0  }
0x132: {  	[sflag:s31] =	ssyncadd.s32 $0xFFFFE700  }
0x133: {  	_ =	swait.ge [sflag:s22], $0x1900  }
0x134: {  	[sflag:s22] =	ssyncset.done $0x0  }
0x135: {  	s15 =	simm.s32 $0x6500;
	[sflag:s22] =	ssyncadd.s32 $0xFFFFE700  }
0x136: {  	[spmem:s2] =	stream.indirect.scatter.add.f32 [tilespmem:s25], [sflag:$0x4], $0x80, s15, s1, $0xb8;
	[tilespmem:$0x1F480] =	vst v63  }
0x137: {  	_ =	swait.ge [sflag:s31], $0x1900  }
0x138: {  	[sflag:s31] =	ssyncset.done $0x0  }
0x139: {  	[sflag:s31] =	ssyncadd.s32 $0xFFFFE700  }
0x13a: {  	_ =	swait.ge [sflag:s3], $0x1900  }
0x13b: {  	[sflag:s3] =	ssyncset.done $0x0  }
0x13c: {  	s13 =	simm.s32 $0x6580;
	[sflag:s3] =	ssyncadd.s32 $0xFFFFE700  }
0x13d: {  	[spmem:s2] =	stream.indirect.scatter.add.f32 [tilespmem:s0], [sflag:$0x4], $0x80, s13, s1, $0xb8;
	[tilespmem:$0x1F480] =	vst v63  }
0x13e: {  	_ =	swait.ge [sflag:s31], $0x1900  }
0x13f: {  	[sflag:s31] =	ssyncset.done $0x0  }
0x140: {  	[sflag:s31] =	ssyncadd.s32 $0xFFFFE700  }
0x141: {  	s12 =	simm.s32 $0x0;
	[bflag:$0x0] =	sbarrier.arrive $0xFFFF  }
0x142: {  	[tilespmem:s0], [sflag:$0x1] =	stream.indirect.gather [hbm4b:s7+s1], $0x80, s12, s1, $0xb8;
	[tilespmem:$0x1F480] =	vst v63  }
0x143: {  	s14 =	simm.s32 $0x8;
	s15 =	simm.s32 $0x200;
	s13 =	rddreg [dreg:$0xa]  }
0x144: {  	[tilespmem:s11], [sflag:$0x2] =	stream.indirect.gather [hbm4b:s7+s1], $0x80, s10, s1, $0xb8;
	[tilespmem:$0x1F480] =	vst v63  }
0x145: {  	[hbm:s13@s15], [sflag:s30] =	dma.strided [spmem:s23@s10], $0x2700, s14, $0x10   }
0x146: {  	s13 =	sadd.s32 $0x9C00, s13  }
0x147: {  	[hbm:s13], [sflag:s30] =	dma.local [spmem:s4], $0x10  }
0x148: {  	_ =	swait.ge [sflag:s31], $0x2710  }
0x149: {  	[sflag:s31] =	ssyncset.done $0x0  }
0x14a: {  	s14 =	rddreg [dreg:$0x3];
	[sflag:s31] =	ssyncadd.s32 $0xFFFFD8F0  }
0x14b: {  	[tilespmem:s25], [sflag:$0x4] =	stream.linear.gather [hbm4b:s14+s12], $0x1900, $0x38;
	[tilespmem:$0x1F480] =	vst v63  }
0x14c: {  	_ =	swait.ge [sflag:s31], $0x1900  }
0x14d: {  	[sflag:s31] =	ssyncset.done $0x0  }
0x14e: {  	[sflag:s31] =	ssyncadd.s32 $0xFFFFE700  }
0x14f: {  	[spmem:s9] =	stream.linear.scatter [tilespmem:s25], [sflag:$0x4], $0x1900, $0x38;
	[tilespmem:$0x1F480] =	vst v63  }
0x150: {  	_ =	swait.ge [sflag:s31], $0x1900  }
0x151: {  	[sflag:s31] =	ssyncset.done $0x0  }
0x152: {  	s15 =	rddreg [dreg:$0x6];
	[sflag:s31] =	ssyncadd.s32 $0xFFFFE700  }
0x153: {  	[spmem:s15] =	stream.linear.scatter [tilespmem:s25], [sflag:$0x4], $0x1900, $0x38;
	[tilespmem:$0x1F480] =	vst v63  }
0x154: {  	_ =	swait.ge [sflag:s31], $0x1900  }
0x155: {  	[sflag:s31] =	ssyncset.done $0x0  }
0x156: {  	s13 =	rddreg [dreg:$0x7];
	[sflag:s31] =	ssyncadd.s32 $0xFFFFE700  }
0x157: {  	[spmem:s13] =	stream.linear.scatter [tilespmem:s25], [sflag:$0x4], $0x1900, $0x38;
	[tilespmem:$0x1F480] =	vst v63  }
0x158: {  	_ =	swait.ge [sflag:s31], $0x1900  }
0x159: {  	[sflag:s31] =	ssyncset.done $0x0  }
0x15a: {  	s14 =	rddreg [dreg:$0x8];
	[sflag:s31] =	ssyncadd.s32 $0xFFFFE700  }
0x15b: {  	[spmem:s14] =	stream.linear.scatter [tilespmem:s25], [sflag:$0x4], $0x1900, $0x38;
	[tilespmem:$0x1F480] =	vst v63  }
0x15c: {  	_ =	swait.ge [sflag:s31], $0x1900  }
0x15d: {  	[sflag:s31] =	ssyncset.done $0x0  }
0x15e: {  	[sflag:s31] =	ssyncadd.s32 $0xFFFFE700  }
0x15f: {  	[spmem:s16] =	stream.linear.scatter [tilespmem:s25], [sflag:$0x4], $0x1900, $0x38;
	[tilespmem:$0x1F480] =	vst v63  }
0x160: {  	_ =	swait.ge [sflag:s31], $0x1900  }
0x161: {  	[sflag:s31] =	ssyncset.done $0x0  }
0x162: {  	s15 =	rddreg [dreg:$0xf];
	[sflag:s31] =	ssyncadd.s32 $0xFFFFE700  }
0x163: {  	[spmem:s15] =	stream.linear.scatter [tilespmem:s25], [sflag:$0x4], $0x1900, $0x38;
	[tilespmem:$0x1F480] =	vst v63  }
0x164: {  	_ =	swait.ge [sflag:s31], $0x1900  }
0x165: {  	[sflag:s31] =	ssyncset.done $0x0  }
0x166: {  	[sflag:s31] =	ssyncadd.s32 $0xFFFFE700  }
0x167: {  	[spmem:s17] =	stream.linear.scatter [tilespmem:s25], [sflag:$0x4], $0x1900, $0x38;
	[tilespmem:$0x1F480] =	vst v63  }
0x168: {  	_ =	swait.ge [sflag:s31], $0x1900  }
0x169: {  	[sflag:s31] =	ssyncset.done $0x0  }
0x16a: {  	[sflag:s31] =	ssyncadd.s32 $0xFFFFE700  }
0x16b: {  	[spmem:s18] =	stream.linear.scatter [tilespmem:s25], [sflag:$0x4], $0x1900, $0x38;
	[tilespmem:$0x1F480] =	vst v63  }
0x16c: {  	_ =	swait.ge [sflag:s31], $0x1900  }
0x16d: {  	[sflag:s31] =	ssyncset.done $0x0  }
0x16e: {  	[sflag:s31] =	ssyncadd.s32 $0xFFFFE700  }
0x16f: {  	[spmem:s19] =	stream.linear.scatter [tilespmem:s25], [sflag:$0x4], $0x1900, $0x38;
	[tilespmem:$0x1F480] =	vst v63  }
0x170: {  	_ =	swait.ge [sflag:s31], $0x1900  }
0x171: {  	[sflag:s31] =	ssyncset.done $0x0  }
0x172: {  	[sflag:s31] =	ssyncadd.s32 $0xFFFFE700  }
0x173: {  	[spmem:s20] =	stream.linear.scatter [tilespmem:s25], [sflag:$0x4], $0x1900, $0x38;
	[tilespmem:$0x1F480] =	vst v63  }
0x174: {  	_ =	swait.ge [sflag:s31], $0x1900  }
0x175: {  	[sflag:s31] =	ssyncset.done $0x0  }
0x176: {  	[sflag:s31] =	ssyncadd.s32 $0xFFFFE700  }
0x177: {  	[spmem:s26] =	stream.linear.scatter [tilespmem:s25], [sflag:$0x4], $0x1900, $0x38;
	[tilespmem:$0x1F480] =	vst v63  }
0x178: {  	_ =	swait.ge [sflag:s31], $0x1900  }
0x179: {  	[sflag:s31] =	ssyncset.done $0x0  }
0x17a: {  	[sflag:s31] =	ssyncadd.s32 $0xFFFFE700  }
0x17b: {  	[spmem:s28] =	stream.linear.scatter [tilespmem:s25], [sflag:$0x4], $0x1900, $0x38;
	[tilespmem:$0x1F480] =	vst v63  }
0x17c: {  	_ =	swait.ge [sflag:s31], $0x1900  }
0x17d: {  	[sflag:s31] =	ssyncset.done $0x0  }
0x17e: {  	[sflag:s31] =	ssyncadd.s32 $0xFFFFE700  }
0x17f: {  	[spmem:s29] =	stream.linear.scatter [tilespmem:s25], [sflag:$0x4], $0xC80, $0x38;
	[tilespmem:$0x1F480] =	vst v63  }
0x180: {  	_ =	swait.ge [sflag:s31], $0xC80  }
0x181: {  	[sflag:s31] =	ssyncset.done $0x0  }
0x182: {  	[sflag:s31] =	ssyncadd.s32 $0xFFFFF380  }
0x183: {  	s13 =	simm.s32 $0x100;
	[bflag:$0x0] =	sbarrier.arrive $0xFFFF  }
0x184: {  	[tilespmem:s25], [sflag:$0x3] =	stream.indirect.gather [hbm4b:s7+s1], $0x80, s13, s1, $0xb8;
	[tilespmem:$0x1F480] =	vst v63  }
0x185: {  	_ =	swait.ge [sflag:s3], $0x1900  }
0x186: {  	[sflag:s3] =	ssyncset.done $0x0  }
0x187: {  	s14 =	simm.s32 $0x3400;
	[sflag:s3] =	ssyncadd.s32 $0xFFFFE700  }
0x188: {  	[spmem:s2] =	stream.indirect.scatter.add.f32 [tilespmem:s0], [sflag:$0x4], $0x80, s14, s1, $0xb8;
	[tilespmem:$0x1F480] =	vst v63  }
0x189: {  	_ =	swait.ge [sflag:s31], $0x1900  }
0x18a: {  	[sflag:s31] =	ssyncset.done $0x0  }
0x18b: {  	s15 =	simm.s32 $0x180;
	[sflag:s31] =	ssyncadd.s32 $0xFFFFE700  }
0x18c: {  	[tilespmem:s0], [sflag:$0x1] =	stream.indirect.gather [hbm4b:s7+s1], $0x80, s15, s1, $0xb8;
	[tilespmem:$0x1F480] =	vst v63  }
0x18d: {  	_ =	swait.ge [sflag:s21], $0x1900  }
0x18e: {  	[sflag:s21] =	ssyncset.done $0x0  }
0x18f: {  	s13 =	simm.s32 $0x3480;
	[sflag:s21] =	ssyncadd.s32 $0xFFFFE700  }
0x190: {  	[spmem:s2] =	stream.indirect.scatter.add.f32 [tilespmem:s11], [sflag:$0x4], $0x80, s13, s1, $0xb8;
	[tilespmem:$0x1F480] =	vst v63  }
0x191: {  	_ =	swait.ge [sflag:s31], $0x1900  }
0x192: {  	[sflag:s31] =	ssyncset.done $0x0  }
0x193: {  	s14 =	simm.s32 $0x200;
	[sflag:s31] =	ssyncadd.s32 $0xFFFFE700  }
0x194: {  	[tilespmem:s11], [sflag:$0x2] =	stream.indirect.gather [hbm4b:s7+s1], $0x80, s14, s1, $0xb8;
	[tilespmem:$0x1F480] =	vst v63  }
0x195: {  	_ =	swait.ge [sflag:s22], $0x1900  }
0x196: {  	[sflag:s22] =	ssyncset.done $0x0  }
0x197: {  	s15 =	simm.s32 $0x3500;
	[sflag:s22] =	ssyncadd.s32 $0xFFFFE700  }
0x198: {  	[spmem:s2] =	stream.indirect.scatter.add.f32 [tilespmem:s25], [sflag:$0x4], $0x80, s15, s1, $0xb8;
	[tilespmem:$0x1F480] =	vst v63  }
0x199: {  	_ =	swait.ge [sflag:s31], $0x1900  }
0x19a: {  	[sflag:s31] =	ssyncset.done $0x0  }
0x19b: {  	s12 =	simm.s32 $0x600;
	s13 =	simm.s32 $0x280;
	[sflag:s31] =	ssyncadd.s32 $0xFFFFE700  }
.LBB2_6:
0x19c: {  	[tilespmem:s25], [sflag:$0x3] =	stream.indirect.gather [hbm4b:s7+s1], $0x80, s13, s1, $0xb8;
	[tilespmem:$0x1F480] =	vst v63  }
0x19d: {  	s13 =	smov.u32 s12  }
0x19e: {  	p0 =	sne.s32 s12, $0xBA00;
	s12 =	sadd.s32 $0x600, s12;
	_ =	swait.ge [sflag:s3], $0x1900  }
0x19f: {  	s13 =	sshra.s32 s13, $0x2;
	[sflag:s3] =	ssyncset.done $0x0  }
0x1a0: {  	s14 =	sadd.s32 $0x3400, s13;
	[sflag:s3] =	ssyncadd.s32 $0xFFFFE700  }
0x1a1: {  	[spmem:s2] =	stream.indirect.scatter.add.f32 [tilespmem:s0], [sflag:$0x4], $0x80, s14, s1, $0xb8;
	[tilespmem:$0x1F480] =	vst v63  }
0x1a2: {  	_ =	swait.ge [sflag:s31], $0x1900  }
0x1a3: {  	[sflag:s31] =	ssyncset.done $0x0  }
0x1a4: {  	s14 =	sadd.s32 $0x180, s13;
	[sflag:s31] =	ssyncadd.s32 $0xFFFFE700  }
0x1a5: {  	[tilespmem:s0], [sflag:$0x1] =	stream.indirect.gather [hbm4b:s7+s1], $0x80, s14, s1, $0xb8;
	[tilespmem:$0x1F480] =	vst v63  }
0x1a6: {  	_ =	swait.ge [sflag:s21], $0x1900  }
0x1a7: {  	[sflag:s21] =	ssyncset.done $0x0  }
0x1a8: {  	s14 =	sadd.s32 $0x3480, s13;
	[sflag:s21] =	ssyncadd.s32 $0xFFFFE700  }
0x1a9: {  	[spmem:s2] =	stream.indirect.scatter.add.f32 [tilespmem:s11], [sflag:$0x4], $0x80, s14, s1, $0xb8;
	[tilespmem:$0x1F480] =	vst v63  }
0x1aa: {  	_ =	swait.ge [sflag:s31], $0x1900  }
0x1ab: {  	[sflag:s31] =	ssyncset.done $0x0  }
0x1ac: {  	s14 =	sadd.s32 $0x200, s13;
	[sflag:s31] =	ssyncadd.s32 $0xFFFFE700  }
0x1ad: {  	[tilespmem:s11], [sflag:$0x2] =	stream.indirect.gather [hbm4b:s7+s1], $0x80, s14, s1, $0xb8;
	[tilespmem:$0x1F480] =	vst v63  }
0x1ae: {  	_ =	swait.ge [sflag:s22], $0x1900  }
0x1af: {  	[sflag:s22] =	ssyncset.done $0x0  }
.Ltmp2:
0x1b0: {  	s14 =	sadd.s32 $0x3500, s13;
	[sflag:s22] =	ssyncadd.s32 $0xFFFFE700;
	(pc) =	sbr.rel @p0 .LBB2_6-.Ltmp2, $4  }
0x1b1: {  	[spmem:s2] =	stream.indirect.scatter.add.f32 [tilespmem:s25], [sflag:$0x4], $0x80, s14, s1, $0xb8;
	[tilespmem:$0x1F480] =	vst v63  }
0x1b2: {  	_ =	swait.ge [sflag:s31], $0x1900  }
0x1b3: {  	[sflag:s31] =	ssyncset.done $0x0  }
0x1b4: {  	s13 =	sadd.s32 $0x280, s13;
	[sflag:s31] =	ssyncadd.s32 $0xFFFFE700  }
0x1b5: {  	[tilespmem:s25], [sflag:$0x3] =	stream.indirect.gather [hbm4b:s7+s1], $0x80, s13, s1, $0xb8;
	[tilespmem:$0x1F480] =	vst v63  }
0x1b6: {  	_ =	swait.ge [sflag:s3], $0x1900  }
0x1b7: {  	[sflag:s3] =	ssyncset.done $0x0  }
0x1b8: {  	s12 =	simm.s32 $0x6400;
	[sflag:s3] =	ssyncadd.s32 $0xFFFFE700  }
0x1b9: {  	[spmem:s2] =	stream.indirect.scatter.add.f32 [tilespmem:s0], [sflag:$0x4], $0x80, s12, s1, $0xb8;
	[tilespmem:$0x1F480] =	vst v63  }
0x1ba: {  	_ =	swait.ge [sflag:s31], $0x1900  }
0x1bb: {  	[sflag:s31] =	ssyncset.done $0x0  }
0x1bc: {  	s14 =	simm.s32 $0x3180;
	[sflag:s31] =	ssyncadd.s32 $0xFFFFE700  }
0x1bd: {  	[tilespmem:s0], [sflag:$0x1] =	stream.indirect.gather [hbm4b:s7+s1], $0x80, s14, s1, $0xb8;
	[tilespmem:$0x1F480] =	vst v63  }
0x1be: {  	_ =	swait.ge [sflag:s21], $0x1900  }
0x1bf: {  	[sflag:s21] =	ssyncset.done $0x0  }
0x1c0: {  	s15 =	simm.s32 $0x6480;
	[sflag:s21] =	ssyncadd.s32 $0xFFFFE700  }
0x1c1: {  	[spmem:s2] =	stream.indirect.scatter.add.f32 [tilespmem:s11], [sflag:$0x4], $0x80, s15, s1, $0xb8;
	[tilespmem:$0x1F480] =	vst v63  }
0x1c2: {  	_ =	swait.ge [sflag:s31], $0x1900  }
0x1c3: {  	[sflag:s31] =	ssyncset.done $0x0  }
0x1c4: {  	[sflag:s31] =	ssyncadd.s32 $0xFFFFE700  }
0x1c5: {  	_ =	swait.ge [sflag:s22], $0x1900  }
0x1c6: {  	[sflag:s22] =	ssyncset.done $0x0  }
0x1c7: {  	s13 =	simm.s32 $0x6500;
	[sflag:s22] =	ssyncadd.s32 $0xFFFFE700  }
0x1c8: {  	[spmem:s2] =	stream.indirect.scatter.add.f32 [tilespmem:s25], [sflag:$0x4], $0x80, s13, s1, $0xb8;
	[tilespmem:$0x1F480] =	vst v63  }
0x1c9: {  	_ =	swait.ge [sflag:s31], $0x1900  }
0x1ca: {  	[sflag:s31] =	ssyncset.done $0x0  }
0x1cb: {  	[sflag:s31] =	ssyncadd.s32 $0xFFFFE700  }
0x1cc: {  	_ =	swait.ge [sflag:s3], $0x1900  }
0x1cd: {  	[sflag:s3] =	ssyncset.done $0x0  }
0x1ce: {  	s14 =	simm.s32 $0x6580;
	[sflag:s3] =	ssyncadd.s32 $0xFFFFE700  }
0x1cf: {  	[spmem:s2] =	stream.indirect.scatter.add.f32 [tilespmem:s0], [sflag:$0x4], $0x80, s14, s1, $0xb8;
	[tilespmem:$0x1F480] =	vst v63  }
0x1d0: {  	_ =	swait.ge [sflag:s31], $0x1900  }
0x1d1: {  	[sflag:s31] =	ssyncset.done $0x0  }
0x1d2: {  	[sflag:s31] =	ssyncadd.s32 $0xFFFFE700  }
0x1d3: {  	s12 =	simm.s32 $0x0;
	[bflag:$0x0] =	sbarrier.arrive $0xFFFF  }
0x1d4: {  	[tilespmem:s0], [sflag:$0x1] =	stream.indirect.gather [hbm4b:s8+s1], $0x80, s12, s1, $0xb8;
	[tilespmem:$0x1F480] =	vst v63  }
0x1d5: {  	s15 =	simm.s32 $0x200;
	s14 =	simm.s32 $0x8;
	s13 =	rddreg [dreg:$0xb]  }
0x1d6: {  	[tilespmem:s11], [sflag:$0x2] =	stream.indirect.gather [hbm4b:s8+s1], $0x80, s10, s1, $0xb8;
	[tilespmem:$0x1F480] =	vst v63  }
0x1d7: {  	[hbm:s13@s15], [sflag:s30] =	dma.strided [spmem:s23@s10], $0x2700, s14, $0x10   }
0x1d8: {  	s13 =	sadd.s32 $0x9C00, s13  }
0x1d9: {  	[hbm:s13], [sflag:s30] =	dma.local [spmem:s4], $0x10  }
0x1da: {  	_ =	swait.ge [sflag:s31], $0x2710  }
0x1db: {  	[sflag:s31] =	ssyncset.done $0x0  }
0x1dc: {  	s15 =	rddreg [dreg:$0x3];
	[sflag:s31] =	ssyncadd.s32 $0xFFFFD8F0  }
0x1dd: {  	[tilespmem:s25], [sflag:$0x4] =	stream.linear.gather [hbm4b:s15+s12], $0x1900, $0x38;
	[tilespmem:$0x1F480] =	vst v63  }
0x1de: {  	_ =	swait.ge [sflag:s31], $0x1900  }
0x1df: {  	[sflag:s31] =	ssyncset.done $0x0  }
0x1e0: {  	[sflag:s31] =	ssyncadd.s32 $0xFFFFE700  }
0x1e1: {  	[spmem:s9] =	stream.linear.scatter [tilespmem:s25], [sflag:$0x4], $0x1900, $0x38;
	[tilespmem:$0x1F480] =	vst v63  }
0x1e2: {  	_ =	swait.ge [sflag:s31], $0x1900  }
0x1e3: {  	[sflag:s31] =	ssyncset.done $0x0  }
0x1e4: {  	s13 =	rddreg [dreg:$0x6];
	[sflag:s31] =	ssyncadd.s32 $0xFFFFE700  }
0x1e5: {  	[spmem:s13] =	stream.linear.scatter [tilespmem:s25], [sflag:$0x4], $0x1900, $0x38;
	[tilespmem:$0x1F480] =	vst v63  }
0x1e6: {  	_ =	swait.ge [sflag:s31], $0x1900  }
0x1e7: {  	[sflag:s31] =	ssyncset.done $0x0  }
0x1e8: {  	s14 =	rddreg [dreg:$0x7];
	[sflag:s31] =	ssyncadd.s32 $0xFFFFE700  }
0x1e9: {  	[spmem:s14] =	stream.linear.scatter [tilespmem:s25], [sflag:$0x4], $0x1900, $0x38;
	[tilespmem:$0x1F480] =	vst v63  }
0x1ea: {  	_ =	swait.ge [sflag:s31], $0x1900  }
0x1eb: {  	[sflag:s31] =	ssyncset.done $0x0  }
0x1ec: {  	s15 =	rddreg [dreg:$0x8];
	[sflag:s31] =	ssyncadd.s32 $0xFFFFE700  }
0x1ed: {  	[spmem:s15] =	stream.linear.scatter [tilespmem:s25], [sflag:$0x4], $0x1900, $0x38;
	[tilespmem:$0x1F480] =	vst v63  }
0x1ee: {  	_ =	swait.ge [sflag:s31], $0x1900  }
0x1ef: {  	[sflag:s31] =	ssyncset.done $0x0  }
0x1f0: {  	[sflag:s31] =	ssyncadd.s32 $0xFFFFE700  }
0x1f1: {  	[spmem:s16] =	stream.linear.scatter [tilespmem:s25], [sflag:$0x4], $0x1900, $0x38;
	[tilespmem:$0x1F480] =	vst v63  }
0x1f2: {  	_ =	swait.ge [sflag:s31], $0x1900  }
0x1f3: {  	[sflag:s31] =	ssyncset.done $0x0  }
0x1f4: {  	s15 =	smov.u32 s16;
	s16 =	rddreg [dreg:$0xf];
	[sflag:s31] =	ssyncadd.s32 $0xFFFFE700  }
0x1f5: {  	[spmem:s16] =	stream.linear.scatter [tilespmem:s25], [sflag:$0x4], $0x1900, $0x38;
	[tilespmem:$0x1F480] =	vst v63  }
0x1f6: {  	_ =	swait.ge [sflag:s31], $0x1900  }
0x1f7: {  	[sflag:s31] =	ssyncset.done $0x0  }
0x1f8: {  	[sflag:s31] =	ssyncadd.s32 $0xFFFFE700  }
0x1f9: {  	[spmem:s17] =	stream.linear.scatter [tilespmem:s25], [sflag:$0x4], $0x1900, $0x38;
	[tilespmem:$0x1F480] =	vst v63  }
0x1fa: {  	_ =	swait.ge [sflag:s31], $0x1900  }
0x1fb: {  	[sflag:s31] =	ssyncset.done $0x0  }
0x1fc: {  	[sflag:s31] =	ssyncadd.s32 $0xFFFFE700  }
0x1fd: {  	[spmem:s18] =	stream.linear.scatter [tilespmem:s25], [sflag:$0x4], $0x1900, $0x38;
	[tilespmem:$0x1F480] =	vst v63  }
0x1fe: {  	_ =	swait.ge [sflag:s31], $0x1900  }
0x1ff: {  	[sflag:s31] =	ssyncset.done $0x0  }
0x200: {  	[sflag:s31] =	ssyncadd.s32 $0xFFFFE700  }
0x201: {  	[spmem:s19] =	stream.linear.scatter [tilespmem:s25], [sflag:$0x4], $0x1900, $0x38;
	[tilespmem:$0x1F480] =	vst v63  }
0x202: {  	_ =	swait.ge [sflag:s31], $0x1900  }
0x203: {  	[sflag:s31] =	ssyncset.done $0x0  }
0x204: {  	[sflag:s31] =	ssyncadd.s32 $0xFFFFE700  }
0x205: {  	[spmem:s20] =	stream.linear.scatter [tilespmem:s25], [sflag:$0x4], $0x1900, $0x38;
	[tilespmem:$0x1F480] =	vst v63  }
0x206: {  	_ =	swait.ge [sflag:s31], $0x1900  }
0x207: {  	[sflag:s31] =	ssyncset.done $0x0  }
0x208: {  	[sflag:s31] =	ssyncadd.s32 $0xFFFFE700  }
0x209: {  	[spmem:s26] =	stream.linear.scatter [tilespmem:s25], [sflag:$0x4], $0x1900, $0x38;
	[tilespmem:$0x1F480] =	vst v63  }
0x20a: {  	_ =	swait.ge [sflag:s31], $0x1900  }
0x20b: {  	[sflag:s31] =	ssyncset.done $0x0  }
0x20c: {  	[sflag:s31] =	ssyncadd.s32 $0xFFFFE700  }
0x20d: {  	[spmem:s28] =	stream.linear.scatter [tilespmem:s25], [sflag:$0x4], $0x1900, $0x38;
	[tilespmem:$0x1F480] =	vst v63  }
0x20e: {  	_ =	swait.ge [sflag:s31], $0x1900  }
0x20f: {  	[sflag:s31] =	ssyncset.done $0x0  }
0x210: {  	[sflag:s31] =	ssyncadd.s32 $0xFFFFE700  }
0x211: {  	[spmem:s29] =	stream.linear.scatter [tilespmem:s25], [sflag:$0x4], $0xC80, $0x38;
	[tilespmem:$0x1F480] =	vst v63  }
0x212: {  	_ =	swait.ge [sflag:s31], $0xC80  }
0x213: {  	[sflag:s31] =	ssyncset.done $0x0  }
0x214: {  	[sflag:s31] =	ssyncadd.s32 $0xFFFFF380  }
0x215: {  	s13 =	simm.s32 $0x100;
	[bflag:$0x0] =	sbarrier.arrive $0xFFFF  }
0x216: {  	[tilespmem:s25], [sflag:$0x3] =	stream.indirect.gather [hbm4b:s8+s1], $0x80, s13, s1, $0xb8;
	[tilespmem:$0x1F480] =	vst v63  }
0x217: {  	_ =	swait.ge [sflag:s3], $0x1900  }
0x218: {  	[sflag:s3] =	ssyncset.done $0x0  }
0x219: {  	s14 =	simm.s32 $0x3400;
	[sflag:s3] =	ssyncadd.s32 $0xFFFFE700  }
0x21a: {  	[spmem:s2] =	stream.indirect.scatter.add.f32 [tilespmem:s0], [sflag:$0x4], $0x80, s14, s1, $0xb8;
	[tilespmem:$0x1F480] =	vst v63  }
0x21b: {  	_ =	swait.ge [sflag:s31], $0x1900  }
0x21c: {  	[sflag:s31] =	ssyncset.done $0x0  }
0x21d: {  	s16 =	simm.s32 $0x180;
	[sflag:s31] =	ssyncadd.s32 $0xFFFFE700  }
0x21e: {  	[tilespmem:s0], [sflag:$0x1] =	stream.indirect.gather [hbm4b:s8+s1], $0x80, s16, s1, $0xb8;
	[tilespmem:$0x1F480] =	vst v63  }
0x21f: {  	_ =	swait.ge [sflag:s21], $0x1900  }
0x220: {  	[sflag:s21] =	ssyncset.done $0x0  }
0x221: {  	s13 =	simm.s32 $0x3480;
	[sflag:s21] =	ssyncadd.s32 $0xFFFFE700  }
0x222: {  	[spmem:s2] =	stream.indirect.scatter.add.f32 [tilespmem:s11], [sflag:$0x4], $0x80, s13, s1, $0xb8;
	[tilespmem:$0x1F480] =	vst v63  }
0x223: {  	_ =	swait.ge [sflag:s31], $0x1900  }
0x224: {  	[sflag:s31] =	ssyncset.done $0x0  }
0x225: {  	s14 =	simm.s32 $0x200;
	[sflag:s31] =	ssyncadd.s32 $0xFFFFE700  }
0x226: {  	[tilespmem:s11], [sflag:$0x2] =	stream.indirect.gather [hbm4b:s8+s1], $0x80, s14, s1, $0xb8;
	[tilespmem:$0x1F480] =	vst v63  }
0x227: {  	_ =	swait.ge [sflag:s22], $0x1900  }
0x228: {  	[sflag:s22] =	ssyncset.done $0x0  }
0x229: {  	s16 =	simm.s32 $0x3500;
	[sflag:s22] =	ssyncadd.s32 $0xFFFFE700  }
0x22a: {  	[spmem:s2] =	stream.indirect.scatter.add.f32 [tilespmem:s25], [sflag:$0x4], $0x80, s16, s1, $0xb8;
	[tilespmem:$0x1F480] =	vst v63  }
0x22b: {  	_ =	swait.ge [sflag:s31], $0x1900  }
0x22c: {  	[sflag:s31] =	ssyncset.done $0x0  }
0x22d: {  	s12 =	simm.s32 $0x600;
	s13 =	simm.s32 $0x280;
	[sflag:s31] =	ssyncadd.s32 $0xFFFFE700  }
.LBB2_8:
0x22e: {  	[tilespmem:s25], [sflag:$0x3] =	stream.indirect.gather [hbm4b:s8+s1], $0x80, s13, s1, $0xb8;
	[tilespmem:$0x1F480] =	vst v63  }
0x22f: {  	s13 =	smov.u32 s12  }
0x230: {  	p0 =	sne.s32 s12, $0xBA00;
	s12 =	sadd.s32 $0x600, s12;
	_ =	swait.ge [sflag:s3], $0x1900  }
0x231: {  	s13 =	sshra.s32 s13, $0x2;
	[sflag:s3] =	ssyncset.done $0x0  }
0x232: {  	s14 =	sadd.s32 $0x3400, s13;
	[sflag:s3] =	ssyncadd.s32 $0xFFFFE700  }
0x233: {  	[spmem:s2] =	stream.indirect.scatter.add.f32 [tilespmem:s0], [sflag:$0x4], $0x80, s14, s1, $0xb8;
	[tilespmem:$0x1F480] =	vst v63  }
0x234: {  	_ =	swait.ge [sflag:s31], $0x1900  }
0x235: {  	[sflag:s31] =	ssyncset.done $0x0  }
0x236: {  	s14 =	sadd.s32 $0x180, s13;
	[sflag:s31] =	ssyncadd.s32 $0xFFFFE700  }
0x237: {  	[tilespmem:s0], [sflag:$0x1] =	stream.indirect.gather [hbm4b:s8+s1], $0x80, s14, s1, $0xb8;
	[tilespmem:$0x1F480] =	vst v63  }
0x238: {  	_ =	swait.ge [sflag:s21], $0x1900  }
0x239: {  	[sflag:s21] =	ssyncset.done $0x0  }
0x23a: {  	s14 =	sadd.s32 $0x3480, s13;
	[sflag:s21] =	ssyncadd.s32 $0xFFFFE700  }
0x23b: {  	[spmem:s2] =	stream.indirect.scatter.add.f32 [tilespmem:s11], [sflag:$0x4], $0x80, s14, s1, $0xb8;
	[tilespmem:$0x1F480] =	vst v63  }
0x23c: {  	_ =	swait.ge [sflag:s31], $0x1900  }
0x23d: {  	[sflag:s31] =	ssyncset.done $0x0  }
0x23e: {  	s14 =	sadd.s32 $0x200, s13;
	[sflag:s31] =	ssyncadd.s32 $0xFFFFE700  }
0x23f: {  	[tilespmem:s11], [sflag:$0x2] =	stream.indirect.gather [hbm4b:s8+s1], $0x80, s14, s1, $0xb8;
	[tilespmem:$0x1F480] =	vst v63  }
0x240: {  	_ =	swait.ge [sflag:s22], $0x1900  }
0x241: {  	[sflag:s22] =	ssyncset.done $0x0  }
.Ltmp3:
0x242: {  	s14 =	sadd.s32 $0x3500, s13;
	[sflag:s22] =	ssyncadd.s32 $0xFFFFE700;
	(pc) =	sbr.rel @p0 .LBB2_8-.Ltmp3, $4  }
0x243: {  	[spmem:s2] =	stream.indirect.scatter.add.f32 [tilespmem:s25], [sflag:$0x4], $0x80, s14, s1, $0xb8;
	[tilespmem:$0x1F480] =	vst v63  }
0x244: {  	_ =	swait.ge [sflag:s31], $0x1900  }
0x245: {  	[sflag:s31] =	ssyncset.done $0x0  }
0x246: {  	s13 =	sadd.s32 $0x280, s13;
	[sflag:s31] =	ssyncadd.s32 $0xFFFFE700  }
0x247: {  	[tilespmem:s25], [sflag:$0x3] =	stream.indirect.gather [hbm4b:s8+s1], $0x80, s13, s1, $0xb8;
	[tilespmem:$0x1F480] =	vst v63  }
0x248: {  	_ =	swait.ge [sflag:s3], $0x1900  }
0x249: {  	[sflag:s3] =	ssyncset.done $0x0  }
0x24a: {  	s12 =	simm.s32 $0x6400;
	[sflag:s3] =	ssyncadd.s32 $0xFFFFE700  }
0x24b: {  	[spmem:s2] =	stream.indirect.scatter.add.f32 [tilespmem:s0], [sflag:$0x4], $0x80, s12, s1, $0xb8;
	[tilespmem:$0x1F480] =	vst v63  }
0x24c: {  	_ =	swait.ge [sflag:s31], $0x1900  }
0x24d: {  	[sflag:s31] =	ssyncset.done $0x0  }
0x24e: {  	s14 =	simm.s32 $0x3180;
	[sflag:s31] =	ssyncadd.s32 $0xFFFFE700  }
0x24f: {  	[tilespmem:s0], [sflag:$0x1] =	stream.indirect.gather [hbm4b:s8+s1], $0x80, s14, s1, $0xb8;
	[tilespmem:$0x1F480] =	vst v63  }
0x250: {  	_ =	swait.ge [sflag:s21], $0x1900  }
0x251: {  	[sflag:s21] =	ssyncset.done $0x0  }
0x252: {  	s16 =	simm.s32 $0x6480;
	[sflag:s21] =	ssyncadd.s32 $0xFFFFE700  }
0x253: {  	[spmem:s2] =	stream.indirect.scatter.add.f32 [tilespmem:s11], [sflag:$0x4], $0x80, s16, s1, $0xb8;
	[tilespmem:$0x1F480] =	vst v63  }
0x254: {  	_ =	swait.ge [sflag:s31], $0x1900  }
0x255: {  	[sflag:s31] =	ssyncset.done $0x0  }
0x256: {  	[sflag:s31] =	ssyncadd.s32 $0xFFFFE700  }
0x257: {  	_ =	swait.ge [sflag:s22], $0x1900  }
0x258: {  	[sflag:s22] =	ssyncset.done $0x0  }
0x259: {  	s13 =	simm.s32 $0x6500;
	[sflag:s22] =	ssyncadd.s32 $0xFFFFE700  }
0x25a: {  	[spmem:s2] =	stream.indirect.scatter.add.f32 [tilespmem:s25], [sflag:$0x4], $0x80, s13, s1, $0xb8;
	[tilespmem:$0x1F480] =	vst v63  }
0x25b: {  	_ =	swait.ge [sflag:s31], $0x1900  }
0x25c: {  	[sflag:s31] =	ssyncset.done $0x0  }
0x25d: {  	[sflag:s31] =	ssyncadd.s32 $0xFFFFE700  }
0x25e: {  	_ =	swait.ge [sflag:s3], $0x1900  }
0x25f: {  	[sflag:s3] =	ssyncset.done $0x0  }
0x260: {  	s14 =	simm.s32 $0x6580;
	[sflag:s3] =	ssyncadd.s32 $0xFFFFE700  }
0x261: {  	[spmem:s2] =	stream.indirect.scatter.add.f32 [tilespmem:s0], [sflag:$0x4], $0x80, s14, s1, $0xb8;
	[tilespmem:$0x1F480] =	vst v63  }
0x262: {  	_ =	swait.ge [sflag:s31], $0x1900  }
0x263: {  	[sflag:s31] =	ssyncset.done $0x0  }
0x264: {  	[sflag:s31] =	ssyncadd.s32 $0xFFFFE700  }
0x265: {  	[bflag:$0x0] =	sbarrier.arrive $0xFFFF  }
0x266: {  	s16 =	simm.s32 $0x8;
	s14 =	simm.s32 $0x200;
	s12 =	rddreg [dreg:$0xc]  }
0x267: {  	[hbm:s12@s14], [sflag:s30] =	dma.strided [spmem:s23@s10], $0x2700, s16, $0x10   }
0x268: {  	s12 =	sadd.s32 $0x9C00, s12  }
0x269: {  	[hbm:s12], [sflag:s30] =	dma.local [spmem:s4], $0x10  }
0x26a: {  	_ =	swait.ge [sflag:s31], $0x2710  }
0x26b: {  	s24 =	sadd.s32 $0x1, s24;
	s30 =	rddreg [dreg:$0xd]  }
0x26c: {  	p0 =	sne.s32 s24, s30  }
.Ltmp4:
0x26d: {  	_ = 	snop;
	(pc) =	sbr.rel @p0 .LBB2_1-.Ltmp4, $3  }
0x26e: {  	_ =	sdelay $0x1  }
0x26f: {  	[sflag:s31] =	ssyncset.done $0x0  }
0x270: {  	[sflag:s31] =	ssyncadd.s32 $0xFFFFD8F0  }
0x271: {  	_ =	sfence.sel $0x180000  }
0x272: {  	[bflag:$0x0] =	sbarrier.arrive $0xFFFF  }
0x273: {  	_ =	strace $0x9000004A  }
0x274: {  	s0 =	stileid.u32;
	[bflag:$0x2] =	sbarrier.arrive $0xFFFF  }
0x275: {  	p0 =	sne.s32 s0, $0x0;
	s0 =	rddreg [dreg:$0x2]  }
0x276: {  	s0 =	sadd.s32 @!p0 $0x100000, s0  }
0x277: {  	[sflag:s0] =	ssyncadd.tile.s32 @!p0 $0x1;
	_ =	shalt  }
.Lfunc_end2:
_tile_overlayer_lowered:
.L_overlay_start_2:
0x278: {  	(tag) =	ssettag $0x2  }
0x279: {  	s0 =	rddreg [dreg:$0x0];
	s2 =	stileid.u32  }
0x27a: {  	s1 =	rddreg [dreg:$0x1];
	p0 =	sne.s32 s2, $0x0  }
0x27b: {  	s3 =	rddreg [dreg:$0x2];
	[bflag:$0x3] =	sbarrier.arrive $0xFFFF;
	s2 =	simm.s32 @!p0 $0x1C04  }
0x27c: {  	[timem:s3], [sflag:s2] =	dma.local @!p0 [hbm:s0], s1  }
0x27d: {  	s0 =	simm.s32 @!p0 $0x4  }
0x27e: {  	_ =	swait.ge @!p0 [sflag:s0], s1  }
0x27f: {  	s1 =	ssub.s32 @!p0 $0x0, s1;
	[sflag:s0] =	ssyncset.done @!p0 $0x0  }
0x280: {  	[sflag:s0] =	ssyncadd.s32 @!p0 s1  }
0x281: {  	[bflag:$0x3] =	sbarrier.arrive $0xFFFF  }
0x282: {  	_ =	shalt  }

// kernel: kernel.14.cloned.1.call-start
scs
__scs_entry_jumppad:
0x0: {  	(pc) =	sbr.rel $0x88, $3  }
0x1: {  	(tag) =	ssettag $0x0;
	lr =	simm.s32 $0x1  }
0x2: {  	[smem:$0x3F9B] =	sst lr;
	_ =	strace $0xD0000000  }
0x3: {  	_ = 	snop  }
0x4: {  	_ = 	snop  }
0x5: {  	_ = 	snop  }
0x6: {  	_ = 	snop  }
0x7: {  	_ = 	snop  }
__scs_overlays_trampoline_lowered:
0x8: {  	[smem:$0x3FAA] =	sst s0  }
0x9: {  	[smem:$0x3FAB] =	sst s1  }
0xa: {  	[smem:$0x3FAC] =	sst s2  }
0xb: {  	[smem:$0x3FAD] =	sst s3  }
0xc: {  	[smem:$0x3FAE] =	sst s4  }
0xd: {  	[smem:$0x3FAF] =	sst s5  }
0xe: {  	[smem:$0x3FB0] =	sst s6  }
0xf: {  	[smem:$0x3FB1] =	sst s7  }
0x10: {  	[smem:$0x3FB2] =	sst s8  }
0x11: {  	[smem:$0x3FB3] =	sst s9;
	s0 =	simm.s32 @!p0 $0x0  }
0x12: {  	s1 =	sld [smem:$0x3F99];
	s0 =	simm.s32 @p0 $0x1  }
0x13: {  	[smem:$0x3FB4] =	sst s0;
	s0 =	simm.s32 @!p1 $0x0  }
0x14: {  	s2 =	sld [smem:$0x3F98];
	s0 =	simm.s32 @p1 $0x1  }
0x15: {  	[smem:$0x3FB5] =	sst s0;
	s0 =	simm.s32 @!p2 $0x0  }
0x16: {  	s3 =	sld [smem:$0x3FDB];
	s0 =	simm.s32 @p2 $0x1  }
0x17: {  	s4 =	simm.s32 $0x1BF5;
	[smem:$0x3FB7] =	sst s0  }
0x18: {  	s0 =	sld [smem:$0x3F9A];
	_ =	swait.ge [sflag:s4], $0x0  }
0x19: {  	s7 =	sld [smem:$0x3F9B]  }
0x1a: {  	s8 =	sadd.s32 $0xFFFFE003, lr  }
0x1b: {  	s9 =	sadd.s32 $0xFFFFFEF7, lr;
	s5 =	simm.s32 $0xFFFFFFFF;
	p2 =	slt.u32 s8, $0xFFFFF086  }
0x1c: {  	p1 =	slt.u32 s9, $0xF7A;
	s5 =	simm.s32 @!p2 $0x0  }
0x1d: {  	s5 =	simm.s32 @p1 $0x1;
	p0 =	seq.s32 s7, s2  }
0x1e: {  	s7 =	smul.u32 @!p0 $0xF7A, s2;
	p2 =	seq.s32 @!p0 s5, $0x0  }
0x1f: {  	s9 =	smul.u32 $0xF7A, s1;
	s8 =	simm.s32 @!p0 $0x1BF5;
	p2 =	por !p2, p0  }
0x20: {  	[sflag:s8] =	ssyncset.s32 @!p0 $0xFFFFF086;
	s6 =	sadd.s32 @!p0 s3, s7;
	s7 =	simm.s32 @!p0 $0x108  }
0x21: {  	s3 =	sadd.s32 s3, s9;
	s6 =	sadd.s32 @!p0 $0x88, s6;
	s7 =	simm.s32 @p2 $0x1082  }
0x22: {  	[simem:s7], [sflag:s8] =	dma.local @!p0 [hbm:s6], $0xF7A  }
0x23: {  	s9 =	sor.u32 $0xD0000000, s2;
	s6 =	simm.s32 $0x108;
	_ =	swait.ge @!p0 [sflag:s8], $0x0  }
0x24: {  	s3 =	sadd.s32 $0x88, s3;
	s6 =	simm.s32 @!p1 $0x1082;
	[sflag:s4] =	ssyncset.s32 $0xFFFFF086  }
0x25: {  	[simem:s6], [sflag:s4] =	dma.local [hbm:s3], $0xF7A  }
0x26: {  	[smem:$0x3F9B] =	sst s1;
	(tag) =	ssettag s2;
	_ =	strace s9  }
0x27: {  	s1 =	sld [smem:$0x3FAB]  }
0x28: {  	s2 =	sld [smem:$0x3FAC]  }
0x29: {  	s4 =	sld [smem:$0x3FAE]  }
0x2a: {  	p0 =	seq.s32 s5, $0x0;
	s5 =	sld [smem:$0x3FAF]  }
0x2b: {  	s6 =	sld [smem:$0x3FB0]  }
0x2c: {  	s7 =	sld [smem:$0x3FB1]  }
0x2d: {  	s3 =	simm.s32 $0x108;
	s8 =	sld [smem:$0x3FB2]  }
0x2e: {  	s3 =	simm.s32 @!p0 $0x1082;
	s9 =	sld [smem:$0x3FB3]  }
0x2f: {  	lr =	sadd.s32 s0, s3;
	s0 =	sld [smem:$0x3FAA]  }
0x30: {  	s3 =	sld [smem:$0x3FAD]  }
0x31: {  	[smem:$0x3FB6] =	sst s10  }
0x32: {  	s10 =	sld [smem:$0x3FB4];
	_ =	sdelay $0x3  }
0x33: {  	p0 =	seq.s32 s10, $0x1;
	s10 =	sld [smem:$0x3FB6];
	_ =	sdelay $0x3  }
0x34: {  	[smem:$0x3FB6] =	sst s10  }
0x35: {  	s10 =	sld [smem:$0x3FB5];
	_ =	sdelay $0x3  }
0x36: {  	p1 =	seq.s32 s10, $0x1;
	s10 =	sld [smem:$0x3FB6];
	_ =	sdelay $0x3  }
0x37: {  	[smem:$0x3FB6] =	sst s10  }
0x38: {  	s10 =	sld [smem:$0x3FB7]  }
0x39: {  	_ = 	snop;
	(pc) =	sbr.ind lr, $3  }
0x3a: {  	_ = 	snop  }
0x3b: {  	_ = 	snop  }
0x3c: {  	p2 =	seq.s32 s10, $0x1;
	s10 =	sld [smem:$0x3FB6]  }
0x3d: {  	_ =	shalt  }
0x3e: {  	_ =	shalt  }
0x3f: {  	_ =	shalt  }
0x40: {  	_ =	shalt  }
0x41: {  	_ =	shalt  }
0x42: {  	_ =	shalt  }
0x43: {  	_ =	shalt  }
0x44: {  	_ =	shalt  }
0x45: {  	_ =	shalt  }
0x46: {  	_ =	shalt  }
0x47: {  	_ =	shalt  }
0x48: {  	_ =	shalt  }
0x49: {  	_ =	shalt  }
0x4a: {  	_ =	shalt  }
0x4b: {  	_ =	shalt  }
0x4c: {  	_ =	shalt  }
0x4d: {  	_ =	shalt  }
0x4e: {  	_ =	shalt  }
0x4f: {  	_ =	shalt  }
0x50: {  	_ =	shalt  }
0x51: {  	_ =	shalt  }
0x52: {  	_ =	shalt  }
0x53: {  	_ =	shalt  }
0x54: {  	_ =	shalt  }
0x55: {  	_ =	shalt  }
0x56: {  	_ =	shalt  }
0x57: {  	_ =	shalt  }
0x58: {  	_ =	shalt  }
0x59: {  	_ =	shalt  }
0x5a: {  	_ =	shalt  }
0x5b: {  	_ =	shalt  }
0x5c: {  	_ =	shalt  }
0x5d: {  	_ =	shalt  }
0x5e: {  	_ =	shalt  }
0x5f: {  	_ =	shalt  }
0x60: {  	_ =	shalt  }
0x61: {  	_ =	shalt  }
0x62: {  	_ =	shalt  }
0x63: {  	_ =	shalt  }
0x64: {  	_ =	shalt  }
0x65: {  	_ =	shalt  }
0x66: {  	_ =	shalt  }
0x67: {  	_ =	shalt  }
0x68: {  	_ =	shalt  }
0x69: {  	_ =	shalt  }
0x6a: {  	_ =	shalt  }
0x6b: {  	_ =	shalt  }
0x6c: {  	_ =	shalt  }
0x6d: {  	_ =	shalt  }
0x6e: {  	_ =	shalt  }
0x6f: {  	_ =	shalt  }
0x70: {  	_ =	shalt  }
0x71: {  	_ =	shalt  }
0x72: {  	_ =	shalt  }
0x73: {  	_ =	shalt  }
0x74: {  	_ =	shalt  }
0x75: {  	_ =	shalt  }
0x76: {  	_ =	shalt  }
0x77: {  	_ =	shalt  }
0x78: {  	_ =	shalt  }
0x79: {  	_ =	shalt  }
0x7a: {  	_ =	shalt  }
0x7b: {  	_ =	shalt  }
0x7c: {  	_ =	shalt  }
0x7d: {  	_ =	shalt  }
0x7e: {  	_ =	shalt  }
0x7f: {  	_ =	shalt  }
0x80: {  	_ =	shalt  }
0x81: {  	_ =	shalt  }
0x82: {  	_ =	shalt  }
0x83: {  	_ =	shalt  }
0x84: {  	_ =	shalt  }
0x85: {  	_ =	shalt  }
0x86: {  	_ =	shalt  }
0x87: {  	_ =	shalt  }
.Lfunc_end0:
.L_simem_size_0:
called_computation.2_lowered:
.L_overlay_start_0:
0x88: {  	s2 =	sld [smem:$0x3FD9]  }
0x89: {  	s3 =	sld [smem:$0x3FFE];
	_ =	sdelay $0x1  }
0x8a: {  	s1 =	srdreg.scid  }
0x8b: {  	s0 =	sand.u32 $0x1, s1  }
0x8c: {  	s16 =	sshll.u32 s0, $0xA;
	s2 =	sadd.s32 s3, s2  }
0x8d: {  	s2 =	sadd.s32 s2, s16  }
0x8e: {  	[smem:$0x3FC2] =	sst s2  }
0x8f: {  	_ = 	snop  }
0x90: {  	(tm) =	ssettm $0x1  }
0x91: {  	s17 =	sld [smem:$0x3FFB];
	_ =	sdelay $0x3  }
0x92: {  	_ =	strace s17  }
0x93: {  	s2 =	sld [smem:$0x3FFC];
	_ =	sdelay $0x3  }
0x94: {  	_ =	strace s2  }
0x95: {  	s2 =	sld [smem:$0x3FFD];
	_ =	sdelay $0x3  }
0x96: {  	_ =	strace s2  }
0x97: {  	_ =	strace $0x8FFFFFFF  }
0x98: {  	s18 =	sld [smem:$0x3FDB];
	_ =	sdelay $0x1  }
0x99: {  	s19 =	simm.s32 $_scs_section_size  }
0x9a: {  	s4 =	simm.s32 $_size__tile_overlayer_lowered;
	s5 =	simm.s32 $_tile_overlayer_lowered  }
0x9b: {  	s22 =	simm.s32 $0x1BFF;
	s21 =	sshll.u32 s5, $0x1;
	s2 =	sadd.s32 s19, s18  }
0x9c: {  	s6 =	simm.s32 $0x0;
	s20 =	sshll.u32 s4, $0x1;
	s4 =	sadd.s32 s21, s2  }
0x9d: {  	[timem:s6], [sflag:s22] =	dma.local [hbm:s4], s20  }
0x9e: {  	_ =	swait.ge [sflag:s22], s20  }
0x9f: {  	s3 =	ssub.s32 $0x0, s20;
	[sflag:s22] =	ssyncset.done $0x0  }
0xa0: {  	[sflag:s22] =	ssyncadd.s32 s3;
	_ =	sdelay $0x1  }
0xa1: {  	s23 =	simm.s32 $0x1B8B  }
0xa2: {  	_ =	swait.ge [sflag:s23], $0x1  }
0xa3: {  	[sflag:s23] =	ssyncset.done $0x0  }
0xa4: {  	s25 =	simm.s32 $0x1B8E;
	s24 =	sld [smem:$0x3FFE];
	[sflag:s23] =	ssyncadd.s32 $0xFFFFFFFF  }
0xa5: {  	s26 =	simm.s32 $execute0_lowered;
	[smem:$0x3FD2] =	sst s25  }
0xa6: {  	s4 =	sshll.u32 s26, $0x1;
	_ =	strace $0x8000004C;
	[dreg:$0x1] =	wrdreg $0xFFFFFFFF  }
0xa7: {  	s28 =	simm.s32 $_size_execute0_lowered;
	s2 =	sadd.s32 s2, s4;
	[dreg:$0x0] =	wrdreg $0x0  }
0xa8: {  	s4 =	sshll.u32 s28, $0x1;
	[dreg:$0x2] =	wrdreg s2  }
0xa9: {  	[dreg:$0x3] =	wrdreg s4  }
0xaa: {  	[dreg:$0x4] =	wrdreg $0xC0  }
0xab: {  	_ =	task [dreg:s6], $0x5FFFF  }
0xac: {  	[dreg:$0x1] =	wrdreg $0xFFFFFFFF  }
0xad: {  	[dreg:$0x0] =	wrdreg $0x60  }
0xae: {  	[dreg:$0x2] =	wrdreg s24  }
0xaf: {  	[dreg:$0x3] =	wrdreg $0xBC000  }
0xb0: {  	[dreg:$0x4] =	wrdreg $0x9  }
0xb1: {  	_ =	task.clear_ibuf [dreg:s6], $0x5FFFF;
	_ =	strace $0x9000004C  }
0xb2: {  	s29 =	simm.s32 $0x9;
	_ =	strace $0x8000004E  }
0xb3: {  	_ =	swait.ge [sflag:s29], $0x1  }
0xb4: {  	[sflag:s29] =	ssyncadd.s32 $0xFFFFFFFF  }
0xb5: {  	_ =	strace $0x9000004E  }
0xb6: {  	_ =	sfence  }
0xb7: {  	s30 =	sld [smem:$0x0];
	_ =	sdelay $0x2  }
0xb8: {  	s31 =	sshll.u32 s1, $0xD;
	s1 =	sshrl.u32 s1, $0x2  }
0xb9: {  	s3 =	sand.u32 $0x4000, s31;
	s1 =	sadd.s32 s1, s30  }
0xba: {  	s0 =	sor.u32 s3, s0;
	s1 =	sshll.u32 s1, $0x11  }
0xbb: {  	s0 =	sor.u32 s1, s0  }
0xbc: {  	s0 =	sadd.s32 $0x8F2B, s0  }
0xbd: {  	[sflag:s0] =	ssyncadd.remote.s32 $0x1  }
0xbe: {  	_ =	sfence.sel $0xFFFF  }
0xbf: {  	[dreg:$0x0] =	wrdreg $0xFFFFFFFF;
	(pc) =	sbr.abs _section_cstart, $3  }
0xc0: {  	[dreg:$0x1] =	wrdreg $0xFFFFFFFF  }
0xc1: {  	_ =	task.clear_ibuf [dreg:s6], $0x2FFFF;
	_ =	strace $0x9FFFFFFF  }
0xc2: {  	(tm) =	ssettm $0x7FFFFFFF  }
0xc3: {  	_ =	shalt  }
tec
execute0_lowered:
.L_overlay_start_1:
0x0: {  	(tag) =	ssettag $0x1  }
0x1: {  	s0 =	srdreg.scid  }
0x2: {  	s1 =	rddreg [dreg:$0x0];
	s6 =	stileid.u32  }
0x3: {  	s2 =	rddreg [dreg:$0x1];
	s4 =	simm.s32 $0x0;
	s29 =	simm.s32 $0x32  }
0x4: {  	s30 =	simm.s32 $0x6800;
	s31 =	simm.s32 $0x80;
	s28 =	simm.s32 $0xA000  }
0x5: {  	s9 =	simm.s32 $0x2;
	s11 =	simm.s32 $0x6400;
	s12 =	simm.s32 $0x3180  }
0x6: {  	s0 =	sand.u32 $0x1, s0;
	[smem:$0x7FF] =	sst s4;
	s7 =	smul.u32 $0x27800, s6  }
0x7: {  	s13 =	sadd.s32 $0x52000, s1;
	s5 =	sadd.s32 $0x3C00, s1;
	s8 =	smul.u32 $0x4E200, s6  }
0x8: {  	s3 =	sshll.u32 s0, $0x4;
	s18 =	smul.u32 $0x278000, s0;
	_ =	strace $0x8000004D  }
0x9: {  	s0 =	ssub.s32 $0x2, s0;
	s3 =	sor.u32 s6, s3;
	s6 =	sadd.s32 $0x2AE00, s1  }
0xa: {  	s19 =	sshrl.u32 s0, $0x1;
	s8 =	sshrl.u32 s8, $0x2;
	s3 =	smul.u32 $0x680, s3  }
0xb: {  	s4 =	sadd.s32 s7, s18;
	s0 =	ssub.s32 s0, s19;
	s7 =	sadd.s32 s8, s2  }
0xc: {  	s8 =	simm.s32 $0x1;
	s4 =	sshrl.u32 s4, $0x3;
	s21 =	sadd.s32 $0x1900, s7  }
0xd: {  	s22 =	sadd.s32 $0x3200, s7;
	s23 =	sadd.s32 $0x4B00, s7;
	[dreg:$0x5] =	wrdreg s21  }
0xe: {  	s24 =	sadd.s32 $0x6400, s7;
	s25 =	sadd.s32 $0x7D00, s7;
	[dreg:$0x6] =	wrdreg s22  }
0xf: {  	s15 =	sadd.s32 $0x9600, s7;
	s16 =	sadd.s32 $0xAF00, s7;
	[dreg:$0x7] =	wrdreg s23  }
0x10: {  	s17 =	sadd.s32 $0xC800, s7;
	s18 =	sadd.s32 $0xE100, s7;
	[dreg:$0x8] =	wrdreg s24  }
0x11: {  	s19 =	sadd.s32 $0xFA00, s7;
	s26 =	sadd.s32 $0x13800, s7;
	[dreg:$0x9] =	wrdreg s25  }
0x12: {  	s0 =	smax.u32 s0, $0x1;
	s3 =	sadd.s32 s3, s1;
	[dreg:$0xa] =	wrdreg s26  }
0x13: {  	s1 =	sadd.s32 s4, s1;
	s21 =	sadd.s32 $0x12C00, s7;
	[dreg:$0xb] =	wrdreg s0  }
0x14: {  	s26 =	simm.s32 $0x4;
	s0 =	simm.s32 $0x100;
	s23 =	simm.s32 $0x3  }
0x15: {  	s25 =	simm.s32 $0x0;
	s20 =	sadd.s32 $0x60C00, s3;
	s3 =	sadd.s32 $0x53C00, s3  }
0x16: {  	s22 =	sadd.s32 $0x6DC00, s1;
	s24 =	sadd.s32 $0x6DC80, s1;
	[dreg:$0x3] =	wrdreg s20  }
0x17: {  	s1 =	simm.s32 $0x8400;
	[dreg:$0x4] =	wrdreg s3;
	s20 =	sadd.s32 $0x11300, s7  }
.LBB2_1:
0x18: {  	s3 =	simm.s32 $0x0;
	s4 =	rddreg [dreg:$0x3]  }
0x19: {  	[tilespmem:s3], [sflag:$0x4] =	stream.linear.gather [hbm4b:s4+s3], $0x3200, $0x38;
	[tilespmem:$0x1F480] =	vst v63  }
0x1a: {  	_ =	swait.ge [sflag:s26], $0x3200  }
0x1b: {  	[sflag:s26] =	ssyncset.done $0x0  }
0x1c: {  	s10 =	simm.s32 $0x3400;
	s14 =	rddreg [dreg:$0x4];
	[sflag:s26] =	ssyncadd.s32 $0xFFFFCE00  }
0x1d: {  	[tilespmem:s10], [sflag:$0x4] =	stream.linear.gather [hbm4b:s14+s3], $0x3200, $0x38;
	[tilespmem:$0x1F480] =	vst v63  }
0x1e: {  	_ =	swait.ge [sflag:s26], $0x3200  }
0x1f: {  	[sflag:s26] =	ssyncset.done $0x0  }
0x20: {  	[sflag:s26] =	ssyncadd.s32 $0xFFFFCE00  }
0x21: {  	[tilespmem:s30], [sflag:$0x1] =	stream.indirect.gather [hbm4b:s5+s29], $0x80, s3, s29, $0xb8;
	[tilespmem:$0x1F480] =	vst v63  }
0x22: {  	_ = 	snop  }
0x23: {  	[tilespmem:s1], [sflag:$0x2] =	stream.indirect.gather [hbm4b:s5+s29], $0x80, s31, s29, $0xb8;
	[tilespmem:$0x1F480] =	vst v63  }
0x24: {  	_ = 	snop  }
0x25: {  	[tilespmem:s28], [sflag:$0x4] =	stream.linear.gather [hbm4b:s13+s3], $0x1900, $0x38;
	[tilespmem:$0x1F480] =	vst v63  }
0x26: {  	_ =	swait.ge [sflag:s26], $0x1900  }
0x27: {  	[sflag:s26] =	ssyncset.done $0x0  }
0x28: {  	[sflag:s26] =	ssyncadd.s32 $0xFFFFE700  }
0x29: {  	[spmem:s7] =	stream.linear.scatter [tilespmem:s28], [sflag:$0x4], $0x1900, $0x38;
	[tilespmem:$0x1F480] =	vst v63  }
0x2a: {  	_ =	swait.ge [sflag:s26], $0x1900  }
0x2b: {  	[sflag:s26] =	ssyncset.done $0x0  }
0x2c: {  	s14 =	rddreg [dreg:$0x5];
	[sflag:s26] =	ssyncadd.s32 $0xFFFFE700  }
0x2d: {  	[spmem:s14] =	stream.linear.scatter [tilespmem:s28], [sflag:$0x4], $0x1900, $0x38;
	[tilespmem:$0x1F480] =	vst v63  }
0x2e: {  	_ =	swait.ge [sflag:s26], $0x1900  }
0x2f: {  	[sflag:s26] =	ssyncset.done $0x0  }
0x30: {  	s4 =	rddreg [dreg:$0x6];
	[sflag:s26] =	ssyncadd.s32 $0xFFFFE700  }
0x31: {  	[spmem:s4] =	stream.linear.scatter [tilespmem:s28], [sflag:$0x4], $0x1900, $0x38;
	[tilespmem:$0x1F480] =	vst v63  }
0x32: {  	_ =	swait.ge [sflag:s26], $0x1900  }
0x33: {  	[sflag:s26] =	ssyncset.done $0x0  }
0x34: {  	s10 =	rddreg [dreg:$0x7];
	[sflag:s26] =	ssyncadd.s32 $0xFFFFE700  }
0x35: {  	[spmem:s10] =	stream.linear.scatter [tilespmem:s28], [sflag:$0x4], $0x1900, $0x38;
	[tilespmem:$0x1F480] =	vst v63  }
0x36: {  	_ =	swait.ge [sflag:s26], $0x1900  }
0x37: {  	[sflag:s26] =	ssyncset.done $0x0  }
0x38: {  	s14 =	rddreg [dreg:$0x8];
	[sflag:s26] =	ssyncadd.s32 $0xFFFFE700  }
0x39: {  	[spmem:s14] =	stream.linear.scatter [tilespmem:s28], [sflag:$0x4], $0x1900, $0x38;
	[tilespmem:$0x1F480] =	vst v63  }
0x3a: {  	_ =	swait.ge [sflag:s26], $0x1900  }
0x3b: {  	[sflag:s26] =	ssyncset.done $0x0  }
0x3c: {  	s4 =	rddreg [dreg:$0x9];
	[sflag:s26] =	ssyncadd.s32 $0xFFFFE700  }
0x3d: {  	[spmem:s4] =	stream.linear.scatter [tilespmem:s28], [sflag:$0x4], $0x1900, $0x38;
	[tilespmem:$0x1F480] =	vst v63  }
0x3e: {  	_ =	swait.ge [sflag:s26], $0x1900  }
0x3f: {  	[sflag:s26] =	ssyncset.done $0x0  }
0x40: {  	[sflag:s26] =	ssyncadd.s32 $0xFFFFE700  }
0x41: {  	[spmem:s15] =	stream.linear.scatter [tilespmem:s28], [sflag:$0x4], $0x1900, $0x38;
	[tilespmem:$0x1F480] =	vst v63  }
0x42: {  	_ =	swait.ge [sflag:s26], $0x1900  }
0x43: {  	[sflag:s26] =	ssyncset.done $0x0  }
0x44: {  	[sflag:s26] =	ssyncadd.s32 $0xFFFFE700  }
0x45: {  	[spmem:s16] =	stream.linear.scatter [tilespmem:s28], [sflag:$0x4], $0x1900, $0x38;
	[tilespmem:$0x1F480] =	vst v63  }
0x46: {  	_ =	swait.ge [sflag:s26], $0x1900  }
0x47: {  	[sflag:s26] =	ssyncset.done $0x0  }
0x48: {  	[sflag:s26] =	ssyncadd.s32 $0xFFFFE700  }
0x49: {  	[spmem:s17] =	stream.linear.scatter [tilespmem:s28], [sflag:$0x4], $0x1900, $0x38;
	[tilespmem:$0x1F480] =	vst v63  }
0x4a: {  	_ =	swait.ge [sflag:s26], $0x1900  }
0x4b: {  	[sflag:s26] =	ssyncset.done $0x0  }
0x4c: {  	[sflag:s26] =	ssyncadd.s32 $0xFFFFE700  }
0x4d: {  	[spmem:s18] =	stream.linear.scatter [tilespmem:s28], [sflag:$0x4], $0x1900, $0x38;
	[tilespmem:$0x1F480] =	vst v63  }
0x4e: {  	_ =	swait.ge [sflag:s26], $0x1900  }
0x4f: {  	[sflag:s26] =	ssyncset.done $0x0  }
0x50: {  	[sflag:s26] =	ssyncadd.s32 $0xFFFFE700  }
0x51: {  	[spmem:s19] =	stream.linear.scatter [tilespmem:s28], [sflag:$0x4], $0x1900, $0x38;
	[tilespmem:$0x1F480] =	vst v63  }
0x52: {  	_ =	swait.ge [sflag:s26], $0x1900  }
0x53: {  	[sflag:s26] =	ssyncset.done $0x0  }
0x54: {  	[sflag:s26] =	ssyncadd.s32 $0xFFFFE700  }
0x55: {  	[spmem:s20] =	stream.linear.scatter [tilespmem:s28], [sflag:$0x4], $0x1900, $0x38;
	[tilespmem:$0x1F480] =	vst v63  }
0x56: {  	_ =	swait.ge [sflag:s26], $0x1900  }
0x57: {  	[sflag:s26] =	ssyncset.done $0x0  }
0x58: {  	[sflag:s26] =	ssyncadd.s32 $0xFFFFE700  }
0x59: {  	[spmem:s21] =	stream.linear.scatter [tilespmem:s28], [sflag:$0x4], $0xC80, $0x38;
	[tilespmem:$0x1F480] =	vst v63  }
0x5a: {  	_ =	swait.ge [sflag:s26], $0xC80  }
0x5b: {  	[sflag:s26] =	ssyncset.done $0x0  }
0x5c: {  	[sflag:s26] =	ssyncadd.s32 $0xFFFFF380  }
0x5d: {  	[bflag:$0x0] =	sbarrier.arrive $0xFFFF  }
0x5e: {  	[tilespmem:s28], [sflag:$0x3] =	stream.indirect.gather [hbm4b:s5+s29], $0x80, s0, s29, $0xb8;
	[tilespmem:$0x1F480] =	vst v63  }
0x5f: {  	_ =	swait.ge [sflag:s8], $0x1900  }
0x60: {  	[sflag:s8] =	ssyncset.done $0x0  }
0x61: {  	s10 =	simm.s32 $0x3400;
	[sflag:s8] =	ssyncadd.s32 $0xFFFFE700  }
0x62: {  	[spmem:s2] =	stream.indirect.scatter.add.f32 [tilespmem:s30], [sflag:$0x4], $0x80, s10, s29, $0xb8;
	[tilespmem:$0x1F480] =	vst v63  }
0x63: {  	_ =	swait.ge [sflag:s26], $0x1900  }
0x64: {  	[sflag:s26] =	ssyncset.done $0x0  }
0x65: {  	s14 =	simm.s32 $0x180;
	[sflag:s26] =	ssyncadd.s32 $0xFFFFE700  }
0x66: {  	[tilespmem:s30], [sflag:$0x1] =	stream.indirect.gather [hbm4b:s5+s29], $0x80, s14, s29, $0xb8;
	[tilespmem:$0x1F480] =	vst v63  }
0x67: {  	_ =	swait.ge [sflag:s9], $0x1900  }
0x68: {  	[sflag:s9] =	ssyncset.done $0x0  }
0x69: {  	s4 =	simm.s32 $0x3480;
	[sflag:s9] =	ssyncadd.s32 $0xFFFFE700  }
0x6a: {  	[spmem:s2] =	stream.indirect.scatter.add.f32 [tilespmem:s1], [sflag:$0x4], $0x80, s4, s29, $0xb8;
	[tilespmem:$0x1F480] =	vst v63  }
0x6b: {  	_ =	swait.ge [sflag:s26], $0x1900  }
0x6c: {  	[sflag:s26] =	ssyncset.done $0x0  }
0x6d: {  	s10 =	simm.s32 $0x200;
	[sflag:s26] =	ssyncadd.s32 $0xFFFFE700  }
0x6e: {  	[tilespmem:s1], [sflag:$0x2] =	stream.indirect.gather [hbm4b:s5+s29], $0x80, s10, s29, $0xb8;
	[tilespmem:$0x1F480] =	vst v63  }
0x6f: {  	_ =	swait.ge [sflag:s23], $0x1900  }
0x70: {  	[sflag:s23] =	ssyncset.done $0x0  }
0x71: {  	s14 =	simm.s32 $0x3500;
	[sflag:s23] =	ssyncadd.s32 $0xFFFFE700  }
0x72: {  	[spmem:s2] =	stream.indirect.scatter.add.f32 [tilespmem:s28], [sflag:$0x4], $0x80, s14, s29, $0xb8;
	[tilespmem:$0x1F480] =	vst v63  }
0x73: {  	_ =	swait.ge [sflag:s26], $0x1900  }
0x74: {  	[sflag:s26] =	ssyncset.done $0x0  }
0x75: {  	s3 =	simm.s32 $0x600;
	s4 =	simm.s32 $0x280;
	[sflag:s26] =	ssyncadd.s32 $0xFFFFE700  }
.LBB2_2:
0x76: {  	[tilespmem:s28], [sflag:$0x3] =	stream.indirect.gather [hbm4b:s5+s29], $0x80, s4, s29, $0xb8;
	[tilespmem:$0x1F480] =	vst v63  }
0x77: {  	s4 =	smov.u32 s3  }
0x78: {  	p0 =	sne.s32 s3, $0xBA00;
	s3 =	sadd.s32 $0x600, s3;
	_ =	swait.ge [sflag:s8], $0x1900  }
0x79: {  	s4 =	sshra.s32 s4, $0x2;
	[sflag:s8] =	ssyncset.done $0x0  }
0x7a: {  	s10 =	sadd.s32 $0x3400, s4;
	[sflag:s8] =	ssyncadd.s32 $0xFFFFE700  }
0x7b: {  	[spmem:s2] =	stream.indirect.scatter.add.f32 [tilespmem:s30], [sflag:$0x4], $0x80, s10, s29, $0xb8;
	[tilespmem:$0x1F480] =	vst v63  }
0x7c: {  	_ =	swait.ge [sflag:s26], $0x1900  }
0x7d: {  	[sflag:s26] =	ssyncset.done $0x0  }
0x7e: {  	s10 =	sadd.s32 $0x180, s4;
	[sflag:s26] =	ssyncadd.s32 $0xFFFFE700  }
0x7f: {  	[tilespmem:s30], [sflag:$0x1] =	stream.indirect.gather [hbm4b:s5+s29], $0x80, s10, s29, $0xb8;
	[tilespmem:$0x1F480] =	vst v63  }
0x80: {  	_ =	swait.ge [sflag:s9], $0x1900  }
0x81: {  	[sflag:s9] =	ssyncset.done $0x0  }
0x82: {  	s10 =	sadd.s32 $0x3480, s4;
	[sflag:s9] =	ssyncadd.s32 $0xFFFFE700  }
0x83: {  	[spmem:s2] =	stream.indirect.scatter.add.f32 [tilespmem:s1], [sflag:$0x4], $0x80, s10, s29, $0xb8;
	[tilespmem:$0x1F480] =	vst v63  }
0x84: {  	_ =	swait.ge [sflag:s26], $0x1900  }
0x85: {  	[sflag:s26] =	ssyncset.done $0x0  }
0x86: {  	s10 =	sadd.s32 $0x200, s4;
	[sflag:s26] =	ssyncadd.s32 $0xFFFFE700  }
0x87: {  	[tilespmem:s1], [sflag:$0x2] =	stream.indirect.gather [hbm4b:s5+s29], $0x80, s10, s29, $0xb8;
	[tilespmem:$0x1F480] =	vst v63  }
0x88: {  	_ =	swait.ge [sflag:s23], $0x1900  }
0x89: {  	[sflag:s23] =	ssyncset.done $0x0  }
.Ltmp0:
0x8a: {  	s10 =	sadd.s32 $0x3500, s4;
	[sflag:s23] =	ssyncadd.s32 $0xFFFFE700;
	(pc) =	sbr.rel @p0 .LBB2_2-.Ltmp0, $4  }
0x8b: {  	[spmem:s2] =	stream.indirect.scatter.add.f32 [tilespmem:s28], [sflag:$0x4], $0x80, s10, s29, $0xb8;
	[tilespmem:$0x1F480] =	vst v63  }
0x8c: {  	_ =	swait.ge [sflag:s26], $0x1900  }
0x8d: {  	[sflag:s26] =	ssyncset.done $0x0  }
0x8e: {  	s4 =	sadd.s32 $0x280, s4;
	[sflag:s26] =	ssyncadd.s32 $0xFFFFE700  }
0x8f: {  	[tilespmem:s28], [sflag:$0x3] =	stream.indirect.gather [hbm4b:s5+s29], $0x80, s4, s29, $0xb8;
	[tilespmem:$0x1F480] =	vst v63  }
0x90: {  	_ =	swait.ge [sflag:s8], $0x1900  }
0x91: {  	[sflag:s8] =	ssyncset.done $0x0  }
0x92: {  	[sflag:s8] =	ssyncadd.s32 $0xFFFFE700  }
0x93: {  	[spmem:s2] =	stream.indirect.scatter.add.f32 [tilespmem:s30], [sflag:$0x4], $0x80, s11, s29, $0xb8;
	[tilespmem:$0x1F480] =	vst v63  }
0x94: {  	_ =	swait.ge [sflag:s26], $0x1900  }
0x95: {  	[sflag:s26] =	ssyncset.done $0x0  }
0x96: {  	[sflag:s26] =	ssyncadd.s32 $0xFFFFE700  }
0x97: {  	[tilespmem:s30], [sflag:$0x1] =	stream.indirect.gather [hbm4b:s5+s29], $0x80, s12, s29, $0xb8;
	[tilespmem:$0x1F480] =	vst v63  }
0x98: {  	_ =	swait.ge [sflag:s9], $0x1900  }
0x99: {  	[sflag:s9] =	ssyncset.done $0x0  }
0x9a: {  	s3 =	simm.s32 $0x6480;
	[sflag:s9] =	ssyncadd.s32 $0xFFFFE700  }
0x9b: {  	[spmem:s2] =	stream.indirect.scatter.add.f32 [tilespmem:s1], [sflag:$0x4], $0x80, s3, s29, $0xb8;
	[tilespmem:$0x1F480] =	vst v63  }
0x9c: {  	_ =	swait.ge [sflag:s26], $0x1900  }
0x9d: {  	[sflag:s26] =	ssyncset.done $0x0  }
0x9e: {  	[sflag:s26] =	ssyncadd.s32 $0xFFFFE700  }
0x9f: {  	_ =	swait.ge [sflag:s23], $0x1900  }
0xa0: {  	[sflag:s23] =	ssyncset.done $0x0  }
0xa1: {  	s10 =	simm.s32 $0x6500;
	[sflag:s23] =	ssyncadd.s32 $0xFFFFE700  }
0xa2: {  	[spmem:s2] =	stream.indirect.scatter.add.f32 [tilespmem:s28], [sflag:$0x4], $0x80, s10, s29, $0xb8;
	[tilespmem:$0x1F480] =	vst v63  }
0xa3: {  	_ =	swait.ge [sflag:s26], $0x1900  }
0xa4: {  	[sflag:s26] =	ssyncset.done $0x0  }
0xa5: {  	[sflag:s26] =	ssyncadd.s32 $0xFFFFE700  }
0xa6: {  	_ =	swait.ge [sflag:s8], $0x1900  }
0xa7: {  	[sflag:s8] =	ssyncset.done $0x0  }
0xa8: {  	s11 =	simm.s32 $0x6580;
	[sflag:s8] =	ssyncadd.s32 $0xFFFFE700  }
0xa9: {  	[spmem:s2] =	stream.indirect.scatter.add.f32 [tilespmem:s30], [sflag:$0x4], $0x80, s11, s29, $0xb8;
	[tilespmem:$0x1F480] =	vst v63  }
0xaa: {  	_ =	swait.ge [sflag:s26], $0x1900  }
0xab: {  	[sflag:s26] =	ssyncset.done $0x0  }
0xac: {  	s12 =	stileid.u32;
	[sflag:s26] =	ssyncadd.s32 $0xFFFFE700  }
0xad: {  	s3 =	sshll.u32 s12, $0x6;
	s11 =	simm.s32 $0x0;
	[bflag:$0x0] =	sbarrier.arrive $0xFFFF  }
0xae: {  	[tilespmem:s30], [sflag:$0x1] =	stream.indirect.gather [hbm4b:s6+s29], $0x80, s11, s29, $0xb8;
	[tilespmem:$0x1F480] =	vst v63  }
0xaf: {  	s4 =	sshrl.u32 s7, $0x3;
	s3 =	sor.u32 $0x1C04, s3;
	s10 =	simm.s32 $0x8  }
0xb0: {  	[tilespmem:s1], [sflag:$0x2] =	stream.indirect.gather [hbm4b:s6+s29], $0x80, s31, s29, $0xb8;
	[tilespmem:$0x1F480] =	vst v63  }
0xb1: {  	[hbm:s22@s0], [sflag:s3] =	dma.strided [spmem:s4@s31], $0x2700, s10, $0x10   }
0xb2: {  	s10 =	rddreg [dreg:$0xa]  }
0xb3: {  	s14 =	sadd.s32 $0x4E00, s22;
	s10 =	sshrl.u32 s10, $0x3  }
0xb4: {  	[hbm:s14], [sflag:s3] =	dma.local [spmem:s10], $0x10  }
0xb5: {  	_ =	swait.ge [sflag:s26], $0x2710  }
0xb6: {  	[sflag:s26] =	ssyncset.done $0x0  }
0xb7: {  	[sflag:s26] =	ssyncadd.s32 $0xFFFFD8F0  }
0xb8: {  	[tilespmem:s28], [sflag:$0x4] =	stream.linear.gather [hbm4b:s13+s11], $0x1900, $0x38;
	[tilespmem:$0x1F480] =	vst v63  }
0xb9: {  	_ =	swait.ge [sflag:s26], $0x1900  }
0xba: {  	[sflag:s26] =	ssyncset.done $0x0  }
0xbb: {  	[sflag:s26] =	ssyncadd.s32 $0xFFFFE700  }
0xbc: {  	[spmem:s7] =	stream.linear.scatter [tilespmem:s28], [sflag:$0x4], $0x1900, $0x38;
	[tilespmem:$0x1F480] =	vst v63  }
0xbd: {  	_ =	swait.ge [sflag:s26], $0x1900  }
0xbe: {  	[sflag:s26] =	ssyncset.done $0x0  }
0xbf: {  	s12 =	rddreg [dreg:$0x5];
	[sflag:s26] =	ssyncadd.s32 $0xFFFFE700  }
0xc0: {  	[spmem:s12] =	stream.linear.scatter [tilespmem:s28], [sflag:$0x4], $0x1900, $0x38;
	[tilespmem:$0x1F480] =	vst v63  }
0xc1: {  	_ =	swait.ge [sflag:s26], $0x1900  }
0xc2: {  	[sflag:s26] =	ssyncset.done $0x0  }
0xc3: {  	s14 =	smov.u32 s13;
	s13 =	rddreg [dreg:$0x6];
	[sflag:s26] =	ssyncadd.s32 $0xFFFFE700  }
0xc4: {  	[spmem:s13] =	stream.linear.scatter [tilespmem:s28], [sflag:$0x4], $0x1900, $0x38;
	[tilespmem:$0x1F480] =	vst v63  }
0xc5: {  	_ =	swait.ge [sflag:s26], $0x1900  }
0xc6: {  	[sflag:s26] =	ssyncset.done $0x0  }
0xc7: {  	s12 =	rddreg [dreg:$0x7];
	[sflag:s26] =	ssyncadd.s32 $0xFFFFE700  }
0xc8: {  	[spmem:s12] =	stream.linear.scatter [tilespmem:s28], [sflag:$0x4], $0x1900, $0x38;
	[tilespmem:$0x1F480] =	vst v63  }
0xc9: {  	_ =	swait.ge [sflag:s26], $0x1900  }
0xca: {  	[sflag:s26] =	ssyncset.done $0x0  }
0xcb: {  	s13 =	rddreg [dreg:$0x8];
	[sflag:s26] =	ssyncadd.s32 $0xFFFFE700  }
0xcc: {  	[spmem:s13] =	stream.linear.scatter [tilespmem:s28], [sflag:$0x4], $0x1900, $0x38;
	[tilespmem:$0x1F480] =	vst v63  }
0xcd: {  	_ =	swait.ge [sflag:s26], $0x1900  }
0xce: {  	[sflag:s26] =	ssyncset.done $0x0  }
0xcf: {  	s12 =	rddreg [dreg:$0x9];
	[sflag:s26] =	ssyncadd.s32 $0xFFFFE700  }
0xd0: {  	[spmem:s12] =	stream.linear.scatter [tilespmem:s28], [sflag:$0x4], $0x1900, $0x38;
	[tilespmem:$0x1F480] =	vst v63  }
0xd1: {  	_ =	swait.ge [sflag:s26], $0x1900  }
0xd2: {  	[sflag:s26] =	ssyncset.done $0x0  }
0xd3: {  	[sflag:s26] =	ssyncadd.s32 $0xFFFFE700  }
0xd4: {  	[spmem:s15] =	stream.linear.scatter [tilespmem:s28], [sflag:$0x4], $0x1900, $0x38;
	[tilespmem:$0x1F480] =	vst v63  }
0xd5: {  	_ =	swait.ge [sflag:s26], $0x1900  }
0xd6: {  	[sflag:s26] =	ssyncset.done $0x0  }
0xd7: {  	[sflag:s26] =	ssyncadd.s32 $0xFFFFE700  }
0xd8: {  	[spmem:s16] =	stream.linear.scatter [tilespmem:s28], [sflag:$0x4], $0x1900, $0x38;
	[tilespmem:$0x1F480] =	vst v63  }
0xd9: {  	_ =	swait.ge [sflag:s26], $0x1900  }
0xda: {  	[sflag:s26] =	ssyncset.done $0x0  }
0xdb: {  	[sflag:s26] =	ssyncadd.s32 $0xFFFFE700  }
0xdc: {  	[spmem:s17] =	stream.linear.scatter [tilespmem:s28], [sflag:$0x4], $0x1900, $0x38;
	[tilespmem:$0x1F480] =	vst v63  }
0xdd: {  	_ =	swait.ge [sflag:s26], $0x1900  }
0xde: {  	[sflag:s26] =	ssyncset.done $0x0  }
0xdf: {  	[sflag:s26] =	ssyncadd.s32 $0xFFFFE700  }
0xe0: {  	[spmem:s18] =	stream.linear.scatter [tilespmem:s28], [sflag:$0x4], $0x1900, $0x38;
	[tilespmem:$0x1F480] =	vst v63  }
0xe1: {  	_ =	swait.ge [sflag:s26], $0x1900  }
0xe2: {  	[sflag:s26] =	ssyncset.done $0x0  }
0xe3: {  	[sflag:s26] =	ssyncadd.s32 $0xFFFFE700  }
0xe4: {  	[spmem:s19] =	stream.linear.scatter [tilespmem:s28], [sflag:$0x4], $0x1900, $0x38;
	[tilespmem:$0x1F480] =	vst v63  }
0xe5: {  	_ =	swait.ge [sflag:s26], $0x1900  }
0xe6: {  	[sflag:s26] =	ssyncset.done $0x0  }
0xe7: {  	[sflag:s26] =	ssyncadd.s32 $0xFFFFE700  }
0xe8: {  	[spmem:s20] =	stream.linear.scatter [tilespmem:s28], [sflag:$0x4], $0x1900, $0x38;
	[tilespmem:$0x1F480] =	vst v63  }
0xe9: {  	_ =	swait.ge [sflag:s26], $0x1900  }
0xea: {  	[sflag:s26] =	ssyncset.done $0x0  }
0xeb: {  	[sflag:s26] =	ssyncadd.s32 $0xFFFFE700  }
0xec: {  	[spmem:s21] =	stream.linear.scatter [tilespmem:s28], [sflag:$0x4], $0xC80, $0x38;
	[tilespmem:$0x1F480] =	vst v63  }
0xed: {  	_ =	swait.ge [sflag:s26], $0xC80  }
0xee: {  	[sflag:s26] =	ssyncset.done $0x0  }
0xef: {  	[sflag:s26] =	ssyncadd.s32 $0xFFFFF380  }
0xf0: {  	[bflag:$0x0] =	sbarrier.arrive $0xFFFF  }
0xf1: {  	[tilespmem:s28], [sflag:$0x3] =	stream.indirect.gather [hbm4b:s6+s29], $0x80, s0, s29, $0xb8;
	[tilespmem:$0x1F480] =	vst v63  }
0xf2: {  	_ =	swait.ge [sflag:s8], $0x1900  }
0xf3: {  	[sflag:s8] =	ssyncset.done $0x0  }
0xf4: {  	s13 =	simm.s32 $0x3400;
	[sflag:s8] =	ssyncadd.s32 $0xFFFFE700  }
0xf5: {  	[spmem:s2] =	stream.indirect.scatter.add.f32 [tilespmem:s30], [sflag:$0x4], $0x80, s13, s29, $0xb8;
	[tilespmem:$0x1F480] =	vst v63  }
0xf6: {  	_ =	swait.ge [sflag:s26], $0x1900  }
0xf7: {  	[sflag:s26] =	ssyncset.done $0x0  }
0xf8: {  	s12 =	simm.s32 $0x180;
	[sflag:s26] =	ssyncadd.s32 $0xFFFFE700  }
0xf9: {  	[tilespmem:s30], [sflag:$0x1] =	stream.indirect.gather [hbm4b:s6+s29], $0x80, s12, s29, $0xb8;
	[tilespmem:$0x1F480] =	vst v63  }
0xfa: {  	_ =	swait.ge [sflag:s9], $0x1900  }
0xfb: {  	[sflag:s9] =	ssyncset.done $0x0  }
0xfc: {  	s13 =	simm.s32 $0x3480;
	[sflag:s9] =	ssyncadd.s32 $0xFFFFE700  }
0xfd: {  	[spmem:s2] =	stream.indirect.scatter.add.f32 [tilespmem:s1], [sflag:$0x4], $0x80, s13, s29, $0xb8;
	[tilespmem:$0x1F480] =	vst v63  }
0xfe: {  	_ =	swait.ge [sflag:s26], $0x1900  }
0xff: {  	[sflag:s26] =	ssyncset.done $0x0  }
0x100: {  	s12 =	simm.s32 $0x200;
	[sflag:s26] =	ssyncadd.s32 $0xFFFFE700  }
0x101: {  	[tilespmem:s1], [sflag:$0x2] =	stream.indirect.gather [hbm4b:s6+s29], $0x80, s12, s29, $0xb8;
	[tilespmem:$0x1F480] =	vst v63  }
0x102: {  	_ =	swait.ge [sflag:s23], $0x1900  }
0x103: {  	[sflag:s23] =	ssyncset.done $0x0  }
0x104: {  	s13 =	simm.s32 $0x3500;
	[sflag:s23] =	ssyncadd.s32 $0xFFFFE700  }
0x105: {  	[spmem:s2] =	stream.indirect.scatter.add.f32 [tilespmem:s28], [sflag:$0x4], $0x80, s13, s29, $0xb8;
	[tilespmem:$0x1F480] =	vst v63  }
0x106: {  	_ =	swait.ge [sflag:s26], $0x1900  }
0x107: {  	[sflag:s26] =	ssyncset.done $0x0  }
0x108: {  	s11 =	simm.s32 $0x600;
	s12 =	simm.s32 $0x280;
	[sflag:s26] =	ssyncadd.s32 $0xFFFFE700  }
.LBB2_4:
0x109: {  	[tilespmem:s28], [sflag:$0x3] =	stream.indirect.gather [hbm4b:s6+s29], $0x80, s12, s29, $0xb8;
	[tilespmem:$0x1F480] =	vst v63  }
0x10a: {  	s12 =	smov.u32 s11  }
0x10b: {  	p0 =	sne.s32 s11, $0xBA00;
	s11 =	sadd.s32 $0x600, s11;
	_ =	swait.ge [sflag:s8], $0x1900  }
0x10c: {  	s12 =	sshra.s32 s12, $0x2;
	[sflag:s8] =	ssyncset.done $0x0  }
0x10d: {  	s13 =	sadd.s32 $0x3400, s12;
	[sflag:s8] =	ssyncadd.s32 $0xFFFFE700  }
0x10e: {  	[spmem:s2] =	stream.indirect.scatter.add.f32 [tilespmem:s30], [sflag:$0x4], $0x80, s13, s29, $0xb8;
	[tilespmem:$0x1F480] =	vst v63  }
0x10f: {  	_ =	swait.ge [sflag:s26], $0x1900  }
0x110: {  	[sflag:s26] =	ssyncset.done $0x0  }
0x111: {  	s13 =	sadd.s32 $0x180, s12;
	[sflag:s26] =	ssyncadd.s32 $0xFFFFE700  }
0x112: {  	[tilespmem:s30], [sflag:$0x1] =	stream.indirect.gather [hbm4b:s6+s29], $0x80, s13, s29, $0xb8;
	[tilespmem:$0x1F480] =	vst v63  }
0x113: {  	_ =	swait.ge [sflag:s9], $0x1900  }
0x114: {  	[sflag:s9] =	ssyncset.done $0x0  }
0x115: {  	s13 =	sadd.s32 $0x3480, s12;
	[sflag:s9] =	ssyncadd.s32 $0xFFFFE700  }
0x116: {  	[spmem:s2] =	stream.indirect.scatter.add.f32 [tilespmem:s1], [sflag:$0x4], $0x80, s13, s29, $0xb8;
	[tilespmem:$0x1F480] =	vst v63  }
0x117: {  	_ =	swait.ge [sflag:s26], $0x1900  }
0x118: {  	[sflag:s26] =	ssyncset.done $0x0  }
0x119: {  	s13 =	sadd.s32 $0x200, s12;
	[sflag:s26] =	ssyncadd.s32 $0xFFFFE700  }
0x11a: {  	[tilespmem:s1], [sflag:$0x2] =	stream.indirect.gather [hbm4b:s6+s29], $0x80, s13, s29, $0xb8;
	[tilespmem:$0x1F480] =	vst v63  }
0x11b: {  	_ =	swait.ge [sflag:s23], $0x1900  }
0x11c: {  	[sflag:s23] =	ssyncset.done $0x0  }
.Ltmp1:
0x11d: {  	s13 =	sadd.s32 $0x3500, s12;
	[sflag:s23] =	ssyncadd.s32 $0xFFFFE700;
	(pc) =	sbr.rel @p0 .LBB2_4-.Ltmp1, $4  }
0x11e: {  	[spmem:s2] =	stream.indirect.scatter.add.f32 [tilespmem:s28], [sflag:$0x4], $0x80, s13, s29, $0xb8;
	[tilespmem:$0x1F480] =	vst v63  }
0x11f: {  	_ =	swait.ge [sflag:s26], $0x1900  }
0x120: {  	[sflag:s26] =	ssyncset.done $0x0  }
0x121: {  	s12 =	sadd.s32 $0x280, s12;
	[sflag:s26] =	ssyncadd.s32 $0xFFFFE700  }
0x122: {  	[tilespmem:s28], [sflag:$0x3] =	stream.indirect.gather [hbm4b:s6+s29], $0x80, s12, s29, $0xb8;
	[tilespmem:$0x1F480] =	vst v63  }
0x123: {  	_ =	swait.ge [sflag:s8], $0x1900  }
0x124: {  	[sflag:s8] =	ssyncset.done $0x0  }
0x125: {  	s11 =	simm.s32 $0x6400;
	[sflag:s8] =	ssyncadd.s32 $0xFFFFE700  }
0x126: {  	[spmem:s2] =	stream.indirect.scatter.add.f32 [tilespmem:s30], [sflag:$0x4], $0x80, s11, s29, $0xb8;
	[tilespmem:$0x1F480] =	vst v63  }
0x127: {  	_ =	swait.ge [sflag:s26], $0x1900  }
0x128: {  	[sflag:s26] =	ssyncset.done $0x0  }
0x129: {  	s12 =	simm.s32 $0x3180;
	[sflag:s26] =	ssyncadd.s32 $0xFFFFE700  }
0x12a: {  	[tilespmem:s30], [sflag:$0x1] =	stream.indirect.gather [hbm4b:s6+s29], $0x80, s12, s29, $0xb8;
	[tilespmem:$0x1F480] =	vst v63  }
0x12b: {  	_ =	swait.ge [sflag:s9], $0x1900  }
0x12c: {  	[sflag:s9] =	ssyncset.done $0x0  }
0x12d: {  	s13 =	simm.s32 $0x6480;
	[sflag:s9] =	ssyncadd.s32 $0xFFFFE700  }
0x12e: {  	[spmem:s2] =	stream.indirect.scatter.add.f32 [tilespmem:s1], [sflag:$0x4], $0x80, s13, s29, $0xb8;
	[tilespmem:$0x1F480] =	vst v63  }
0x12f: {  	_ =	swait.ge [sflag:s26], $0x1900  }
0x130: {  	[sflag:s26] =	ssyncset.done $0x0  }
0x131: {  	[sflag:s26] =	ssyncadd.s32 $0xFFFFE700  }
0x132: {  	_ =	swait.ge [sflag:s23], $0x1900  }
0x133: {  	[sflag:s23] =	ssyncset.done $0x0  }
0x134: {  	s13 =	simm.s32 $0x6500;
	[sflag:s23] =	ssyncadd.s32 $0xFFFFE700  }
0x135: {  	[spmem:s2] =	stream.indirect.scatter.add.f32 [tilespmem:s28], [sflag:$0x4], $0x80, s13, s29, $0xb8;
	[tilespmem:$0x1F480] =	vst v63  }
0x136: {  	_ =	swait.ge [sflag:s26], $0x1900  }
0x137: {  	[sflag:s26] =	ssyncset.done $0x0  }
0x138: {  	[sflag:s26] =	ssyncadd.s32 $0xFFFFE700  }
0x139: {  	_ =	swait.ge [sflag:s8], $0x1900  }
0x13a: {  	[sflag:s8] =	ssyncset.done $0x0  }
0x13b: {  	s13 =	simm.s32 $0x6580;
	[sflag:s8] =	ssyncadd.s32 $0xFFFFE700  }
0x13c: {  	[spmem:s2] =	stream.indirect.scatter.add.f32 [tilespmem:s30], [sflag:$0x4], $0x80, s13, s29, $0xb8;
	[tilespmem:$0x1F480] =	vst v63  }
0x13d: {  	_ =	swait.ge [sflag:s26], $0x1900  }
0x13e: {  	[sflag:s26] =	ssyncset.done $0x0  }
0x13f: {  	[sflag:s26] =	ssyncadd.s32 $0xFFFFE700  }
0x140: {  	s13 =	simm.s32 $0x8;
	[bflag:$0x0] =	sbarrier.arrive $0xFFFF  }
0x141: {  	[hbm:s24@s0], [sflag:s3] =	dma.strided [spmem:s4@s31], $0x2700, s13, $0x10   }
0x142: {  	s13 =	sadd.s32 $0x4E00, s24  }
0x143: {  	[hbm:s13], [sflag:s3] =	dma.local [spmem:s10], $0x10  }
0x144: {  	_ =	swait.ge [sflag:s26], $0x2710  }
0x145: {  	s25 =	sadd.s32 $0x1, s25;
	s13 =	rddreg [dreg:$0xb]  }
0x146: {  	p0 =	sne.s32 s25, s13  }
.Ltmp2:
0x147: {  	_ = 	snop;
	(pc) =	sbr.rel @p0 .LBB2_1-.Ltmp2, $3  }
0x148: {  	_ =	sdelay $0x1  }
0x149: {  	[sflag:s26] =	ssyncset.done $0x0  }
0x14a: {  	[sflag:s26] =	ssyncadd.s32 $0xFFFFD8F0;
	s13 =	smov.u32 s14  }
0x14b: {  	_ =	sfence.sel $0x180000  }
0x14c: {  	[bflag:$0x0] =	sbarrier.arrive $0xFFFF  }
0x14d: {  	_ =	strace $0x9000004D  }
0x14e: {  	s0 =	stileid.u32;
	[bflag:$0x2] =	sbarrier.arrive $0xFFFF  }
0x14f: {  	p0 =	sne.s32 s0, $0x0;
	s0 =	rddreg [dreg:$0x2]  }
0x150: {  	s0 =	sadd.s32 @!p0 $0x100000, s0  }
0x151: {  	[sflag:s0] =	ssyncadd.tile.s32 @!p0 $0x1;
	_ =	shalt  }
.Lfunc_end2:
_tile_overlayer_lowered:
.L_overlay_start_2:
0x152: {  	(tag) =	ssettag $0x2  }
0x153: {  	s0 =	rddreg [dreg:$0x0];
	s2 =	stileid.u32  }
0x154: {  	s1 =	rddreg [dreg:$0x1];
	p0 =	sne.s32 s2, $0x0  }
0x155: {  	s3 =	rddreg [dreg:$0x2];
	[bflag:$0x3] =	sbarrier.arrive $0xFFFF;
	s2 =	simm.s32 @!p0 $0x1C04  }
0x156: {  	[timem:s3], [sflag:s2] =	dma.local @!p0 [hbm:s0], s1  }
0x157: {  	s0 =	simm.s32 @!p0 $0x4  }
0x158: {  	_ =	swait.ge @!p0 [sflag:s0], s1  }
0x159: {  	s1 =	ssub.s32 @!p0 $0x0, s1;
	[sflag:s0] =	ssyncset.done @!p0 $0x0  }
0x15a: {  	[sflag:s0] =	ssyncadd.s32 @!p0 s1  }
0x15b: {  	[bflag:$0x3] =	sbarrier.arrive $0xFFFF  }
0x15c: {  	_ =	shalt  }

// kernel: kernel.8.cloned.1.call-start
scs
__scs_entry_jumppad:
0x0: {  	(pc) =	sbr.rel $0x88, $3  }
0x1: {  	(tag) =	ssettag $0x0;
	lr =	simm.s32 $0x1  }
0x2: {  	[smem:$0x3F9B] =	sst lr;
	_ =	strace $0xD0000000  }
0x3: {  	_ = 	snop  }
0x4: {  	_ = 	snop  }
0x5: {  	_ = 	snop  }
0x6: {  	_ = 	snop  }
0x7: {  	_ = 	snop  }
__scs_overlays_trampoline_lowered:
0x8: {  	[smem:$0x3FAA] =	sst s0  }
0x9: {  	[smem:$0x3FAB] =	sst s1  }
0xa: {  	[smem:$0x3FAC] =	sst s2  }
0xb: {  	[smem:$0x3FAD] =	sst s3  }
0xc: {  	[smem:$0x3FAE] =	sst s4  }
0xd: {  	[smem:$0x3FAF] =	sst s5  }
0xe: {  	[smem:$0x3FB0] =	sst s6  }
0xf: {  	[smem:$0x3FB1] =	sst s7  }
0x10: {  	[smem:$0x3FB2] =	sst s8  }
0x11: {  	[smem:$0x3FB3] =	sst s9;
	s0 =	simm.s32 @!p0 $0x0  }
0x12: {  	s1 =	sld [smem:$0x3F99];
	s0 =	simm.s32 @p0 $0x1  }
0x13: {  	[smem:$0x3FB4] =	sst s0;
	s0 =	simm.s32 @!p1 $0x0  }
0x14: {  	s2 =	sld [smem:$0x3F98];
	s0 =	simm.s32 @p1 $0x1  }
0x15: {  	[smem:$0x3FB5] =	sst s0;
	s0 =	simm.s32 @!p2 $0x0  }
0x16: {  	s3 =	sld [smem:$0x3FDB];
	s0 =	simm.s32 @p2 $0x1  }
0x17: {  	s4 =	simm.s32 $0x1BF5;
	[smem:$0x3FB7] =	sst s0  }
0x18: {  	s0 =	sld [smem:$0x3F9A];
	_ =	swait.ge [sflag:s4], $0x0  }
0x19: {  	s7 =	sld [smem:$0x3F9B]  }
0x1a: {  	s8 =	sadd.s32 $0xFFFFE003, lr  }
0x1b: {  	s9 =	sadd.s32 $0xFFFFFEF7, lr;
	s5 =	simm.s32 $0xFFFFFFFF;
	p2 =	slt.u32 s8, $0xFFFFF086  }
0x1c: {  	p1 =	slt.u32 s9, $0xF7A;
	s5 =	simm.s32 @!p2 $0x0  }
0x1d: {  	s5 =	simm.s32 @p1 $0x1;
	p0 =	seq.s32 s7, s2  }
0x1e: {  	s7 =	smul.u32 @!p0 $0xF7A, s2;
	p2 =	seq.s32 @!p0 s5, $0x0  }
0x1f: {  	s9 =	smul.u32 $0xF7A, s1;
	s8 =	simm.s32 @!p0 $0x1BF5;
	p2 =	por !p2, p0  }
0x20: {  	[sflag:s8] =	ssyncset.s32 @!p0 $0xFFFFF086;
	s6 =	sadd.s32 @!p0 s3, s7;
	s7 =	simm.s32 @!p0 $0x108  }
0x21: {  	s3 =	sadd.s32 s3, s9;
	s6 =	sadd.s32 @!p0 $0x88, s6;
	s7 =	simm.s32 @p2 $0x1082  }
0x22: {  	[simem:s7], [sflag:s8] =	dma.local @!p0 [hbm:s6], $0xF7A  }
0x23: {  	s9 =	sor.u32 $0xD0000000, s2;
	s6 =	simm.s32 $0x108;
	_ =	swait.ge @!p0 [sflag:s8], $0x0  }
0x24: {  	s3 =	sadd.s32 $0x88, s3;
	s6 =	simm.s32 @!p1 $0x1082;
	[sflag:s4] =	ssyncset.s32 $0xFFFFF086  }
0x25: {  	[simem:s6], [sflag:s4] =	dma.local [hbm:s3], $0xF7A  }
0x26: {  	[smem:$0x3F9B] =	sst s1;
	(tag) =	ssettag s2;
	_ =	strace s9  }
0x27: {  	s1 =	sld [smem:$0x3FAB]  }
0x28: {  	s2 =	sld [smem:$0x3FAC]  }
0x29: {  	s4 =	sld [smem:$0x3FAE]  }
0x2a: {  	p0 =	seq.s32 s5, $0x0;
	s5 =	sld [smem:$0x3FAF]  }
0x2b: {  	s6 =	sld [smem:$0x3FB0]  }
0x2c: {  	s7 =	sld [smem:$0x3FB1]  }
0x2d: {  	s3 =	simm.s32 $0x108;
	s8 =	sld [smem:$0x3FB2]  }
0x2e: {  	s3 =	simm.s32 @!p0 $0x1082;
	s9 =	sld [smem:$0x3FB3]  }
0x2f: {  	lr =	sadd.s32 s0, s3;
	s0 =	sld [smem:$0x3FAA]  }
0x30: {  	s3 =	sld [smem:$0x3FAD]  }
0x31: {  	[smem:$0x3FB6] =	sst s10  }
0x32: {  	s10 =	sld [smem:$0x3FB4];
	_ =	sdelay $0x3  }
0x33: {  	p0 =	seq.s32 s10, $0x1;
	s10 =	sld [smem:$0x3FB6];
	_ =	sdelay $0x3  }
0x34: {  	[smem:$0x3FB6] =	sst s10  }
0x35: {  	s10 =	sld [smem:$0x3FB5];
	_ =	sdelay $0x3  }
0x36: {  	p1 =	seq.s32 s10, $0x1;
	s10 =	sld [smem:$0x3FB6];
	_ =	sdelay $0x3  }
0x37: {  	[smem:$0x3FB6] =	sst s10  }
0x38: {  	s10 =	sld [smem:$0x3FB7]  }
0x39: {  	_ = 	snop;
	(pc) =	sbr.ind lr, $3  }
0x3a: {  	_ = 	snop  }
0x3b: {  	_ = 	snop  }
0x3c: {  	p2 =	seq.s32 s10, $0x1;
	s10 =	sld [smem:$0x3FB6]  }
0x3d: {  	_ =	shalt  }
0x3e: {  	_ =	shalt  }
0x3f: {  	_ =	shalt  }
0x40: {  	_ =	shalt  }
0x41: {  	_ =	shalt  }
0x42: {  	_ =	shalt  }
0x43: {  	_ =	shalt  }
0x44: {  	_ =	shalt  }
0x45: {  	_ =	shalt  }
0x46: {  	_ =	shalt  }
0x47: {  	_ =	shalt  }
0x48: {  	_ =	shalt  }
0x49: {  	_ =	shalt  }
0x4a: {  	_ =	shalt  }
0x4b: {  	_ =	shalt  }
0x4c: {  	_ =	shalt  }
0x4d: {  	_ =	shalt  }
0x4e: {  	_ =	shalt  }
0x4f: {  	_ =	shalt  }
0x50: {  	_ =	shalt  }
0x51: {  	_ =	shalt  }
0x52: {  	_ =	shalt  }
0x53: {  	_ =	shalt  }
0x54: {  	_ =	shalt  }
0x55: {  	_ =	shalt  }
0x56: {  	_ =	shalt  }
0x57: {  	_ =	shalt  }
0x58: {  	_ =	shalt  }
0x59: {  	_ =	shalt  }
0x5a: {  	_ =	shalt  }
0x5b: {  	_ =	shalt  }
0x5c: {  	_ =	shalt  }
0x5d: {  	_ =	shalt  }
0x5e: {  	_ =	shalt  }
0x5f: {  	_ =	shalt  }
0x60: {  	_ =	shalt  }
0x61: {  	_ =	shalt  }
0x62: {  	_ =	shalt  }
0x63: {  	_ =	shalt  }
0x64: {  	_ =	shalt  }
0x65: {  	_ =	shalt  }
0x66: {  	_ =	shalt  }
0x67: {  	_ =	shalt  }
0x68: {  	_ =	shalt  }
0x69: {  	_ =	shalt  }
0x6a: {  	_ =	shalt  }
0x6b: {  	_ =	shalt  }
0x6c: {  	_ =	shalt  }
0x6d: {  	_ =	shalt  }
0x6e: {  	_ =	shalt  }
0x6f: {  	_ =	shalt  }
0x70: {  	_ =	shalt  }
0x71: {  	_ =	shalt  }
0x72: {  	_ =	shalt  }
0x73: {  	_ =	shalt  }
0x74: {  	_ =	shalt  }
0x75: {  	_ =	shalt  }
0x76: {  	_ =	shalt  }
0x77: {  	_ =	shalt  }
0x78: {  	_ =	shalt  }
0x79: {  	_ =	shalt  }
0x7a: {  	_ =	shalt  }
0x7b: {  	_ =	shalt  }
0x7c: {  	_ =	shalt  }
0x7d: {  	_ =	shalt  }
0x7e: {  	_ =	shalt  }
0x7f: {  	_ =	shalt  }
0x80: {  	_ =	shalt  }
0x81: {  	_ =	shalt  }
0x82: {  	_ =	shalt  }
0x83: {  	_ =	shalt  }
0x84: {  	_ =	shalt  }
0x85: {  	_ =	shalt  }
0x86: {  	_ =	shalt  }
0x87: {  	_ =	shalt  }
.Lfunc_end0:
.L_simem_size_0:
called_computation_lowered:
.L_overlay_start_0:
0x88: {  	s2 =	sld [smem:$0x3FD9]  }
0x89: {  	s3 =	sld [smem:$0x3FFE];
	_ =	sdelay $0x1  }
0x8a: {  	s1 =	srdreg.scid  }
0x8b: {  	s0 =	sand.u32 $0x1, s1  }
0x8c: {  	s17 =	sshll.u32 s0, $0xA;
	s2 =	sadd.s32 s3, s2  }
0x8d: {  	s2 =	sadd.s32 s2, s17  }
0x8e: {  	[smem:$0x3FC2] =	sst s2  }
0x8f: {  	_ = 	snop  }
0x90: {  	s2 =	sld [smem:$0x3FD0];
	(tm) =	ssettm $0x1  }
0x91: {  	s18 =	sld [smem:$0x3FFB];
	_ =	sdelay $0x3  }
0x92: {  	_ =	strace s18  }
0x93: {  	s3 =	sld [smem:$0x3FFC];
	_ =	sdelay $0x3  }
0x94: {  	_ =	strace s3  }
0x95: {  	s3 =	sld [smem:$0x3FFD];
	_ =	sdelay $0x3  }
0x96: {  	_ =	strace s3  }
0x97: {  	_ =	strace $0x8FFFFFFF  }
0x98: {  	s19 =	sld [smem:$0x3FDB];
	_ =	sdelay $0x1  }
0x99: {  	s4 =	simm.s32 $_scs_section_size  }
0x9a: {  	s5 =	simm.s32 $_size__tile_overlayer_lowered;
	s6 =	simm.s32 $_tile_overlayer_lowered  }
0x9b: {  	s22 =	simm.s32 $0x1BFF;
	s21 =	sshll.u32 s6, $0x1;
	s3 =	sadd.s32 s4, s19  }
0x9c: {  	s7 =	simm.s32 $0x0;
	s20 =	sshll.u32 s5, $0x1;
	s5 =	sadd.s32 s21, s3  }
0x9d: {  	[timem:s7], [sflag:s22] =	dma.local [hbm:s5], s20  }
0x9e: {  	_ =	swait.ge [sflag:s22], s20  }
0x9f: {  	s4 =	ssub.s32 $0x0, s20;
	[sflag:s22] =	ssyncset.done $0x0  }
0xa0: {  	[sflag:s22] =	ssyncadd.s32 s4;
	_ =	sdelay $0x1  }
0xa1: {  	s23 =	simm.s32 $0x1B8B  }
0xa2: {  	_ =	swait.ge [sflag:s23], $0x1  }
0xa3: {  	[sflag:s23] =	ssyncset.done $0x0  }
0xa4: {  	s25 =	simm.s32 $0x1B8E;
	s24 =	sld [smem:$0x3FFE];
	[sflag:s23] =	ssyncadd.s32 $0xFFFFFFFF  }
0xa5: {  	s26 =	simm.s32 $execute0_lowered;
	[smem:$0x3FD2] =	sst s25  }
0xa6: {  	s5 =	sshll.u32 s26, $0x1;
	_ =	strace $0x80000046;
	[dreg:$0x1] =	wrdreg $0xFFFFFFFF  }
0xa7: {  	s28 =	simm.s32 $_size_execute0_lowered;
	s3 =	sadd.s32 s3, s5;
	[dreg:$0x0] =	wrdreg $0x0  }
0xa8: {  	s5 =	sshll.u32 s28, $0x1;
	[dreg:$0x2] =	wrdreg s3  }
0xa9: {  	[dreg:$0x3] =	wrdreg s5  }
0xaa: {  	[dreg:$0x4] =	wrdreg $0xC0  }
0xab: {  	_ =	task [dreg:s7], $0x5FFFF  }
0xac: {  	[dreg:$0x1] =	wrdreg $0xFFFFFFFF  }
0xad: {  	[dreg:$0x0] =	wrdreg $0x60  }
0xae: {  	[dreg:$0x2] =	wrdreg s2  }
0xaf: {  	[dreg:$0x3] =	wrdreg s24  }
0xb0: {  	[dreg:$0x4] =	wrdreg $0x94000  }
0xb1: {  	[dreg:$0x5] =	wrdreg $0x9  }
0xb2: {  	_ =	task.clear_ibuf [dreg:s7], $0x6FFFF;
	_ =	strace $0x90000046  }
0xb3: {  	s29 =	simm.s32 $0x9;
	_ =	strace $0x80000048  }
0xb4: {  	_ =	swait.ge [sflag:s29], $0x1  }
0xb5: {  	[sflag:s29] =	ssyncadd.s32 $0xFFFFFFFF  }
0xb6: {  	_ =	strace $0x90000048  }
0xb7: {  	_ =	sfence  }
0xb8: {  	s30 =	sld [smem:$0x0];
	_ =	sdelay $0x2  }
0xb9: {  	s31 =	sshll.u32 s1, $0xD;
	s1 =	sshrl.u32 s1, $0x2  }
0xba: {  	s3 =	sand.u32 $0x4000, s31;
	s1 =	sadd.s32 s1, s30  }
0xbb: {  	s0 =	sor.u32 s3, s0;
	s1 =	sshll.u32 s1, $0x11  }
0xbc: {  	s0 =	sor.u32 s1, s0  }
0xbd: {  	s0 =	sadd.s32 $0x8F2B, s0  }
0xbe: {  	[sflag:s0] =	ssyncadd.remote.s32 $0x1  }
0xbf: {  	_ =	sfence.sel $0xFFFF  }
0xc0: {  	[dreg:$0x0] =	wrdreg $0xFFFFFFFF;
	(pc) =	sbr.abs _section_cstart, $3  }
0xc1: {  	[dreg:$0x1] =	wrdreg $0xFFFFFFFF  }
0xc2: {  	_ =	task.clear_ibuf [dreg:s7], $0x2FFFF;
	_ =	strace $0x9FFFFFFF  }
0xc3: {  	(tm) =	ssettm $0x7FFFFFFF  }
tec
execute0_lowered:
.L_overlay_start_1:
0x0: {  	(tag) =	ssettag $0x1  }
0x1: {  	s7 =	rddreg [dreg:$0x0]  }
0x2: {  	s6 =	rddreg [dreg:$0x1]  }
0x3: {  	s1 =	rddreg [dreg:$0x2]  }
0x4: {  	s2 =	srdreg.scid;
	s0 =	rddreg [dreg:$0x3]  }
0x5: {  	s3 =	simm.s32 $0x0;
	s15 =	simm.s32 $0x1400;
	s16 =	simm.s32 $0x5400  }
0x6: {  	s17 =	simm.s32 $0x7D;
	s8 =	sand.u32 $0x1, s2;
	s2 =	stileid.u32  }
0x7: {  	s20 =	simm.s32 $0x0;
	[smem:$0x7FF] =	sst s3;
	s9 =	smul.u32 $0x13C000, s8  }
0x8: {  	s4 =	sadd.s32 $0x4400, s6;
	s5 =	sadd.s32 $0x3C00, s6;
	s10 =	smul.u32 $0x13C00, s2  }
0x9: {  	_ =	strace $0x80000047;
	s31 =	sshll.u32 s8, $0x4;
	s8 =	ssub.s32 $0x2, s8  }
0xa: {  	s11 =	smul.u32 $0x4E200, s2;
	s18 =	sshll.u32 s2, $0x6;
	s12 =	sshrl.u32 s8, $0x1  }
0xb: {  	s18 =	sor.u32 $0x1C01, s18;
	s9 =	sadd.s32 s10, s9;
	s10 =	sor.u32 s2, s31  }
0xc: {  	s11 =	sshrl.u32 s11, $0x2;
	s9 =	sshrl.u32 s9, $0x3;
	s10 =	smul.u32 $0x280, s10  }
0xd: {  	s14 =	ssub.s32 s8, s12;
	s13 =	sadd.s32 s9, s6;
	s6 =	sadd.s32 s11, s1  }
0xe: {  	s7 =	sadd.s32 s7, s10;
	s8 =	sadd.s32 $0x3E80, s6;
	s9 =	sadd.s32 $0x7D00, s6  }
0xf: {  	s10 =	sadd.s32 $0xBB80, s6;
	s11 =	sadd.s32 $0xFA00, s6;
	s12 =	sadd.s32 $0x4C00, s13  }
0x10: {  	s13 =	smax.u32 s14, $0x1;
	s14 =	simm.s32 $0x1;
	s19 =	sshrl.u32 s6, $0x3  }
.LBB2_1:
0x11: {  	[tilespmem:s3], [sflag:$0x1] =	stream.linear.gather [hbm4b:s7+s3], $0x1400, $0x38;
	[tilespmem:$0x1CC80] =	vst v63  }
0x12: {  	_ =	swait.ge [sflag:s14], $0x1400  }
0x13: {  	[sflag:s14] =	ssyncset.done $0x0  }
0x14: {  	[sflag:s14] =	ssyncadd.s32 $0xFFFFEC00  }
0x15: {  	[tilespmem:s15], [sflag:$0x1] =	stream.linear.gather [hbm4b:s4+s3], $0x3E80, $0x38;
	[tilespmem:$0x1CC80] =	vst v63  }
0x16: {  	_ =	swait.ge [sflag:s14], $0x3E80  }
0x17: {  	[sflag:s14] =	ssyncset.done $0x0  }
0x18: {  	[sflag:s14] =	ssyncadd.s32 $0xFFFFC180  }
0x19: {  	[tilespmem:s16], [sflag:$0x1] =	stream.linear.gather [hbm4b:s5+s3], $0x3E80, $0x38;
	[tilespmem:$0x1CC80] =	vst v63  }
0x1a: {  	_ =	swait.ge [sflag:s14], $0x3E80  }
0x1b: {  	[sflag:s14] =	ssyncset.done $0x0  }
0x1c: {  	[sflag:s14] =	ssyncadd.s32 $0xFFFFC180  }
0x1d: {  	[spmem:s6] =	stream.linear.scatter [tilespmem:s16], [sflag:$0x1], $0x3E80, $0x38;
	[tilespmem:$0x1CC80] =	vst v63  }
0x1e: {  	_ =	swait.ge [sflag:s14], $0x3E80  }
0x1f: {  	[sflag:s14] =	ssyncset.done $0x0  }
0x20: {  	[sflag:s14] =	ssyncadd.s32 $0xFFFFC180  }
0x21: {  	[spmem:s8] =	stream.linear.scatter [tilespmem:s16], [sflag:$0x1], $0x3E80, $0x38;
	[tilespmem:$0x1CC80] =	vst v63  }
0x22: {  	_ =	swait.ge [sflag:s14], $0x3E80  }
0x23: {  	[sflag:s14] =	ssyncset.done $0x0  }
0x24: {  	[sflag:s14] =	ssyncadd.s32 $0xFFFFC180  }
0x25: {  	[spmem:s9] =	stream.linear.scatter [tilespmem:s16], [sflag:$0x1], $0x3E80, $0x38;
	[tilespmem:$0x1CC80] =	vst v63  }
0x26: {  	_ =	swait.ge [sflag:s14], $0x3E80  }
0x27: {  	[sflag:s14] =	ssyncset.done $0x0  }
0x28: {  	[sflag:s14] =	ssyncadd.s32 $0xFFFFC180  }
0x29: {  	[spmem:s10] =	stream.linear.scatter [tilespmem:s16], [sflag:$0x1], $0x3E80, $0x38;
	[tilespmem:$0x1CC80] =	vst v63  }
0x2a: {  	_ =	swait.ge [sflag:s14], $0x3E80  }
0x2b: {  	[sflag:s14] =	ssyncset.done $0x0  }
0x2c: {  	[sflag:s14] =	ssyncadd.s32 $0xFFFFC180  }
0x2d: {  	[spmem:s11] =	stream.linear.scatter [tilespmem:s16], [sflag:$0x1], $0x3E80, $0x38;
	[tilespmem:$0x1CC80] =	vst v63  }
0x2e: {  	_ =	swait.ge [sflag:s14], $0x3E80  }
0x2f: {  	[sflag:s14] =	ssyncset.done $0x0  }
0x30: {  	[sflag:s14] =	ssyncadd.s32 $0xFFFFC180  }
0x31: {  	s21 =	simm.s32 $0x0;
	[bflag:$0x0] =	sbarrier.arrive $0xFFFF  }
0x32: {  	[spmem:s1] =	stream.indirect.scatter.add.f32 [tilespmem:s15], [sflag:$0x1], $0x80, s21, s17, $0xb8;
	[tilespmem:$0x1CC80] =	vst v63  }
0x33: {  	_ =	swait.ge [sflag:s14], $0x3E80  }
0x34: {  	s21 =	simm.s32 $0x200;
	[sflag:s14] =	ssyncset.done $0x0  }
.LBB2_2:
0x35: {  	s22 =	sshra.s32 s21, $0x2;
	[sflag:s14] =	ssyncadd.s32 $0xFFFFC180;
	p0 =	sne.s32 s21, $0x4E00  }
0x36: {  	[spmem:s1] =	stream.indirect.scatter.add.f32 [tilespmem:s15], [sflag:$0x1], $0x80, s22, s17, $0xb8;
	[tilespmem:$0x1CC80] =	vst v63  }
.Ltmp0:
0x37: {  	_ = 	snop;
	(pc) =	sbr.rel @p0 .LBB2_2-.Ltmp0, $4  }
0x38: {  	_ = 	snop  }
0x39: {  	s21 =	sadd.s32 $0x200, s21  }
0x3a: {  	_ =	swait.ge [sflag:s14], $0x3E80  }
0x3b: {  	[sflag:s14] =	ssyncset.done $0x0  }
0x3c: {  	s20 =	sadd.s32 $0x1, s20  }
0x3d: {  	[sflag:s14] =	ssyncadd.s32 $0xFFFFC180;
	p0 =	sne.s32 s20, s13  }
.Ltmp1:
0x3e: {  	[bflag:$0x0] =	sbarrier.arrive $0xFFFF;
	(pc) =	sbr.rel @p0 .LBB2_1-.Ltmp1, $4  }
0x3f: {  	[hbm:s12], [sflag:s18] =	dma.local [spmem:s19], $0x2710  }
0x40: {  	_ =	swait.ge [sflag:s14], $0x2710  }
0x41: {  	[sflag:s14] =	ssyncset.done $0x0  }
0x42: {  	[sflag:s14] =	ssyncadd.s32 $0xFFFFD8F0  }
0x43: {  	_ =	sfence.sel $0x180000  }
0x44: {  	[bflag:$0x0] =	sbarrier.arrive $0xFFFF  }
0x45: {  	p0 =	sne.s32 s2, $0x0;
	_ =	strace $0x90000047  }
0x46: {  	s0 =	sadd.s32 @!p0 $0x100000, s0;
	[bflag:$0x2] =	sbarrier.arrive $0xFFFF  }
0x47: {  	[sflag:s0] =	ssyncadd.tile.s32 @!p0 $0x1;
	_ =	shalt  }
.Lfunc_end2:
_tile_overlayer_lowered:
.L_overlay_start_2:
0x48: {  	(tag) =	ssettag $0x2  }
0x49: {  	s0 =	rddreg [dreg:$0x0];
	s2 =	stileid.u32  }
0x4a: {  	s1 =	rddreg [dreg:$0x1];
	p0 =	sne.s32 s2, $0x0  }
0x4b: {  	s3 =	rddreg [dreg:$0x2];
	[bflag:$0x3] =	sbarrier.arrive $0xFFFF;
	s2 =	simm.s32 @!p0 $0x1C01  }
0x4c: {  	[timem:s3], [sflag:s2] =	dma.local @!p0 [hbm:s0], s1  }
0x4d: {  	s0 =	simm.s32 @!p0 $0x1  }
0x4e: {  	_ =	swait.ge @!p0 [sflag:s0], s1  }
0x4f: {  	s1 =	ssub.s32 @!p0 $0x0, s1;
	[sflag:s0] =	ssyncset.done @!p0 $0x0  }
0x50: {  	[sflag:s0] =	ssyncadd.s32 @!p0 s1  }
0x51: {  	[bflag:$0x3] =	sbarrier.arrive $0xFFFF  }
0x52: {  	_ =	shalt  }

</sc_bundles>
